<compile_context>
chip_gen: v7x
topology: tpu7x:2x2x1
jax: 0.10.2.dev20260603
libtpu: 0.0.44.dev20260713+nightly
codegen_flags: <defaults>
</compile_context>

<pallas_src>
import functools

import jax
import jax.numpy as jnp
from jax import lax
from jax.experimental import pallas as pl
from jax.experimental.pallas import tpu as pltpu
from jax.experimental.pallas import tpu_sc as plsc

N_NODES = 10000
N_EDGES = 320000
D = 128
OUT_SIZE = 3

CHUNK = 128
NCHUNK = N_EDGES // CHUNK
NCORES = 2
NSUB = 16
NW = NCORES * NSUB
NCH_PAD = 2560
SUB_ROWS = 624
TAIL_ROWS = N_NODES - NSUB * SUB_ROWS

BE = 512
BN = 1000

_F32 = jnp.float32


def _dot(a, b):
    return jnp.dot(a, b, preferred_element_type=_F32)


def _ln(z, g, b):
    m = jnp.mean(z, axis=-1, keepdims=True)
    v = jnp.mean((z - m) ** 2, axis=-1, keepdims=True)
    return (z - m) * lax.rsqrt(v + 1e-5) * g + b


def _full(a):
    return pl.BlockSpec(a.shape, lambda i: (0,) * a.ndim)



def _enc_body(x_ref, w1, b1, w2, b2, w3, b3, g, bt, o_ref):
    z = jnp.maximum(_dot(x_ref[...], w1[...]) + b1[...], 0.0)
    z = jnp.maximum(_dot(z, w2[...]) + b2[...], 0.0)
    z = _dot(z, w3[...]) + b3[...]
    o_ref[...] = _ln(z, g[...], bt[...])


def _enc_call(h, p, block, rows=None, off_blocks=0):
    n, din = h.shape
    rows = n if rows is None else rows
    w1, w2, w3 = p["W"]
    b1, b2, b3 = [b.reshape(1, D) for b in p["b"]]
    g = p["ln_g"].reshape(1, D)
    bt = p["ln_b"].reshape(1, D)
    return pl.pallas_call(
        _enc_body,
        grid=(rows // block,),
        in_specs=[pl.BlockSpec((block, din), lambda i: (i + off_blocks, 0)),
                  _full(w1), _full(b1), _full(w2), _full(b2),
                  _full(w3), _full(b3), _full(g), _full(bt)],
        out_specs=pl.BlockSpec((block, D), lambda i: (i, 0)),
        out_shape=jax.ShapeDtypeStruct((rows, D), _F32),
    )(h, w1, b1, w2, b2, w3, b3, g, bt)


def _proj_body(n_ref, ws, wd, ps_ref, pd_ref):
    n = n_ref[...]
    ps_ref[...] = _dot(n, ws[...])
    pd_ref[...] = _dot(n, wd[...])


def _proj_call(node, ws, wd):
    return pl.pallas_call(
        _proj_body,
        grid=(N_NODES // BN,),
        in_specs=[pl.BlockSpec((BN, D), lambda i: (i, 0)),
                  _full(ws), _full(wd)],
        out_specs=[pl.BlockSpec((BN, D), lambda i: (i, 0))] * 2,
        out_shape=[jax.ShapeDtypeStruct((N_NODES, D), _F32)] * 2,
    )(node, ws, wd)


def _edge_body(e_ref, gs_ref, gd_ref, w1, b1, w2, b2, w3, b3, g, bt, o_ref):
    e = e_ref[...]
    z = _dot(e, w1[...]) + gs_ref[...] + gd_ref[...] + b1[...]
    z = jnp.maximum(z, 0.0)
    z = jnp.maximum(_dot(z, w2[...]) + b2[...], 0.0)
    z = _dot(z, w3[...]) + b3[...]
    o_ref[...] = e + _ln(z, g[...], bt[...])


def _edge_call(edge, gs, gd, w1e, b1, w2, b2, w3, b3, g, bt):
    rows = edge.shape[0]
    bs = pl.BlockSpec((BE, D), lambda i: (i, 0))
    return pl.pallas_call(
        _edge_body,
        grid=(rows // BE,),
        in_specs=[bs, bs, bs, _full(w1e), _full(b1), _full(w2), _full(b2),
                  _full(w3), _full(b3), _full(g), _full(bt)],
        out_specs=bs,
        out_shape=jax.ShapeDtypeStruct((rows, D), _F32),
        input_output_aliases={0: 0},
    )(edge, gs, gd, w1e, b1, w2, b2, w3, b3, g, bt)


def _node_body(n_ref, aa_ref, ab_ref, ac_ref, ad_ref,
               wn, wa, b1, w2, b2, w3, b3, g, bt, o_ref):
    n = n_ref[...]
    agg = aa_ref[...] + ab_ref[...] + ac_ref[...] + ad_ref[...]
    z = _dot(n, wn[...]) + _dot(agg, wa[...]) + b1[...]
    z = jnp.maximum(z, 0.0)
    z = jnp.maximum(_dot(z, w2[...]) + b2[...], 0.0)
    z = _dot(z, w3[...]) + b3[...]
    o_ref[...] = n + _ln(z, g[...], bt[...])


def _node_call(node, agg_lo, agg_hi, wn, wa, b1, w2, b2, w3, b3, g, bt):
    bs = pl.BlockSpec((BN, D), lambda i: (i, 0))
    bs_b = pl.BlockSpec((BN, D), lambda i: (i + N_NODES // BN, 0))
    return pl.pallas_call(
        _node_body,
        grid=(N_NODES // BN,),
        in_specs=[bs, bs, bs_b, bs, bs_b,
                  _full(wn), _full(wa), _full(b1), _full(w2),
                  _full(b2), _full(w3), _full(b3), _full(g), _full(bt)],
        out_specs=bs,
        out_shape=jax.ShapeDtypeStruct((N_NODES, D), _F32),
    )(node, agg_lo, agg_lo, agg_hi, agg_hi,
      wn, wa, b1, w2, b2, w3, b3, g, bt)


def _dec_body(n_ref, w1, b1, w2, b2, w3, b3, o_ref):
    z = jnp.maximum(_dot(n_ref[...], w1[...]) + b1[...], 0.0)
    z = jnp.maximum(_dot(z, w2[...]) + b2[...], 0.0)
    o_ref[...] = _dot(z, w3[...]) + b3[...]


def _dec_call(node, p):
    w1, w2, w3 = p["W"]
    b1, b2 = [b.reshape(1, D) for b in p["b"][:2]]
    w3p = jnp.zeros((D, D), _F32).at[:, :OUT_SIZE].set(w3)
    b3p = jnp.zeros((1, D), _F32).at[:, :OUT_SIZE].set(p["b"][2].reshape(1, -1))
    out = pl.pallas_call(
        _dec_body,
        grid=(N_NODES // BN,),
        in_specs=[pl.BlockSpec((BN, D), lambda i: (i, 0)), _full(w1), _full(b1),
                  _full(w2), _full(b2), _full(w3p), _full(b3p)],
        out_specs=pl.BlockSpec((BN, D), lambda i: (i, 0)),
        out_shape=jax.ShapeDtypeStruct((N_NODES, D), _F32),
    )(node, w1, b1, w2, b2, w3p, b3p)
    return out[:, :OUT_SIZE]



H0_CH = 1280
H1_CH = NCHUNK - H0_CH
WCHH = 40
NB = 2
NB_S = 2
NGRP_S = -(-WCHH // NB_S)

def _sc_mesh():
    return plsc.VectorSubcoreMesh(core_axis_name="c", subcore_axis_name="s",
                                  num_cores=NCORES, num_subcores=NSUB)


def _make_gather2(c_start, nch):
    wpt = NSUB
    wch2 = ((-(-nch // wpt)) + 7) // 8 * 8

    def body(ps_hbm, pd_hbm, si2_hbm, di2_hbm, gs_hbm, gd_hbm,
             idx_v, bufs, tab_sh, gsems, osems):
        cid = lax.axis_index("c")
        sid = lax.axis_index("s")
        c0 = sid * wch2
        nv = jnp.minimum(wch2, jnp.maximum(nch - c0, 0))
        ngrp = -(-wch2 // NB)

        @pl.when(cid == 0)
        def _():
            pltpu.sync_copy(ps_hbm.at[pl.ds(sid * SUB_ROWS, SUB_ROWS)],
                            tab_sh.at[pl.ds(sid * SUB_ROWS, SUB_ROWS)])
            pltpu.sync_copy(si2_hbm.at[pl.ds(c_start + c0, wch2)], idx_v)

        @pl.when(cid == 1)
        def _():
            pltpu.sync_copy(pd_hbm.at[pl.ds(sid * SUB_ROWS, SUB_ROWS)],
                            tab_sh.at[pl.ds(sid * SUB_ROWS, SUB_ROWS)])
            pltpu.sync_copy(di2_hbm.at[pl.ds(c_start + c0, wch2)], idx_v)

        @pl.when((sid == 0) & (cid == 0))
        def _():
            pltpu.sync_copy(ps_hbm.at[pl.ds(NSUB * SUB_ROWS, TAIL_ROWS)],
                            tab_sh.at[pl.ds(NSUB * SUB_ROWS, TAIL_ROWS)])

        @pl.when((sid == 0) & (cid == 1))
        def _():
            pltpu.sync_copy(pd_hbm.at[pl.ds(NSUB * SUB_ROWS, TAIL_ROWS)],
                            tab_sh.at[pl.ds(NSUB * SUB_ROWS, TAIL_ROWS)])

        plsc.subcore_barrier()

        def ring(out_hbm):
            def out_cp(it, b):
                base = (c0 + it) * CHUNK
                return pltpu.make_async_copy(
                    bufs[b], out_hbm.at[pl.ds(base, CHUNK)], osems[b])

            def group(gi, carry):
                for b in range(NB):
                    it = (gi - 1) * NB + b

                    @pl.when((gi > 0) & (it < nv))
                    def _(it=it, b=b):
                        out_cp(it, b).wait()

                for b in range(NB):
                    it = gi * NB + b

                    @pl.when(it < nv)
                    def _(it=it, b=b):
                        pltpu.async_copy(tab_sh.at[idx_v.at[it]], bufs[b],
                                         gsems[b])

                for b in range(NB):
                    it = gi * NB + b

                    @pl.when(it < nv)
                    def _(it=it, b=b):
                        pltpu.make_async_copy(tab_sh.at[idx_v.at[it]],
                                              bufs[b], gsems[b]).wait()
                        out_cp(it, b).start()

                return carry

            lax.fori_loop(0, ngrp, group, None)
            for b in range(NB):
                it = (ngrp - 1) * NB + b

                @pl.when(it < nv)
                def _(it=it, b=b):
                    out_cp(it, b).wait()

        @pl.when(cid == 0)
        def _():
            ring(gs_hbm)

        @pl.when(cid == 1)
        def _():
            ring(gd_hbm)

    return pl.kernel(
        body,
        out_type=[jax.ShapeDtypeStruct((nch * CHUNK, D), _F32)] * 2,
        mesh=_sc_mesh(),
        scratch_types=[
            pltpu.VMEM((wch2, CHUNK), jnp.int32),
            [pltpu.VMEM((CHUNK, D), _F32)] * NB,
            pltpu.VMEM_SHARED((N_NODES, D), _F32),
            [pltpu.SemaphoreType.DMA] * NB,
            [pltpu.SemaphoreType.DMA] * NB,
        ],
    )


def _make_segsum(c_start, nch):
    def body(e_hbm, di2_hbm, z_hbm, out_hbm, didx_v, ebufs, agg_sh,
             lsems, ssems):
        cid = lax.axis_index("c")
        sid = lax.axis_index("s")
        wid = sid * NCORES + cid
        c0 = wid * WCHH
        nv = jnp.minimum(WCHH, jnp.maximum(nch - c0, 0))

        pltpu.sync_copy(z_hbm.at[pl.ds(sid * SUB_ROWS, SUB_ROWS)],
                        agg_sh.at[pl.ds(sid * SUB_ROWS, SUB_ROWS)])

        @pl.when(sid == 0)
        def _():
            pltpu.sync_copy(z_hbm.at[pl.ds(NSUB * SUB_ROWS, TAIL_ROWS)],
                            agg_sh.at[pl.ds(NSUB * SUB_ROWS, TAIL_ROWS)])

        pltpu.sync_copy(di2_hbm.at[pl.ds(c_start + c0, WCHH)], didx_v)
        plsc.subcore_barrier()

        def scat(it, b):
            return pltpu.make_async_copy(ebufs[b], agg_sh.at[didx_v.at[it]],
                                         ssems[b])

        def group(gi, carry):
            for b in range(NB_S):
                it = (gi - 1) * NB_S + b

                @pl.when((gi > 0) & (it < nv))
                def _(it=it, b=b):
                    scat(it, b).wait()

            for b in range(NB_S):
                it = gi * NB_S + b

                @pl.when(it < nv)
                def _(it=it, b=b):
                    pltpu.async_copy(
                        e_hbm.at[pl.ds((c0 + it) * CHUNK, CHUNK)],
                        ebufs[b], lsems[b])

            for b in range(NB_S):
                it = gi * NB_S + b

                @pl.when(it < nv)
                def _(it=it, b=b):
                    pltpu.make_async_copy(
                        e_hbm.at[pl.ds((c0 + it) * CHUNK, CHUNK)],
                        ebufs[b], lsems[b]).wait()
                    scat(it, b).start(add=True)

            return carry

        lax.fori_loop(0, NGRP_S, group, None)
        for b in range(NB_S):
            it = (NGRP_S - 1) * NB_S + b

            @pl.when(it < nv)
            def _(it=it, b=b):
                scat(it, b).wait()

        plsc.subcore_barrier()
        pltpu.sync_copy(
            agg_sh.at[pl.ds(sid * SUB_ROWS, SUB_ROWS)],
            out_hbm.at[pl.ds(cid * N_NODES + sid * SUB_ROWS, SUB_ROWS)])

        @pl.when(sid == 0)
        def _():
            pltpu.sync_copy(
                agg_sh.at[pl.ds(NSUB * SUB_ROWS, TAIL_ROWS)],
                out_hbm.at[pl.ds(cid * N_NODES + NSUB * SUB_ROWS, TAIL_ROWS)])

    return pl.kernel(
        body,
        out_type=jax.ShapeDtypeStruct((NCORES * N_NODES, D), _F32),
        mesh=_sc_mesh(),
        scratch_types=[
            pltpu.VMEM((WCHH, CHUNK), jnp.int32),
            [pltpu.VMEM((CHUNK, D), _F32)] * NB_S,
            pltpu.VMEM_SHARED((N_NODES, D), _F32),
            [pltpu.SemaphoreType.DMA] * NB_S,
            [pltpu.SemaphoreType.DMA] * NB_S,
        ],
    )



def _stack_proc(proc):
    def st(f):
        return jnp.stack([f(b) for b in proc])

    w1 = st(lambda b: b["edge"]["W"][0])
    return (
        w1[:, :D, :], w1[:, D:2 * D, :], w1[:, 2 * D:, :],
        st(lambda b: b["edge"]["b"][0].reshape(1, D)),
        st(lambda b: b["edge"]["W"][1]),
        st(lambda b: b["edge"]["b"][1].reshape(1, D)),
        st(lambda b: b["edge"]["W"][2]),
        st(lambda b: b["edge"]["b"][2].reshape(1, D)),
        st(lambda b: b["edge"]["ln_g"].reshape(1, D)),
        st(lambda b: b["edge"]["ln_b"].reshape(1, D)),
        st(lambda b: b["node"]["W"][0][:D, :]),
        st(lambda b: b["node"]["W"][0][D:, :]),
        st(lambda b: b["node"]["b"][0].reshape(1, D)),
        st(lambda b: b["node"]["W"][1]),
        st(lambda b: b["node"]["b"][1].reshape(1, D)),
        st(lambda b: b["node"]["W"][2]),
        st(lambda b: b["node"]["b"][2].reshape(1, D)),
        st(lambda b: b["node"]["ln_g"].reshape(1, D)),
        st(lambda b: b["node"]["ln_b"].reshape(1, D)),
    )


def kernel(x, edge_attr, params, edge_index):
    pad = ((0, NCH_PAD - NCHUNK), (0, 0))
    si2 = jnp.pad(edge_index[0].astype(jnp.int32).reshape(NCHUNK, CHUNK), pad)
    di2 = jnp.pad(edge_index[1].astype(jnp.int32).reshape(NCHUNK, CHUNK), pad)

    rows_lo = H0_CH * CHUNK
    node = _enc_call(x, params["enc_node"], BN)
    e_lo = _enc_call(edge_attr, params["enc_edge"], BE, rows=rows_lo)
    e_hi = _enc_call(edge_attr, params["enc_edge"], BE,
                     rows=N_EDGES - rows_lo, off_blocks=rows_lo // BE)
    zeros_nd = jnp.zeros((N_NODES, D), _F32)

    ws = _stack_proc(params["proc"])
    gather_lo = _make_gather2(0, H0_CH)
    gather_hi = _make_gather2(H0_CH, H1_CH)
    segsum_lo = _make_segsum(0, H0_CH)
    segsum_hi = _make_segsum(H0_CH, H1_CH)

    def step(carry, w):
        node, e_lo, e_hi = carry
        (w1e, w1s, w1d, eb1, ew2, eb2, ew3, eb3, eg, ebt,
         wn, wa, nb1, nw2, nb2, nw3, nb3, ng, nbt) = w
        ps, pd = _proj_call(node, w1s, w1d)
        gs_lo, gd_lo = gather_lo(ps, pd, si2, di2)
        gs_hi, gd_hi = gather_hi(ps, pd, si2, di2)
        e_lo = _edge_call(e_lo, gs_lo, gd_lo,
                          w1e, eb1, ew2, eb2, ew3, eb3, eg, ebt)
        a_lo = segsum_lo(e_lo, di2, zeros_nd)
        e_hi = _edge_call(e_hi, gs_hi, gd_hi,
                          w1e, eb1, ew2, eb2, ew3, eb3, eg, ebt)
        a_hi = segsum_hi(e_hi, di2, zeros_nd)
        node = _node_call(node, a_lo, a_hi,
                          wn, wa, nb1, nw2, nb2, nw3, nb3, ng, nbt)
        return (node, e_lo, e_hi), None

    (node, e_lo, e_hi), _ = lax.scan(step, (node, e_lo, e_hi), ws)
    return _dec_call(node, params["dec"])

# --- scband reference (transcript-rebuilt; emitter-appended) ---
"""Pipeline reference for scband-mesh-graph-nets-16569983828263 (READ-ONLY COPY).

The authoritative reference and input builder live on the scoring server;
editing this copy changes nothing except your own understanding.
"""

import jax, jax.numpy as jnp
import numpy as np

N_NODES = 10000
N_EDGES = 320000
D_NODE = 128
D_EDGE = 16
LATENT = 128
OUT_SIZE = 3
NUM_LAYERS = 2
STEPS = 15


def _make_mlp(rng, in_dim, widths, layer_norm=True):
    ws, bs = [], []
    d = in_dim
    for w in widths:
        std = np.sqrt(2.0 / (d + w))
        ws.append(jnp.asarray(rng.normal(0.0, std, (d, w)).astype(np.float32)))
        bs.append(jnp.zeros((w,), dtype=jnp.float32))
        d = w
    p = {"W": ws, "b": bs}
    if layer_norm:
        p["ln_g"] = jnp.ones((widths[-1],), dtype=jnp.float32)
        p["ln_b"] = jnp.zeros((widths[-1],), dtype=jnp.float32)
    return p


def _mlp_apply(p, h):
    n = len(p["W"])
    for i in range(n):
        h = h @ p["W"][i] + p["b"][i]
        if i < n - 1:
            h = jax.nn.relu(h)
    return h


def _ln(h, g, b):
    m = jnp.mean(h, axis=-1, keepdims=True)
    v = jnp.var(h, axis=-1, keepdims=True)
    return (h - m) / jnp.sqrt(v + 1e-5) * g + b


def setup_inputs(seed: int = 0) -> dict:
    key = jax.random.key(seed)
    x = jax.random.normal(jax.random.fold_in(key, 0), (N_NODES, D_NODE), dtype=jnp.float32)
    edge_attr = jax.random.normal(jax.random.fold_in(key, 1), (N_EDGES, D_EDGE), dtype=jnp.float32)
    edge_index = jax.random.randint(jax.random.fold_in(key, 2), (2, N_EDGES), 0, N_NODES, dtype=jnp.int32)

    rng = np.random.default_rng(0)
    hidden = [LATENT] * NUM_LAYERS + [LATENT]
    params = {
        "enc_node": _make_mlp(rng, D_NODE, hidden, layer_norm=True),
        "enc_edge": _make_mlp(rng, D_EDGE, hidden, layer_norm=True),
        "proc": [
            {
                "edge": _make_mlp(rng, 3 * LATENT, hidden, layer_norm=True),
                "node": _make_mlp(rng, 2 * LATENT, hidden, layer_norm=True),
            }
            for _ in range(STEPS)
        ],
        "dec": _make_mlp(rng, LATENT, [LATENT] * NUM_LAYERS + [OUT_SIZE], layer_norm=False),
    }
    return {"x": x, "edge_attr": edge_attr, "params": params, "edge_index": edge_index}


def reference(x, edge_attr, params, edge_index):
    # Encoder
    node = _ln(_mlp_apply(params["enc_node"], x), params["enc_node"]["ln_g"], params["enc_node"]["ln_b"])
    edge = _ln(_mlp_apply(params["enc_edge"], edge_attr), params["enc_edge"]["ln_g"], params["enc_edge"]["ln_b"])
    src = edge_index[0]
    dst = edge_index[1]
    # Processor: message passing steps with residual GraphNet blocks
    for blk in params["proc"]:
        e_in = jnp.concatenate([edge, jnp.take(node, src, axis=0), jnp.take(node, dst, axis=0)], axis=-1)
        e_upd = _ln(_mlp_apply(blk["edge"], e_in), blk["edge"]["ln_g"], blk["edge"]["ln_b"])
        edge = edge + e_upd
        agg = jax.ops.segment_sum(edge, dst, num_segments=N_NODES)
        n_in = jnp.concatenate([node, agg], axis=-1)
        n_upd = _ln(_mlp_apply(blk["node"], n_in), blk["node"]["ln_g"], blk["node"]["ln_b"])
        node = node + n_upd
    # Decoder (no layer norm)
    return _mlp_apply(params["dec"], node)

if __name__ == "__main__":
    import jax
    _d = setup_inputs()
    print(jax.jit(kernel)(*tuple(_d.values())))

</pallas_src>

<mosaic_0001>
#map = affine_map<(d0, d1) -> (0, 0)>
module attributes {stable_mosaic.version = 14 : i64} {
  func.func @body(%arg0: i32, %arg1: i32, %arg2: memref<156160x128xf32, #tpu.memory_space<hbm>>, %arg3: memref<2560x128xi32, #tpu.memory_space<hbm>>, %arg4: memref<10000x128xf32, #tpu.memory_space<hbm>>, %arg5: memref<20000x128xf32, #tpu.memory_space<hbm>>, %arg6: memref<40x128xi32, #tpu.memory_space<vmem>>, %arg7: memref<128x128xf32, #tpu.memory_space<vmem>>, %arg8: memref<128x128xf32, #tpu.memory_space<vmem>>, %arg9: memref<10000x128xf32, #tpu.memory_space<vmem_shared>>, %arg10: memref<!tpu.dma_semaphore, #tpu.memory_space<semaphore_mem>>, %arg11: memref<!tpu.dma_semaphore, #tpu.memory_space<semaphore_mem>>, %arg12: memref<!tpu.dma_semaphore, #tpu.memory_space<semaphore_mem>>, %arg13: memref<!tpu.dma_semaphore, #tpu.memory_space<semaphore_mem>>) attributes {dimension_semantics = [#tpu.dimension_semantics<core_parallel>, #tpu.dimension_semantics<subcore_parallel>], iteration_bounds = array<i64: 2, 16>, scalar_prefetch = 0 : i64, scratch_operands = 8 : i64, tpu.core_type = #tpu.core_type<sc_vector_subcore>, window_params = [{transform_indices = #map}, {transform_indices = #map}, {transform_indices = #map}, {transform_indices = #map}]} {
    %mul3A = arith.constant 2 : i32
    %mul3A_0 = arith.muli %arg1, %mul3A : i32
    %add3A = arith.addi %mul3A_0, %arg0 : i32
    %mul3A_1 = arith.constant 40 : i32
    %mul3A_2 = arith.muli %add3A, %mul3A_1 : i32
    %sub3A = arith.constant 1220 : i32
    %sub3A_3 = arith.subi %sub3A, %mul3A_2 : i32
    %max3A = arith.constant 0 : i32
    %max3A_4 = arith.maxsi %sub3A_3, %max3A : i32
    %min3A = arith.constant 40 : i32
    %min3A_5 = arith.minsi %min3A, %max3A_4 : i32
    %mul3A_6 = arith.constant 624 : i32
    %mul3A_7 = arith.muli %arg1, %mul3A_6 : i32
    %mul3A_8 = arith.constant 624 : i32
    %mul3A_9 = arith.muli %arg1, %mul3A_8 : i32
    "tpu.region"() ({
      %run_scoped3A = tpu.sem_alloc : memref<!tpu.dma_semaphore, #tpu.memory_space<semaphore_mem>>
      %dma_start3A = arith.constant 0 : i32
      %dma_start3A_40 = tpu.memref_slice %arg9[%mul3A_9, %dma_start3A] : memref<10000x128xf32, #tpu.memory_space<vmem_shared>> -> memref<624x128xf32, #tpu.memory_space<vmem_shared>>
      %dma_start3A_41 = arith.constant 0 : i32
      %dma_start3A_42 = tpu.memref_slice %arg4[%mul3A_7, %dma_start3A_41] : memref<10000x128xf32, #tpu.memory_space<hbm>> -> memref<624x128xf32, #tpu.memory_space<hbm>>
      tpu.enqueue_dma source(%dma_start3A_42 : memref<624x128xf32, #tpu.memory_space<hbm>>) target(%dma_start3A_40 : memref<624x128xf32, #tpu.memory_space<vmem_shared>>) target_semaphore(%run_scoped3A : memref<!tpu.dma_semaphore, #tpu.memory_space<semaphore_mem>>)
      %dma_wait3A = arith.constant 0 : i32
      %dma_wait3A_43 = tpu.memref_slice %arg9[%mul3A_9, %dma_wait3A] : memref<10000x128xf32, #tpu.memory_space<vmem_shared>> -> memref<624x128xf32, #tpu.memory_space<vmem_shared>>
      %dma_wait3A_44 = arith.constant 0 : i32
      %dma_wait3A_45 = tpu.memref_slice %arg4[%mul3A_7, %dma_wait3A_44] : memref<10000x128xf32, #tpu.memory_space<hbm>> -> memref<624x128xf32, #tpu.memory_space<hbm>>
      tpu.wait_dma2 semaphore(%run_scoped3A : memref<!tpu.dma_semaphore, #tpu.memory_space<semaphore_mem>>) src(%dma_wait3A_45 : memref<624x128xf32, #tpu.memory_space<hbm>>) dst(%dma_wait3A_43 : memref<624x128xf32, #tpu.memory_space<vmem_shared>>)
      tpu.yield
    }) : () -> ()
    %eq3A = arith.constant 0 : i32
    %eq3A_10 = arith.cmpi eq, %arg1, %eq3A : i32
    %convert_element_type3A = arith.extui %eq3A_10 : i1 to i32
    %cond3A = arith.constant 0 : i32
    %cond3A_11 = arith.cmpi ne, %convert_element_type3A, %cond3A : i32
    scf.if %cond3A_11 {
      "tpu.region"() ({
        %run_scoped3A = tpu.sem_alloc : memref<!tpu.dma_semaphore, #tpu.memory_space<semaphore_mem>>
        %dma_start3A = arith.constant 9984 : i32
        %dma_start3A_40 = arith.constant 0 : i32
        %dma_start3A_41 = tpu.memref_slice %arg9[%dma_start3A, %dma_start3A_40] : memref<10000x128xf32, #tpu.memory_space<vmem_shared>> -> memref<16x128xf32, #tpu.memory_space<vmem_shared>>
        %dma_start3A_42 = arith.constant 9984 : i32
        %dma_start3A_43 = arith.constant 0 : i32
        %dma_start3A_44 = tpu.memref_slice %arg4[%dma_start3A_42, %dma_start3A_43] : memref<10000x128xf32, #tpu.memory_space<hbm>> -> memref<16x128xf32, #tpu.memory_space<hbm>>
        tpu.enqueue_dma source(%dma_start3A_44 : memref<16x128xf32, #tpu.memory_space<hbm>>) target(%dma_start3A_41 : memref<16x128xf32, #tpu.memory_space<vmem_shared>>) target_semaphore(%run_scoped3A : memref<!tpu.dma_semaphore, #tpu.memory_space<semaphore_mem>>)
        %dma_wait3A = arith.constant 9984 : i32
        %dma_wait3A_45 = arith.constant 0 : i32
        %dma_wait3A_46 = tpu.memref_slice %arg9[%dma_wait3A, %dma_wait3A_45] : memref<10000x128xf32, #tpu.memory_space<vmem_shared>> -> memref<16x128xf32, #tpu.memory_space<vmem_shared>>
        %dma_wait3A_47 = arith.constant 9984 : i32
        %dma_wait3A_48 = arith.constant 0 : i32
        %dma_wait3A_49 = tpu.memref_slice %arg4[%dma_wait3A_47, %dma_wait3A_48] : memref<10000x128xf32, #tpu.memory_space<hbm>> -> memref<16x128xf32, #tpu.memory_space<hbm>>
        tpu.wait_dma2 semaphore(%run_scoped3A : memref<!tpu.dma_semaphore, #tpu.memory_space<semaphore_mem>>) src(%dma_wait3A_49 : memref<16x128xf32, #tpu.memory_space<hbm>>) dst(%dma_wait3A_46 : memref<16x128xf32, #tpu.memory_space<vmem_shared>>)
        tpu.yield
      }) : () -> ()
    } else {
    }
    %add3A_12 = arith.constant 1280 : i32
    %add3A_13 = arith.addi %add3A_12, %mul3A_2 : i32
    "tpu.region"() ({
      %run_scoped3A = tpu.sem_alloc : memref<!tpu.dma_semaphore, #tpu.memory_space<semaphore_mem>>
      %dma_start3A = arith.constant 0 : i32
      %dma_start3A_40 = tpu.memref_slice %arg3[%add3A_13, %dma_start3A] : memref<2560x128xi32, #tpu.memory_space<hbm>> -> memref<40x128xi32, #tpu.memory_space<hbm>>
      %dma_start3A_41 = arith.constant 0 : i32
      %dma_start3A_42 = tpu.memref_slice %arg3[%add3A_13, %dma_start3A_41] : memref<2560x128xi32, #tpu.memory_space<hbm>> -> memref<40x128xi32, #tpu.memory_space<hbm>>
      tpu.enqueue_dma source(%dma_start3A_42 : memref<40x128xi32, #tpu.memory_space<hbm>>) target(%arg6 : memref<40x128xi32, #tpu.memory_space<vmem>>) target_semaphore(%run_scoped3A : memref<!tpu.dma_semaphore, #tpu.memory_space<semaphore_mem>>)
      %dma_wait3A = arith.constant 0 : i32
      %dma_wait3A_43 = tpu.memref_slice %arg3[%add3A_13, %dma_wait3A] : memref<2560x128xi32, #tpu.memory_space<hbm>> -> memref<40x128xi32, #tpu.memory_space<hbm>>
      %dma_wait3A_44 = arith.constant 0 : i32
      %dma_wait3A_45 = tpu.memref_slice %arg3[%add3A_13, %dma_wait3A_44] : memref<2560x128xi32, #tpu.memory_space<hbm>> -> memref<40x128xi32, #tpu.memory_space<hbm>>
      tpu.wait_dma2 semaphore(%run_scoped3A : memref<!tpu.dma_semaphore, #tpu.memory_space<semaphore_mem>>) src(%dma_wait3A_45 : memref<40x128xi32, #tpu.memory_space<hbm>>) dst(%arg6 : memref<40x128xi32, #tpu.memory_space<vmem>>)
      tpu.yield
    }) : () -> ()
    %barrier3A = arith.constant 0 : index
    tpu.barrier barrier_id(%barrier3A)
    %scan3A = arith.constant 0 : i32
    %scan3A_14 = arith.constant 20 : i32
    %scan3A_15 = arith.addi %scan3A, %scan3A_14 : i32
    %scan3A_16 = arith.constant 1 : i32
    scf.for %scan3A_40 = %scan3A to %scan3A_15 step %scan3A_16  : i32 {
      %sub3A_41 = arith.constant 1 : i32
      %sub3A_42 = arith.subi %scan3A_40, %sub3A_41 : i32
      %mul3A_43 = arith.constant 2 : i32
      %mul3A_44 = arith.muli %sub3A_42, %mul3A_43 : i32
      %add3A_45 = arith.constant 0 : i32
      %add3A_46 = arith.addi %mul3A_44, %add3A_45 : i32
      %gt3A_47 = arith.constant 0 : i32
      %gt3A_48 = arith.cmpi sgt, %scan3A_40, %gt3A_47 : i32
      %lt3A = arith.cmpi slt, %add3A_46, %min3A_5 : i32
      %and3A = arith.andi %gt3A_48, %lt3A : i1
      %convert_element_type3A_49 = arith.extui %and3A : i1 to i32
      %cond3A_50 = arith.constant 0 : i32
      %cond3A_51 = arith.cmpi ne, %convert_element_type3A_49, %cond3A_50 : i32
      scf.if %cond3A_51 {
        %dma_wait3A = arith.constant 0 : i32
        %dma_wait3A_97 = tpu.memref_slice %arg6[%add3A_46, %dma_wait3A] : memref<40x128xi32, #tpu.memory_space<vmem>> -> memref<1x128xi32, #tpu.memory_space<vmem>>
        %dma_wait3A_98 = tpu.memref_squeeze %dma_wait3A_97 : memref<1x128xi32, #tpu.memory_space<vmem>> -> memref<128xi32, #tpu.memory_space<vmem>>
        %dma_wait3A_99 = arith.constant 0 : i32
        %dma_wait3A_100 = arith.constant 0 : i32
        %dma_wait3A_101 = tpu.memref_slice %arg9[%dma_wait3A_99, %dma_wait3A_100] : memref<10000x128xf32, #tpu.memory_space<vmem_shared>> -> memref<10000x128xf32, #tpu.memory_space<vmem_shared>>
        tpu.wait_indirect_dma semaphore(%arg12 : memref<!tpu.dma_semaphore, #tpu.memory_space<semaphore_mem>>) src(%arg7 : memref<128x128xf32, #tpu.memory_space<vmem>>) dst(%dma_wait3A_101 : memref<10000x128xf32, #tpu.memory_space<vmem_shared>>)
      } else {
      }
      %sub3A_52 = arith.constant 1 : i32
      %sub3A_53 = arith.subi %scan3A_40, %sub3A_52 : i32
      %mul3A_54 = arith.constant 2 : i32
      %mul3A_55 = arith.muli %sub3A_53, %mul3A_54 : i32
      %add3A_56 = arith.constant 1 : i32
      %add3A_57 = arith.addi %mul3A_55, %add3A_56 : i32
      %gt3A_58 = arith.constant 0 : i32
      %gt3A_59 = arith.cmpi sgt, %scan3A_40, %gt3A_58 : i32
      %lt3A_60 = arith.cmpi slt, %add3A_57, %min3A_5 : i32
      %and3A_61 = arith.andi %gt3A_59, %lt3A_60 : i1
      %convert_element_type3A_62 = arith.extui %and3A_61 : i1 to i32
      %cond3A_63 = arith.constant 0 : i32
      %cond3A_64 = arith.cmpi ne, %convert_element_type3A_62, %cond3A_63 : i32
      scf.if %cond3A_64 {
        %dma_wait3A = arith.constant 0 : i32
        %dma_wait3A_97 = tpu.memref_slice %arg6[%add3A_57, %dma_wait3A] : memref<40x128xi32, #tpu.memory_space<vmem>> -> memref<1x128xi32, #tpu.memory_space<vmem>>
        %dma_wait3A_98 = tpu.memref_squeeze %dma_wait3A_97 : memref<1x128xi32, #tpu.memory_space<vmem>> -> memref<128xi32, #tpu.memory_space<vmem>>
        %dma_wait3A_99 = arith.constant 0 : i32
        %dma_wait3A_100 = arith.constant 0 : i32
        %dma_wait3A_101 = tpu.memref_slice %arg9[%dma_wait3A_99, %dma_wait3A_100] : memref<10000x128xf32, #tpu.memory_space<vmem_shared>> -> memref<10000x128xf32, #tpu.memory_space<vmem_shared>>
        tpu.wait_indirect_dma semaphore(%arg13 : memref<!tpu.dma_semaphore, #tpu.memory_space<semaphore_mem>>) src(%arg8 : memref<128x128xf32, #tpu.memory_space<vmem>>) dst(%dma_wait3A_101 : memref<10000x128xf32, #tpu.memory_space<vmem_shared>>)
      } else {
      }
      %mul3A_65 = arith.constant 2 : i32
      %mul3A_66 = arith.muli %scan3A_40, %mul3A_65 : i32
      %add3A_67 = arith.constant 0 : i32
      %add3A_68 = arith.addi %mul3A_66, %add3A_67 : i32
      %lt3A_69 = arith.cmpi slt, %add3A_68, %min3A_5 : i32
      %convert_element_type3A_70 = arith.extui %lt3A_69 : i1 to i32
      %cond3A_71 = arith.constant 0 : i32
      %cond3A_72 = arith.cmpi ne, %convert_element_type3A_70, %cond3A_71 : i32
      scf.if %cond3A_72 {
        %add3A_97 = arith.addi %mul3A_2, %add3A_68 : i32
        %mul3A_98 = arith.constant 128 : i32
        %mul3A_99 = arith.muli %add3A_97, %mul3A_98 : i32
        %dma_start3A = arith.constant 0 : i32
        %dma_start3A_100 = tpu.memref_slice %arg2[%mul3A_99, %dma_start3A] : memref<156160x128xf32, #tpu.memory_space<hbm>> -> memref<128x128xf32, #tpu.memory_space<hbm>>
        %dma_start3A_101 = arith.constant 0 : i32
        %dma_start3A_102 = tpu.memref_slice %arg2[%mul3A_99, %dma_start3A_101] : memref<156160x128xf32, #tpu.memory_space<hbm>> -> memref<128x128xf32, #tpu.memory_space<hbm>>
        tpu.enqueue_dma source(%dma_start3A_102 : memref<128x128xf32, #tpu.memory_space<hbm>>) target(%arg7 : memref<128x128xf32, #tpu.memory_space<vmem>>) target_semaphore(%arg10 : memref<!tpu.dma_semaphore, #tpu.memory_space<semaphore_mem>>)
      } else {
      }
      %mul3A_73 = arith.constant 2 : i32
      %mul3A_74 = arith.muli %scan3A_40, %mul3A_73 : i32
      %add3A_75 = arith.constant 1 : i32
      %add3A_76 = arith.addi %mul3A_74, %add3A_75 : i32
      %lt3A_77 = arith.cmpi slt, %add3A_76, %min3A_5 : i32
      %convert_element_type3A_78 = arith.extui %lt3A_77 : i1 to i32
      %cond3A_79 = arith.constant 0 : i32
      %cond3A_80 = arith.cmpi ne, %convert_element_type3A_78, %cond3A_79 : i32
      scf.if %cond3A_80 {
        %add3A_97 = arith.addi %mul3A_2, %add3A_76 : i32
        %mul3A_98 = arith.constant 128 : i32
        %mul3A_99 = arith.muli %add3A_97, %mul3A_98 : i32
        %dma_start3A = arith.constant 0 : i32
        %dma_start3A_100 = tpu.memref_slice %arg2[%mul3A_99, %dma_start3A] : memref<156160x128xf32, #tpu.memory_space<hbm>> -> memref<128x128xf32, #tpu.memory_space<hbm>>
        %dma_start3A_101 = arith.constant 0 : i32
        %dma_start3A_102 = tpu.memref_slice %arg2[%mul3A_99, %dma_start3A_101] : memref<156160x128xf32, #tpu.memory_space<hbm>> -> memref<128x128xf32, #tpu.memory_space<hbm>>
        tpu.enqueue_dma source(%dma_start3A_102 : memref<128x128xf32, #tpu.memory_space<hbm>>) target(%arg8 : memref<128x128xf32, #tpu.memory_space<vmem>>) target_semaphore(%arg11 : memref<!tpu.dma_semaphore, #tpu.memory_space<semaphore_mem>>)
      } else {
      }
      %mul3A_81 = arith.constant 2 : i32
      %mul3A_82 = arith.muli %scan3A_40, %mul3A_81 : i32
      %add3A_83 = arith.constant 0 : i32
      %add3A_84 = arith.addi %mul3A_82, %add3A_83 : i32
      %lt3A_85 = arith.cmpi slt, %add3A_84, %min3A_5 : i32
      %convert_element_type3A_86 = arith.extui %lt3A_85 : i1 to i32
      %cond3A_87 = arith.constant 0 : i32
      %cond3A_88 = arith.cmpi ne, %convert_element_type3A_86, %cond3A_87 : i32
      scf.if %cond3A_88 {
        %add3A_97 = arith.addi %mul3A_2, %add3A_84 : i32
        %mul3A_98 = arith.constant 128 : i32
        %mul3A_99 = arith.muli %add3A_97, %mul3A_98 : i32
        %dma_wait3A = arith.constant 0 : i32
        %dma_wait3A_100 = tpu.memref_slice %arg2[%mul3A_99, %dma_wait3A] : memref<156160x128xf32, #tpu.memory_space<hbm>> -> memref<128x128xf32, #tpu.memory_space<hbm>>
        %dma_wait3A_101 = arith.constant 0 : i32
        %dma_wait3A_102 = tpu.memref_slice %arg2[%mul3A_99, %dma_wait3A_101] : memref<156160x128xf32, #tpu.memory_space<hbm>> -> memref<128x128xf32, #tpu.memory_space<hbm>>
        tpu.wait_dma2 semaphore(%arg10 : memref<!tpu.dma_semaphore, #tpu.memory_space<semaphore_mem>>) src(%dma_wait3A_102 : memref<128x128xf32, #tpu.memory_space<hbm>>) dst(%arg7 : memref<128x128xf32, #tpu.memory_space<vmem>>)
        %dma_start3A = arith.constant 0 : i32
        %dma_start3A_103 = tpu.memref_slice %arg6[%add3A_84, %dma_start3A] : memref<40x128xi32, #tpu.memory_space<vmem>> -> memref<1x128xi32, #tpu.memory_space<vmem>>
        %dma_start3A_104 = tpu.memref_squeeze %dma_start3A_103 : memref<1x128xi32, #tpu.memory_space<vmem>> -> memref<128xi32, #tpu.memory_space<vmem>>
        %dma_start3A_105 = arith.constant 0 : i32
        %dma_start3A_106 = arith.constant 0 : i32
        %dma_start3A_107 = tpu.memref_slice %arg9[%dma_start3A_105, %dma_start3A_106] : memref<10000x128xf32, #tpu.memory_space<vmem_shared>> -> memref<10000x128xf32, #tpu.memory_space<vmem_shared>>
        tpu.enqueue_indirect_dma source(%arg7 : memref<128x128xf32, #tpu.memory_space<vmem>>) target(%dma_start3A_107 : memref<10000x128xf32, #tpu.memory_space<vmem_shared>>) offsets(%dma_start3A_104 : memref<128xi32, #tpu.memory_space<vmem>>) semaphore(%arg12 : memref<!tpu.dma_semaphore, #tpu.memory_space<semaphore_mem>>) {add = true}
      } else {
      }
      %mul3A_89 = arith.constant 2 : i32
      %mul3A_90 = arith.muli %scan3A_40, %mul3A_89 : i32
      %add3A_91 = arith.constant 1 : i32
      %add3A_92 = arith.addi %mul3A_90, %add3A_91 : i32
      %lt3A_93 = arith.cmpi slt, %add3A_92, %min3A_5 : i32
      %convert_element_type3A_94 = arith.extui %lt3A_93 : i1 to i32
      %cond3A_95 = arith.constant 0 : i32
      %cond3A_96 = arith.cmpi ne, %convert_element_type3A_94, %cond3A_95 : i32
      scf.if %cond3A_96 {
        %add3A_97 = arith.addi %mul3A_2, %add3A_92 : i32
        %mul3A_98 = arith.constant 128 : i32
        %mul3A_99 = arith.muli %add3A_97, %mul3A_98 : i32
        %dma_wait3A = arith.constant 0 : i32
        %dma_wait3A_100 = tpu.memref_slice %arg2[%mul3A_99, %dma_wait3A] : memref<156160x128xf32, #tpu.memory_space<hbm>> -> memref<128x128xf32, #tpu.memory_space<hbm>>
        %dma_wait3A_101 = arith.constant 0 : i32
        %dma_wait3A_102 = tpu.memref_slice %arg2[%mul3A_99, %dma_wait3A_101] : memref<156160x128xf32, #tpu.memory_space<hbm>> -> memref<128x128xf32, #tpu.memory_space<hbm>>
        tpu.wait_dma2 semaphore(%arg11 : memref<!tpu.dma_semaphore, #tpu.memory_space<semaphore_mem>>) src(%dma_wait3A_102 : memref<128x128xf32, #tpu.memory_space<hbm>>) dst(%arg8 : memref<128x128xf32, #tpu.memory_space<vmem>>)
        %dma_start3A = arith.constant 0 : i32
        %dma_start3A_103 = tpu.memref_slice %arg6[%add3A_92, %dma_start3A] : memref<40x128xi32, #tpu.memory_space<vmem>> -> memref<1x128xi32, #tpu.memory_space<vmem>>
        %dma_start3A_104 = tpu.memref_squeeze %dma_start3A_103 : memref<1x128xi32, #tpu.memory_space<vmem>> -> memref<128xi32, #tpu.memory_space<vmem>>
        %dma_start3A_105 = arith.constant 0 : i32
        %dma_start3A_106 = arith.constant 0 : i32
        %dma_start3A_107 = tpu.memref_slice %arg9[%dma_start3A_105, %dma_start3A_106] : memref<10000x128xf32, #tpu.memory_space<vmem_shared>> -> memref<10000x128xf32, #tpu.memory_space<vmem_shared>>
        tpu.enqueue_indirect_dma source(%arg8 : memref<128x128xf32, #tpu.memory_space<vmem>>) target(%dma_start3A_107 : memref<10000x128xf32, #tpu.memory_space<vmem_shared>>) offsets(%dma_start3A_104 : memref<128xi32, #tpu.memory_space<vmem>>) semaphore(%arg13 : memref<!tpu.dma_semaphore, #tpu.memory_space<semaphore_mem>>) {add = true}
      } else {
      }
    }
    %scan3A_17 = arith.constant 20 : i32
    %gt3A = arith.constant 38 : i32
    %gt3A_18 = arith.cmpi sgt, %min3A_5, %gt3A : i32
    %convert_element_type3A_19 = arith.extui %gt3A_18 : i1 to i32
    %cond3A_20 = arith.constant 0 : i32
    %cond3A_21 = arith.cmpi ne, %convert_element_type3A_19, %cond3A_20 : i32
    scf.if %cond3A_21 {
      %dma_wait3A = arith.constant 38 : i32
      %dma_wait3A_40 = arith.constant 0 : i32
      %dma_wait3A_41 = tpu.memref_slice %arg6[%dma_wait3A, %dma_wait3A_40] : memref<40x128xi32, #tpu.memory_space<vmem>> -> memref<1x128xi32, #tpu.memory_space<vmem>>
      %dma_wait3A_42 = tpu.memref_squeeze %dma_wait3A_41 : memref<1x128xi32, #tpu.memory_space<vmem>> -> memref<128xi32, #tpu.memory_space<vmem>>
      %dma_wait3A_43 = arith.constant 0 : i32
      %dma_wait3A_44 = arith.constant 0 : i32
      %dma_wait3A_45 = tpu.memref_slice %arg9[%dma_wait3A_43, %dma_wait3A_44] : memref<10000x128xf32, #tpu.memory_space<vmem_shared>> -> memref<10000x128xf32, #tpu.memory_space<vmem_shared>>
      tpu.wait_indirect_dma semaphore(%arg12 : memref<!tpu.dma_semaphore, #tpu.memory_space<semaphore_mem>>) src(%arg7 : memref<128x128xf32, #tpu.memory_space<vmem>>) dst(%dma_wait3A_45 : memref<10000x128xf32, #tpu.memory_space<vmem_shared>>)
    } else {
    }
    %gt3A_22 = arith.constant 39 : i32
    %gt3A_23 = arith.cmpi sgt, %min3A_5, %gt3A_22 : i32
    %convert_element_type3A_24 = arith.extui %gt3A_23 : i1 to i32
    %cond3A_25 = arith.constant 0 : i32
    %cond3A_26 = arith.cmpi ne, %convert_element_type3A_24, %cond3A_25 : i32
    scf.if %cond3A_26 {
      %dma_wait3A = arith.constant 39 : i32
      %dma_wait3A_40 = arith.constant 0 : i32
      %dma_wait3A_41 = tpu.memref_slice %arg6[%dma_wait3A, %dma_wait3A_40] : memref<40x128xi32, #tpu.memory_space<vmem>> -> memref<1x128xi32, #tpu.memory_space<vmem>>
      %dma_wait3A_42 = tpu.memref_squeeze %dma_wait3A_41 : memref<1x128xi32, #tpu.memory_space<vmem>> -> memref<128xi32, #tpu.memory_space<vmem>>
      %dma_wait3A_43 = arith.constant 0 : i32
      %dma_wait3A_44 = arith.constant 0 : i32
      %dma_wait3A_45 = tpu.memref_slice %arg9[%dma_wait3A_43, %dma_wait3A_44] : memref<10000x128xf32, #tpu.memory_space<vmem_shared>> -> memref<10000x128xf32, #tpu.memory_space<vmem_shared>>
      tpu.wait_indirect_dma semaphore(%arg13 : memref<!tpu.dma_semaphore, #tpu.memory_space<semaphore_mem>>) src(%arg8 : memref<128x128xf32, #tpu.memory_space<vmem>>) dst(%dma_wait3A_45 : memref<10000x128xf32, #tpu.memory_space<vmem_shared>>)
    } else {
    }
    %barrier3A_27 = arith.constant 0 : index
    tpu.barrier barrier_id(%barrier3A_27)
    %mul3A_28 = arith.constant 624 : i32
    %mul3A_29 = arith.muli %arg1, %mul3A_28 : i32
    %mul3A_30 = arith.constant 10000 : i32
    %mul3A_31 = arith.muli %arg0, %mul3A_30 : i32
    %mul3A_32 = arith.constant 624 : i32
    %mul3A_33 = arith.muli %arg1, %mul3A_32 : i32
    %add3A_34 = arith.addi %mul3A_31, %mul3A_33 : i32
    "tpu.region"() ({
      %run_scoped3A = tpu.sem_alloc : memref<!tpu.dma_semaphore, #tpu.memory_space<semaphore_mem>>
      %dma_start3A = arith.constant 0 : i32
      %dma_start3A_40 = tpu.memref_slice %arg5[%add3A_34, %dma_start3A] : memref<20000x128xf32, #tpu.memory_space<hbm>> -> memref<624x128xf32, #tpu.memory_space<hbm>>
      %dma_start3A_41 = arith.constant 0 : i32
      %dma_start3A_42 = tpu.memref_slice %arg9[%mul3A_29, %dma_start3A_41] : memref<10000x128xf32, #tpu.memory_space<vmem_shared>> -> memref<624x128xf32, #tpu.memory_space<vmem_shared>>
      tpu.enqueue_dma source(%dma_start3A_42 : memref<624x128xf32, #tpu.memory_space<vmem_shared>>) target(%dma_start3A_40 : memref<624x128xf32, #tpu.memory_space<hbm>>) target_semaphore(%run_scoped3A : memref<!tpu.dma_semaphore, #tpu.memory_space<semaphore_mem>>)
      %dma_wait3A = arith.constant 0 : i32
      %dma_wait3A_43 = tpu.memref_slice %arg5[%add3A_34, %dma_wait3A] : memref<20000x128xf32, #tpu.memory_space<hbm>> -> memref<624x128xf32, #tpu.memory_space<hbm>>
      %dma_wait3A_44 = arith.constant 0 : i32
      %dma_wait3A_45 = tpu.memref_slice %arg9[%mul3A_29, %dma_wait3A_44] : memref<10000x128xf32, #tpu.memory_space<vmem_shared>> -> memref<624x128xf32, #tpu.memory_space<vmem_shared>>
      tpu.wait_dma2 semaphore(%run_scoped3A : memref<!tpu.dma_semaphore, #tpu.memory_space<semaphore_mem>>) src(%dma_wait3A_45 : memref<624x128xf32, #tpu.memory_space<vmem_shared>>) dst(%dma_wait3A_43 : memref<624x128xf32, #tpu.memory_space<hbm>>)
      tpu.yield
    }) : () -> ()
    %eq3A_35 = arith.constant 0 : i32
    %eq3A_36 = arith.cmpi eq, %arg1, %eq3A_35 : i32
    %convert_element_type3A_37 = arith.extui %eq3A_36 : i1 to i32
    %cond3A_38 = arith.constant 0 : i32
    %cond3A_39 = arith.cmpi ne, %convert_element_type3A_37, %cond3A_38 : i32
    scf.if %cond3A_39 {
      %mul3A_40 = arith.constant 10000 : i32
      %mul3A_41 = arith.muli %arg0, %mul3A_40 : i32
      %add3A_42 = arith.constant 9984 : i32
      %add3A_43 = arith.addi %mul3A_41, %add3A_42 : i32
      "tpu.region"() ({
        %run_scoped3A = tpu.sem_alloc : memref<!tpu.dma_semaphore, #tpu.memory_space<semaphore_mem>>
        %dma_start3A = arith.constant 0 : i32
        %dma_start3A_44 = tpu.memref_slice %arg5[%add3A_43, %dma_start3A] : memref<20000x128xf32, #tpu.memory_space<hbm>> -> memref<16x128xf32, #tpu.memory_space<hbm>>
        %dma_start3A_45 = arith.constant 9984 : i32
        %dma_start3A_46 = arith.constant 0 : i32
        %dma_start3A_47 = tpu.memref_slice %arg9[%dma_start3A_45, %dma_start3A_46] : memref<10000x128xf32, #tpu.memory_space<vmem_shared>> -> memref<16x128xf32, #tpu.memory_space<vmem_shared>>
        tpu.enqueue_dma source(%dma_start3A_47 : memref<16x128xf32, #tpu.memory_space<vmem_shared>>) target(%dma_start3A_44 : memref<16x128xf32, #tpu.memory_space<hbm>>) target_semaphore(%run_scoped3A : memref<!tpu.dma_semaphore, #tpu.memory_space<semaphore_mem>>)
        %dma_wait3A = arith.constant 0 : i32
        %dma_wait3A_48 = tpu.memref_slice %arg5[%add3A_43, %dma_wait3A] : memref<20000x128xf32, #tpu.memory_space<hbm>> -> memref<16x128xf32, #tpu.memory_space<hbm>>
        %dma_wait3A_49 = arith.constant 9984 : i32
        %dma_wait3A_50 = arith.constant 0 : i32
        %dma_wait3A_51 = tpu.memref_slice %arg9[%dma_wait3A_49, %dma_wait3A_50] : memref<10000x128xf32, #tpu.memory_space<vmem_shared>> -> memref<16x128xf32, #tpu.memory_space<vmem_shared>>
        tpu.wait_dma2 semaphore(%run_scoped3A : memref<!tpu.dma_semaphore, #tpu.memory_space<semaphore_mem>>) src(%dma_wait3A_51 : memref<16x128xf32, #tpu.memory_space<vmem_shared>>) dst(%dma_wait3A_48 : memref<16x128xf32, #tpu.memory_space<hbm>>)
        tpu.yield
      }) : () -> ()
    } else {
    }
    return
  }
}

#map = affine_map<(d0, d1) -> (0, 0)>
module attributes {stable_mosaic.version = 14 : i64} {
  func.func @body(%arg0: i32, %arg1: i32, %arg2: memref<10000x128xf32, #tpu.memory_space<hbm>>, %arg3: memref<10000x128xf32, #tpu.memory_space<hbm>>, %arg4: memref<2560x128xi32, #tpu.memory_space<hbm>>, %arg5: memref<2560x128xi32, #tpu.memory_space<hbm>>, %arg6: memref<163840x128xf32, #tpu.memory_space<hbm>>, %arg7: memref<163840x128xf32, #tpu.memory_space<hbm>>, %arg8: memref<80x128xi32, #tpu.memory_space<vmem>>, %arg9: memref<128x128xf32, #tpu.memory_space<vmem>>, %arg10: memref<128x128xf32, #tpu.memory_space<vmem>>, %arg11: memref<10000x128xf32, #tpu.memory_space<vmem_shared>>, %arg12: memref<!tpu.dma_semaphore, #tpu.memory_space<semaphore_mem>>, %arg13: memref<!tpu.dma_semaphore, #tpu.memory_space<semaphore_mem>>, %arg14: memref<!tpu.dma_semaphore, #tpu.memory_space<semaphore_mem>>, %arg15: memref<!tpu.dma_semaphore, #tpu.memory_space<semaphore_mem>>) attributes {dimension_semantics = [#tpu.dimension_semantics<core_parallel>, #tpu.dimension_semantics<subcore_parallel>], iteration_bounds = array<i64: 2, 16>, scalar_prefetch = 0 : i64, scratch_operands = 8 : i64, tpu.core_type = #tpu.core_type<sc_vector_subcore>, window_params = [{transform_indices = #map}, {transform_indices = #map}, {transform_indices = #map}, {transform_indices = #map}, {transform_indices = #map}, {transform_indices = #map}]} {
    %mul3A = arith.constant 80 : i32
    %mul3A_0 = arith.muli %arg1, %mul3A : i32
    %sub3A = arith.constant 1280 : i32
    %sub3A_1 = arith.subi %sub3A, %mul3A_0 : i32
    %max3A = arith.constant 0 : i32
    %max3A_2 = arith.maxsi %sub3A_1, %max3A : i32
    %min3A = arith.constant 80 : i32
    %min3A_3 = arith.minsi %min3A, %max3A_2 : i32
    %eq3A = arith.constant 0 : i32
    %eq3A_4 = arith.cmpi eq, %arg0, %eq3A : i32
    %convert_element_type3A = arith.extui %eq3A_4 : i1 to i32
    %cond3A = arith.constant 0 : i32
    %cond3A_5 = arith.cmpi ne, %convert_element_type3A, %cond3A : i32
    scf.if %cond3A_5 {
      %mul3A_36 = arith.constant 624 : i32
      %mul3A_37 = arith.muli %arg1, %mul3A_36 : i32
      %mul3A_38 = arith.constant 624 : i32
      %mul3A_39 = arith.muli %arg1, %mul3A_38 : i32
      "tpu.region"() ({
        %run_scoped3A = tpu.sem_alloc : memref<!tpu.dma_semaphore, #tpu.memory_space<semaphore_mem>>
        %dma_start3A = arith.constant 0 : i32
        %dma_start3A_41 = tpu.memref_slice %arg11[%mul3A_39, %dma_start3A] : memref<10000x128xf32, #tpu.memory_space<vmem_shared>> -> memref<624x128xf32, #tpu.memory_space<vmem_shared>>
        %dma_start3A_42 = arith.constant 0 : i32
        %dma_start3A_43 = tpu.memref_slice %arg2[%mul3A_37, %dma_start3A_42] : memref<10000x128xf32, #tpu.memory_space<hbm>> -> memref<624x128xf32, #tpu.memory_space<hbm>>
        tpu.enqueue_dma source(%dma_start3A_43 : memref<624x128xf32, #tpu.memory_space<hbm>>) target(%dma_start3A_41 : memref<624x128xf32, #tpu.memory_space<vmem_shared>>) target_semaphore(%run_scoped3A : memref<!tpu.dma_semaphore, #tpu.memory_space<semaphore_mem>>)
        %dma_wait3A = arith.constant 0 : i32
        %dma_wait3A_44 = tpu.memref_slice %arg11[%mul3A_39, %dma_wait3A] : memref<10000x128xf32, #tpu.memory_space<vmem_shared>> -> memref<624x128xf32, #tpu.memory_space<vmem_shared>>
        %dma_wait3A_45 = arith.constant 0 : i32
        %dma_wait3A_46 = tpu.memref_slice %arg2[%mul3A_37, %dma_wait3A_45] : memref<10000x128xf32, #tpu.memory_space<hbm>> -> memref<624x128xf32, #tpu.memory_space<hbm>>
        tpu.wait_dma2 semaphore(%run_scoped3A : memref<!tpu.dma_semaphore, #tpu.memory_space<semaphore_mem>>) src(%dma_wait3A_46 : memref<624x128xf32, #tpu.memory_space<hbm>>) dst(%dma_wait3A_44 : memref<624x128xf32, #tpu.memory_space<vmem_shared>>)
        tpu.yield
      }) : () -> ()
      %add3A = arith.constant 0 : i32
      %add3A_40 = arith.addi %add3A, %mul3A_0 : i32
      "tpu.region"() ({
        %run_scoped3A = tpu.sem_alloc : memref<!tpu.dma_semaphore, #tpu.memory_space<semaphore_mem>>
        %dma_start3A = arith.constant 0 : i32
        %dma_start3A_41 = tpu.memref_slice %arg4[%add3A_40, %dma_start3A] : memref<2560x128xi32, #tpu.memory_space<hbm>> -> memref<80x128xi32, #tpu.memory_space<hbm>>
        %dma_start3A_42 = arith.constant 0 : i32
        %dma_start3A_43 = tpu.memref_slice %arg4[%add3A_40, %dma_start3A_42] : memref<2560x128xi32, #tpu.memory_space<hbm>> -> memref<80x128xi32, #tpu.memory_space<hbm>>
        tpu.enqueue_dma source(%dma_start3A_43 : memref<80x128xi32, #tpu.memory_space<hbm>>) target(%arg8 : memref<80x128xi32, #tpu.memory_space<vmem>>) target_semaphore(%run_scoped3A : memref<!tpu.dma_semaphore, #tpu.memory_space<semaphore_mem>>)
        %dma_wait3A = arith.constant 0 : i32
        %dma_wait3A_44 = tpu.memref_slice %arg4[%add3A_40, %dma_wait3A] : memref<2560x128xi32, #tpu.memory_space<hbm>> -> memref<80x128xi32, #tpu.memory_space<hbm>>
        %dma_wait3A_45 = arith.constant 0 : i32
        %dma_wait3A_46 = tpu.memref_slice %arg4[%add3A_40, %dma_wait3A_45] : memref<2560x128xi32, #tpu.memory_space<hbm>> -> memref<80x128xi32, #tpu.memory_space<hbm>>
        tpu.wait_dma2 semaphore(%run_scoped3A : memref<!tpu.dma_semaphore, #tpu.memory_space<semaphore_mem>>) src(%dma_wait3A_46 : memref<80x128xi32, #tpu.memory_space<hbm>>) dst(%arg8 : memref<80x128xi32, #tpu.memory_space<vmem>>)
        tpu.yield
      }) : () -> ()
    } else {
    }
    %eq3A_6 = arith.constant 1 : i32
    %eq3A_7 = arith.cmpi eq, %arg0, %eq3A_6 : i32
    %convert_element_type3A_8 = arith.extui %eq3A_7 : i1 to i32
    %cond3A_9 = arith.constant 0 : i32
    %cond3A_10 = arith.cmpi ne, %convert_element_type3A_8, %cond3A_9 : i32
    scf.if %cond3A_10 {
      %mul3A_36 = arith.constant 624 : i32
      %mul3A_37 = arith.muli %arg1, %mul3A_36 : i32
      %mul3A_38 = arith.constant 624 : i32
      %mul3A_39 = arith.muli %arg1, %mul3A_38 : i32
      "tpu.region"() ({
        %run_scoped3A = tpu.sem_alloc : memref<!tpu.dma_semaphore, #tpu.memory_space<semaphore_mem>>
        %dma_start3A = arith.constant 0 : i32
        %dma_start3A_41 = tpu.memref_slice %arg11[%mul3A_39, %dma_start3A] : memref<10000x128xf32, #tpu.memory_space<vmem_shared>> -> memref<624x128xf32, #tpu.memory_space<vmem_shared>>
        %dma_start3A_42 = arith.constant 0 : i32
        %dma_start3A_43 = tpu.memref_slice %arg3[%mul3A_37, %dma_start3A_42] : memref<10000x128xf32, #tpu.memory_space<hbm>> -> memref<624x128xf32, #tpu.memory_space<hbm>>
        tpu.enqueue_dma source(%dma_start3A_43 : memref<624x128xf32, #tpu.memory_space<hbm>>) target(%dma_start3A_41 : memref<624x128xf32, #tpu.memory_space<vmem_shared>>) target_semaphore(%run_scoped3A : memref<!tpu.dma_semaphore, #tpu.memory_space<semaphore_mem>>)
        %dma_wait3A = arith.constant 0 : i32
        %dma_wait3A_44 = tpu.memref_slice %arg11[%mul3A_39, %dma_wait3A] : memref<10000x128xf32, #tpu.memory_space<vmem_shared>> -> memref<624x128xf32, #tpu.memory_space<vmem_shared>>
        %dma_wait3A_45 = arith.constant 0 : i32
        %dma_wait3A_46 = tpu.memref_slice %arg3[%mul3A_37, %dma_wait3A_45] : memref<10000x128xf32, #tpu.memory_space<hbm>> -> memref<624x128xf32, #tpu.memory_space<hbm>>
        tpu.wait_dma2 semaphore(%run_scoped3A : memref<!tpu.dma_semaphore, #tpu.memory_space<semaphore_mem>>) src(%dma_wait3A_46 : memref<624x128xf32, #tpu.memory_space<hbm>>) dst(%dma_wait3A_44 : memref<624x128xf32, #tpu.memory_space<vmem_shared>>)
        tpu.yield
      }) : () -> ()
      %add3A = arith.constant 0 : i32
      %add3A_40 = arith.addi %add3A, %mul3A_0 : i32
      "tpu.region"() ({
        %run_scoped3A = tpu.sem_alloc : memref<!tpu.dma_semaphore, #tpu.memory_space<semaphore_mem>>
        %dma_start3A = arith.constant 0 : i32
        %dma_start3A_41 = tpu.memref_slice %arg5[%add3A_40, %dma_start3A] : memref<2560x128xi32, #tpu.memory_space<hbm>> -> memref<80x128xi32, #tpu.memory_space<hbm>>
        %dma_start3A_42 = arith.constant 0 : i32
        %dma_start3A_43 = tpu.memref_slice %arg5[%add3A_40, %dma_start3A_42] : memref<2560x128xi32, #tpu.memory_space<hbm>> -> memref<80x128xi32, #tpu.memory_space<hbm>>
        tpu.enqueue_dma source(%dma_start3A_43 : memref<80x128xi32, #tpu.memory_space<hbm>>) target(%arg8 : memref<80x128xi32, #tpu.memory_space<vmem>>) target_semaphore(%run_scoped3A : memref<!tpu.dma_semaphore, #tpu.memory_space<semaphore_mem>>)
        %dma_wait3A = arith.constant 0 : i32
        %dma_wait3A_44 = tpu.memref_slice %arg5[%add3A_40, %dma_wait3A] : memref<2560x128xi32, #tpu.memory_space<hbm>> -> memref<80x128xi32, #tpu.memory_space<hbm>>
        %dma_wait3A_45 = arith.constant 0 : i32
        %dma_wait3A_46 = tpu.memref_slice %arg5[%add3A_40, %dma_wait3A_45] : memref<2560x128xi32, #tpu.memory_space<hbm>> -> memref<80x128xi32, #tpu.memory_space<hbm>>
        tpu.wait_dma2 semaphore(%run_scoped3A : memref<!tpu.dma_semaphore, #tpu.memory_space<semaphore_mem>>) src(%dma_wait3A_46 : memref<80x128xi32, #tpu.memory_space<hbm>>) dst(%arg8 : memref<80x128xi32, #tpu.memory_space<vmem>>)
        tpu.yield
      }) : () -> ()
    } else {
    }
    %eq3A_11 = arith.constant 0 : i32
    %eq3A_12 = arith.cmpi eq, %arg1, %eq3A_11 : i32
    %eq3A_13 = arith.constant 0 : i32
    %eq3A_14 = arith.cmpi eq, %arg0, %eq3A_13 : i32
    %and3A = arith.andi %eq3A_12, %eq3A_14 : i1
    %convert_element_type3A_15 = arith.extui %and3A : i1 to i32
    %cond3A_16 = arith.constant 0 : i32
    %cond3A_17 = arith.cmpi ne, %convert_element_type3A_15, %cond3A_16 : i32
    scf.if %cond3A_17 {
      "tpu.region"() ({
        %run_scoped3A = tpu.sem_alloc : memref<!tpu.dma_semaphore, #tpu.memory_space<semaphore_mem>>
        %dma_start3A = arith.constant 9984 : i32
        %dma_start3A_36 = arith.constant 0 : i32
        %dma_start3A_37 = tpu.memref_slice %arg11[%dma_start3A, %dma_start3A_36] : memref<10000x128xf32, #tpu.memory_space<vmem_shared>> -> memref<16x128xf32, #tpu.memory_space<vmem_shared>>
        %dma_start3A_38 = arith.constant 9984 : i32
        %dma_start3A_39 = arith.constant 0 : i32
        %dma_start3A_40 = tpu.memref_slice %arg2[%dma_start3A_38, %dma_start3A_39] : memref<10000x128xf32, #tpu.memory_space<hbm>> -> memref<16x128xf32, #tpu.memory_space<hbm>>
        tpu.enqueue_dma source(%dma_start3A_40 : memref<16x128xf32, #tpu.memory_space<hbm>>) target(%dma_start3A_37 : memref<16x128xf32, #tpu.memory_space<vmem_shared>>) target_semaphore(%run_scoped3A : memref<!tpu.dma_semaphore, #tpu.memory_space<semaphore_mem>>)
        %dma_wait3A = arith.constant 9984 : i32
        %dma_wait3A_41 = arith.constant 0 : i32
        %dma_wait3A_42 = tpu.memref_slice %arg11[%dma_wait3A, %dma_wait3A_41] : memref<10000x128xf32, #tpu.memory_space<vmem_shared>> -> memref<16x128xf32, #tpu.memory_space<vmem_shared>>
        %dma_wait3A_43 = arith.constant 9984 : i32
        %dma_wait3A_44 = arith.constant 0 : i32
        %dma_wait3A_45 = tpu.memref_slice %arg2[%dma_wait3A_43, %dma_wait3A_44] : memref<10000x128xf32, #tpu.memory_space<hbm>> -> memref<16x128xf32, #tpu.memory_space<hbm>>
        tpu.wait_dma2 semaphore(%run_scoped3A : memref<!tpu.dma_semaphore, #tpu.memory_space<semaphore_mem>>) src(%dma_wait3A_45 : memref<16x128xf32, #tpu.memory_space<hbm>>) dst(%dma_wait3A_42 : memref<16x128xf32, #tpu.memory_space<vmem_shared>>)
        tpu.yield
      }) : () -> ()
    } else {
    }
    %eq3A_18 = arith.constant 0 : i32
    %eq3A_19 = arith.cmpi eq, %arg1, %eq3A_18 : i32
    %eq3A_20 = arith.constant 1 : i32
    %eq3A_21 = arith.cmpi eq, %arg0, %eq3A_20 : i32
    %and3A_22 = arith.andi %eq3A_19, %eq3A_21 : i1
    %convert_element_type3A_23 = arith.extui %and3A_22 : i1 to i32
    %cond3A_24 = arith.constant 0 : i32
    %cond3A_25 = arith.cmpi ne, %convert_element_type3A_23, %cond3A_24 : i32
    scf.if %cond3A_25 {
      "tpu.region"() ({
        %run_scoped3A = tpu.sem_alloc : memref<!tpu.dma_semaphore, #tpu.memory_space<semaphore_mem>>
        %dma_start3A = arith.constant 9984 : i32
        %dma_start3A_36 = arith.constant 0 : i32
        %dma_start3A_37 = tpu.memref_slice %arg11[%dma_start3A, %dma_start3A_36] : memref<10000x128xf32, #tpu.memory_space<vmem_shared>> -> memref<16x128xf32, #tpu.memory_space<vmem_shared>>
        %dma_start3A_38 = arith.constant 9984 : i32
        %dma_start3A_39 = arith.constant 0 : i32
        %dma_start3A_40 = tpu.memref_slice %arg3[%dma_start3A_38, %dma_start3A_39] : memref<10000x128xf32, #tpu.memory_space<hbm>> -> memref<16x128xf32, #tpu.memory_space<hbm>>
        tpu.enqueue_dma source(%dma_start3A_40 : memref<16x128xf32, #tpu.memory_space<hbm>>) target(%dma_start3A_37 : memref<16x128xf32, #tpu.memory_space<vmem_shared>>) target_semaphore(%run_scoped3A : memref<!tpu.dma_semaphore, #tpu.memory_space<semaphore_mem>>)
        %dma_wait3A = arith.constant 9984 : i32
        %dma_wait3A_41 = arith.constant 0 : i32
        %dma_wait3A_42 = tpu.memref_slice %arg11[%dma_wait3A, %dma_wait3A_41] : memref<10000x128xf32, #tpu.memory_space<vmem_shared>> -> memref<16x128xf32, #tpu.memory_space<vmem_shared>>
        %dma_wait3A_43 = arith.constant 9984 : i32
        %dma_wait3A_44 = arith.constant 0 : i32
        %dma_wait3A_45 = tpu.memref_slice %arg3[%dma_wait3A_43, %dma_wait3A_44] : memref<10000x128xf32, #tpu.memory_space<hbm>> -> memref<16x128xf32, #tpu.memory_space<hbm>>
        tpu.wait_dma2 semaphore(%run_scoped3A : memref<!tpu.dma_semaphore, #tpu.memory_space<semaphore_mem>>) src(%dma_wait3A_45 : memref<16x128xf32, #tpu.memory_space<hbm>>) dst(%dma_wait3A_42 : memref<16x128xf32, #tpu.memory_space<vmem_shared>>)
        tpu.yield
      }) : () -> ()
    } else {
    }
    %barrier3A = arith.constant 0 : index
    tpu.barrier barrier_id(%barrier3A)
    %eq3A_26 = arith.constant 0 : i32
    %eq3A_27 = arith.cmpi eq, %arg0, %eq3A_26 : i32
    %convert_element_type3A_28 = arith.extui %eq3A_27 : i1 to i32
    %cond3A_29 = arith.constant 0 : i32
    %cond3A_30 = arith.cmpi ne, %convert_element_type3A_28, %cond3A_29 : i32
    scf.if %cond3A_30 {
      %scan3A = arith.constant 0 : i32
      %scan3A_36 = arith.constant 40 : i32
      %scan3A_37 = arith.addi %scan3A, %scan3A_36 : i32
      %scan3A_38 = arith.constant 1 : i32
      scf.for %scan3A_49 = %scan3A to %scan3A_37 step %scan3A_38  : i32 {
        %sub3A_50 = arith.constant 1 : i32
        %sub3A_51 = arith.subi %scan3A_49, %sub3A_50 : i32
        %mul3A_52 = arith.constant 2 : i32
        %mul3A_53 = arith.muli %sub3A_51, %mul3A_52 : i32
        %add3A = arith.constant 0 : i32
        %add3A_54 = arith.addi %mul3A_53, %add3A : i32
        %gt3A_55 = arith.constant 0 : i32
        %gt3A_56 = arith.cmpi sgt, %scan3A_49, %gt3A_55 : i32
        %lt3A = arith.cmpi slt, %add3A_54, %min3A_3 : i32
        %and3A_57 = arith.andi %gt3A_56, %lt3A : i1
        %convert_element_type3A_58 = arith.extui %and3A_57 : i1 to i32
        %cond3A_59 = arith.constant 0 : i32
        %cond3A_60 = arith.cmpi ne, %convert_element_type3A_58, %cond3A_59 : i32
        scf.if %cond3A_60 {
          %add3A_106 = arith.addi %mul3A_0, %add3A_54 : i32
          %mul3A_107 = arith.constant 128 : i32
          %mul3A_108 = arith.muli %add3A_106, %mul3A_107 : i32
          %dma_wait3A = arith.constant 0 : i32
          %dma_wait3A_109 = tpu.memref_slice %arg6[%mul3A_108, %dma_wait3A] : memref<163840x128xf32, #tpu.memory_space<hbm>> -> memref<128x128xf32, #tpu.memory_space<hbm>>
          %dma_wait3A_110 = arith.constant 0 : i32
          %dma_wait3A_111 = tpu.memref_slice %arg6[%mul3A_108, %dma_wait3A_110] : memref<163840x128xf32, #tpu.memory_space<hbm>> -> memref<128x128xf32, #tpu.memory_space<hbm>>
          tpu.wait_dma2 semaphore(%arg14 : memref<!tpu.dma_semaphore, #tpu.memory_space<semaphore_mem>>) src(%arg9 : memref<128x128xf32, #tpu.memory_space<vmem>>) dst(%dma_wait3A_111 : memref<128x128xf32, #tpu.memory_space<hbm>>)
        } else {
        }
        %sub3A_61 = arith.constant 1 : i32
        %sub3A_62 = arith.subi %scan3A_49, %sub3A_61 : i32
        %mul3A_63 = arith.constant 2 : i32
        %mul3A_64 = arith.muli %sub3A_62, %mul3A_63 : i32
        %add3A_65 = arith.constant 1 : i32
        %add3A_66 = arith.addi %mul3A_64, %add3A_65 : i32
        %gt3A_67 = arith.constant 0 : i32
        %gt3A_68 = arith.cmpi sgt, %scan3A_49, %gt3A_67 : i32
        %lt3A_69 = arith.cmpi slt, %add3A_66, %min3A_3 : i32
        %and3A_70 = arith.andi %gt3A_68, %lt3A_69 : i1
        %convert_element_type3A_71 = arith.extui %and3A_70 : i1 to i32
        %cond3A_72 = arith.constant 0 : i32
        %cond3A_73 = arith.cmpi ne, %convert_element_type3A_71, %cond3A_72 : i32
        scf.if %cond3A_73 {
          %add3A_106 = arith.addi %mul3A_0, %add3A_66 : i32
          %mul3A_107 = arith.constant 128 : i32
          %mul3A_108 = arith.muli %add3A_106, %mul3A_107 : i32
          %dma_wait3A = arith.constant 0 : i32
          %dma_wait3A_109 = tpu.memref_slice %arg6[%mul3A_108, %dma_wait3A] : memref<163840x128xf32, #tpu.memory_space<hbm>> -> memref<128x128xf32, #tpu.memory_space<hbm>>
          %dma_wait3A_110 = arith.constant 0 : i32
          %dma_wait3A_111 = tpu.memref_slice %arg6[%mul3A_108, %dma_wait3A_110] : memref<163840x128xf32, #tpu.memory_space<hbm>> -> memref<128x128xf32, #tpu.memory_space<hbm>>
          tpu.wait_dma2 semaphore(%arg15 : memref<!tpu.dma_semaphore, #tpu.memory_space<semaphore_mem>>) src(%arg10 : memref<128x128xf32, #tpu.memory_space<vmem>>) dst(%dma_wait3A_111 : memref<128x128xf32, #tpu.memory_space<hbm>>)
        } else {
        }
        %mul3A_74 = arith.constant 2 : i32
        %mul3A_75 = arith.muli %scan3A_49, %mul3A_74 : i32
        %add3A_76 = arith.constant 0 : i32
        %add3A_77 = arith.addi %mul3A_75, %add3A_76 : i32
        %lt3A_78 = arith.cmpi slt, %add3A_77, %min3A_3 : i32
        %convert_element_type3A_79 = arith.extui %lt3A_78 : i1 to i32
        %cond3A_80 = arith.constant 0 : i32
        %cond3A_81 = arith.cmpi ne, %convert_element_type3A_79, %cond3A_80 : i32
        scf.if %cond3A_81 {
          %dma_start3A = arith.constant 0 : i32
          %dma_start3A_106 = tpu.memref_slice %arg8[%add3A_77, %dma_start3A] : memref<80x128xi32, #tpu.memory_space<vmem>> -> memref<1x128xi32, #tpu.memory_space<vmem>>
          %dma_start3A_107 = tpu.memref_squeeze %dma_start3A_106 : memref<1x128xi32, #tpu.memory_space<vmem>> -> memref<128xi32, #tpu.memory_space<vmem>>
          %dma_start3A_108 = arith.constant 0 : i32
          %dma_start3A_109 = arith.constant 0 : i32
          %dma_start3A_110 = tpu.memref_slice %arg11[%dma_start3A_108, %dma_start3A_109] : memref<10000x128xf32, #tpu.memory_space<vmem_shared>> -> memref<10000x128xf32, #tpu.memory_space<vmem_shared>>
          tpu.enqueue_indirect_dma source(%dma_start3A_110 : memref<10000x128xf32, #tpu.memory_space<vmem_shared>>) target(%arg9 : memref<128x128xf32, #tpu.memory_space<vmem>>) offsets(%dma_start3A_107 : memref<128xi32, #tpu.memory_space<vmem>>) semaphore(%arg12 : memref<!tpu.dma_semaphore, #tpu.memory_space<semaphore_mem>>)
        } else {
        }
        %mul3A_82 = arith.constant 2 : i32
        %mul3A_83 = arith.muli %scan3A_49, %mul3A_82 : i32
        %add3A_84 = arith.constant 1 : i32
        %add3A_85 = arith.addi %mul3A_83, %add3A_84 : i32
        %lt3A_86 = arith.cmpi slt, %add3A_85, %min3A_3 : i32
        %convert_element_type3A_87 = arith.extui %lt3A_86 : i1 to i32
        %cond3A_88 = arith.constant 0 : i32
        %cond3A_89 = arith.cmpi ne, %convert_element_type3A_87, %cond3A_88 : i32
        scf.if %cond3A_89 {
          %dma_start3A = arith.constant 0 : i32
          %dma_start3A_106 = tpu.memref_slice %arg8[%add3A_85, %dma_start3A] : memref<80x128xi32, #tpu.memory_space<vmem>> -> memref<1x128xi32, #tpu.memory_space<vmem>>
          %dma_start3A_107 = tpu.memref_squeeze %dma_start3A_106 : memref<1x128xi32, #tpu.memory_space<vmem>> -> memref<128xi32, #tpu.memory_space<vmem>>
          %dma_start3A_108 = arith.constant 0 : i32
          %dma_start3A_109 = arith.constant 0 : i32
          %dma_start3A_110 = tpu.memref_slice %arg11[%dma_start3A_108, %dma_start3A_109] : memref<10000x128xf32, #tpu.memory_space<vmem_shared>> -> memref<10000x128xf32, #tpu.memory_space<vmem_shared>>
          tpu.enqueue_indirect_dma source(%dma_start3A_110 : memref<10000x128xf32, #tpu.memory_space<vmem_shared>>) target(%arg10 : memref<128x128xf32, #tpu.memory_space<vmem>>) offsets(%dma_start3A_107 : memref<128xi32, #tpu.memory_space<vmem>>) semaphore(%arg13 : memref<!tpu.dma_semaphore, #tpu.memory_space<semaphore_mem>>)
        } else {
        }
        %mul3A_90 = arith.constant 2 : i32
        %mul3A_91 = arith.muli %scan3A_49, %mul3A_90 : i32
        %add3A_92 = arith.constant 0 : i32
        %add3A_93 = arith.addi %mul3A_91, %add3A_92 : i32
        %lt3A_94 = arith.cmpi slt, %add3A_93, %min3A_3 : i32
        %convert_element_type3A_95 = arith.extui %lt3A_94 : i1 to i32
        %cond3A_96 = arith.constant 0 : i32
        %cond3A_97 = arith.cmpi ne, %convert_element_type3A_95, %cond3A_96 : i32
        scf.if %cond3A_97 {
          %dma_wait3A = arith.constant 0 : i32
          %dma_wait3A_106 = tpu.memref_slice %arg8[%add3A_93, %dma_wait3A] : memref<80x128xi32, #tpu.memory_space<vmem>> -> memref<1x128xi32, #tpu.memory_space<vmem>>
          %dma_wait3A_107 = tpu.memref_squeeze %dma_wait3A_106 : memref<1x128xi32, #tpu.memory_space<vmem>> -> memref<128xi32, #tpu.memory_space<vmem>>
          %dma_wait3A_108 = arith.constant 0 : i32
          %dma_wait3A_109 = arith.constant 0 : i32
          %dma_wait3A_110 = tpu.memref_slice %arg11[%dma_wait3A_108, %dma_wait3A_109] : memref<10000x128xf32, #tpu.memory_space<vmem_shared>> -> memref<10000x128xf32, #tpu.memory_space<vmem_shared>>
          tpu.wait_indirect_dma semaphore(%arg12 : memref<!tpu.dma_semaphore, #tpu.memory_space<semaphore_mem>>) src(%dma_wait3A_110 : memref<10000x128xf32, #tpu.memory_space<vmem_shared>>) dst(%arg9 : memref<128x128xf32, #tpu.memory_space<vmem>>)
          %add3A_111 = arith.addi %mul3A_0, %add3A_93 : i32
          %mul3A_112 = arith.constant 128 : i32
          %mul3A_113 = arith.muli %add3A_111, %mul3A_112 : i32
          %dma_start3A = arith.constant 0 : i32
          %dma_start3A_114 = tpu.memref_slice %arg6[%mul3A_113, %dma_start3A] : memref<163840x128xf32, #tpu.memory_space<hbm>> -> memref<128x128xf32, #tpu.memory_space<hbm>>
          %dma_start3A_115 = arith.constant 0 : i32
          %dma_start3A_116 = tpu.memref_slice %arg6[%mul3A_113, %dma_start3A_115] : memref<163840x128xf32, #tpu.memory_space<hbm>> -> memref<128x128xf32, #tpu.memory_space<hbm>>
          tpu.enqueue_dma source(%arg9 : memref<128x128xf32, #tpu.memory_space<vmem>>) target(%dma_start3A_116 : memref<128x128xf32, #tpu.memory_space<hbm>>) target_semaphore(%arg14 : memref<!tpu.dma_semaphore, #tpu.memory_space<semaphore_mem>>)
        } else {
        }
        %mul3A_98 = arith.constant 2 : i32
        %mul3A_99 = arith.muli %scan3A_49, %mul3A_98 : i32
        %add3A_100 = arith.constant 1 : i32
        %add3A_101 = arith.addi %mul3A_99, %add3A_100 : i32
        %lt3A_102 = arith.cmpi slt, %add3A_101, %min3A_3 : i32
        %convert_element_type3A_103 = arith.extui %lt3A_102 : i1 to i32
        %cond3A_104 = arith.constant 0 : i32
        %cond3A_105 = arith.cmpi ne, %convert_element_type3A_103, %cond3A_104 : i32
        scf.if %cond3A_105 {
          %dma_wait3A = arith.constant 0 : i32
          %dma_wait3A_106 = tpu.memref_slice %arg8[%add3A_101, %dma_wait3A] : memref<80x128xi32, #tpu.memory_space<vmem>> -> memref<1x128xi32, #tpu.memory_space<vmem>>
          %dma_wait3A_107 = tpu.memref_squeeze %dma_wait3A_106 : memref<1x128xi32, #tpu.memory_space<vmem>> -> memref<128xi32, #tpu.memory_space<vmem>>
          %dma_wait3A_108 = arith.constant 0 : i32
          %dma_wait3A_109 = arith.constant 0 : i32
          %dma_wait3A_110 = tpu.memref_slice %arg11[%dma_wait3A_108, %dma_wait3A_109] : memref<10000x128xf32, #tpu.memory_space<vmem_shared>> -> memref<10000x128xf32, #tpu.memory_space<vmem_shared>>
          tpu.wait_indirect_dma semaphore(%arg13 : memref<!tpu.dma_semaphore, #tpu.memory_space<semaphore_mem>>) src(%dma_wait3A_110 : memref<10000x128xf32, #tpu.memory_space<vmem_shared>>) dst(%arg10 : memref<128x128xf32, #tpu.memory_space<vmem>>)
          %add3A_111 = arith.addi %mul3A_0, %add3A_101 : i32
          %mul3A_112 = arith.constant 128 : i32
          %mul3A_113 = arith.muli %add3A_111, %mul3A_112 : i32
          %dma_start3A = arith.constant 0 : i32
          %dma_start3A_114 = tpu.memref_slice %arg6[%mul3A_113, %dma_start3A] : memref<163840x128xf32, #tpu.memory_space<hbm>> -> memref<128x128xf32, #tpu.memory_space<hbm>>
          %dma_start3A_115 = arith.constant 0 : i32
          %dma_start3A_116 = tpu.memref_slice %arg6[%mul3A_113, %dma_start3A_115] : memref<163840x128xf32, #tpu.memory_space<hbm>> -> memref<128x128xf32, #tpu.memory_space<hbm>>
          tpu.enqueue_dma source(%arg10 : memref<128x128xf32, #tpu.memory_space<vmem>>) target(%dma_start3A_116 : memref<128x128xf32, #tpu.memory_space<hbm>>) target_semaphore(%arg15 : memref<!tpu.dma_semaphore, #tpu.memory_space<semaphore_mem>>)
        } else {
        }
      }
      %scan3A_39 = arith.constant 40 : i32
      %gt3A = arith.constant 78 : i32
      %gt3A_40 = arith.cmpi sgt, %min3A_3, %gt3A : i32
      %convert_element_type3A_41 = arith.extui %gt3A_40 : i1 to i32
      %cond3A_42 = arith.constant 0 : i32
      %cond3A_43 = arith.cmpi ne, %convert_element_type3A_41, %cond3A_42 : i32
      scf.if %cond3A_43 {
        %add3A = arith.constant 78 : i32
        %add3A_49 = arith.addi %mul3A_0, %add3A : i32
        %mul3A_50 = arith.constant 128 : i32
        %mul3A_51 = arith.muli %add3A_49, %mul3A_50 : i32
        %dma_wait3A = arith.constant 0 : i32
        %dma_wait3A_52 = tpu.memref_slice %arg6[%mul3A_51, %dma_wait3A] : memref<163840x128xf32, #tpu.memory_space<hbm>> -> memref<128x128xf32, #tpu.memory_space<hbm>>
        %dma_wait3A_53 = arith.constant 0 : i32
        %dma_wait3A_54 = tpu.memref_slice %arg6[%mul3A_51, %dma_wait3A_53] : memref<163840x128xf32, #tpu.memory_space<hbm>> -> memref<128x128xf32, #tpu.memory_space<hbm>>
        tpu.wait_dma2 semaphore(%arg14 : memref<!tpu.dma_semaphore, #tpu.memory_space<semaphore_mem>>) src(%arg9 : memref<128x128xf32, #tpu.memory_space<vmem>>) dst(%dma_wait3A_54 : memref<128x128xf32, #tpu.memory_space<hbm>>)
      } else {
      }
      %gt3A_44 = arith.constant 79 : i32
      %gt3A_45 = arith.cmpi sgt, %min3A_3, %gt3A_44 : i32
      %convert_element_type3A_46 = arith.extui %gt3A_45 : i1 to i32
      %cond3A_47 = arith.constant 0 : i32
      %cond3A_48 = arith.cmpi ne, %convert_element_type3A_46, %cond3A_47 : i32
      scf.if %cond3A_48 {
        %add3A = arith.constant 79 : i32
        %add3A_49 = arith.addi %mul3A_0, %add3A : i32
        %mul3A_50 = arith.constant 128 : i32
        %mul3A_51 = arith.muli %add3A_49, %mul3A_50 : i32
        %dma_wait3A = arith.constant 0 : i32
        %dma_wait3A_52 = tpu.memref_slice %arg6[%mul3A_51, %dma_wait3A] : memref<163840x128xf32, #tpu.memory_space<hbm>> -> memref<128x128xf32, #tpu.memory_space<hbm>>
        %dma_wait3A_53 = arith.constant 0 : i32
        %dma_wait3A_54 = tpu.memref_slice %arg6[%mul3A_51, %dma_wait3A_53] : memref<163840x128xf32, #tpu.memory_space<hbm>> -> memref<128x128xf32, #tpu.memory_space<hbm>>
        tpu.wait_dma2 semaphore(%arg15 : memref<!tpu.dma_semaphore, #tpu.memory_space<semaphore_mem>>) src(%arg10 : memref<128x128xf32, #tpu.memory_space<vmem>>) dst(%dma_wait3A_54 : memref<128x128xf32, #tpu.memory_space<hbm>>)
      } else {
      }
    } else {
    }
    %eq3A_31 = arith.constant 1 : i32
    %eq3A_32 = arith.cmpi eq, %arg0, %eq3A_31 : i32
    %convert_element_type3A_33 = arith.extui %eq3A_32 : i1 to i32
    %cond3A_34 = arith.constant 0 : i32
    %cond3A_35 = arith.cmpi ne, %convert_element_type3A_33, %cond3A_34 : i32
    scf.if %cond3A_35 {
      %scan3A = arith.constant 0 : i32
      %scan3A_36 = arith.constant 40 : i32
      %scan3A_37 = arith.addi %scan3A, %scan3A_36 : i32
      %scan3A_38 = arith.constant 1 : i32
      scf.for %scan3A_49 = %scan3A to %scan3A_37 step %scan3A_38  : i32 {
        %sub3A_50 = arith.constant 1 : i32
        %sub3A_51 = arith.subi %scan3A_49, %sub3A_50 : i32
        %mul3A_52 = arith.constant 2 : i32
        %mul3A_53 = arith.muli %sub3A_51, %mul3A_52 : i32
        %add3A = arith.constant 0 : i32
        %add3A_54 = arith.addi %mul3A_53, %add3A : i32
        %gt3A_55 = arith.constant 0 : i32
        %gt3A_56 = arith.cmpi sgt, %scan3A_49, %gt3A_55 : i32
        %lt3A = arith.cmpi slt, %add3A_54, %min3A_3 : i32
        %and3A_57 = arith.andi %gt3A_56, %lt3A : i1
        %convert_element_type3A_58 = arith.extui %and3A_57 : i1 to i32
        %cond3A_59 = arith.constant 0 : i32
        %cond3A_60 = arith.cmpi ne, %convert_element_type3A_58, %cond3A_59 : i32
        scf.if %cond3A_60 {
          %add3A_106 = arith.addi %mul3A_0, %add3A_54 : i32
          %mul3A_107 = arith.constant 128 : i32
          %mul3A_108 = arith.muli %add3A_106, %mul3A_107 : i32
          %dma_wait3A = arith.constant 0 : i32
          %dma_wait3A_109 = tpu.memref_slice %arg7[%mul3A_108, %dma_wait3A] : memref<163840x128xf32, #tpu.memory_space<hbm>> -> memref<128x128xf32, #tpu.memory_space<hbm>>
          %dma_wait3A_110 = arith.constant 0 : i32
          %dma_wait3A_111 = tpu.memref_slice %arg7[%mul3A_108, %dma_wait3A_110] : memref<163840x128xf32, #tpu.memory_space<hbm>> -> memref<128x128xf32, #tpu.memory_space<hbm>>
          tpu.wait_dma2 semaphore(%arg14 : memref<!tpu.dma_semaphore, #tpu.memory_space<semaphore_mem>>) src(%arg9 : memref<128x128xf32, #tpu.memory_space<vmem>>) dst(%dma_wait3A_111 : memref<128x128xf32, #tpu.memory_space<hbm>>)
        } else {
        }
        %sub3A_61 = arith.constant 1 : i32
        %sub3A_62 = arith.subi %scan3A_49, %sub3A_61 : i32
        %mul3A_63 = arith.constant 2 : i32
        %mul3A_64 = arith.muli %sub3A_62, %mul3A_63 : i32
        %add3A_65 = arith.constant 1 : i32
        %add3A_66 = arith.addi %mul3A_64, %add3A_65 : i32
        %gt3A_67 = arith.constant 0 : i32
        %gt3A_68 = arith.cmpi sgt, %scan3A_49, %gt3A_67 : i32
        %lt3A_69 = arith.cmpi slt, %add3A_66, %min3A_3 : i32
        %and3A_70 = arith.andi %gt3A_68, %lt3A_69 : i1
        %convert_element_type3A_71 = arith.extui %and3A_70 : i1 to i32
        %cond3A_72 = arith.constant 0 : i32
        %cond3A_73 = arith.cmpi ne, %convert_element_type3A_71, %cond3A_72 : i32
        scf.if %cond3A_73 {
          %add3A_106 = arith.addi %mul3A_0, %add3A_66 : i32
          %mul3A_107 = arith.constant 128 : i32
          %mul3A_108 = arith.muli %add3A_106, %mul3A_107 : i32
          %dma_wait3A = arith.constant 0 : i32
          %dma_wait3A_109 = tpu.memref_slice %arg7[%mul3A_108, %dma_wait3A] : memref<163840x128xf32, #tpu.memory_space<hbm>> -> memref<128x128xf32, #tpu.memory_space<hbm>>
          %dma_wait3A_110 = arith.constant 0 : i32
          %dma_wait3A_111 = tpu.memref_slice %arg7[%mul3A_108, %dma_wait3A_110] : memref<163840x128xf32, #tpu.memory_space<hbm>> -> memref<128x128xf32, #tpu.memory_space<hbm>>
          tpu.wait_dma2 semaphore(%arg15 : memref<!tpu.dma_semaphore, #tpu.memory_space<semaphore_mem>>) src(%arg10 : memref<128x128xf32, #tpu.memory_space<vmem>>) dst(%dma_wait3A_111 : memref<128x128xf32, #tpu.memory_space<hbm>>)
        } else {
        }
        %mul3A_74 = arith.constant 2 : i32
        %mul3A_75 = arith.muli %scan3A_49, %mul3A_74 : i32
        %add3A_76 = arith.constant 0 : i32
        %add3A_77 = arith.addi %mul3A_75, %add3A_76 : i32
        %lt3A_78 = arith.cmpi slt, %add3A_77, %min3A_3 : i32
        %convert_element_type3A_79 = arith.extui %lt3A_78 : i1 to i32
        %cond3A_80 = arith.constant 0 : i32
        %cond3A_81 = arith.cmpi ne, %convert_element_type3A_79, %cond3A_80 : i32
        scf.if %cond3A_81 {
          %dma_start3A = arith.constant 0 : i32
          %dma_start3A_106 = tpu.memref_slice %arg8[%add3A_77, %dma_start3A] : memref<80x128xi32, #tpu.memory_space<vmem>> -> memref<1x128xi32, #tpu.memory_space<vmem>>
          %dma_start3A_107 = tpu.memref_squeeze %dma_start3A_106 : memref<1x128xi32, #tpu.memory_space<vmem>> -> memref<128xi32, #tpu.memory_space<vmem>>
          %dma_start3A_108 = arith.constant 0 : i32
          %dma_start3A_109 = arith.constant 0 : i32
          %dma_start3A_110 = tpu.memref_slice %arg11[%dma_start3A_108, %dma_start3A_109] : memref<10000x128xf32, #tpu.memory_space<vmem_shared>> -> memref<10000x128xf32, #tpu.memory_space<vmem_shared>>
          tpu.enqueue_indirect_dma source(%dma_start3A_110 : memref<10000x128xf32, #tpu.memory_space<vmem_shared>>) target(%arg9 : memref<128x128xf32, #tpu.memory_space<vmem>>) offsets(%dma_start3A_107 : memref<128xi32, #tpu.memory_space<vmem>>) semaphore(%arg12 : memref<!tpu.dma_semaphore, #tpu.memory_space<semaphore_mem>>)
        } else {
        }
        %mul3A_82 = arith.constant 2 : i32
        %mul3A_83 = arith.muli %scan3A_49, %mul3A_82 : i32
        %add3A_84 = arith.constant 1 : i32
        %add3A_85 = arith.addi %mul3A_83, %add3A_84 : i32
        %lt3A_86 = arith.cmpi slt, %add3A_85, %min3A_3 : i32
        %convert_element_type3A_87 = arith.extui %lt3A_86 : i1 to i32
        %cond3A_88 = arith.constant 0 : i32
        %cond3A_89 = arith.cmpi ne, %convert_element_type3A_87, %cond3A_88 : i32
        scf.if %cond3A_89 {
          %dma_start3A = arith.constant 0 : i32
          %dma_start3A_106 = tpu.memref_slice %arg8[%add3A_85, %dma_start3A] : memref<80x128xi32, #tpu.memory_space<vmem>> -> memref<1x128xi32, #tpu.memory_space<vmem>>
          %dma_start3A_107 = tpu.memref_squeeze %dma_start3A_106 : memref<1x128xi32, #tpu.memory_space<vmem>> -> memref<128xi32, #tpu.memory_space<vmem>>
          %dma_start3A_108 = arith.constant 0 : i32
          %dma_start3A_109 = arith.constant 0 : i32
          %dma_start3A_110 = tpu.memref_slice %arg11[%dma_start3A_108, %dma_start3A_109] : memref<10000x128xf32, #tpu.memory_space<vmem_shared>> -> memref<10000x128xf32, #tpu.memory_space<vmem_shared>>
          tpu.enqueue_indirect_dma source(%dma_start3A_110 : memref<10000x128xf32, #tpu.memory_space<vmem_shared>>) target(%arg10 : memref<128x128xf32, #tpu.memory_space<vmem>>) offsets(%dma_start3A_107 : memref<128xi32, #tpu.memory_space<vmem>>) semaphore(%arg13 : memref<!tpu.dma_semaphore, #tpu.memory_space<semaphore_mem>>)
        } else {
        }
        %mul3A_90 = arith.constant 2 : i32
        %mul3A_91 = arith.muli %scan3A_49, %mul3A_90 : i32
        %add3A_92 = arith.constant 0 : i32
        %add3A_93 = arith.addi %mul3A_91, %add3A_92 : i32
        %lt3A_94 = arith.cmpi slt, %add3A_93, %min3A_3 : i32
        %convert_element_type3A_95 = arith.extui %lt3A_94 : i1 to i32
        %cond3A_96 = arith.constant 0 : i32
        %cond3A_97 = arith.cmpi ne, %convert_element_type3A_95, %cond3A_96 : i32
        scf.if %cond3A_97 {
          %dma_wait3A = arith.constant 0 : i32
          %dma_wait3A_106 = tpu.memref_slice %arg8[%add3A_93, %dma_wait3A] : memref<80x128xi32, #tpu.memory_space<vmem>> -> memref<1x128xi32, #tpu.memory_space<vmem>>
          %dma_wait3A_107 = tpu.memref_squeeze %dma_wait3A_106 : memref<1x128xi32, #tpu.memory_space<vmem>> -> memref<128xi32, #tpu.memory_space<vmem>>
          %dma_wait3A_108 = arith.constant 0 : i32
          %dma_wait3A_109 = arith.constant 0 : i32
          %dma_wait3A_110 = tpu.memref_slice %arg11[%dma_wait3A_108, %dma_wait3A_109] : memref<10000x128xf32, #tpu.memory_space<vmem_shared>> -> memref<10000x128xf32, #tpu.memory_space<vmem_shared>>
          tpu.wait_indirect_dma semaphore(%arg12 : memref<!tpu.dma_semaphore, #tpu.memory_space<semaphore_mem>>) src(%dma_wait3A_110 : memref<10000x128xf32, #tpu.memory_space<vmem_shared>>) dst(%arg9 : memref<128x128xf32, #tpu.memory_space<vmem>>)
          %add3A_111 = arith.addi %mul3A_0, %add3A_93 : i32
          %mul3A_112 = arith.constant 128 : i32
          %mul3A_113 = arith.muli %add3A_111, %mul3A_112 : i32
          %dma_start3A = arith.constant 0 : i32
          %dma_start3A_114 = tpu.memref_slice %arg7[%mul3A_113, %dma_start3A] : memref<163840x128xf32, #tpu.memory_space<hbm>> -> memref<128x128xf32, #tpu.memory_space<hbm>>
          %dma_start3A_115 = arith.constant 0 : i32
          %dma_start3A_116 = tpu.memref_slice %arg7[%mul3A_113, %dma_start3A_115] : memref<163840x128xf32, #tpu.memory_space<hbm>> -> memref<128x128xf32, #tpu.memory_space<hbm>>
          tpu.enqueue_dma source(%arg9 : memref<128x128xf32, #tpu.memory_space<vmem>>) target(%dma_start3A_116 : memref<128x128xf32, #tpu.memory_space<hbm>>) target_semaphore(%arg14 : memref<!tpu.dma_semaphore, #tpu.memory_space<semaphore_mem>>)
        } else {
        }
        %mul3A_98 = arith.constant 2 : i32
        %mul3A_99 = arith.muli %scan3A_49, %mul3A_98 : i32
        %add3A_100 = arith.constant 1 : i32
        %add3A_101 = arith.addi %mul3A_99, %add3A_100 : i32
        %lt3A_102 = arith.cmpi slt, %add3A_101, %min3A_3 : i32
        %convert_element_type3A_103 = arith.extui %lt3A_102 : i1 to i32
        %cond3A_104 = arith.constant 0 : i32
        %cond3A_105 = arith.cmpi ne, %convert_element_type3A_103, %cond3A_104 : i32
        scf.if %cond3A_105 {
          %dma_wait3A = arith.constant 0 : i32
          %dma_wait3A_106 = tpu.memref_slice %arg8[%add3A_101, %dma_wait3A] : memref<80x128xi32, #tpu.memory_space<vmem>> -> memref<1x128xi32, #tpu.memory_space<vmem>>
          %dma_wait3A_107 = tpu.memref_squeeze %dma_wait3A_106 : memref<1x128xi32, #tpu.memory_space<vmem>> -> memref<128xi32, #tpu.memory_space<vmem>>
          %dma_wait3A_108 = arith.constant 0 : i32
          %dma_wait3A_109 = arith.constant 0 : i32
          %dma_wait3A_110 = tpu.memref_slice %arg11[%dma_wait3A_108, %dma_wait3A_109] : memref<10000x128xf32, #tpu.memory_space<vmem_shared>> -> memref<10000x128xf32, #tpu.memory_space<vmem_shared>>
          tpu.wait_indirect_dma semaphore(%arg13 : memref<!tpu.dma_semaphore, #tpu.memory_space<semaphore_mem>>) src(%dma_wait3A_110 : memref<10000x128xf32, #tpu.memory_space<vmem_shared>>) dst(%arg10 : memref<128x128xf32, #tpu.memory_space<vmem>>)
          %add3A_111 = arith.addi %mul3A_0, %add3A_101 : i32
          %mul3A_112 = arith.constant 128 : i32
          %mul3A_113 = arith.muli %add3A_111, %mul3A_112 : i32
          %dma_start3A = arith.constant 0 : i32
          %dma_start3A_114 = tpu.memref_slice %arg7[%mul3A_113, %dma_start3A] : memref<163840x128xf32, #tpu.memory_space<hbm>> -> memref<128x128xf32, #tpu.memory_space<hbm>>
          %dma_start3A_115 = arith.constant 0 : i32
          %dma_start3A_116 = tpu.memref_slice %arg7[%mul3A_113, %dma_start3A_115] : memref<163840x128xf32, #tpu.memory_space<hbm>> -> memref<128x128xf32, #tpu.memory_space<hbm>>
          tpu.enqueue_dma source(%arg10 : memref<128x128xf32, #tpu.memory_space<vmem>>) target(%dma_start3A_116 : memref<128x128xf32, #tpu.memory_space<hbm>>) target_semaphore(%arg15 : memref<!tpu.dma_semaphore, #tpu.memory_space<semaphore_mem>>)
        } else {
        }
      }
      %scan3A_39 = arith.constant 40 : i32
      %gt3A = arith.constant 78 : i32
      %gt3A_40 = arith.cmpi sgt, %min3A_3, %gt3A : i32
      %convert_element_type3A_41 = arith.extui %gt3A_40 : i1 to i32
      %cond3A_42 = arith.constant 0 : i32
      %cond3A_43 = arith.cmpi ne, %convert_element_type3A_41, %cond3A_42 : i32
      scf.if %cond3A_43 {
        %add3A = arith.constant 78 : i32
        %add3A_49 = arith.addi %mul3A_0, %add3A : i32
        %mul3A_50 = arith.constant 128 : i32
        %mul3A_51 = arith.muli %add3A_49, %mul3A_50 : i32
        %dma_wait3A = arith.constant 0 : i32
        %dma_wait3A_52 = tpu.memref_slice %arg7[%mul3A_51, %dma_wait3A] : memref<163840x128xf32, #tpu.memory_space<hbm>> -> memref<128x128xf32, #tpu.memory_space<hbm>>
        %dma_wait3A_53 = arith.constant 0 : i32
        %dma_wait3A_54 = tpu.memref_slice %arg7[%mul3A_51, %dma_wait3A_53] : memref<163840x128xf32, #tpu.memory_space<hbm>> -> memref<128x128xf32, #tpu.memory_space<hbm>>
        tpu.wait_dma2 semaphore(%arg14 : memref<!tpu.dma_semaphore, #tpu.memory_space<semaphore_mem>>) src(%arg9 : memref<128x128xf32, #tpu.memory_space<vmem>>) dst(%dma_wait3A_54 : memref<128x128xf32, #tpu.memory_space<hbm>>)
      } else {
      }
      %gt3A_44 = arith.constant 79 : i32
      %gt3A_45 = arith.cmpi sgt, %min3A_3, %gt3A_44 : i32
      %convert_element_type3A_46 = arith.extui %gt3A_45 : i1 to i32
      %cond3A_47 = arith.constant 0 : i32
      %cond3A_48 = arith.cmpi ne, %convert_element_type3A_46, %cond3A_47 : i32
      scf.if %cond3A_48 {
        %add3A = arith.constant 79 : i32
        %add3A_49 = arith.addi %mul3A_0, %add3A : i32
        %mul3A_50 = arith.constant 128 : i32
        %mul3A_51 = arith.muli %add3A_49, %mul3A_50 : i32
        %dma_wait3A = arith.constant 0 : i32
        %dma_wait3A_52 = tpu.memref_slice %arg7[%mul3A_51, %dma_wait3A] : memref<163840x128xf32, #tpu.memory_space<hbm>> -> memref<128x128xf32, #tpu.memory_space<hbm>>
        %dma_wait3A_53 = arith.constant 0 : i32
        %dma_wait3A_54 = tpu.memref_slice %arg7[%mul3A_51, %dma_wait3A_53] : memref<163840x128xf32, #tpu.memory_space<hbm>> -> memref<128x128xf32, #tpu.memory_space<hbm>>
        tpu.wait_dma2 semaphore(%arg15 : memref<!tpu.dma_semaphore, #tpu.memory_space<semaphore_mem>>) src(%arg10 : memref<128x128xf32, #tpu.memory_space<vmem>>) dst(%dma_wait3A_54 : memref<128x128xf32, #tpu.memory_space<hbm>>)
      } else {
      }
    } else {
    }
    return
  }
}

#map = affine_map<(d0, d1) -> (0, 0)>
module attributes {stable_mosaic.version = 14 : i64} {
  func.func @body(%arg0: i32, %arg1: i32, %arg2: memref<10000x128xf32, #tpu.memory_space<hbm>>, %arg3: memref<10000x128xf32, #tpu.memory_space<hbm>>, %arg4: memref<2560x128xi32, #tpu.memory_space<hbm>>, %arg5: memref<2560x128xi32, #tpu.memory_space<hbm>>, %arg6: memref<156160x128xf32, #tpu.memory_space<hbm>>, %arg7: memref<156160x128xf32, #tpu.memory_space<hbm>>, %arg8: memref<80x128xi32, #tpu.memory_space<vmem>>, %arg9: memref<128x128xf32, #tpu.memory_space<vmem>>, %arg10: memref<128x128xf32, #tpu.memory_space<vmem>>, %arg11: memref<10000x128xf32, #tpu.memory_space<vmem_shared>>, %arg12: memref<!tpu.dma_semaphore, #tpu.memory_space<semaphore_mem>>, %arg13: memref<!tpu.dma_semaphore, #tpu.memory_space<semaphore_mem>>, %arg14: memref<!tpu.dma_semaphore, #tpu.memory_space<semaphore_mem>>, %arg15: memref<!tpu.dma_semaphore, #tpu.memory_space<semaphore_mem>>) attributes {dimension_semantics = [#tpu.dimension_semantics<core_parallel>, #tpu.dimension_semantics<subcore_parallel>], iteration_bounds = array<i64: 2, 16>, scalar_prefetch = 0 : i64, scratch_operands = 8 : i64, tpu.core_type = #tpu.core_type<sc_vector_subcore>, window_params = [{transform_indices = #map}, {transform_indices = #map}, {transform_indices = #map}, {transform_indices = #map}, {transform_indices = #map}, {transform_indices = #map}]} {
    %mul3A = arith.constant 80 : i32
    %mul3A_0 = arith.muli %arg1, %mul3A : i32
    %sub3A = arith.constant 1220 : i32
    %sub3A_1 = arith.subi %sub3A, %mul3A_0 : i32
    %max3A = arith.constant 0 : i32
    %max3A_2 = arith.maxsi %sub3A_1, %max3A : i32
    %min3A = arith.constant 80 : i32
    %min3A_3 = arith.minsi %min3A, %max3A_2 : i32
    %eq3A = arith.constant 0 : i32
    %eq3A_4 = arith.cmpi eq, %arg0, %eq3A : i32
    %convert_element_type3A = arith.extui %eq3A_4 : i1 to i32
    %cond3A = arith.constant 0 : i32
    %cond3A_5 = arith.cmpi ne, %convert_element_type3A, %cond3A : i32
    scf.if %cond3A_5 {
      %mul3A_36 = arith.constant 624 : i32
      %mul3A_37 = arith.muli %arg1, %mul3A_36 : i32
      %mul3A_38 = arith.constant 624 : i32
      %mul3A_39 = arith.muli %arg1, %mul3A_38 : i32
      "tpu.region"() ({
        %run_scoped3A = tpu.sem_alloc : memref<!tpu.dma_semaphore, #tpu.memory_space<semaphore_mem>>
        %dma_start3A = arith.constant 0 : i32
        %dma_start3A_41 = tpu.memref_slice %arg11[%mul3A_39, %dma_start3A] : memref<10000x128xf32, #tpu.memory_space<vmem_shared>> -> memref<624x128xf32, #tpu.memory_space<vmem_shared>>
        %dma_start3A_42 = arith.constant 0 : i32
        %dma_start3A_43 = tpu.memref_slice %arg2[%mul3A_37, %dma_start3A_42] : memref<10000x128xf32, #tpu.memory_space<hbm>> -> memref<624x128xf32, #tpu.memory_space<hbm>>
        tpu.enqueue_dma source(%dma_start3A_43 : memref<624x128xf32, #tpu.memory_space<hbm>>) target(%dma_start3A_41 : memref<624x128xf32, #tpu.memory_space<vmem_shared>>) target_semaphore(%run_scoped3A : memref<!tpu.dma_semaphore, #tpu.memory_space<semaphore_mem>>)
        %dma_wait3A = arith.constant 0 : i32
        %dma_wait3A_44 = tpu.memref_slice %arg11[%mul3A_39, %dma_wait3A] : memref<10000x128xf32, #tpu.memory_space<vmem_shared>> -> memref<624x128xf32, #tpu.memory_space<vmem_shared>>
        %dma_wait3A_45 = arith.constant 0 : i32
        %dma_wait3A_46 = tpu.memref_slice %arg2[%mul3A_37, %dma_wait3A_45] : memref<10000x128xf32, #tpu.memory_space<hbm>> -> memref<624x128xf32, #tpu.memory_space<hbm>>
        tpu.wait_dma2 semaphore(%run_scoped3A : memref<!tpu.dma_semaphore, #tpu.memory_space<semaphore_mem>>) src(%dma_wait3A_46 : memref<624x128xf32, #tpu.memory_space<hbm>>) dst(%dma_wait3A_44 : memref<624x128xf32, #tpu.memory_space<vmem_shared>>)
        tpu.yield
      }) : () -> ()
      %add3A = arith.constant 1280 : i32
      %add3A_40 = arith.addi %add3A, %mul3A_0 : i32
      "tpu.region"() ({
        %run_scoped3A = tpu.sem_alloc : memref<!tpu.dma_semaphore, #tpu.memory_space<semaphore_mem>>
        %dma_start3A = arith.constant 0 : i32
        %dma_start3A_41 = tpu.memref_slice %arg4[%add3A_40, %dma_start3A] : memref<2560x128xi32, #tpu.memory_space<hbm>> -> memref<80x128xi32, #tpu.memory_space<hbm>>
        %dma_start3A_42 = arith.constant 0 : i32
        %dma_start3A_43 = tpu.memref_slice %arg4[%add3A_40, %dma_start3A_42] : memref<2560x128xi32, #tpu.memory_space<hbm>> -> memref<80x128xi32, #tpu.memory_space<hbm>>
        tpu.enqueue_dma source(%dma_start3A_43 : memref<80x128xi32, #tpu.memory_space<hbm>>) target(%arg8 : memref<80x128xi32, #tpu.memory_space<vmem>>) target_semaphore(%run_scoped3A : memref<!tpu.dma_semaphore, #tpu.memory_space<semaphore_mem>>)
        %dma_wait3A = arith.constant 0 : i32
        %dma_wait3A_44 = tpu.memref_slice %arg4[%add3A_40, %dma_wait3A] : memref<2560x128xi32, #tpu.memory_space<hbm>> -> memref<80x128xi32, #tpu.memory_space<hbm>>
        %dma_wait3A_45 = arith.constant 0 : i32
        %dma_wait3A_46 = tpu.memref_slice %arg4[%add3A_40, %dma_wait3A_45] : memref<2560x128xi32, #tpu.memory_space<hbm>> -> memref<80x128xi32, #tpu.memory_space<hbm>>
        tpu.wait_dma2 semaphore(%run_scoped3A : memref<!tpu.dma_semaphore, #tpu.memory_space<semaphore_mem>>) src(%dma_wait3A_46 : memref<80x128xi32, #tpu.memory_space<hbm>>) dst(%arg8 : memref<80x128xi32, #tpu.memory_space<vmem>>)
        tpu.yield
      }) : () -> ()
    } else {
    }
    %eq3A_6 = arith.constant 1 : i32
    %eq3A_7 = arith.cmpi eq, %arg0, %eq3A_6 : i32
    %convert_element_type3A_8 = arith.extui %eq3A_7 : i1 to i32
    %cond3A_9 = arith.constant 0 : i32
    %cond3A_10 = arith.cmpi ne, %convert_element_type3A_8, %cond3A_9 : i32
    scf.if %cond3A_10 {
      %mul3A_36 = arith.constant 624 : i32
      %mul3A_37 = arith.muli %arg1, %mul3A_36 : i32
      %mul3A_38 = arith.constant 624 : i32
      %mul3A_39 = arith.muli %arg1, %mul3A_38 : i32
      "tpu.region"() ({
        %run_scoped3A = tpu.sem_alloc : memref<!tpu.dma_semaphore, #tpu.memory_space<semaphore_mem>>
        %dma_start3A = arith.constant 0 : i32
        %dma_start3A_41 = tpu.memref_slice %arg11[%mul3A_39, %dma_start3A] : memref<10000x128xf32, #tpu.memory_space<vmem_shared>> -> memref<624x128xf32, #tpu.memory_space<vmem_shared>>
        %dma_start3A_42 = arith.constant 0 : i32
        %dma_start3A_43 = tpu.memref_slice %arg3[%mul3A_37, %dma_start3A_42] : memref<10000x128xf32, #tpu.memory_space<hbm>> -> memref<624x128xf32, #tpu.memory_space<hbm>>
        tpu.enqueue_dma source(%dma_start3A_43 : memref<624x128xf32, #tpu.memory_space<hbm>>) target(%dma_start3A_41 : memref<624x128xf32, #tpu.memory_space<vmem_shared>>) target_semaphore(%run_scoped3A : memref<!tpu.dma_semaphore, #tpu.memory_space<semaphore_mem>>)
        %dma_wait3A = arith.constant 0 : i32
        %dma_wait3A_44 = tpu.memref_slice %arg11[%mul3A_39, %dma_wait3A] : memref<10000x128xf32, #tpu.memory_space<vmem_shared>> -> memref<624x128xf32, #tpu.memory_space<vmem_shared>>
        %dma_wait3A_45 = arith.constant 0 : i32
        %dma_wait3A_46 = tpu.memref_slice %arg3[%mul3A_37, %dma_wait3A_45] : memref<10000x128xf32, #tpu.memory_space<hbm>> -> memref<624x128xf32, #tpu.memory_space<hbm>>
        tpu.wait_dma2 semaphore(%run_scoped3A : memref<!tpu.dma_semaphore, #tpu.memory_space<semaphore_mem>>) src(%dma_wait3A_46 : memref<624x128xf32, #tpu.memory_space<hbm>>) dst(%dma_wait3A_44 : memref<624x128xf32, #tpu.memory_space<vmem_shared>>)
        tpu.yield
      }) : () -> ()
      %add3A = arith.constant 1280 : i32
      %add3A_40 = arith.addi %add3A, %mul3A_0 : i32
      "tpu.region"() ({
        %run_scoped3A = tpu.sem_alloc : memref<!tpu.dma_semaphore, #tpu.memory_space<semaphore_mem>>
        %dma_start3A = arith.constant 0 : i32
        %dma_start3A_41 = tpu.memref_slice %arg5[%add3A_40, %dma_start3A] : memref<2560x128xi32, #tpu.memory_space<hbm>> -> memref<80x128xi32, #tpu.memory_space<hbm>>
        %dma_start3A_42 = arith.constant 0 : i32
        %dma_start3A_43 = tpu.memref_slice %arg5[%add3A_40, %dma_start3A_42] : memref<2560x128xi32, #tpu.memory_space<hbm>> -> memref<80x128xi32, #tpu.memory_space<hbm>>
        tpu.enqueue_dma source(%dma_start3A_43 : memref<80x128xi32, #tpu.memory_space<hbm>>) target(%arg8 : memref<80x128xi32, #tpu.memory_space<vmem>>) target_semaphore(%run_scoped3A : memref<!tpu.dma_semaphore, #tpu.memory_space<semaphore_mem>>)
        %dma_wait3A = arith.constant 0 : i32
        %dma_wait3A_44 = tpu.memref_slice %arg5[%add3A_40, %dma_wait3A] : memref<2560x128xi32, #tpu.memory_space<hbm>> -> memref<80x128xi32, #tpu.memory_space<hbm>>
        %dma_wait3A_45 = arith.constant 0 : i32
        %dma_wait3A_46 = tpu.memref_slice %arg5[%add3A_40, %dma_wait3A_45] : memref<2560x128xi32, #tpu.memory_space<hbm>> -> memref<80x128xi32, #tpu.memory_space<hbm>>
        tpu.wait_dma2 semaphore(%run_scoped3A : memref<!tpu.dma_semaphore, #tpu.memory_space<semaphore_mem>>) src(%dma_wait3A_46 : memref<80x128xi32, #tpu.memory_space<hbm>>) dst(%arg8 : memref<80x128xi32, #tpu.memory_space<vmem>>)
        tpu.yield
      }) : () -> ()
    } else {
    }
    %eq3A_11 = arith.constant 0 : i32
    %eq3A_12 = arith.cmpi eq, %arg1, %eq3A_11 : i32
    %eq3A_13 = arith.constant 0 : i32
    %eq3A_14 = arith.cmpi eq, %arg0, %eq3A_13 : i32
    %and3A = arith.andi %eq3A_12, %eq3A_14 : i1
    %convert_element_type3A_15 = arith.extui %and3A : i1 to i32
    %cond3A_16 = arith.constant 0 : i32
    %cond3A_17 = arith.cmpi ne, %convert_element_type3A_15, %cond3A_16 : i32
    scf.if %cond3A_17 {
      "tpu.region"() ({
        %run_scoped3A = tpu.sem_alloc : memref<!tpu.dma_semaphore, #tpu.memory_space<semaphore_mem>>
        %dma_start3A = arith.constant 9984 : i32
        %dma_start3A_36 = arith.constant 0 : i32
        %dma_start3A_37 = tpu.memref_slice %arg11[%dma_start3A, %dma_start3A_36] : memref<10000x128xf32, #tpu.memory_space<vmem_shared>> -> memref<16x128xf32, #tpu.memory_space<vmem_shared>>
        %dma_start3A_38 = arith.constant 9984 : i32
        %dma_start3A_39 = arith.constant 0 : i32
        %dma_start3A_40 = tpu.memref_slice %arg2[%dma_start3A_38, %dma_start3A_39] : memref<10000x128xf32, #tpu.memory_space<hbm>> -> memref<16x128xf32, #tpu.memory_space<hbm>>
        tpu.enqueue_dma source(%dma_start3A_40 : memref<16x128xf32, #tpu.memory_space<hbm>>) target(%dma_start3A_37 : memref<16x128xf32, #tpu.memory_space<vmem_shared>>) target_semaphore(%run_scoped3A : memref<!tpu.dma_semaphore, #tpu.memory_space<semaphore_mem>>)
        %dma_wait3A = arith.constant 9984 : i32
        %dma_wait3A_41 = arith.constant 0 : i32
        %dma_wait3A_42 = tpu.memref_slice %arg11[%dma_wait3A, %dma_wait3A_41] : memref<10000x128xf32, #tpu.memory_space<vmem_shared>> -> memref<16x128xf32, #tpu.memory_space<vmem_shared>>
        %dma_wait3A_43 = arith.constant 9984 : i32
        %dma_wait3A_44 = arith.constant 0 : i32
        %dma_wait3A_45 = tpu.memref_slice %arg2[%dma_wait3A_43, %dma_wait3A_44] : memref<10000x128xf32, #tpu.memory_space<hbm>> -> memref<16x128xf32, #tpu.memory_space<hbm>>
        tpu.wait_dma2 semaphore(%run_scoped3A : memref<!tpu.dma_semaphore, #tpu.memory_space<semaphore_mem>>) src(%dma_wait3A_45 : memref<16x128xf32, #tpu.memory_space<hbm>>) dst(%dma_wait3A_42 : memref<16x128xf32, #tpu.memory_space<vmem_shared>>)
        tpu.yield
      }) : () -> ()
    } else {
    }
    %eq3A_18 = arith.constant 0 : i32
    %eq3A_19 = arith.cmpi eq, %arg1, %eq3A_18 : i32
    %eq3A_20 = arith.constant 1 : i32
    %eq3A_21 = arith.cmpi eq, %arg0, %eq3A_20 : i32
    %and3A_22 = arith.andi %eq3A_19, %eq3A_21 : i1
    %convert_element_type3A_23 = arith.extui %and3A_22 : i1 to i32
    %cond3A_24 = arith.constant 0 : i32
    %cond3A_25 = arith.cmpi ne, %convert_element_type3A_23, %cond3A_24 : i32
    scf.if %cond3A_25 {
      "tpu.region"() ({
        %run_scoped3A = tpu.sem_alloc : memref<!tpu.dma_semaphore, #tpu.memory_space<semaphore_mem>>
        %dma_start3A = arith.constant 9984 : i32
        %dma_start3A_36 = arith.constant 0 : i32
        %dma_start3A_37 = tpu.memref_slice %arg11[%dma_start3A, %dma_start3A_36] : memref<10000x128xf32, #tpu.memory_space<vmem_shared>> -> memref<16x128xf32, #tpu.memory_space<vmem_shared>>
        %dma_start3A_38 = arith.constant 9984 : i32
        %dma_start3A_39 = arith.constant 0 : i32
        %dma_start3A_40 = tpu.memref_slice %arg3[%dma_start3A_38, %dma_start3A_39] : memref<10000x128xf32, #tpu.memory_space<hbm>> -> memref<16x128xf32, #tpu.memory_space<hbm>>
        tpu.enqueue_dma source(%dma_start3A_40 : memref<16x128xf32, #tpu.memory_space<hbm>>) target(%dma_start3A_37 : memref<16x128xf32, #tpu.memory_space<vmem_shared>>) target_semaphore(%run_scoped3A : memref<!tpu.dma_semaphore, #tpu.memory_space<semaphore_mem>>)
        %dma_wait3A = arith.constant 9984 : i32
        %dma_wait3A_41 = arith.constant 0 : i32
        %dma_wait3A_42 = tpu.memref_slice %arg11[%dma_wait3A, %dma_wait3A_41] : memref<10000x128xf32, #tpu.memory_space<vmem_shared>> -> memref<16x128xf32, #tpu.memory_space<vmem_shared>>
        %dma_wait3A_43 = arith.constant 9984 : i32
        %dma_wait3A_44 = arith.constant 0 : i32
        %dma_wait3A_45 = tpu.memref_slice %arg3[%dma_wait3A_43, %dma_wait3A_44] : memref<10000x128xf32, #tpu.memory_space<hbm>> -> memref<16x128xf32, #tpu.memory_space<hbm>>
        tpu.wait_dma2 semaphore(%run_scoped3A : memref<!tpu.dma_semaphore, #tpu.memory_space<semaphore_mem>>) src(%dma_wait3A_45 : memref<16x128xf32, #tpu.memory_space<hbm>>) dst(%dma_wait3A_42 : memref<16x128xf32, #tpu.memory_space<vmem_shared>>)
        tpu.yield
      }) : () -> ()
    } else {
    }
    %barrier3A = arith.constant 0 : index
    tpu.barrier barrier_id(%barrier3A)
    %eq3A_26 = arith.constant 0 : i32
    %eq3A_27 = arith.cmpi eq, %arg0, %eq3A_26 : i32
    %convert_element_type3A_28 = arith.extui %eq3A_27 : i1 to i32
    %cond3A_29 = arith.constant 0 : i32
    %cond3A_30 = arith.cmpi ne, %convert_element_type3A_28, %cond3A_29 : i32
    scf.if %cond3A_30 {
      %scan3A = arith.constant 0 : i32
      %scan3A_36 = arith.constant 40 : i32
      %scan3A_37 = arith.addi %scan3A, %scan3A_36 : i32
      %scan3A_38 = arith.constant 1 : i32
      scf.for %scan3A_49 = %scan3A to %scan3A_37 step %scan3A_38  : i32 {
        %sub3A_50 = arith.constant 1 : i32
        %sub3A_51 = arith.subi %scan3A_49, %sub3A_50 : i32
        %mul3A_52 = arith.constant 2 : i32
        %mul3A_53 = arith.muli %sub3A_51, %mul3A_52 : i32
        %add3A = arith.constant 0 : i32
        %add3A_54 = arith.addi %mul3A_53, %add3A : i32
        %gt3A_55 = arith.constant 0 : i32
        %gt3A_56 = arith.cmpi sgt, %scan3A_49, %gt3A_55 : i32
        %lt3A = arith.cmpi slt, %add3A_54, %min3A_3 : i32
        %and3A_57 = arith.andi %gt3A_56, %lt3A : i1
        %convert_element_type3A_58 = arith.extui %and3A_57 : i1 to i32
        %cond3A_59 = arith.constant 0 : i32
        %cond3A_60 = arith.cmpi ne, %convert_element_type3A_58, %cond3A_59 : i32
        scf.if %cond3A_60 {
          %add3A_106 = arith.addi %mul3A_0, %add3A_54 : i32
          %mul3A_107 = arith.constant 128 : i32
          %mul3A_108 = arith.muli %add3A_106, %mul3A_107 : i32
          %dma_wait3A = arith.constant 0 : i32
          %dma_wait3A_109 = tpu.memref_slice %arg6[%mul3A_108, %dma_wait3A] : memref<156160x128xf32, #tpu.memory_space<hbm>> -> memref<128x128xf32, #tpu.memory_space<hbm>>
          %dma_wait3A_110 = arith.constant 0 : i32
          %dma_wait3A_111 = tpu.memref_slice %arg6[%mul3A_108, %dma_wait3A_110] : memref<156160x128xf32, #tpu.memory_space<hbm>> -> memref<128x128xf32, #tpu.memory_space<hbm>>
          tpu.wait_dma2 semaphore(%arg14 : memref<!tpu.dma_semaphore, #tpu.memory_space<semaphore_mem>>) src(%arg9 : memref<128x128xf32, #tpu.memory_space<vmem>>) dst(%dma_wait3A_111 : memref<128x128xf32, #tpu.memory_space<hbm>>)
        } else {
        }
        %sub3A_61 = arith.constant 1 : i32
        %sub3A_62 = arith.subi %scan3A_49, %sub3A_61 : i32
        %mul3A_63 = arith.constant 2 : i32
        %mul3A_64 = arith.muli %sub3A_62, %mul3A_63 : i32
        %add3A_65 = arith.constant 1 : i32
        %add3A_66 = arith.addi %mul3A_64, %add3A_65 : i32
        %gt3A_67 = arith.constant 0 : i32
        %gt3A_68 = arith.cmpi sgt, %scan3A_49, %gt3A_67 : i32
        %lt3A_69 = arith.cmpi slt, %add3A_66, %min3A_3 : i32
        %and3A_70 = arith.andi %gt3A_68, %lt3A_69 : i1
        %convert_element_type3A_71 = arith.extui %and3A_70 : i1 to i32
        %cond3A_72 = arith.constant 0 : i32
        %cond3A_73 = arith.cmpi ne, %convert_element_type3A_71, %cond3A_72 : i32
        scf.if %cond3A_73 {
          %add3A_106 = arith.addi %mul3A_0, %add3A_66 : i32
          %mul3A_107 = arith.constant 128 : i32
          %mul3A_108 = arith.muli %add3A_106, %mul3A_107 : i32
          %dma_wait3A = arith.constant 0 : i32
          %dma_wait3A_109 = tpu.memref_slice %arg6[%mul3A_108, %dma_wait3A] : memref<156160x128xf32, #tpu.memory_space<hbm>> -> memref<128x128xf32, #tpu.memory_space<hbm>>
          %dma_wait3A_110 = arith.constant 0 : i32
          %dma_wait3A_111 = tpu.memref_slice %arg6[%mul3A_108, %dma_wait3A_110] : memref<156160x128xf32, #tpu.memory_space<hbm>> -> memref<128x128xf32, #tpu.memory_space<hbm>>
          tpu.wait_dma2 semaphore(%arg15 : memref<!tpu.dma_semaphore, #tpu.memory_space<semaphore_mem>>) src(%arg10 : memref<128x128xf32, #tpu.memory_space<vmem>>) dst(%dma_wait3A_111 : memref<128x128xf32, #tpu.memory_space<hbm>>)
        } else {
        }
        %mul3A_74 = arith.constant 2 : i32
        %mul3A_75 = arith.muli %scan3A_49, %mul3A_74 : i32
        %add3A_76 = arith.constant 0 : i32
        %add3A_77 = arith.addi %mul3A_75, %add3A_76 : i32
        %lt3A_78 = arith.cmpi slt, %add3A_77, %min3A_3 : i32
        %convert_element_type3A_79 = arith.extui %lt3A_78 : i1 to i32
        %cond3A_80 = arith.constant 0 : i32
        %cond3A_81 = arith.cmpi ne, %convert_element_type3A_79, %cond3A_80 : i32
        scf.if %cond3A_81 {
          %dma_start3A = arith.constant 0 : i32
          %dma_start3A_106 = tpu.memref_slice %arg8[%add3A_77, %dma_start3A] : memref<80x128xi32, #tpu.memory_space<vmem>> -> memref<1x128xi32, #tpu.memory_space<vmem>>
          %dma_start3A_107 = tpu.memref_squeeze %dma_start3A_106 : memref<1x128xi32, #tpu.memory_space<vmem>> -> memref<128xi32, #tpu.memory_space<vmem>>
          %dma_start3A_108 = arith.constant 0 : i32
          %dma_start3A_109 = arith.constant 0 : i32
          %dma_start3A_110 = tpu.memref_slice %arg11[%dma_start3A_108, %dma_start3A_109] : memref<10000x128xf32, #tpu.memory_space<vmem_shared>> -> memref<10000x128xf32, #tpu.memory_space<vmem_shared>>
          tpu.enqueue_indirect_dma source(%dma_start3A_110 : memref<10000x128xf32, #tpu.memory_space<vmem_shared>>) target(%arg9 : memref<128x128xf32, #tpu.memory_space<vmem>>) offsets(%dma_start3A_107 : memref<128xi32, #tpu.memory_space<vmem>>) semaphore(%arg12 : memref<!tpu.dma_semaphore, #tpu.memory_space<semaphore_mem>>)
        } else {
        }
        %mul3A_82 = arith.constant 2 : i32
        %mul3A_83 = arith.muli %scan3A_49, %mul3A_82 : i32
        %add3A_84 = arith.constant 1 : i32
        %add3A_85 = arith.addi %mul3A_83, %add3A_84 : i32
        %lt3A_86 = arith.cmpi slt, %add3A_85, %min3A_3 : i32
        %convert_element_type3A_87 = arith.extui %lt3A_86 : i1 to i32
        %cond3A_88 = arith.constant 0 : i32
        %cond3A_89 = arith.cmpi ne, %convert_element_type3A_87, %cond3A_88 : i32
        scf.if %cond3A_89 {
          %dma_start3A = arith.constant 0 : i32
          %dma_start3A_106 = tpu.memref_slice %arg8[%add3A_85, %dma_start3A] : memref<80x128xi32, #tpu.memory_space<vmem>> -> memref<1x128xi32, #tpu.memory_space<vmem>>
          %dma_start3A_107 = tpu.memref_squeeze %dma_start3A_106 : memref<1x128xi32, #tpu.memory_space<vmem>> -> memref<128xi32, #tpu.memory_space<vmem>>
          %dma_start3A_108 = arith.constant 0 : i32
          %dma_start3A_109 = arith.constant 0 : i32
          %dma_start3A_110 = tpu.memref_slice %arg11[%dma_start3A_108, %dma_start3A_109] : memref<10000x128xf32, #tpu.memory_space<vmem_shared>> -> memref<10000x128xf32, #tpu.memory_space<vmem_shared>>
          tpu.enqueue_indirect_dma source(%dma_start3A_110 : memref<10000x128xf32, #tpu.memory_space<vmem_shared>>) target(%arg10 : memref<128x128xf32, #tpu.memory_space<vmem>>) offsets(%dma_start3A_107 : memref<128xi32, #tpu.memory_space<vmem>>) semaphore(%arg13 : memref<!tpu.dma_semaphore, #tpu.memory_space<semaphore_mem>>)
        } else {
        }
        %mul3A_90 = arith.constant 2 : i32
        %mul3A_91 = arith.muli %scan3A_49, %mul3A_90 : i32
        %add3A_92 = arith.constant 0 : i32
        %add3A_93 = arith.addi %mul3A_91, %add3A_92 : i32
        %lt3A_94 = arith.cmpi slt, %add3A_93, %min3A_3 : i32
        %convert_element_type3A_95 = arith.extui %lt3A_94 : i1 to i32
        %cond3A_96 = arith.constant 0 : i32
        %cond3A_97 = arith.cmpi ne, %convert_element_type3A_95, %cond3A_96 : i32
        scf.if %cond3A_97 {
          %dma_wait3A = arith.constant 0 : i32
          %dma_wait3A_106 = tpu.memref_slice %arg8[%add3A_93, %dma_wait3A] : memref<80x128xi32, #tpu.memory_space<vmem>> -> memref<1x128xi32, #tpu.memory_space<vmem>>
          %dma_wait3A_107 = tpu.memref_squeeze %dma_wait3A_106 : memref<1x128xi32, #tpu.memory_space<vmem>> -> memref<128xi32, #tpu.memory_space<vmem>>
          %dma_wait3A_108 = arith.constant 0 : i32
          %dma_wait3A_109 = arith.constant 0 : i32
          %dma_wait3A_110 = tpu.memref_slice %arg11[%dma_wait3A_108, %dma_wait3A_109] : memref<10000x128xf32, #tpu.memory_space<vmem_shared>> -> memref<10000x128xf32, #tpu.memory_space<vmem_shared>>
          tpu.wait_indirect_dma semaphore(%arg12 : memref<!tpu.dma_semaphore, #tpu.memory_space<semaphore_mem>>) src(%dma_wait3A_110 : memref<10000x128xf32, #tpu.memory_space<vmem_shared>>) dst(%arg9 : memref<128x128xf32, #tpu.memory_space<vmem>>)
          %add3A_111 = arith.addi %mul3A_0, %add3A_93 : i32
          %mul3A_112 = arith.constant 128 : i32
          %mul3A_113 = arith.muli %add3A_111, %mul3A_112 : i32
          %dma_start3A = arith.constant 0 : i32
          %dma_start3A_114 = tpu.memref_slice %arg6[%mul3A_113, %dma_start3A] : memref<156160x128xf32, #tpu.memory_space<hbm>> -> memref<128x128xf32, #tpu.memory_space<hbm>>
          %dma_start3A_115 = arith.constant 0 : i32
          %dma_start3A_116 = tpu.memref_slice %arg6[%mul3A_113, %dma_start3A_115] : memref<156160x128xf32, #tpu.memory_space<hbm>> -> memref<128x128xf32, #tpu.memory_space<hbm>>
          tpu.enqueue_dma source(%arg9 : memref<128x128xf32, #tpu.memory_space<vmem>>) target(%dma_start3A_116 : memref<128x128xf32, #tpu.memory_space<hbm>>) target_semaphore(%arg14 : memref<!tpu.dma_semaphore, #tpu.memory_space<semaphore_mem>>)
        } else {
        }
        %mul3A_98 = arith.constant 2 : i32
        %mul3A_99 = arith.muli %scan3A_49, %mul3A_98 : i32
        %add3A_100 = arith.constant 1 : i32
        %add3A_101 = arith.addi %mul3A_99, %add3A_100 : i32
        %lt3A_102 = arith.cmpi slt, %add3A_101, %min3A_3 : i32
        %convert_element_type3A_103 = arith.extui %lt3A_102 : i1 to i32
        %cond3A_104 = arith.constant 0 : i32
        %cond3A_105 = arith.cmpi ne, %convert_element_type3A_103, %cond3A_104 : i32
        scf.if %cond3A_105 {
          %dma_wait3A = arith.constant 0 : i32
          %dma_wait3A_106 = tpu.memref_slice %arg8[%add3A_101, %dma_wait3A] : memref<80x128xi32, #tpu.memory_space<vmem>> -> memref<1x128xi32, #tpu.memory_space<vmem>>
          %dma_wait3A_107 = tpu.memref_squeeze %dma_wait3A_106 : memref<1x128xi32, #tpu.memory_space<vmem>> -> memref<128xi32, #tpu.memory_space<vmem>>
          %dma_wait3A_108 = arith.constant 0 : i32
          %dma_wait3A_109 = arith.constant 0 : i32
          %dma_wait3A_110 = tpu.memref_slice %arg11[%dma_wait3A_108, %dma_wait3A_109] : memref<10000x128xf32, #tpu.memory_space<vmem_shared>> -> memref<10000x128xf32, #tpu.memory_space<vmem_shared>>
          tpu.wait_indirect_dma semaphore(%arg13 : memref<!tpu.dma_semaphore, #tpu.memory_space<semaphore_mem>>) src(%dma_wait3A_110 : memref<10000x128xf32, #tpu.memory_space<vmem_shared>>) dst(%arg10 : memref<128x128xf32, #tpu.memory_space<vmem>>)
          %add3A_111 = arith.addi %mul3A_0, %add3A_101 : i32
          %mul3A_112 = arith.constant 128 : i32
          %mul3A_113 = arith.muli %add3A_111, %mul3A_112 : i32
          %dma_start3A = arith.constant 0 : i32
          %dma_start3A_114 = tpu.memref_slice %arg6[%mul3A_113, %dma_start3A] : memref<156160x128xf32, #tpu.memory_space<hbm>> -> memref<128x128xf32, #tpu.memory_space<hbm>>
          %dma_start3A_115 = arith.constant 0 : i32
          %dma_start3A_116 = tpu.memref_slice %arg6[%mul3A_113, %dma_start3A_115] : memref<156160x128xf32, #tpu.memory_space<hbm>> -> memref<128x128xf32, #tpu.memory_space<hbm>>
          tpu.enqueue_dma source(%arg10 : memref<128x128xf32, #tpu.memory_space<vmem>>) target(%dma_start3A_116 : memref<128x128xf32, #tpu.memory_space<hbm>>) target_semaphore(%arg15 : memref<!tpu.dma_semaphore, #tpu.memory_space<semaphore_mem>>)
        } else {
        }
      }
      %scan3A_39 = arith.constant 40 : i32
      %gt3A = arith.constant 78 : i32
      %gt3A_40 = arith.cmpi sgt, %min3A_3, %gt3A : i32
      %convert_element_type3A_41 = arith.extui %gt3A_40 : i1 to i32
      %cond3A_42 = arith.constant 0 : i32
      %cond3A_43 = arith.cmpi ne, %convert_element_type3A_41, %cond3A_42 : i32
      scf.if %cond3A_43 {
        %add3A = arith.constant 78 : i32
        %add3A_49 = arith.addi %mul3A_0, %add3A : i32
        %mul3A_50 = arith.constant 128 : i32
        %mul3A_51 = arith.muli %add3A_49, %mul3A_50 : i32
        %dma_wait3A = arith.constant 0 : i32
        %dma_wait3A_52 = tpu.memref_slice %arg6[%mul3A_51, %dma_wait3A] : memref<156160x128xf32, #tpu.memory_space<hbm>> -> memref<128x128xf32, #tpu.memory_space<hbm>>
        %dma_wait3A_53 = arith.constant 0 : i32
        %dma_wait3A_54 = tpu.memref_slice %arg6[%mul3A_51, %dma_wait3A_53] : memref<156160x128xf32, #tpu.memory_space<hbm>> -> memref<128x128xf32, #tpu.memory_space<hbm>>
        tpu.wait_dma2 semaphore(%arg14 : memref<!tpu.dma_semaphore, #tpu.memory_space<semaphore_mem>>) src(%arg9 : memref<128x128xf32, #tpu.memory_space<vmem>>) dst(%dma_wait3A_54 : memref<128x128xf32, #tpu.memory_space<hbm>>)
      } else {
      }
      %gt3A_44 = arith.constant 79 : i32
      %gt3A_45 = arith.cmpi sgt, %min3A_3, %gt3A_44 : i32
      %convert_element_type3A_46 = arith.extui %gt3A_45 : i1 to i32
      %cond3A_47 = arith.constant 0 : i32
      %cond3A_48 = arith.cmpi ne, %convert_element_type3A_46, %cond3A_47 : i32
      scf.if %cond3A_48 {
        %add3A = arith.constant 79 : i32
        %add3A_49 = arith.addi %mul3A_0, %add3A : i32
        %mul3A_50 = arith.constant 128 : i32
        %mul3A_51 = arith.muli %add3A_49, %mul3A_50 : i32
        %dma_wait3A = arith.constant 0 : i32
        %dma_wait3A_52 = tpu.memref_slice %arg6[%mul3A_51, %dma_wait3A] : memref<156160x128xf32, #tpu.memory_space<hbm>> -> memref<128x128xf32, #tpu.memory_space<hbm>>
        %dma_wait3A_53 = arith.constant 0 : i32
        %dma_wait3A_54 = tpu.memref_slice %arg6[%mul3A_51, %dma_wait3A_53] : memref<156160x128xf32, #tpu.memory_space<hbm>> -> memref<128x128xf32, #tpu.memory_space<hbm>>
        tpu.wait_dma2 semaphore(%arg15 : memref<!tpu.dma_semaphore, #tpu.memory_space<semaphore_mem>>) src(%arg10 : memref<128x128xf32, #tpu.memory_space<vmem>>) dst(%dma_wait3A_54 : memref<128x128xf32, #tpu.memory_space<hbm>>)
      } else {
      }
    } else {
    }
    %eq3A_31 = arith.constant 1 : i32
    %eq3A_32 = arith.cmpi eq, %arg0, %eq3A_31 : i32
    %convert_element_type3A_33 = arith.extui %eq3A_32 : i1 to i32
    %cond3A_34 = arith.constant 0 : i32
    %cond3A_35 = arith.cmpi ne, %convert_element_type3A_33, %cond3A_34 : i32
    scf.if %cond3A_35 {
      %scan3A = arith.constant 0 : i32
      %scan3A_36 = arith.constant 40 : i32
      %scan3A_37 = arith.addi %scan3A, %scan3A_36 : i32
      %scan3A_38 = arith.constant 1 : i32
      scf.for %scan3A_49 = %scan3A to %scan3A_37 step %scan3A_38  : i32 {
        %sub3A_50 = arith.constant 1 : i32
        %sub3A_51 = arith.subi %scan3A_49, %sub3A_50 : i32
        %mul3A_52 = arith.constant 2 : i32
        %mul3A_53 = arith.muli %sub3A_51, %mul3A_52 : i32
        %add3A = arith.constant 0 : i32
        %add3A_54 = arith.addi %mul3A_53, %add3A : i32
        %gt3A_55 = arith.constant 0 : i32
        %gt3A_56 = arith.cmpi sgt, %scan3A_49, %gt3A_55 : i32
        %lt3A = arith.cmpi slt, %add3A_54, %min3A_3 : i32
        %and3A_57 = arith.andi %gt3A_56, %lt3A : i1
        %convert_element_type3A_58 = arith.extui %and3A_57 : i1 to i32
        %cond3A_59 = arith.constant 0 : i32
        %cond3A_60 = arith.cmpi ne, %convert_element_type3A_58, %cond3A_59 : i32
        scf.if %cond3A_60 {
          %add3A_106 = arith.addi %mul3A_0, %add3A_54 : i32
          %mul3A_107 = arith.constant 128 : i32
          %mul3A_108 = arith.muli %add3A_106, %mul3A_107 : i32
          %dma_wait3A = arith.constant 0 : i32
          %dma_wait3A_109 = tpu.memref_slice %arg7[%mul3A_108, %dma_wait3A] : memref<156160x128xf32, #tpu.memory_space<hbm>> -> memref<128x128xf32, #tpu.memory_space<hbm>>
          %dma_wait3A_110 = arith.constant 0 : i32
          %dma_wait3A_111 = tpu.memref_slice %arg7[%mul3A_108, %dma_wait3A_110] : memref<156160x128xf32, #tpu.memory_space<hbm>> -> memref<128x128xf32, #tpu.memory_space<hbm>>
          tpu.wait_dma2 semaphore(%arg14 : memref<!tpu.dma_semaphore, #tpu.memory_space<semaphore_mem>>) src(%arg9 : memref<128x128xf32, #tpu.memory_space<vmem>>) dst(%dma_wait3A_111 : memref<128x128xf32, #tpu.memory_space<hbm>>)
        } else {
        }
        %sub3A_61 = arith.constant 1 : i32
        %sub3A_62 = arith.subi %scan3A_49, %sub3A_61 : i32
        %mul3A_63 = arith.constant 2 : i32
        %mul3A_64 = arith.muli %sub3A_62, %mul3A_63 : i32
        %add3A_65 = arith.constant 1 : i32
        %add3A_66 = arith.addi %mul3A_64, %add3A_65 : i32
        %gt3A_67 = arith.constant 0 : i32
        %gt3A_68 = arith.cmpi sgt, %scan3A_49, %gt3A_67 : i32
        %lt3A_69 = arith.cmpi slt, %add3A_66, %min3A_3 : i32
        %and3A_70 = arith.andi %gt3A_68, %lt3A_69 : i1
        %convert_element_type3A_71 = arith.extui %and3A_70 : i1 to i32
        %cond3A_72 = arith.constant 0 : i32
        %cond3A_73 = arith.cmpi ne, %convert_element_type3A_71, %cond3A_72 : i32
        scf.if %cond3A_73 {
          %add3A_106 = arith.addi %mul3A_0, %add3A_66 : i32
          %mul3A_107 = arith.constant 128 : i32
          %mul3A_108 = arith.muli %add3A_106, %mul3A_107 : i32
          %dma_wait3A = arith.constant 0 : i32
          %dma_wait3A_109 = tpu.memref_slice %arg7[%mul3A_108, %dma_wait3A] : memref<156160x128xf32, #tpu.memory_space<hbm>> -> memref<128x128xf32, #tpu.memory_space<hbm>>
          %dma_wait3A_110 = arith.constant 0 : i32
          %dma_wait3A_111 = tpu.memref_slice %arg7[%mul3A_108, %dma_wait3A_110] : memref<156160x128xf32, #tpu.memory_space<hbm>> -> memref<128x128xf32, #tpu.memory_space<hbm>>
          tpu.wait_dma2 semaphore(%arg15 : memref<!tpu.dma_semaphore, #tpu.memory_space<semaphore_mem>>) src(%arg10 : memref<128x128xf32, #tpu.memory_space<vmem>>) dst(%dma_wait3A_111 : memref<128x128xf32, #tpu.memory_space<hbm>>)
        } else {
        }
        %mul3A_74 = arith.constant 2 : i32
        %mul3A_75 = arith.muli %scan3A_49, %mul3A_74 : i32
        %add3A_76 = arith.constant 0 : i32
        %add3A_77 = arith.addi %mul3A_75, %add3A_76 : i32
        %lt3A_78 = arith.cmpi slt, %add3A_77, %min3A_3 : i32
        %convert_element_type3A_79 = arith.extui %lt3A_78 : i1 to i32
        %cond3A_80 = arith.constant 0 : i32
        %cond3A_81 = arith.cmpi ne, %convert_element_type3A_79, %cond3A_80 : i32
        scf.if %cond3A_81 {
          %dma_start3A = arith.constant 0 : i32
          %dma_start3A_106 = tpu.memref_slice %arg8[%add3A_77, %dma_start3A] : memref<80x128xi32, #tpu.memory_space<vmem>> -> memref<1x128xi32, #tpu.memory_space<vmem>>
          %dma_start3A_107 = tpu.memref_squeeze %dma_start3A_106 : memref<1x128xi32, #tpu.memory_space<vmem>> -> memref<128xi32, #tpu.memory_space<vmem>>
          %dma_start3A_108 = arith.constant 0 : i32
          %dma_start3A_109 = arith.constant 0 : i32
          %dma_start3A_110 = tpu.memref_slice %arg11[%dma_start3A_108, %dma_start3A_109] : memref<10000x128xf32, #tpu.memory_space<vmem_shared>> -> memref<10000x128xf32, #tpu.memory_space<vmem_shared>>
          tpu.enqueue_indirect_dma source(%dma_start3A_110 : memref<10000x128xf32, #tpu.memory_space<vmem_shared>>) target(%arg9 : memref<128x128xf32, #tpu.memory_space<vmem>>) offsets(%dma_start3A_107 : memref<128xi32, #tpu.memory_space<vmem>>) semaphore(%arg12 : memref<!tpu.dma_semaphore, #tpu.memory_space<semaphore_mem>>)
        } else {
        }
        %mul3A_82 = arith.constant 2 : i32
        %mul3A_83 = arith.muli %scan3A_49, %mul3A_82 : i32
        %add3A_84 = arith.constant 1 : i32
        %add3A_85 = arith.addi %mul3A_83, %add3A_84 : i32
        %lt3A_86 = arith.cmpi slt, %add3A_85, %min3A_3 : i32
        %convert_element_type3A_87 = arith.extui %lt3A_86 : i1 to i32
        %cond3A_88 = arith.constant 0 : i32
        %cond3A_89 = arith.cmpi ne, %convert_element_type3A_87, %cond3A_88 : i32
        scf.if %cond3A_89 {
          %dma_start3A = arith.constant 0 : i32
          %dma_start3A_106 = tpu.memref_slice %arg8[%add3A_85, %dma_start3A] : memref<80x128xi32, #tpu.memory_space<vmem>> -> memref<1x128xi32, #tpu.memory_space<vmem>>
          %dma_start3A_107 = tpu.memref_squeeze %dma_start3A_106 : memref<1x128xi32, #tpu.memory_space<vmem>> -> memref<128xi32, #tpu.memory_space<vmem>>
          %dma_start3A_108 = arith.constant 0 : i32
          %dma_start3A_109 = arith.constant 0 : i32
          %dma_start3A_110 = tpu.memref_slice %arg11[%dma_start3A_108, %dma_start3A_109] : memref<10000x128xf32, #tpu.memory_space<vmem_shared>> -> memref<10000x128xf32, #tpu.memory_space<vmem_shared>>
          tpu.enqueue_indirect_dma source(%dma_start3A_110 : memref<10000x128xf32, #tpu.memory_space<vmem_shared>>) target(%arg10 : memref<128x128xf32, #tpu.memory_space<vmem>>) offsets(%dma_start3A_107 : memref<128xi32, #tpu.memory_space<vmem>>) semaphore(%arg13 : memref<!tpu.dma_semaphore, #tpu.memory_space<semaphore_mem>>)
        } else {
        }
        %mul3A_90 = arith.constant 2 : i32
        %mul3A_91 = arith.muli %scan3A_49, %mul3A_90 : i32
        %add3A_92 = arith.constant 0 : i32
        %add3A_93 = arith.addi %mul3A_91, %add3A_92 : i32
        %lt3A_94 = arith.cmpi slt, %add3A_93, %min3A_3 : i32
        %convert_element_type3A_95 = arith.extui %lt3A_94 : i1 to i32
        %cond3A_96 = arith.constant 0 : i32
        %cond3A_97 = arith.cmpi ne, %convert_element_type3A_95, %cond3A_96 : i32
        scf.if %cond3A_97 {
          %dma_wait3A = arith.constant 0 : i32
          %dma_wait3A_106 = tpu.memref_slice %arg8[%add3A_93, %dma_wait3A] : memref<80x128xi32, #tpu.memory_space<vmem>> -> memref<1x128xi32, #tpu.memory_space<vmem>>
          %dma_wait3A_107 = tpu.memref_squeeze %dma_wait3A_106 : memref<1x128xi32, #tpu.memory_space<vmem>> -> memref<128xi32, #tpu.memory_space<vmem>>
          %dma_wait3A_108 = arith.constant 0 : i32
          %dma_wait3A_109 = arith.constant 0 : i32
          %dma_wait3A_110 = tpu.memref_slice %arg11[%dma_wait3A_108, %dma_wait3A_109] : memref<10000x128xf32, #tpu.memory_space<vmem_shared>> -> memref<10000x128xf32, #tpu.memory_space<vmem_shared>>
          tpu.wait_indirect_dma semaphore(%arg12 : memref<!tpu.dma_semaphore, #tpu.memory_space<semaphore_mem>>) src(%dma_wait3A_110 : memref<10000x128xf32, #tpu.memory_space<vmem_shared>>) dst(%arg9 : memref<128x128xf32, #tpu.memory_space<vmem>>)
          %add3A_111 = arith.addi %mul3A_0, %add3A_93 : i32
          %mul3A_112 = arith.constant 128 : i32
          %mul3A_113 = arith.muli %add3A_111, %mul3A_112 : i32
          %dma_start3A = arith.constant 0 : i32
          %dma_start3A_114 = tpu.memref_slice %arg7[%mul3A_113, %dma_start3A] : memref<156160x128xf32, #tpu.memory_space<hbm>> -> memref<128x128xf32, #tpu.memory_space<hbm>>
          %dma_start3A_115 = arith.constant 0 : i32
          %dma_start3A_116 = tpu.memref_slice %arg7[%mul3A_113, %dma_start3A_115] : memref<156160x128xf32, #tpu.memory_space<hbm>> -> memref<128x128xf32, #tpu.memory_space<hbm>>
          tpu.enqueue_dma source(%arg9 : memref<128x128xf32, #tpu.memory_space<vmem>>) target(%dma_start3A_116 : memref<128x128xf32, #tpu.memory_space<hbm>>) target_semaphore(%arg14 : memref<!tpu.dma_semaphore, #tpu.memory_space<semaphore_mem>>)
        } else {
        }
        %mul3A_98 = arith.constant 2 : i32
        %mul3A_99 = arith.muli %scan3A_49, %mul3A_98 : i32
        %add3A_100 = arith.constant 1 : i32
        %add3A_101 = arith.addi %mul3A_99, %add3A_100 : i32
        %lt3A_102 = arith.cmpi slt, %add3A_101, %min3A_3 : i32
        %convert_element_type3A_103 = arith.extui %lt3A_102 : i1 to i32
        %cond3A_104 = arith.constant 0 : i32
        %cond3A_105 = arith.cmpi ne, %convert_element_type3A_103, %cond3A_104 : i32
        scf.if %cond3A_105 {
          %dma_wait3A = arith.constant 0 : i32
          %dma_wait3A_106 = tpu.memref_slice %arg8[%add3A_101, %dma_wait3A] : memref<80x128xi32, #tpu.memory_space<vmem>> -> memref<1x128xi32, #tpu.memory_space<vmem>>
          %dma_wait3A_107 = tpu.memref_squeeze %dma_wait3A_106 : memref<1x128xi32, #tpu.memory_space<vmem>> -> memref<128xi32, #tpu.memory_space<vmem>>
          %dma_wait3A_108 = arith.constant 0 : i32
          %dma_wait3A_109 = arith.constant 0 : i32
          %dma_wait3A_110 = tpu.memref_slice %arg11[%dma_wait3A_108, %dma_wait3A_109] : memref<10000x128xf32, #tpu.memory_space<vmem_shared>> -> memref<10000x128xf32, #tpu.memory_space<vmem_shared>>
          tpu.wait_indirect_dma semaphore(%arg13 : memref<!tpu.dma_semaphore, #tpu.memory_space<semaphore_mem>>) src(%dma_wait3A_110 : memref<10000x128xf32, #tpu.memory_space<vmem_shared>>) dst(%arg10 : memref<128x128xf32, #tpu.memory_space<vmem>>)
          %add3A_111 = arith.addi %mul3A_0, %add3A_101 : i32
          %mul3A_112 = arith.constant 128 : i32
          %mul3A_113 = arith.muli %add3A_111, %mul3A_112 : i32
          %dma_start3A = arith.constant 0 : i32
          %dma_start3A_114 = tpu.memref_slice %arg7[%mul3A_113, %dma_start3A] : memref<156160x128xf32, #tpu.memory_space<hbm>> -> memref<128x128xf32, #tpu.memory_space<hbm>>
          %dma_start3A_115 = arith.constant 0 : i32
          %dma_start3A_116 = tpu.memref_slice %arg7[%mul3A_113, %dma_start3A_115] : memref<156160x128xf32, #tpu.memory_space<hbm>> -> memref<128x128xf32, #tpu.memory_space<hbm>>
          tpu.enqueue_dma source(%arg10 : memref<128x128xf32, #tpu.memory_space<vmem>>) target(%dma_start3A_116 : memref<128x128xf32, #tpu.memory_space<hbm>>) target_semaphore(%arg15 : memref<!tpu.dma_semaphore, #tpu.memory_space<semaphore_mem>>)
        } else {
        }
      }
      %scan3A_39 = arith.constant 40 : i32
      %gt3A = arith.constant 78 : i32
      %gt3A_40 = arith.cmpi sgt, %min3A_3, %gt3A : i32
      %convert_element_type3A_41 = arith.extui %gt3A_40 : i1 to i32
      %cond3A_42 = arith.constant 0 : i32
      %cond3A_43 = arith.cmpi ne, %convert_element_type3A_41, %cond3A_42 : i32
      scf.if %cond3A_43 {
        %add3A = arith.constant 78 : i32
        %add3A_49 = arith.addi %mul3A_0, %add3A : i32
        %mul3A_50 = arith.constant 128 : i32
        %mul3A_51 = arith.muli %add3A_49, %mul3A_50 : i32
        %dma_wait3A = arith.constant 0 : i32
        %dma_wait3A_52 = tpu.memref_slice %arg7[%mul3A_51, %dma_wait3A] : memref<156160x128xf32, #tpu.memory_space<hbm>> -> memref<128x128xf32, #tpu.memory_space<hbm>>
        %dma_wait3A_53 = arith.constant 0 : i32
        %dma_wait3A_54 = tpu.memref_slice %arg7[%mul3A_51, %dma_wait3A_53] : memref<156160x128xf32, #tpu.memory_space<hbm>> -> memref<128x128xf32, #tpu.memory_space<hbm>>
        tpu.wait_dma2 semaphore(%arg14 : memref<!tpu.dma_semaphore, #tpu.memory_space<semaphore_mem>>) src(%arg9 : memref<128x128xf32, #tpu.memory_space<vmem>>) dst(%dma_wait3A_54 : memref<128x128xf32, #tpu.memory_space<hbm>>)
      } else {
      }
      %gt3A_44 = arith.constant 79 : i32
      %gt3A_45 = arith.cmpi sgt, %min3A_3, %gt3A_44 : i32
      %convert_element_type3A_46 = arith.extui %gt3A_45 : i1 to i32
      %cond3A_47 = arith.constant 0 : i32
      %cond3A_48 = arith.cmpi ne, %convert_element_type3A_46, %cond3A_47 : i32
      scf.if %cond3A_48 {
        %add3A = arith.constant 79 : i32
        %add3A_49 = arith.addi %mul3A_0, %add3A : i32
        %mul3A_50 = arith.constant 128 : i32
        %mul3A_51 = arith.muli %add3A_49, %mul3A_50 : i32
        %dma_wait3A = arith.constant 0 : i32
        %dma_wait3A_52 = tpu.memref_slice %arg7[%mul3A_51, %dma_wait3A] : memref<156160x128xf32, #tpu.memory_space<hbm>> -> memref<128x128xf32, #tpu.memory_space<hbm>>
        %dma_wait3A_53 = arith.constant 0 : i32
        %dma_wait3A_54 = tpu.memref_slice %arg7[%mul3A_51, %dma_wait3A_53] : memref<156160x128xf32, #tpu.memory_space<hbm>> -> memref<128x128xf32, #tpu.memory_space<hbm>>
        tpu.wait_dma2 semaphore(%arg15 : memref<!tpu.dma_semaphore, #tpu.memory_space<semaphore_mem>>) src(%arg10 : memref<128x128xf32, #tpu.memory_space<vmem>>) dst(%dma_wait3A_54 : memref<128x128xf32, #tpu.memory_space<hbm>>)
      } else {
      }
    } else {
    }
    return
  }
}

#map = affine_map<(d0, d1) -> (0, 0)>
module attributes {stable_mosaic.version = 14 : i64} {
  func.func @body(%arg0: i32, %arg1: i32, %arg2: memref<163840x128xf32, #tpu.memory_space<hbm>>, %arg3: memref<2560x128xi32, #tpu.memory_space<hbm>>, %arg4: memref<10000x128xf32, #tpu.memory_space<hbm>>, %arg5: memref<20000x128xf32, #tpu.memory_space<hbm>>, %arg6: memref<40x128xi32, #tpu.memory_space<vmem>>, %arg7: memref<128x128xf32, #tpu.memory_space<vmem>>, %arg8: memref<128x128xf32, #tpu.memory_space<vmem>>, %arg9: memref<10000x128xf32, #tpu.memory_space<vmem_shared>>, %arg10: memref<!tpu.dma_semaphore, #tpu.memory_space<semaphore_mem>>, %arg11: memref<!tpu.dma_semaphore, #tpu.memory_space<semaphore_mem>>, %arg12: memref<!tpu.dma_semaphore, #tpu.memory_space<semaphore_mem>>, %arg13: memref<!tpu.dma_semaphore, #tpu.memory_space<semaphore_mem>>) attributes {dimension_semantics = [#tpu.dimension_semantics<core_parallel>, #tpu.dimension_semantics<subcore_parallel>], iteration_bounds = array<i64: 2, 16>, scalar_prefetch = 0 : i64, scratch_operands = 8 : i64, tpu.core_type = #tpu.core_type<sc_vector_subcore>, window_params = [{transform_indices = #map}, {transform_indices = #map}, {transform_indices = #map}, {transform_indices = #map}]} {
    %mul3A = arith.constant 2 : i32
    %mul3A_0 = arith.muli %arg1, %mul3A : i32
    %add3A = arith.addi %mul3A_0, %arg0 : i32
    %mul3A_1 = arith.constant 40 : i32
    %mul3A_2 = arith.muli %add3A, %mul3A_1 : i32
    %sub3A = arith.constant 1280 : i32
    %sub3A_3 = arith.subi %sub3A, %mul3A_2 : i32
    %max3A = arith.constant 0 : i32
    %max3A_4 = arith.maxsi %sub3A_3, %max3A : i32
    %min3A = arith.constant 40 : i32
    %min3A_5 = arith.minsi %min3A, %max3A_4 : i32
    %mul3A_6 = arith.constant 624 : i32
    %mul3A_7 = arith.muli %arg1, %mul3A_6 : i32
    %mul3A_8 = arith.constant 624 : i32
    %mul3A_9 = arith.muli %arg1, %mul3A_8 : i32
    "tpu.region"() ({
      %run_scoped3A = tpu.sem_alloc : memref<!tpu.dma_semaphore, #tpu.memory_space<semaphore_mem>>
      %dma_start3A = arith.constant 0 : i32
      %dma_start3A_40 = tpu.memref_slice %arg9[%mul3A_9, %dma_start3A] : memref<10000x128xf32, #tpu.memory_space<vmem_shared>> -> memref<624x128xf32, #tpu.memory_space<vmem_shared>>
      %dma_start3A_41 = arith.constant 0 : i32
      %dma_start3A_42 = tpu.memref_slice %arg4[%mul3A_7, %dma_start3A_41] : memref<10000x128xf32, #tpu.memory_space<hbm>> -> memref<624x128xf32, #tpu.memory_space<hbm>>
      tpu.enqueue_dma source(%dma_start3A_42 : memref<624x128xf32, #tpu.memory_space<hbm>>) target(%dma_start3A_40 : memref<624x128xf32, #tpu.memory_space<vmem_shared>>) target_semaphore(%run_scoped3A : memref<!tpu.dma_semaphore, #tpu.memory_space<semaphore_mem>>)
      %dma_wait3A = arith.constant 0 : i32
      %dma_wait3A_43 = tpu.memref_slice %arg9[%mul3A_9, %dma_wait3A] : memref<10000x128xf32, #tpu.memory_space<vmem_shared>> -> memref<624x128xf32, #tpu.memory_space<vmem_shared>>
      %dma_wait3A_44 = arith.constant 0 : i32
      %dma_wait3A_45 = tpu.memref_slice %arg4[%mul3A_7, %dma_wait3A_44] : memref<10000x128xf32, #tpu.memory_space<hbm>> -> memref<624x128xf32, #tpu.memory_space<hbm>>
      tpu.wait_dma2 semaphore(%run_scoped3A : memref<!tpu.dma_semaphore, #tpu.memory_space<semaphore_mem>>) src(%dma_wait3A_45 : memref<624x128xf32, #tpu.memory_space<hbm>>) dst(%dma_wait3A_43 : memref<624x128xf32, #tpu.memory_space<vmem_shared>>)
      tpu.yield
    }) : () -> ()
    %eq3A = arith.constant 0 : i32
    %eq3A_10 = arith.cmpi eq, %arg1, %eq3A : i32
    %convert_element_type3A = arith.extui %eq3A_10 : i1 to i32
    %cond3A = arith.constant 0 : i32
    %cond3A_11 = arith.cmpi ne, %convert_element_type3A, %cond3A : i32
    scf.if %cond3A_11 {
      "tpu.region"() ({
        %run_scoped3A = tpu.sem_alloc : memref<!tpu.dma_semaphore, #tpu.memory_space<semaphore_mem>>
        %dma_start3A = arith.constant 9984 : i32
        %dma_start3A_40 = arith.constant 0 : i32
        %dma_start3A_41 = tpu.memref_slice %arg9[%dma_start3A, %dma_start3A_40] : memref<10000x128xf32, #tpu.memory_space<vmem_shared>> -> memref<16x128xf32, #tpu.memory_space<vmem_shared>>
        %dma_start3A_42 = arith.constant 9984 : i32
        %dma_start3A_43 = arith.constant 0 : i32
        %dma_start3A_44 = tpu.memref_slice %arg4[%dma_start3A_42, %dma_start3A_43] : memref<10000x128xf32, #tpu.memory_space<hbm>> -> memref<16x128xf32, #tpu.memory_space<hbm>>
        tpu.enqueue_dma source(%dma_start3A_44 : memref<16x128xf32, #tpu.memory_space<hbm>>) target(%dma_start3A_41 : memref<16x128xf32, #tpu.memory_space<vmem_shared>>) target_semaphore(%run_scoped3A : memref<!tpu.dma_semaphore, #tpu.memory_space<semaphore_mem>>)
        %dma_wait3A = arith.constant 9984 : i32
        %dma_wait3A_45 = arith.constant 0 : i32
        %dma_wait3A_46 = tpu.memref_slice %arg9[%dma_wait3A, %dma_wait3A_45] : memref<10000x128xf32, #tpu.memory_space<vmem_shared>> -> memref<16x128xf32, #tpu.memory_space<vmem_shared>>
        %dma_wait3A_47 = arith.constant 9984 : i32
        %dma_wait3A_48 = arith.constant 0 : i32
        %dma_wait3A_49 = tpu.memref_slice %arg4[%dma_wait3A_47, %dma_wait3A_48] : memref<10000x128xf32, #tpu.memory_space<hbm>> -> memref<16x128xf32, #tpu.memory_space<hbm>>
        tpu.wait_dma2 semaphore(%run_scoped3A : memref<!tpu.dma_semaphore, #tpu.memory_space<semaphore_mem>>) src(%dma_wait3A_49 : memref<16x128xf32, #tpu.memory_space<hbm>>) dst(%dma_wait3A_46 : memref<16x128xf32, #tpu.memory_space<vmem_shared>>)
        tpu.yield
      }) : () -> ()
    } else {
    }
    %add3A_12 = arith.constant 0 : i32
    %add3A_13 = arith.addi %add3A_12, %mul3A_2 : i32
    "tpu.region"() ({
      %run_scoped3A = tpu.sem_alloc : memref<!tpu.dma_semaphore, #tpu.memory_space<semaphore_mem>>
      %dma_start3A = arith.constant 0 : i32
      %dma_start3A_40 = tpu.memref_slice %arg3[%add3A_13, %dma_start3A] : memref<2560x128xi32, #tpu.memory_space<hbm>> -> memref<40x128xi32, #tpu.memory_space<hbm>>
      %dma_start3A_41 = arith.constant 0 : i32
      %dma_start3A_42 = tpu.memref_slice %arg3[%add3A_13, %dma_start3A_41] : memref<2560x128xi32, #tpu.memory_space<hbm>> -> memref<40x128xi32, #tpu.memory_space<hbm>>
      tpu.enqueue_dma source(%dma_start3A_42 : memref<40x128xi32, #tpu.memory_space<hbm>>) target(%arg6 : memref<40x128xi32, #tpu.memory_space<vmem>>) target_semaphore(%run_scoped3A : memref<!tpu.dma_semaphore, #tpu.memory_space<semaphore_mem>>)
      %dma_wait3A = arith.constant 0 : i32
      %dma_wait3A_43 = tpu.memref_slice %arg3[%add3A_13, %dma_wait3A] : memref<2560x128xi32, #tpu.memory_space<hbm>> -> memref<40x128xi32, #tpu.memory_space<hbm>>
      %dma_wait3A_44 = arith.constant 0 : i32
      %dma_wait3A_45 = tpu.memref_slice %arg3[%add3A_13, %dma_wait3A_44] : memref<2560x128xi32, #tpu.memory_space<hbm>> -> memref<40x128xi32, #tpu.memory_space<hbm>>
      tpu.wait_dma2 semaphore(%run_scoped3A : memref<!tpu.dma_semaphore, #tpu.memory_space<semaphore_mem>>) src(%dma_wait3A_45 : memref<40x128xi32, #tpu.memory_space<hbm>>) dst(%arg6 : memref<40x128xi32, #tpu.memory_space<vmem>>)
      tpu.yield
    }) : () -> ()
    %barrier3A = arith.constant 0 : index
    tpu.barrier barrier_id(%barrier3A)
    %scan3A = arith.constant 0 : i32
    %scan3A_14 = arith.constant 20 : i32
    %scan3A_15 = arith.addi %scan3A, %scan3A_14 : i32
    %scan3A_16 = arith.constant 1 : i32
    scf.for %scan3A_40 = %scan3A to %scan3A_15 step %scan3A_16  : i32 {
      %sub3A_41 = arith.constant 1 : i32
      %sub3A_42 = arith.subi %scan3A_40, %sub3A_41 : i32
      %mul3A_43 = arith.constant 2 : i32
      %mul3A_44 = arith.muli %sub3A_42, %mul3A_43 : i32
      %add3A_45 = arith.constant 0 : i32
      %add3A_46 = arith.addi %mul3A_44, %add3A_45 : i32
      %gt3A_47 = arith.constant 0 : i32
      %gt3A_48 = arith.cmpi sgt, %scan3A_40, %gt3A_47 : i32
      %lt3A = arith.cmpi slt, %add3A_46, %min3A_5 : i32
      %and3A = arith.andi %gt3A_48, %lt3A : i1
      %convert_element_type3A_49 = arith.extui %and3A : i1 to i32
      %cond3A_50 = arith.constant 0 : i32
      %cond3A_51 = arith.cmpi ne, %convert_element_type3A_49, %cond3A_50 : i32
      scf.if %cond3A_51 {
        %dma_wait3A = arith.constant 0 : i32
        %dma_wait3A_97 = tpu.memref_slice %arg6[%add3A_46, %dma_wait3A] : memref<40x128xi32, #tpu.memory_space<vmem>> -> memref<1x128xi32, #tpu.memory_space<vmem>>
        %dma_wait3A_98 = tpu.memref_squeeze %dma_wait3A_97 : memref<1x128xi32, #tpu.memory_space<vmem>> -> memref<128xi32, #tpu.memory_space<vmem>>
        %dma_wait3A_99 = arith.constant 0 : i32
        %dma_wait3A_100 = arith.constant 0 : i32
        %dma_wait3A_101 = tpu.memref_slice %arg9[%dma_wait3A_99, %dma_wait3A_100] : memref<10000x128xf32, #tpu.memory_space<vmem_shared>> -> memref<10000x128xf32, #tpu.memory_space<vmem_shared>>
        tpu.wait_indirect_dma semaphore(%arg12 : memref<!tpu.dma_semaphore, #tpu.memory_space<semaphore_mem>>) src(%arg7 : memref<128x128xf32, #tpu.memory_space<vmem>>) dst(%dma_wait3A_101 : memref<10000x128xf32, #tpu.memory_space<vmem_shared>>)
      } else {
      }
      %sub3A_52 = arith.constant 1 : i32
      %sub3A_53 = arith.subi %scan3A_40, %sub3A_52 : i32
      %mul3A_54 = arith.constant 2 : i32
      %mul3A_55 = arith.muli %sub3A_53, %mul3A_54 : i32
      %add3A_56 = arith.constant 1 : i32
      %add3A_57 = arith.addi %mul3A_55, %add3A_56 : i32
      %gt3A_58 = arith.constant 0 : i32
      %gt3A_59 = arith.cmpi sgt, %scan3A_40, %gt3A_58 : i32
      %lt3A_60 = arith.cmpi slt, %add3A_57, %min3A_5 : i32
      %and3A_61 = arith.andi %gt3A_59, %lt3A_60 : i1
      %convert_element_type3A_62 = arith.extui %and3A_61 : i1 to i32
      %cond3A_63 = arith.constant 0 : i32
      %cond3A_64 = arith.cmpi ne, %convert_element_type3A_62, %cond3A_63 : i32
      scf.if %cond3A_64 {
        %dma_wait3A = arith.constant 0 : i32
        %dma_wait3A_97 = tpu.memref_slice %arg6[%add3A_57, %dma_wait3A] : memref<40x128xi32, #tpu.memory_space<vmem>> -> memref<1x128xi32, #tpu.memory_space<vmem>>
        %dma_wait3A_98 = tpu.memref_squeeze %dma_wait3A_97 : memref<1x128xi32, #tpu.memory_space<vmem>> -> memref<128xi32, #tpu.memory_space<vmem>>
        %dma_wait3A_99 = arith.constant 0 : i32
        %dma_wait3A_100 = arith.constant 0 : i32
        %dma_wait3A_101 = tpu.memref_slice %arg9[%dma_wait3A_99, %dma_wait3A_100] : memref<10000x128xf32, #tpu.memory_space<vmem_shared>> -> memref<10000x128xf32, #tpu.memory_space<vmem_shared>>
        tpu.wait_indirect_dma semaphore(%arg13 : memref<!tpu.dma_semaphore, #tpu.memory_space<semaphore_mem>>) src(%arg8 : memref<128x128xf32, #tpu.memory_space<vmem>>) dst(%dma_wait3A_101 : memref<10000x128xf32, #tpu.memory_space<vmem_shared>>)
      } else {
      }
      %mul3A_65 = arith.constant 2 : i32
      %mul3A_66 = arith.muli %scan3A_40, %mul3A_65 : i32
      %add3A_67 = arith.constant 0 : i32
      %add3A_68 = arith.addi %mul3A_66, %add3A_67 : i32
      %lt3A_69 = arith.cmpi slt, %add3A_68, %min3A_5 : i32
      %convert_element_type3A_70 = arith.extui %lt3A_69 : i1 to i32
      %cond3A_71 = arith.constant 0 : i32
      %cond3A_72 = arith.cmpi ne, %convert_element_type3A_70, %cond3A_71 : i32
      scf.if %cond3A_72 {
        %add3A_97 = arith.addi %mul3A_2, %add3A_68 : i32
        %mul3A_98 = arith.constant 128 : i32
        %mul3A_99 = arith.muli %add3A_97, %mul3A_98 : i32
        %dma_start3A = arith.constant 0 : i32
        %dma_start3A_100 = tpu.memref_slice %arg2[%mul3A_99, %dma_start3A] : memref<163840x128xf32, #tpu.memory_space<hbm>> -> memref<128x128xf32, #tpu.memory_space<hbm>>
        %dma_start3A_101 = arith.constant 0 : i32
        %dma_start3A_102 = tpu.memref_slice %arg2[%mul3A_99, %dma_start3A_101] : memref<163840x128xf32, #tpu.memory_space<hbm>> -> memref<128x128xf32, #tpu.memory_space<hbm>>
        tpu.enqueue_dma source(%dma_start3A_102 : memref<128x128xf32, #tpu.memory_space<hbm>>) target(%arg7 : memref<128x128xf32, #tpu.memory_space<vmem>>) target_semaphore(%arg10 : memref<!tpu.dma_semaphore, #tpu.memory_space<semaphore_mem>>)
      } else {
      }
      %mul3A_73 = arith.constant 2 : i32
      %mul3A_74 = arith.muli %scan3A_40, %mul3A_73 : i32
      %add3A_75 = arith.constant 1 : i32
      %add3A_76 = arith.addi %mul3A_74, %add3A_75 : i32
      %lt3A_77 = arith.cmpi slt, %add3A_76, %min3A_5 : i32
      %convert_element_type3A_78 = arith.extui %lt3A_77 : i1 to i32
      %cond3A_79 = arith.constant 0 : i32
      %cond3A_80 = arith.cmpi ne, %convert_element_type3A_78, %cond3A_79 : i32
      scf.if %cond3A_80 {
        %add3A_97 = arith.addi %mul3A_2, %add3A_76 : i32
        %mul3A_98 = arith.constant 128 : i32
        %mul3A_99 = arith.muli %add3A_97, %mul3A_98 : i32
        %dma_start3A = arith.constant 0 : i32
        %dma_start3A_100 = tpu.memref_slice %arg2[%mul3A_99, %dma_start3A] : memref<163840x128xf32, #tpu.memory_space<hbm>> -> memref<128x128xf32, #tpu.memory_space<hbm>>
        %dma_start3A_101 = arith.constant 0 : i32
        %dma_start3A_102 = tpu.memref_slice %arg2[%mul3A_99, %dma_start3A_101] : memref<163840x128xf32, #tpu.memory_space<hbm>> -> memref<128x128xf32, #tpu.memory_space<hbm>>
        tpu.enqueue_dma source(%dma_start3A_102 : memref<128x128xf32, #tpu.memory_space<hbm>>) target(%arg8 : memref<128x128xf32, #tpu.memory_space<vmem>>) target_semaphore(%arg11 : memref<!tpu.dma_semaphore, #tpu.memory_space<semaphore_mem>>)
      } else {
      }
      %mul3A_81 = arith.constant 2 : i32
      %mul3A_82 = arith.muli %scan3A_40, %mul3A_81 : i32
      %add3A_83 = arith.constant 0 : i32
      %add3A_84 = arith.addi %mul3A_82, %add3A_83 : i32
      %lt3A_85 = arith.cmpi slt, %add3A_84, %min3A_5 : i32
      %convert_element_type3A_86 = arith.extui %lt3A_85 : i1 to i32
      %cond3A_87 = arith.constant 0 : i32
      %cond3A_88 = arith.cmpi ne, %convert_element_type3A_86, %cond3A_87 : i32
      scf.if %cond3A_88 {
        %add3A_97 = arith.addi %mul3A_2, %add3A_84 : i32
        %mul3A_98 = arith.constant 128 : i32
        %mul3A_99 = arith.muli %add3A_97, %mul3A_98 : i32
        %dma_wait3A = arith.constant 0 : i32
        %dma_wait3A_100 = tpu.memref_slice %arg2[%mul3A_99, %dma_wait3A] : memref<163840x128xf32, #tpu.memory_space<hbm>> -> memref<128x128xf32, #tpu.memory_space<hbm>>
        %dma_wait3A_101 = arith.constant 0 : i32
        %dma_wait3A_102 = tpu.memref_slice %arg2[%mul3A_99, %dma_wait3A_101] : memref<163840x128xf32, #tpu.memory_space<hbm>> -> memref<128x128xf32, #tpu.memory_space<hbm>>
        tpu.wait_dma2 semaphore(%arg10 : memref<!tpu.dma_semaphore, #tpu.memory_space<semaphore_mem>>) src(%dma_wait3A_102 : memref<128x128xf32, #tpu.memory_space<hbm>>) dst(%arg7 : memref<128x128xf32, #tpu.memory_space<vmem>>)
        %dma_start3A = arith.constant 0 : i32
        %dma_start3A_103 = tpu.memref_slice %arg6[%add3A_84, %dma_start3A] : memref<40x128xi32, #tpu.memory_space<vmem>> -> memref<1x128xi32, #tpu.memory_space<vmem>>
        %dma_start3A_104 = tpu.memref_squeeze %dma_start3A_103 : memref<1x128xi32, #tpu.memory_space<vmem>> -> memref<128xi32, #tpu.memory_space<vmem>>
        %dma_start3A_105 = arith.constant 0 : i32
        %dma_start3A_106 = arith.constant 0 : i32
        %dma_start3A_107 = tpu.memref_slice %arg9[%dma_start3A_105, %dma_start3A_106] : memref<10000x128xf32, #tpu.memory_space<vmem_shared>> -> memref<10000x128xf32, #tpu.memory_space<vmem_shared>>
        tpu.enqueue_indirect_dma source(%arg7 : memref<128x128xf32, #tpu.memory_space<vmem>>) target(%dma_start3A_107 : memref<10000x128xf32, #tpu.memory_space<vmem_shared>>) offsets(%dma_start3A_104 : memref<128xi32, #tpu.memory_space<vmem>>) semaphore(%arg12 : memref<!tpu.dma_semaphore, #tpu.memory_space<semaphore_mem>>) {add = true}
      } else {
      }
      %mul3A_89 = arith.constant 2 : i32
      %mul3A_90 = arith.muli %scan3A_40, %mul3A_89 : i32
      %add3A_91 = arith.constant 1 : i32
      %add3A_92 = arith.addi %mul3A_90, %add3A_91 : i32
      %lt3A_93 = arith.cmpi slt, %add3A_92, %min3A_5 : i32
      %convert_element_type3A_94 = arith.extui %lt3A_93 : i1 to i32
      %cond3A_95 = arith.constant 0 : i32
      %cond3A_96 = arith.cmpi ne, %convert_element_type3A_94, %cond3A_95 : i32
      scf.if %cond3A_96 {
        %add3A_97 = arith.addi %mul3A_2, %add3A_92 : i32
        %mul3A_98 = arith.constant 128 : i32
        %mul3A_99 = arith.muli %add3A_97, %mul3A_98 : i32
        %dma_wait3A = arith.constant 0 : i32
        %dma_wait3A_100 = tpu.memref_slice %arg2[%mul3A_99, %dma_wait3A] : memref<163840x128xf32, #tpu.memory_space<hbm>> -> memref<128x128xf32, #tpu.memory_space<hbm>>
        %dma_wait3A_101 = arith.constant 0 : i32
        %dma_wait3A_102 = tpu.memref_slice %arg2[%mul3A_99, %dma_wait3A_101] : memref<163840x128xf32, #tpu.memory_space<hbm>> -> memref<128x128xf32, #tpu.memory_space<hbm>>
        tpu.wait_dma2 semaphore(%arg11 : memref<!tpu.dma_semaphore, #tpu.memory_space<semaphore_mem>>) src(%dma_wait3A_102 : memref<128x128xf32, #tpu.memory_space<hbm>>) dst(%arg8 : memref<128x128xf32, #tpu.memory_space<vmem>>)
        %dma_start3A = arith.constant 0 : i32
        %dma_start3A_103 = tpu.memref_slice %arg6[%add3A_92, %dma_start3A] : memref<40x128xi32, #tpu.memory_space<vmem>> -> memref<1x128xi32, #tpu.memory_space<vmem>>
        %dma_start3A_104 = tpu.memref_squeeze %dma_start3A_103 : memref<1x128xi32, #tpu.memory_space<vmem>> -> memref<128xi32, #tpu.memory_space<vmem>>
        %dma_start3A_105 = arith.constant 0 : i32
        %dma_start3A_106 = arith.constant 0 : i32
        %dma_start3A_107 = tpu.memref_slice %arg9[%dma_start3A_105, %dma_start3A_106] : memref<10000x128xf32, #tpu.memory_space<vmem_shared>> -> memref<10000x128xf32, #tpu.memory_space<vmem_shared>>
        tpu.enqueue_indirect_dma source(%arg8 : memref<128x128xf32, #tpu.memory_space<vmem>>) target(%dma_start3A_107 : memref<10000x128xf32, #tpu.memory_space<vmem_shared>>) offsets(%dma_start3A_104 : memref<128xi32, #tpu.memory_space<vmem>>) semaphore(%arg13 : memref<!tpu.dma_semaphore, #tpu.memory_space<semaphore_mem>>) {add = true}
      } else {
      }
    }
    %scan3A_17 = arith.constant 20 : i32
    %gt3A = arith.constant 38 : i32
    %gt3A_18 = arith.cmpi sgt, %min3A_5, %gt3A : i32
    %convert_element_type3A_19 = arith.extui %gt3A_18 : i1 to i32
    %cond3A_20 = arith.constant 0 : i32
    %cond3A_21 = arith.cmpi ne, %convert_element_type3A_19, %cond3A_20 : i32
    scf.if %cond3A_21 {
      %dma_wait3A = arith.constant 38 : i32
      %dma_wait3A_40 = arith.constant 0 : i32
      %dma_wait3A_41 = tpu.memref_slice %arg6[%dma_wait3A, %dma_wait3A_40] : memref<40x128xi32, #tpu.memory_space<vmem>> -> memref<1x128xi32, #tpu.memory_space<vmem>>
      %dma_wait3A_42 = tpu.memref_squeeze %dma_wait3A_41 : memref<1x128xi32, #tpu.memory_space<vmem>> -> memref<128xi32, #tpu.memory_space<vmem>>
      %dma_wait3A_43 = arith.constant 0 : i32
      %dma_wait3A_44 = arith.constant 0 : i32
      %dma_wait3A_45 = tpu.memref_slice %arg9[%dma_wait3A_43, %dma_wait3A_44] : memref<10000x128xf32, #tpu.memory_space<vmem_shared>> -> memref<10000x128xf32, #tpu.memory_space<vmem_shared>>
      tpu.wait_indirect_dma semaphore(%arg12 : memref<!tpu.dma_semaphore, #tpu.memory_space<semaphore_mem>>) src(%arg7 : memref<128x128xf32, #tpu.memory_space<vmem>>) dst(%dma_wait3A_45 : memref<10000x128xf32, #tpu.memory_space<vmem_shared>>)
    } else {
    }
    %gt3A_22 = arith.constant 39 : i32
    %gt3A_23 = arith.cmpi sgt, %min3A_5, %gt3A_22 : i32
    %convert_element_type3A_24 = arith.extui %gt3A_23 : i1 to i32
    %cond3A_25 = arith.constant 0 : i32
    %cond3A_26 = arith.cmpi ne, %convert_element_type3A_24, %cond3A_25 : i32
    scf.if %cond3A_26 {
      %dma_wait3A = arith.constant 39 : i32
      %dma_wait3A_40 = arith.constant 0 : i32
      %dma_wait3A_41 = tpu.memref_slice %arg6[%dma_wait3A, %dma_wait3A_40] : memref<40x128xi32, #tpu.memory_space<vmem>> -> memref<1x128xi32, #tpu.memory_space<vmem>>
      %dma_wait3A_42 = tpu.memref_squeeze %dma_wait3A_41 : memref<1x128xi32, #tpu.memory_space<vmem>> -> memref<128xi32, #tpu.memory_space<vmem>>
      %dma_wait3A_43 = arith.constant 0 : i32
      %dma_wait3A_44 = arith.constant 0 : i32
      %dma_wait3A_45 = tpu.memref_slice %arg9[%dma_wait3A_43, %dma_wait3A_44] : memref<10000x128xf32, #tpu.memory_space<vmem_shared>> -> memref<10000x128xf32, #tpu.memory_space<vmem_shared>>
      tpu.wait_indirect_dma semaphore(%arg13 : memref<!tpu.dma_semaphore, #tpu.memory_space<semaphore_mem>>) src(%arg8 : memref<128x128xf32, #tpu.memory_space<vmem>>) dst(%dma_wait3A_45 : memref<10000x128xf32, #tpu.memory_space<vmem_shared>>)
    } else {
    }
    %barrier3A_27 = arith.constant 0 : index
    tpu.barrier barrier_id(%barrier3A_27)
    %mul3A_28 = arith.constant 624 : i32
    %mul3A_29 = arith.muli %arg1, %mul3A_28 : i32
    %mul3A_30 = arith.constant 10000 : i32
    %mul3A_31 = arith.muli %arg0, %mul3A_30 : i32
    %mul3A_32 = arith.constant 624 : i32
    %mul3A_33 = arith.muli %arg1, %mul3A_32 : i32
    %add3A_34 = arith.addi %mul3A_31, %mul3A_33 : i32
    "tpu.region"() ({
      %run_scoped3A = tpu.sem_alloc : memref<!tpu.dma_semaphore, #tpu.memory_space<semaphore_mem>>
      %dma_start3A = arith.constant 0 : i32
      %dma_start3A_40 = tpu.memref_slice %arg5[%add3A_34, %dma_start3A] : memref<20000x128xf32, #tpu.memory_space<hbm>> -> memref<624x128xf32, #tpu.memory_space<hbm>>
      %dma_start3A_41 = arith.constant 0 : i32
      %dma_start3A_42 = tpu.memref_slice %arg9[%mul3A_29, %dma_start3A_41] : memref<10000x128xf32, #tpu.memory_space<vmem_shared>> -> memref<624x128xf32, #tpu.memory_space<vmem_shared>>
      tpu.enqueue_dma source(%dma_start3A_42 : memref<624x128xf32, #tpu.memory_space<vmem_shared>>) target(%dma_start3A_40 : memref<624x128xf32, #tpu.memory_space<hbm>>) target_semaphore(%run_scoped3A : memref<!tpu.dma_semaphore, #tpu.memory_space<semaphore_mem>>)
      %dma_wait3A = arith.constant 0 : i32
      %dma_wait3A_43 = tpu.memref_slice %arg5[%add3A_34, %dma_wait3A] : memref<20000x128xf32, #tpu.memory_space<hbm>> -> memref<624x128xf32, #tpu.memory_space<hbm>>
      %dma_wait3A_44 = arith.constant 0 : i32
      %dma_wait3A_45 = tpu.memref_slice %arg9[%mul3A_29, %dma_wait3A_44] : memref<10000x128xf32, #tpu.memory_space<vmem_shared>> -> memref<624x128xf32, #tpu.memory_space<vmem_shared>>
      tpu.wait_dma2 semaphore(%run_scoped3A : memref<!tpu.dma_semaphore, #tpu.memory_space<semaphore_mem>>) src(%dma_wait3A_45 : memref<624x128xf32, #tpu.memory_space<vmem_shared>>) dst(%dma_wait3A_43 : memref<624x128xf32, #tpu.memory_space<hbm>>)
      tpu.yield
    }) : () -> ()
    %eq3A_35 = arith.constant 0 : i32
    %eq3A_36 = arith.cmpi eq, %arg1, %eq3A_35 : i32
    %convert_element_type3A_37 = arith.extui %eq3A_36 : i1 to i32
    %cond3A_38 = arith.constant 0 : i32
    %cond3A_39 = arith.cmpi ne, %convert_element_type3A_37, %cond3A_38 : i32
    scf.if %cond3A_39 {
      %mul3A_40 = arith.constant 10000 : i32
      %mul3A_41 = arith.muli %arg0, %mul3A_40 : i32
      %add3A_42 = arith.constant 9984 : i32
      %add3A_43 = arith.addi %mul3A_41, %add3A_42 : i32
      "tpu.region"() ({
        %run_scoped3A = tpu.sem_alloc : memref<!tpu.dma_semaphore, #tpu.memory_space<semaphore_mem>>
        %dma_start3A = arith.constant 0 : i32
        %dma_start3A_44 = tpu.memref_slice %arg5[%add3A_43, %dma_start3A] : memref<20000x128xf32, #tpu.memory_space<hbm>> -> memref<16x128xf32, #tpu.memory_space<hbm>>
        %dma_start3A_45 = arith.constant 9984 : i32
        %dma_start3A_46 = arith.constant 0 : i32
        %dma_start3A_47 = tpu.memref_slice %arg9[%dma_start3A_45, %dma_start3A_46] : memref<10000x128xf32, #tpu.memory_space<vmem_shared>> -> memref<16x128xf32, #tpu.memory_space<vmem_shared>>
        tpu.enqueue_dma source(%dma_start3A_47 : memref<16x128xf32, #tpu.memory_space<vmem_shared>>) target(%dma_start3A_44 : memref<16x128xf32, #tpu.memory_space<hbm>>) target_semaphore(%run_scoped3A : memref<!tpu.dma_semaphore, #tpu.memory_space<semaphore_mem>>)
        %dma_wait3A = arith.constant 0 : i32
        %dma_wait3A_48 = tpu.memref_slice %arg5[%add3A_43, %dma_wait3A] : memref<20000x128xf32, #tpu.memory_space<hbm>> -> memref<16x128xf32, #tpu.memory_space<hbm>>
        %dma_wait3A_49 = arith.constant 9984 : i32
        %dma_wait3A_50 = arith.constant 0 : i32
        %dma_wait3A_51 = tpu.memref_slice %arg9[%dma_wait3A_49, %dma_wait3A_50] : memref<10000x128xf32, #tpu.memory_space<vmem_shared>> -> memref<16x128xf32, #tpu.memory_space<vmem_shared>>
        tpu.wait_dma2 semaphore(%run_scoped3A : memref<!tpu.dma_semaphore, #tpu.memory_space<semaphore_mem>>) src(%dma_wait3A_51 : memref<16x128xf32, #tpu.memory_space<vmem_shared>>) dst(%dma_wait3A_48 : memref<16x128xf32, #tpu.memory_space<hbm>>)
        tpu.yield
      }) : () -> ()
    } else {
    }
    return
  }
}

module attributes {stable_mosaic.version = 14 : i64} {
  func.func @_enc_body(%arg0: i32, %arg1: memref<512x16xf32, #tpu.memory_space<vmem>>, %arg2: memref<16x128xf32, #tpu.memory_space<vmem>>, %arg3: memref<1x128xf32, #tpu.memory_space<vmem>>, %arg4: memref<128x128xf32, #tpu.memory_space<vmem>>, %arg5: memref<1x128xf32, #tpu.memory_space<vmem>>, %arg6: memref<128x128xf32, #tpu.memory_space<vmem>>, %arg7: memref<1x128xf32, #tpu.memory_space<vmem>>, %arg8: memref<1x128xf32, #tpu.memory_space<vmem>>, %arg9: memref<1x128xf32, #tpu.memory_space<vmem>>, %arg10: memref<512x128xf32, #tpu.memory_space<vmem>>) attributes {dimension_semantics = [#tpu.dimension_semantics<arbitrary>], iteration_bounds = array<i64: 305>, scalar_prefetch = 0 : i64, scratch_operands = 0 : i64, tpu.core_type = #tpu.core_type<tc>, window_params = [{transform_indices = @transform_0, window_bounds = array<i64: 512, 16>}, {pipeline_mode = #tpu.pipeline_mode<synchronous>, transform_indices = @transform_1, window_bounds = array<i64: 16, 128>}, {pipeline_mode = #tpu.pipeline_mode<synchronous>, transform_indices = @transform_2, window_bounds = array<i64: 1, 128>}, {pipeline_mode = #tpu.pipeline_mode<synchronous>, transform_indices = @transform_3, window_bounds = array<i64: 128, 128>}, {pipeline_mode = #tpu.pipeline_mode<synchronous>, transform_indices = @transform_4, window_bounds = array<i64: 1, 128>}, {pipeline_mode = #tpu.pipeline_mode<synchronous>, transform_indices = @transform_5, window_bounds = array<i64: 128, 128>}, {pipeline_mode = #tpu.pipeline_mode<synchronous>, transform_indices = @transform_6, window_bounds = array<i64: 1, 128>}, {pipeline_mode = #tpu.pipeline_mode<synchronous>, transform_indices = @transform_7, window_bounds = array<i64: 1, 128>}, {pipeline_mode = #tpu.pipeline_mode<synchronous>, transform_indices = @transform_8, window_bounds = array<i64: 1, 128>}, {transform_indices = @transform_9, window_bounds = array<i64: 512, 128>}]} {
    %get3A = arith.constant 0 : index
    %get3A_0 = arith.constant 0 : index
    %get3A_1 = vector.load %arg1[%get3A, %get3A_0] : memref<512x16xf32, #tpu.memory_space<vmem>>, vector<512x16xf32>
    %get3A_2 = arith.constant 0 : index
    %get3A_3 = arith.constant 0 : index
    %get3A_4 = vector.load %arg2[%get3A_2, %get3A_3] : memref<16x128xf32, #tpu.memory_space<vmem>>, vector<16x128xf32>
    %dot_general3A = arith.constant dense<0.000000e+00> : vector<512x128xf32>
    %dot_general3A_5 = tpu.matmul %get3A_1, %get3A_4, %dot_general3A {dimension_numbers = #tpu.dot_dimension_numbers<[1], [0], [0], [1], [0, 0, 1, 1], [], []>, transpose_lhs_hint = false} : vector<512x16xf32>, vector<16x128xf32>, vector<512x128xf32> -> vector<512x128xf32>
    %get3A_6 = arith.constant 0 : index
    %get3A_7 = arith.constant 0 : index
    %get3A_8 = vector.load %arg3[%get3A_6, %get3A_7] : memref<1x128xf32, #tpu.memory_space<vmem>>, vector<1x128xf32>
    %add3A = vector.broadcast %get3A_8 : vector<1x128xf32> to vector<512x128xf32>
    %add3A_9 = arith.addf %dot_general3A_5, %add3A : vector<512x128xf32>
    %max3A = arith.constant 0.000000e+00 : f32
    %max3A_10 = vector.broadcast %max3A : f32 to vector<512x128xf32>
    %max3A_11 = arith.maximumf %add3A_9, %max3A_10 : vector<512x128xf32>
    %get3A_12 = arith.constant 0 : index
    %get3A_13 = arith.constant 0 : index
    %get3A_14 = vector.load %arg4[%get3A_12, %get3A_13] : memref<128x128xf32, #tpu.memory_space<vmem>>, vector<128x128xf32>
    %dot_general3A_15 = arith.constant dense<0.000000e+00> : vector<512x128xf32>
    %dot_general3A_16 = tpu.matmul %max3A_11, %get3A_14, %dot_general3A_15 {dimension_numbers = #tpu.dot_dimension_numbers<[1], [0], [0], [1], [0, 0, 1, 1], [], []>, transpose_lhs_hint = false} : vector<512x128xf32>, vector<128x128xf32>, vector<512x128xf32> -> vector<512x128xf32>
    %get3A_17 = arith.constant 0 : index
    %get3A_18 = arith.constant 0 : index
    %get3A_19 = vector.load %arg5[%get3A_17, %get3A_18] : memref<1x128xf32, #tpu.memory_space<vmem>>, vector<1x128xf32>
    %add3A_20 = vector.broadcast %get3A_19 : vector<1x128xf32> to vector<512x128xf32>
    %add3A_21 = arith.addf %dot_general3A_16, %add3A_20 : vector<512x128xf32>
    %max3A_22 = arith.constant 0.000000e+00 : f32
    %max3A_23 = vector.broadcast %max3A_22 : f32 to vector<512x128xf32>
    %max3A_24 = arith.maximumf %add3A_21, %max3A_23 : vector<512x128xf32>
    %get3A_25 = arith.constant 0 : index
    %get3A_26 = arith.constant 0 : index
    %get3A_27 = vector.load %arg6[%get3A_25, %get3A_26] : memref<128x128xf32, #tpu.memory_space<vmem>>, vector<128x128xf32>
    %dot_general3A_28 = arith.constant dense<0.000000e+00> : vector<512x128xf32>
    %dot_general3A_29 = tpu.matmul %max3A_24, %get3A_27, %dot_general3A_28 {dimension_numbers = #tpu.dot_dimension_numbers<[1], [0], [0], [1], [0, 0, 1, 1], [], []>, transpose_lhs_hint = false} : vector<512x128xf32>, vector<128x128xf32>, vector<512x128xf32> -> vector<512x128xf32>
    %get3A_30 = arith.constant 0 : index
    %get3A_31 = arith.constant 0 : index
    %get3A_32 = vector.load %arg7[%get3A_30, %get3A_31] : memref<1x128xf32, #tpu.memory_space<vmem>>, vector<1x128xf32>
    %add3A_33 = vector.broadcast %get3A_32 : vector<1x128xf32> to vector<512x128xf32>
    %add3A_34 = arith.addf %dot_general3A_29, %add3A_33 : vector<512x128xf32>
    %get3A_35 = arith.constant 0 : index
    %get3A_36 = arith.constant 0 : index
    %get3A_37 = vector.load %arg8[%get3A_35, %get3A_36] : memref<1x128xf32, #tpu.memory_space<vmem>>, vector<1x128xf32>
    %get3A_38 = arith.constant 0 : index
    %get3A_39 = arith.constant 0 : index
    %get3A_40 = vector.load %arg9[%get3A_38, %get3A_39] : memref<1x128xf32, #tpu.memory_space<vmem>>, vector<1x128xf32>
    %reduce_sum3A = arith.constant dense<0.000000e+00> : vector<512xf32>
    %reduce_sum3A_41 = vector.multi_reduction <add>, %add3A_34, %reduce_sum3A [1] : vector<512x128xf32> to vector<512xf32>
    %broadcast_in_dim3A = vector.shape_cast %reduce_sum3A_41 : vector<512xf32> to vector<512x1xf32>
    %div3A = arith.constant 1.280000e+02 : f32
    %div3A_42 = vector.broadcast %div3A : f32 to vector<512x1xf32>
    %div3A_43 = arith.divf %broadcast_in_dim3A, %div3A_42 : vector<512x1xf32>
    %jit3A = arith.constant 0 : i32
    %reduce_sum3A_44 = arith.constant dense<0.000000e+00> : vector<512xf32>
    %reduce_sum3A_45 = vector.multi_reduction <add>, %add3A_34, %reduce_sum3A_44 [1] : vector<512x128xf32> to vector<512xf32>
    %broadcast_in_dim3A_46 = vector.shape_cast %reduce_sum3A_45 : vector<512xf32> to vector<512x1xf32>
    %div3A_47 = arith.constant 1.280000e+02 : f32
    %div3A_48 = vector.broadcast %div3A_47 : f32 to vector<512x1xf32>
    %div3A_49 = arith.divf %broadcast_in_dim3A_46, %div3A_48 : vector<512x1xf32>
    %sub3A = vector.broadcast %div3A_49 : vector<512x1xf32> to vector<512x128xf32>
    %sub3A_50 = arith.subf %add3A_34, %sub3A : vector<512x128xf32>
    %square3A = arith.mulf %sub3A_50, %sub3A_50 : vector<512x128xf32>
    %convert_element_type3A = arith.sitofp %jit3A : i32 to f32
    %sub3A_51 = arith.constant 1.280000e+02 : f32
    %sub3A_52 = arith.subf %sub3A_51, %convert_element_type3A : f32
    %reduce_sum3A_53 = arith.constant dense<0.000000e+00> : vector<512xf32>
    %reduce_sum3A_54 = vector.multi_reduction <add>, %square3A, %reduce_sum3A_53 [1] : vector<512x128xf32> to vector<512xf32>
    %broadcast_in_dim3A_55 = vector.shape_cast %reduce_sum3A_54 : vector<512xf32> to vector<512x1xf32>
    %div3A_56 = vector.broadcast %sub3A_52 : f32 to vector<512x1xf32>
    %div3A_57 = arith.divf %broadcast_in_dim3A_55, %div3A_56 : vector<512x1xf32>
    %gt3A = arith.constant 0.000000e+00 : f32
    %gt3A_58 = arith.cmpf ogt, %sub3A_52, %gt3A : f32
    %jit3A_59 = arith.constant 0x7FC00000 : f32
    %broadcast_in_dim3A_60 = vector.broadcast %jit3A_59 : f32 to vector<512x1xf32>
    %select_n3A = arith.select %gt3A_58, %div3A_57, %broadcast_in_dim3A_60 : vector<512x1xf32>
    %sub3A_61 = vector.broadcast %div3A_43 : vector<512x1xf32> to vector<512x128xf32>
    %sub3A_62 = arith.subf %add3A_34, %sub3A_61 : vector<512x128xf32>
    %add3A_63 = arith.constant 9.99999974E-6 : f32
    %add3A_64 = vector.broadcast %add3A_63 : f32 to vector<512x1xf32>
    %add3A_65 = arith.addf %select_n3A, %add3A_64 : vector<512x1xf32>
    %sqrt3A = math.sqrt %add3A_65 : vector<512x1xf32>
    %div3A_66 = vector.broadcast %sqrt3A : vector<512x1xf32> to vector<512x128xf32>
    %div3A_67 = arith.divf %sub3A_62, %div3A_66 : vector<512x128xf32>
    %mul3A = vector.broadcast %get3A_37 : vector<1x128xf32> to vector<512x128xf32>
    %mul3A_68 = arith.mulf %div3A_67, %mul3A : vector<512x128xf32>
    %add3A_69 = vector.broadcast %get3A_40 : vector<1x128xf32> to vector<512x128xf32>
    %add3A_70 = arith.addf %mul3A_68, %add3A_69 : vector<512x128xf32>
    %swap3A = arith.constant 0 : index
    %swap3A_71 = arith.constant 0 : index
    %swap3A_72 = vector.load %arg10[%swap3A, %swap3A_71] : memref<512x128xf32, #tpu.memory_space<vmem>>, vector<512x128xf32>
    tpu.vector_store %arg10[%swap3A, %swap3A_71], %add3A_70 {strides = array<i32>} : memref<512x128xf32, #tpu.memory_space<vmem>>, vector<512x128xf32>,
    return
  }
  func.func @transform_0(%arg0: i32) -> (i32, i32) {
    %add3A = arith.constant 320 : i32
    %add3A_0 = arith.addi %arg0, %add3A : i32
    %c0_i32 = arith.constant 0 : i32
    %c0_i32_1 = arith.constant 0 : i32
    return %add3A_0, %c0_i32 : i32, i32
  }
  func.func @transform_1(%arg0: i32) -> (i32, i32) {
    %c0_i32 = arith.constant 0 : i32
    %c0_i32_0 = arith.constant 0 : i32
    %c0_i32_1 = arith.constant 0 : i32
    return %c0_i32, %c0_i32_0 : i32, i32
  }
  func.func @transform_2(%arg0: i32) -> (i32, i32) {
    %c0_i32 = arith.constant 0 : i32
    %c0_i32_0 = arith.constant 0 : i32
    %c0_i32_1 = arith.constant 0 : i32
    return %c0_i32, %c0_i32_0 : i32, i32
  }
  func.func @transform_3(%arg0: i32) -> (i32, i32) {
    %c0_i32 = arith.constant 0 : i32
    %c0_i32_0 = arith.constant 0 : i32
    %c0_i32_1 = arith.constant 0 : i32
    return %c0_i32, %c0_i32_0 : i32, i32
  }
  func.func @transform_4(%arg0: i32) -> (i32, i32) {
    %c0_i32 = arith.constant 0 : i32
    %c0_i32_0 = arith.constant 0 : i32
    %c0_i32_1 = arith.constant 0 : i32
    return %c0_i32, %c0_i32_0 : i32, i32
  }
  func.func @transform_5(%arg0: i32) -> (i32, i32) {
    %c0_i32 = arith.constant 0 : i32
    %c0_i32_0 = arith.constant 0 : i32
    %c0_i32_1 = arith.constant 0 : i32
    return %c0_i32, %c0_i32_0 : i32, i32
  }
  func.func @transform_6(%arg0: i32) -> (i32, i32) {
    %c0_i32 = arith.constant 0 : i32
    %c0_i32_0 = arith.constant 0 : i32
    %c0_i32_1 = arith.constant 0 : i32
    return %c0_i32, %c0_i32_0 : i32, i32
  }
  func.func @transform_7(%arg0: i32) -> (i32, i32) {
    %c0_i32 = arith.constant 0 : i32
    %c0_i32_0 = arith.constant 0 : i32
    %c0_i32_1 = arith.constant 0 : i32
    return %c0_i32, %c0_i32_0 : i32, i32
  }
  func.func @transform_8(%arg0: i32) -> (i32, i32) {
    %c0_i32 = arith.constant 0 : i32
    %c0_i32_0 = arith.constant 0 : i32
    %c0_i32_1 = arith.constant 0 : i32
    return %c0_i32, %c0_i32_0 : i32, i32
  }
  func.func @transform_9(%arg0: i32) -> (i32, i32) {
    %c0_i32 = arith.constant 0 : i32
    %c0_i32_0 = arith.constant 0 : i32
    return %arg0, %c0_i32 : i32, i32
  }
}

module attributes {stable_mosaic.version = 14 : i64} {
  func.func @_enc_body(%arg0: i32, %arg1: memref<1000x128xf32, #tpu.memory_space<vmem>>, %arg2: memref<128x128xf32, #tpu.memory_space<vmem>>, %arg3: memref<1x128xf32, #tpu.memory_space<vmem>>, %arg4: memref<128x128xf32, #tpu.memory_space<vmem>>, %arg5: memref<1x128xf32, #tpu.memory_space<vmem>>, %arg6: memref<128x128xf32, #tpu.memory_space<vmem>>, %arg7: memref<1x128xf32, #tpu.memory_space<vmem>>, %arg8: memref<1x128xf32, #tpu.memory_space<vmem>>, %arg9: memref<1x128xf32, #tpu.memory_space<vmem>>, %arg10: memref<1000x128xf32, #tpu.memory_space<vmem>>) attributes {dimension_semantics = [#tpu.dimension_semantics<arbitrary>], iteration_bounds = array<i64: 10>, scalar_prefetch = 0 : i64, scratch_operands = 0 : i64, tpu.core_type = #tpu.core_type<tc>, window_params = [{transform_indices = @transform_0, window_bounds = array<i64: 1000, 128>}, {pipeline_mode = #tpu.pipeline_mode<synchronous>, transform_indices = @transform_1, window_bounds = array<i64: 128, 128>}, {pipeline_mode = #tpu.pipeline_mode<synchronous>, transform_indices = @transform_2, window_bounds = array<i64: 1, 128>}, {pipeline_mode = #tpu.pipeline_mode<synchronous>, transform_indices = @transform_3, window_bounds = array<i64: 128, 128>}, {pipeline_mode = #tpu.pipeline_mode<synchronous>, transform_indices = @transform_4, window_bounds = array<i64: 1, 128>}, {pipeline_mode = #tpu.pipeline_mode<synchronous>, transform_indices = @transform_5, window_bounds = array<i64: 128, 128>}, {pipeline_mode = #tpu.pipeline_mode<synchronous>, transform_indices = @transform_6, window_bounds = array<i64: 1, 128>}, {pipeline_mode = #tpu.pipeline_mode<synchronous>, transform_indices = @transform_7, window_bounds = array<i64: 1, 128>}, {pipeline_mode = #tpu.pipeline_mode<synchronous>, transform_indices = @transform_8, window_bounds = array<i64: 1, 128>}, {transform_indices = @transform_9, window_bounds = array<i64: 1000, 128>}]} {
    %get3A = arith.constant 0 : index
    %get3A_0 = arith.constant 0 : index
    %get3A_1 = vector.load %arg1[%get3A, %get3A_0] : memref<1000x128xf32, #tpu.memory_space<vmem>>, vector<1000x128xf32>
    %get3A_2 = arith.constant 0 : index
    %get3A_3 = arith.constant 0 : index
    %get3A_4 = vector.load %arg2[%get3A_2, %get3A_3] : memref<128x128xf32, #tpu.memory_space<vmem>>, vector<128x128xf32>
    %dot_general3A = arith.constant dense<0.000000e+00> : vector<1000x128xf32>
    %dot_general3A_5 = tpu.matmul %get3A_1, %get3A_4, %dot_general3A {dimension_numbers = #tpu.dot_dimension_numbers<[1], [0], [0], [1], [0, 0, 1, 1], [], []>, transpose_lhs_hint = false} : vector<1000x128xf32>, vector<128x128xf32>, vector<1000x128xf32> -> vector<1000x128xf32>
    %get3A_6 = arith.constant 0 : index
    %get3A_7 = arith.constant 0 : index
    %get3A_8 = vector.load %arg3[%get3A_6, %get3A_7] : memref<1x128xf32, #tpu.memory_space<vmem>>, vector<1x128xf32>
    %add3A = vector.broadcast %get3A_8 : vector<1x128xf32> to vector<1000x128xf32>
    %add3A_9 = arith.addf %dot_general3A_5, %add3A : vector<1000x128xf32>
    %max3A = arith.constant 0.000000e+00 : f32
    %max3A_10 = vector.broadcast %max3A : f32 to vector<1000x128xf32>
    %max3A_11 = arith.maximumf %add3A_9, %max3A_10 : vector<1000x128xf32>
    %get3A_12 = arith.constant 0 : index
    %get3A_13 = arith.constant 0 : index
    %get3A_14 = vector.load %arg4[%get3A_12, %get3A_13] : memref<128x128xf32, #tpu.memory_space<vmem>>, vector<128x128xf32>
    %dot_general3A_15 = arith.constant dense<0.000000e+00> : vector<1000x128xf32>
    %dot_general3A_16 = tpu.matmul %max3A_11, %get3A_14, %dot_general3A_15 {dimension_numbers = #tpu.dot_dimension_numbers<[1], [0], [0], [1], [0, 0, 1, 1], [], []>, transpose_lhs_hint = false} : vector<1000x128xf32>, vector<128x128xf32>, vector<1000x128xf32> -> vector<1000x128xf32>
    %get3A_17 = arith.constant 0 : index
    %get3A_18 = arith.constant 0 : index
    %get3A_19 = vector.load %arg5[%get3A_17, %get3A_18] : memref<1x128xf32, #tpu.memory_space<vmem>>, vector<1x128xf32>
    %add3A_20 = vector.broadcast %get3A_19 : vector<1x128xf32> to vector<1000x128xf32>
    %add3A_21 = arith.addf %dot_general3A_16, %add3A_20 : vector<1000x128xf32>
    %max3A_22 = arith.constant 0.000000e+00 : f32
    %max3A_23 = vector.broadcast %max3A_22 : f32 to vector<1000x128xf32>
    %max3A_24 = arith.maximumf %add3A_21, %max3A_23 : vector<1000x128xf32>
    %get3A_25 = arith.constant 0 : index
    %get3A_26 = arith.constant 0 : index
    %get3A_27 = vector.load %arg6[%get3A_25, %get3A_26] : memref<128x128xf32, #tpu.memory_space<vmem>>, vector<128x128xf32>
    %dot_general3A_28 = arith.constant dense<0.000000e+00> : vector<1000x128xf32>
    %dot_general3A_29 = tpu.matmul %max3A_24, %get3A_27, %dot_general3A_28 {dimension_numbers = #tpu.dot_dimension_numbers<[1], [0], [0], [1], [0, 0, 1, 1], [], []>, transpose_lhs_hint = false} : vector<1000x128xf32>, vector<128x128xf32>, vector<1000x128xf32> -> vector<1000x128xf32>
    %get3A_30 = arith.constant 0 : index
    %get3A_31 = arith.constant 0 : index
    %get3A_32 = vector.load %arg7[%get3A_30, %get3A_31] : memref<1x128xf32, #tpu.memory_space<vmem>>, vector<1x128xf32>
    %add3A_33 = vector.broadcast %get3A_32 : vector<1x128xf32> to vector<1000x128xf32>
    %add3A_34 = arith.addf %dot_general3A_29, %add3A_33 : vector<1000x128xf32>
    %get3A_35 = arith.constant 0 : index
    %get3A_36 = arith.constant 0 : index
    %get3A_37 = vector.load %arg8[%get3A_35, %get3A_36] : memref<1x128xf32, #tpu.memory_space<vmem>>, vector<1x128xf32>
    %get3A_38 = arith.constant 0 : index
    %get3A_39 = arith.constant 0 : index
    %get3A_40 = vector.load %arg9[%get3A_38, %get3A_39] : memref<1x128xf32, #tpu.memory_space<vmem>>, vector<1x128xf32>
    %reduce_sum3A = arith.constant dense<0.000000e+00> : vector<1000xf32>
    %reduce_sum3A_41 = vector.multi_reduction <add>, %add3A_34, %reduce_sum3A [1] : vector<1000x128xf32> to vector<1000xf32>
    %broadcast_in_dim3A = vector.shape_cast %reduce_sum3A_41 : vector<1000xf32> to vector<1000x1xf32>
    %div3A = arith.constant 1.280000e+02 : f32
    %div3A_42 = vector.broadcast %div3A : f32 to vector<1000x1xf32>
    %div3A_43 = arith.divf %broadcast_in_dim3A, %div3A_42 : vector<1000x1xf32>
    %jit3A = arith.constant 0 : i32
    %reduce_sum3A_44 = arith.constant dense<0.000000e+00> : vector<1000xf32>
    %reduce_sum3A_45 = vector.multi_reduction <add>, %add3A_34, %reduce_sum3A_44 [1] : vector<1000x128xf32> to vector<1000xf32>
    %broadcast_in_dim3A_46 = vector.shape_cast %reduce_sum3A_45 : vector<1000xf32> to vector<1000x1xf32>
    %div3A_47 = arith.constant 1.280000e+02 : f32
    %div3A_48 = vector.broadcast %div3A_47 : f32 to vector<1000x1xf32>
    %div3A_49 = arith.divf %broadcast_in_dim3A_46, %div3A_48 : vector<1000x1xf32>
    %sub3A = vector.broadcast %div3A_49 : vector<1000x1xf32> to vector<1000x128xf32>
    %sub3A_50 = arith.subf %add3A_34, %sub3A : vector<1000x128xf32>
    %square3A = arith.mulf %sub3A_50, %sub3A_50 : vector<1000x128xf32>
    %convert_element_type3A = arith.sitofp %jit3A : i32 to f32
    %sub3A_51 = arith.constant 1.280000e+02 : f32
    %sub3A_52 = arith.subf %sub3A_51, %convert_element_type3A : f32
    %reduce_sum3A_53 = arith.constant dense<0.000000e+00> : vector<1000xf32>
    %reduce_sum3A_54 = vector.multi_reduction <add>, %square3A, %reduce_sum3A_53 [1] : vector<1000x128xf32> to vector<1000xf32>
    %broadcast_in_dim3A_55 = vector.shape_cast %reduce_sum3A_54 : vector<1000xf32> to vector<1000x1xf32>
    %div3A_56 = vector.broadcast %sub3A_52 : f32 to vector<1000x1xf32>
    %div3A_57 = arith.divf %broadcast_in_dim3A_55, %div3A_56 : vector<1000x1xf32>
    %gt3A = arith.constant 0.000000e+00 : f32
    %gt3A_58 = arith.cmpf ogt, %sub3A_52, %gt3A : f32
    %jit3A_59 = arith.constant 0x7FC00000 : f32
    %broadcast_in_dim3A_60 = vector.broadcast %jit3A_59 : f32 to vector<1000x1xf32>
    %select_n3A = arith.select %gt3A_58, %div3A_57, %broadcast_in_dim3A_60 : vector<1000x1xf32>
    %sub3A_61 = vector.broadcast %div3A_43 : vector<1000x1xf32> to vector<1000x128xf32>
    %sub3A_62 = arith.subf %add3A_34, %sub3A_61 : vector<1000x128xf32>
    %add3A_63 = arith.constant 9.99999974E-6 : f32
    %add3A_64 = vector.broadcast %add3A_63 : f32 to vector<1000x1xf32>
    %add3A_65 = arith.addf %select_n3A, %add3A_64 : vector<1000x1xf32>
    %sqrt3A = math.sqrt %add3A_65 : vector<1000x1xf32>
    %div3A_66 = vector.broadcast %sqrt3A : vector<1000x1xf32> to vector<1000x128xf32>
    %div3A_67 = arith.divf %sub3A_62, %div3A_66 : vector<1000x128xf32>
    %mul3A = vector.broadcast %get3A_37 : vector<1x128xf32> to vector<1000x128xf32>
    %mul3A_68 = arith.mulf %div3A_67, %mul3A : vector<1000x128xf32>
    %add3A_69 = vector.broadcast %get3A_40 : vector<1x128xf32> to vector<1000x128xf32>
    %add3A_70 = arith.addf %mul3A_68, %add3A_69 : vector<1000x128xf32>
    %swap3A = arith.constant 0 : index
    %swap3A_71 = arith.constant 0 : index
    %swap3A_72 = vector.load %arg10[%swap3A, %swap3A_71] : memref<1000x128xf32, #tpu.memory_space<vmem>>, vector<1000x128xf32>
    tpu.vector_store %arg10[%swap3A, %swap3A_71], %add3A_70 {strides = array<i32>} : memref<1000x128xf32, #tpu.memory_space<vmem>>, vector<1000x128xf32>,
    return
  }
  func.func @transform_0(%arg0: i32) -> (i32, i32) {
    %add3A = arith.constant 0 : i32
    %add3A_0 = arith.addi %arg0, %add3A : i32
    %c0_i32 = arith.constant 0 : i32
    %c0_i32_1 = arith.constant 0 : i32
    return %add3A_0, %c0_i32 : i32, i32
  }
  func.func @transform_1(%arg0: i32) -> (i32, i32) {
    %c0_i32 = arith.constant 0 : i32
    %c0_i32_0 = arith.constant 0 : i32
    %c0_i32_1 = arith.constant 0 : i32
    return %c0_i32, %c0_i32_0 : i32, i32
  }
  func.func @transform_2(%arg0: i32) -> (i32, i32) {
    %c0_i32 = arith.constant 0 : i32
    %c0_i32_0 = arith.constant 0 : i32
    %c0_i32_1 = arith.constant 0 : i32
    return %c0_i32, %c0_i32_0 : i32, i32
  }
  func.func @transform_3(%arg0: i32) -> (i32, i32) {
    %c0_i32 = arith.constant 0 : i32
    %c0_i32_0 = arith.constant 0 : i32
    %c0_i32_1 = arith.constant 0 : i32
    return %c0_i32, %c0_i32_0 : i32, i32
  }
  func.func @transform_4(%arg0: i32) -> (i32, i32) {
    %c0_i32 = arith.constant 0 : i32
    %c0_i32_0 = arith.constant 0 : i32
    %c0_i32_1 = arith.constant 0 : i32
    return %c0_i32, %c0_i32_0 : i32, i32
  }
  func.func @transform_5(%arg0: i32) -> (i32, i32) {
    %c0_i32 = arith.constant 0 : i32
    %c0_i32_0 = arith.constant 0 : i32
    %c0_i32_1 = arith.constant 0 : i32
    return %c0_i32, %c0_i32_0 : i32, i32
  }
  func.func @transform_6(%arg0: i32) -> (i32, i32) {
    %c0_i32 = arith.constant 0 : i32
    %c0_i32_0 = arith.constant 0 : i32
    %c0_i32_1 = arith.constant 0 : i32
    return %c0_i32, %c0_i32_0 : i32, i32
  }
  func.func @transform_7(%arg0: i32) -> (i32, i32) {
    %c0_i32 = arith.constant 0 : i32
    %c0_i32_0 = arith.constant 0 : i32
    %c0_i32_1 = arith.constant 0 : i32
    return %c0_i32, %c0_i32_0 : i32, i32
  }
  func.func @transform_8(%arg0: i32) -> (i32, i32) {
    %c0_i32 = arith.constant 0 : i32
    %c0_i32_0 = arith.constant 0 : i32
    %c0_i32_1 = arith.constant 0 : i32
    return %c0_i32, %c0_i32_0 : i32, i32
  }
  func.func @transform_9(%arg0: i32) -> (i32, i32) {
    %c0_i32 = arith.constant 0 : i32
    %c0_i32_0 = arith.constant 0 : i32
    return %arg0, %c0_i32 : i32, i32
  }
}

module attributes {stable_mosaic.version = 14 : i64} {
  func.func @_enc_body(%arg0: i32, %arg1: memref<512x16xf32, #tpu.memory_space<vmem>>, %arg2: memref<16x128xf32, #tpu.memory_space<vmem>>, %arg3: memref<1x128xf32, #tpu.memory_space<vmem>>, %arg4: memref<128x128xf32, #tpu.memory_space<vmem>>, %arg5: memref<1x128xf32, #tpu.memory_space<vmem>>, %arg6: memref<128x128xf32, #tpu.memory_space<vmem>>, %arg7: memref<1x128xf32, #tpu.memory_space<vmem>>, %arg8: memref<1x128xf32, #tpu.memory_space<vmem>>, %arg9: memref<1x128xf32, #tpu.memory_space<vmem>>, %arg10: memref<512x128xf32, #tpu.memory_space<vmem>>) attributes {dimension_semantics = [#tpu.dimension_semantics<arbitrary>], iteration_bounds = array<i64: 320>, scalar_prefetch = 0 : i64, scratch_operands = 0 : i64, tpu.core_type = #tpu.core_type<tc>, window_params = [{transform_indices = @transform_0, window_bounds = array<i64: 512, 16>}, {pipeline_mode = #tpu.pipeline_mode<synchronous>, transform_indices = @transform_1, window_bounds = array<i64: 16, 128>}, {pipeline_mode = #tpu.pipeline_mode<synchronous>, transform_indices = @transform_2, window_bounds = array<i64: 1, 128>}, {pipeline_mode = #tpu.pipeline_mode<synchronous>, transform_indices = @transform_3, window_bounds = array<i64: 128, 128>}, {pipeline_mode = #tpu.pipeline_mode<synchronous>, transform_indices = @transform_4, window_bounds = array<i64: 1, 128>}, {pipeline_mode = #tpu.pipeline_mode<synchronous>, transform_indices = @transform_5, window_bounds = array<i64: 128, 128>}, {pipeline_mode = #tpu.pipeline_mode<synchronous>, transform_indices = @transform_6, window_bounds = array<i64: 1, 128>}, {pipeline_mode = #tpu.pipeline_mode<synchronous>, transform_indices = @transform_7, window_bounds = array<i64: 1, 128>}, {pipeline_mode = #tpu.pipeline_mode<synchronous>, transform_indices = @transform_8, window_bounds = array<i64: 1, 128>}, {transform_indices = @transform_9, window_bounds = array<i64: 512, 128>}]} {
    %get3A = arith.constant 0 : index
    %get3A_0 = arith.constant 0 : index
    %get3A_1 = vector.load %arg1[%get3A, %get3A_0] : memref<512x16xf32, #tpu.memory_space<vmem>>, vector<512x16xf32>
    %get3A_2 = arith.constant 0 : index
    %get3A_3 = arith.constant 0 : index
    %get3A_4 = vector.load %arg2[%get3A_2, %get3A_3] : memref<16x128xf32, #tpu.memory_space<vmem>>, vector<16x128xf32>
    %dot_general3A = arith.constant dense<0.000000e+00> : vector<512x128xf32>
    %dot_general3A_5 = tpu.matmul %get3A_1, %get3A_4, %dot_general3A {dimension_numbers = #tpu.dot_dimension_numbers<[1], [0], [0], [1], [0, 0, 1, 1], [], []>, transpose_lhs_hint = false} : vector<512x16xf32>, vector<16x128xf32>, vector<512x128xf32> -> vector<512x128xf32>
    %get3A_6 = arith.constant 0 : index
    %get3A_7 = arith.constant 0 : index
    %get3A_8 = vector.load %arg3[%get3A_6, %get3A_7] : memref<1x128xf32, #tpu.memory_space<vmem>>, vector<1x128xf32>
    %add3A = vector.broadcast %get3A_8 : vector<1x128xf32> to vector<512x128xf32>
    %add3A_9 = arith.addf %dot_general3A_5, %add3A : vector<512x128xf32>
    %max3A = arith.constant 0.000000e+00 : f32
    %max3A_10 = vector.broadcast %max3A : f32 to vector<512x128xf32>
    %max3A_11 = arith.maximumf %add3A_9, %max3A_10 : vector<512x128xf32>
    %get3A_12 = arith.constant 0 : index
    %get3A_13 = arith.constant 0 : index
    %get3A_14 = vector.load %arg4[%get3A_12, %get3A_13] : memref<128x128xf32, #tpu.memory_space<vmem>>, vector<128x128xf32>
    %dot_general3A_15 = arith.constant dense<0.000000e+00> : vector<512x128xf32>
    %dot_general3A_16 = tpu.matmul %max3A_11, %get3A_14, %dot_general3A_15 {dimension_numbers = #tpu.dot_dimension_numbers<[1], [0], [0], [1], [0, 0, 1, 1], [], []>, transpose_lhs_hint = false} : vector<512x128xf32>, vector<128x128xf32>, vector<512x128xf32> -> vector<512x128xf32>
    %get3A_17 = arith.constant 0 : index
    %get3A_18 = arith.constant 0 : index
    %get3A_19 = vector.load %arg5[%get3A_17, %get3A_18] : memref<1x128xf32, #tpu.memory_space<vmem>>, vector<1x128xf32>
    %add3A_20 = vector.broadcast %get3A_19 : vector<1x128xf32> to vector<512x128xf32>
    %add3A_21 = arith.addf %dot_general3A_16, %add3A_20 : vector<512x128xf32>
    %max3A_22 = arith.constant 0.000000e+00 : f32
    %max3A_23 = vector.broadcast %max3A_22 : f32 to vector<512x128xf32>
    %max3A_24 = arith.maximumf %add3A_21, %max3A_23 : vector<512x128xf32>
    %get3A_25 = arith.constant 0 : index
    %get3A_26 = arith.constant 0 : index
    %get3A_27 = vector.load %arg6[%get3A_25, %get3A_26] : memref<128x128xf32, #tpu.memory_space<vmem>>, vector<128x128xf32>
    %dot_general3A_28 = arith.constant dense<0.000000e+00> : vector<512x128xf32>
    %dot_general3A_29 = tpu.matmul %max3A_24, %get3A_27, %dot_general3A_28 {dimension_numbers = #tpu.dot_dimension_numbers<[1], [0], [0], [1], [0, 0, 1, 1], [], []>, transpose_lhs_hint = false} : vector<512x128xf32>, vector<128x128xf32>, vector<512x128xf32> -> vector<512x128xf32>
    %get3A_30 = arith.constant 0 : index
    %get3A_31 = arith.constant 0 : index
    %get3A_32 = vector.load %arg7[%get3A_30, %get3A_31] : memref<1x128xf32, #tpu.memory_space<vmem>>, vector<1x128xf32>
    %add3A_33 = vector.broadcast %get3A_32 : vector<1x128xf32> to vector<512x128xf32>
    %add3A_34 = arith.addf %dot_general3A_29, %add3A_33 : vector<512x128xf32>
    %get3A_35 = arith.constant 0 : index
    %get3A_36 = arith.constant 0 : index
    %get3A_37 = vector.load %arg8[%get3A_35, %get3A_36] : memref<1x128xf32, #tpu.memory_space<vmem>>, vector<1x128xf32>
    %get3A_38 = arith.constant 0 : index
    %get3A_39 = arith.constant 0 : index
    %get3A_40 = vector.load %arg9[%get3A_38, %get3A_39] : memref<1x128xf32, #tpu.memory_space<vmem>>, vector<1x128xf32>
    %reduce_sum3A = arith.constant dense<0.000000e+00> : vector<512xf32>
    %reduce_sum3A_41 = vector.multi_reduction <add>, %add3A_34, %reduce_sum3A [1] : vector<512x128xf32> to vector<512xf32>
    %broadcast_in_dim3A = vector.shape_cast %reduce_sum3A_41 : vector<512xf32> to vector<512x1xf32>
    %div3A = arith.constant 1.280000e+02 : f32
    %div3A_42 = vector.broadcast %div3A : f32 to vector<512x1xf32>
    %div3A_43 = arith.divf %broadcast_in_dim3A, %div3A_42 : vector<512x1xf32>
    %jit3A = arith.constant 0 : i32
    %reduce_sum3A_44 = arith.constant dense<0.000000e+00> : vector<512xf32>
    %reduce_sum3A_45 = vector.multi_reduction <add>, %add3A_34, %reduce_sum3A_44 [1] : vector<512x128xf32> to vector<512xf32>
    %broadcast_in_dim3A_46 = vector.shape_cast %reduce_sum3A_45 : vector<512xf32> to vector<512x1xf32>
    %div3A_47 = arith.constant 1.280000e+02 : f32
    %div3A_48 = vector.broadcast %div3A_47 : f32 to vector<512x1xf32>
    %div3A_49 = arith.divf %broadcast_in_dim3A_46, %div3A_48 : vector<512x1xf32>
    %sub3A = vector.broadcast %div3A_49 : vector<512x1xf32> to vector<512x128xf32>
    %sub3A_50 = arith.subf %add3A_34, %sub3A : vector<512x128xf32>
    %square3A = arith.mulf %sub3A_50, %sub3A_50 : vector<512x128xf32>
    %convert_element_type3A = arith.sitofp %jit3A : i32 to f32
    %sub3A_51 = arith.constant 1.280000e+02 : f32
    %sub3A_52 = arith.subf %sub3A_51, %convert_element_type3A : f32
    %reduce_sum3A_53 = arith.constant dense<0.000000e+00> : vector<512xf32>
    %reduce_sum3A_54 = vector.multi_reduction <add>, %square3A, %reduce_sum3A_53 [1] : vector<512x128xf32> to vector<512xf32>
    %broadcast_in_dim3A_55 = vector.shape_cast %reduce_sum3A_54 : vector<512xf32> to vector<512x1xf32>
    %div3A_56 = vector.broadcast %sub3A_52 : f32 to vector<512x1xf32>
    %div3A_57 = arith.divf %broadcast_in_dim3A_55, %div3A_56 : vector<512x1xf32>
    %gt3A = arith.constant 0.000000e+00 : f32
    %gt3A_58 = arith.cmpf ogt, %sub3A_52, %gt3A : f32
    %jit3A_59 = arith.constant 0x7FC00000 : f32
    %broadcast_in_dim3A_60 = vector.broadcast %jit3A_59 : f32 to vector<512x1xf32>
    %select_n3A = arith.select %gt3A_58, %div3A_57, %broadcast_in_dim3A_60 : vector<512x1xf32>
    %sub3A_61 = vector.broadcast %div3A_43 : vector<512x1xf32> to vector<512x128xf32>
    %sub3A_62 = arith.subf %add3A_34, %sub3A_61 : vector<512x128xf32>
    %add3A_63 = arith.constant 9.99999974E-6 : f32
    %add3A_64 = vector.broadcast %add3A_63 : f32 to vector<512x1xf32>
    %add3A_65 = arith.addf %select_n3A, %add3A_64 : vector<512x1xf32>
    %sqrt3A = math.sqrt %add3A_65 : vector<512x1xf32>
    %div3A_66 = vector.broadcast %sqrt3A : vector<512x1xf32> to vector<512x128xf32>
    %div3A_67 = arith.divf %sub3A_62, %div3A_66 : vector<512x128xf32>
    %mul3A = vector.broadcast %get3A_37 : vector<1x128xf32> to vector<512x128xf32>
    %mul3A_68 = arith.mulf %div3A_67, %mul3A : vector<512x128xf32>
    %add3A_69 = vector.broadcast %get3A_40 : vector<1x128xf32> to vector<512x128xf32>
    %add3A_70 = arith.addf %mul3A_68, %add3A_69 : vector<512x128xf32>
    %swap3A = arith.constant 0 : index
    %swap3A_71 = arith.constant 0 : index
    %swap3A_72 = vector.load %arg10[%swap3A, %swap3A_71] : memref<512x128xf32, #tpu.memory_space<vmem>>, vector<512x128xf32>
    tpu.vector_store %arg10[%swap3A, %swap3A_71], %add3A_70 {strides = array<i32>} : memref<512x128xf32, #tpu.memory_space<vmem>>, vector<512x128xf32>,
    return
  }
  func.func @transform_0(%arg0: i32) -> (i32, i32) {
    %add3A = arith.constant 0 : i32
    %add3A_0 = arith.addi %arg0, %add3A : i32
    %c0_i32 = arith.constant 0 : i32
    %c0_i32_1 = arith.constant 0 : i32
    return %add3A_0, %c0_i32 : i32, i32
  }
  func.func @transform_1(%arg0: i32) -> (i32, i32) {
    %c0_i32 = arith.constant 0 : i32
    %c0_i32_0 = arith.constant 0 : i32
    %c0_i32_1 = arith.constant 0 : i32
    return %c0_i32, %c0_i32_0 : i32, i32
  }
  func.func @transform_2(%arg0: i32) -> (i32, i32) {
    %c0_i32 = arith.constant 0 : i32
    %c0_i32_0 = arith.constant 0 : i32
    %c0_i32_1 = arith.constant 0 : i32
    return %c0_i32, %c0_i32_0 : i32, i32
  }
  func.func @transform_3(%arg0: i32) -> (i32, i32) {
    %c0_i32 = arith.constant 0 : i32
    %c0_i32_0 = arith.constant 0 : i32
    %c0_i32_1 = arith.constant 0 : i32
    return %c0_i32, %c0_i32_0 : i32, i32
  }
  func.func @transform_4(%arg0: i32) -> (i32, i32) {
    %c0_i32 = arith.constant 0 : i32
    %c0_i32_0 = arith.constant 0 : i32
    %c0_i32_1 = arith.constant 0 : i32
    return %c0_i32, %c0_i32_0 : i32, i32
  }
  func.func @transform_5(%arg0: i32) -> (i32, i32) {
    %c0_i32 = arith.constant 0 : i32
    %c0_i32_0 = arith.constant 0 : i32
    %c0_i32_1 = arith.constant 0 : i32
    return %c0_i32, %c0_i32_0 : i32, i32
  }
  func.func @transform_6(%arg0: i32) -> (i32, i32) {
    %c0_i32 = arith.constant 0 : i32
    %c0_i32_0 = arith.constant 0 : i32
    %c0_i32_1 = arith.constant 0 : i32
    return %c0_i32, %c0_i32_0 : i32, i32
  }
  func.func @transform_7(%arg0: i32) -> (i32, i32) {
    %c0_i32 = arith.constant 0 : i32
    %c0_i32_0 = arith.constant 0 : i32
    %c0_i32_1 = arith.constant 0 : i32
    return %c0_i32, %c0_i32_0 : i32, i32
  }
  func.func @transform_8(%arg0: i32) -> (i32, i32) {
    %c0_i32 = arith.constant 0 : i32
    %c0_i32_0 = arith.constant 0 : i32
    %c0_i32_1 = arith.constant 0 : i32
    return %c0_i32, %c0_i32_0 : i32, i32
  }
  func.func @transform_9(%arg0: i32) -> (i32, i32) {
    %c0_i32 = arith.constant 0 : i32
    %c0_i32_0 = arith.constant 0 : i32
    return %arg0, %c0_i32 : i32, i32
  }
}

module attributes {stable_mosaic.version = 14 : i64} {
  func.func @_proj_body(%arg0: i32, %arg1: memref<1000x128xf32, #tpu.memory_space<vmem>>, %arg2: memref<128x128xf32, #tpu.memory_space<vmem>>, %arg3: memref<128x128xf32, #tpu.memory_space<vmem>>, %arg4: memref<1000x128xf32, #tpu.memory_space<vmem>>, %arg5: memref<1000x128xf32, #tpu.memory_space<vmem>>) attributes {dimension_semantics = [#tpu.dimension_semantics<arbitrary>], iteration_bounds = array<i64: 10>, scalar_prefetch = 0 : i64, scratch_operands = 0 : i64, tpu.core_type = #tpu.core_type<tc>, window_params = [{transform_indices = @transform_0, window_bounds = array<i64: 1000, 128>}, {pipeline_mode = #tpu.pipeline_mode<synchronous>, transform_indices = @transform_1, window_bounds = array<i64: 128, 128>}, {pipeline_mode = #tpu.pipeline_mode<synchronous>, transform_indices = @transform_2, window_bounds = array<i64: 128, 128>}, {transform_indices = @transform_3, window_bounds = array<i64: 1000, 128>}, {transform_indices = @transform_4, window_bounds = array<i64: 1000, 128>}]} {
    %get3A = arith.constant 0 : index
    %get3A_0 = arith.constant 0 : index
    %get3A_1 = vector.load %arg1[%get3A, %get3A_0] : memref<1000x128xf32, #tpu.memory_space<vmem>>, vector<1000x128xf32>
    %get3A_2 = arith.constant 0 : index
    %get3A_3 = arith.constant 0 : index
    %get3A_4 = vector.load %arg2[%get3A_2, %get3A_3] : memref<128x128xf32, #tpu.memory_space<vmem>>, vector<128x128xf32>
    %dot_general3A = arith.constant dense<0.000000e+00> : vector<1000x128xf32>
    %dot_general3A_5 = tpu.matmul %get3A_1, %get3A_4, %dot_general3A {dimension_numbers = #tpu.dot_dimension_numbers<[1], [0], [0], [1], [0, 0, 1, 1], [], []>, transpose_lhs_hint = false} : vector<1000x128xf32>, vector<128x128xf32>, vector<1000x128xf32> -> vector<1000x128xf32>
    %swap3A = arith.constant 0 : index
    %swap3A_6 = arith.constant 0 : index
    %swap3A_7 = vector.load %arg4[%swap3A, %swap3A_6] : memref<1000x128xf32, #tpu.memory_space<vmem>>, vector<1000x128xf32>
    tpu.vector_store %arg4[%swap3A, %swap3A_6], %dot_general3A_5 {strides = array<i32>} : memref<1000x128xf32, #tpu.memory_space<vmem>>, vector<1000x128xf32>,
    %get3A_8 = arith.constant 0 : index
    %get3A_9 = arith.constant 0 : index
    %get3A_10 = vector.load %arg3[%get3A_8, %get3A_9] : memref<128x128xf32, #tpu.memory_space<vmem>>, vector<128x128xf32>
    %dot_general3A_11 = arith.constant dense<0.000000e+00> : vector<1000x128xf32>
    %dot_general3A_12 = tpu.matmul %get3A_1, %get3A_10, %dot_general3A_11 {dimension_numbers = #tpu.dot_dimension_numbers<[1], [0], [0], [1], [0, 0, 1, 1], [], []>, transpose_lhs_hint = false} : vector<1000x128xf32>, vector<128x128xf32>, vector<1000x128xf32> -> vector<1000x128xf32>
    %swap3A_13 = arith.constant 0 : index
    %swap3A_14 = arith.constant 0 : index
    %swap3A_15 = vector.load %arg5[%swap3A_13, %swap3A_14] : memref<1000x128xf32, #tpu.memory_space<vmem>>, vector<1000x128xf32>
    tpu.vector_store %arg5[%swap3A_13, %swap3A_14], %dot_general3A_12 {strides = array<i32>} : memref<1000x128xf32, #tpu.memory_space<vmem>>, vector<1000x128xf32>,
    return
  }
  func.func @transform_0(%arg0: i32) -> (i32, i32) {
    %c0_i32 = arith.constant 0 : i32
    %c0_i32_0 = arith.constant 0 : i32
    return %arg0, %c0_i32 : i32, i32
  }
  func.func @transform_1(%arg0: i32) -> (i32, i32) {
    %c0_i32 = arith.constant 0 : i32
    %c0_i32_0 = arith.constant 0 : i32
    %c0_i32_1 = arith.constant 0 : i32
    return %c0_i32, %c0_i32_0 : i32, i32
  }
  func.func @transform_2(%arg0: i32) -> (i32, i32) {
    %c0_i32 = arith.constant 0 : i32
    %c0_i32_0 = arith.constant 0 : i32
    %c0_i32_1 = arith.constant 0 : i32
    return %c0_i32, %c0_i32_0 : i32, i32
  }
  func.func @transform_3(%arg0: i32) -> (i32, i32) {
    %c0_i32 = arith.constant 0 : i32
    %c0_i32_0 = arith.constant 0 : i32
    return %arg0, %c0_i32 : i32, i32
  }
  func.func @transform_4(%arg0: i32) -> (i32, i32) {
    %c0_i32 = arith.constant 0 : i32
    %c0_i32_0 = arith.constant 0 : i32
    return %arg0, %c0_i32 : i32, i32
  }
}

module attributes {stable_mosaic.version = 14 : i64} {
  func.func @_edge_body(%arg0: i32, %arg1: memref<512x128xf32, #tpu.memory_space<vmem>>, %arg2: memref<512x128xf32, #tpu.memory_space<vmem>>, %arg3: memref<512x128xf32, #tpu.memory_space<vmem>>, %arg4: memref<128x128xf32, #tpu.memory_space<vmem>>, %arg5: memref<1x128xf32, #tpu.memory_space<vmem>>, %arg6: memref<128x128xf32, #tpu.memory_space<vmem>>, %arg7: memref<1x128xf32, #tpu.memory_space<vmem>>, %arg8: memref<128x128xf32, #tpu.memory_space<vmem>>, %arg9: memref<1x128xf32, #tpu.memory_space<vmem>>, %arg10: memref<1x128xf32, #tpu.memory_space<vmem>>, %arg11: memref<1x128xf32, #tpu.memory_space<vmem>>, %arg12: memref<512x128xf32, #tpu.memory_space<vmem>>) attributes {dimension_semantics = [#tpu.dimension_semantics<arbitrary>], iteration_bounds = array<i64: 320>, scalar_prefetch = 0 : i64, scratch_operands = 0 : i64, tpu.core_type = #tpu.core_type<tc>, window_params = [{transform_indices = @transform_0, window_bounds = array<i64: 512, 128>}, {transform_indices = @transform_1, window_bounds = array<i64: 512, 128>}, {transform_indices = @transform_2, window_bounds = array<i64: 512, 128>}, {pipeline_mode = #tpu.pipeline_mode<synchronous>, transform_indices = @transform_3, window_bounds = array<i64: 128, 128>}, {pipeline_mode = #tpu.pipeline_mode<synchronous>, transform_indices = @transform_4, window_bounds = array<i64: 1, 128>}, {pipeline_mode = #tpu.pipeline_mode<synchronous>, transform_indices = @transform_5, window_bounds = array<i64: 128, 128>}, {pipeline_mode = #tpu.pipeline_mode<synchronous>, transform_indices = @transform_6, window_bounds = array<i64: 1, 128>}, {pipeline_mode = #tpu.pipeline_mode<synchronous>, transform_indices = @transform_7, window_bounds = array<i64: 128, 128>}, {pipeline_mode = #tpu.pipeline_mode<synchronous>, transform_indices = @transform_8, window_bounds = array<i64: 1, 128>}, {pipeline_mode = #tpu.pipeline_mode<synchronous>, transform_indices = @transform_9, window_bounds = array<i64: 1, 128>}, {pipeline_mode = #tpu.pipeline_mode<synchronous>, transform_indices = @transform_10, window_bounds = array<i64: 1, 128>}, {transform_indices = @transform_11, window_bounds = array<i64: 512, 128>}]} {
    %get3A = arith.constant 0 : index
    %get3A_0 = arith.constant 0 : index
    %get3A_1 = vector.load %arg1[%get3A, %get3A_0] : memref<512x128xf32, #tpu.memory_space<vmem>>, vector<512x128xf32>
    %get3A_2 = arith.constant 0 : index
    %get3A_3 = arith.constant 0 : index
    %get3A_4 = vector.load %arg4[%get3A_2, %get3A_3] : memref<128x128xf32, #tpu.memory_space<vmem>>, vector<128x128xf32>
    %dot_general3A = arith.constant dense<0.000000e+00> : vector<512x128xf32>
    %dot_general3A_5 = tpu.matmul %get3A_1, %get3A_4, %dot_general3A {dimension_numbers = #tpu.dot_dimension_numbers<[1], [0], [0], [1], [0, 0, 1, 1], [], []>, transpose_lhs_hint = false} : vector<512x128xf32>, vector<128x128xf32>, vector<512x128xf32> -> vector<512x128xf32>
    %get3A_6 = arith.constant 0 : index
    %get3A_7 = arith.constant 0 : index
    %get3A_8 = vector.load %arg2[%get3A_6, %get3A_7] : memref<512x128xf32, #tpu.memory_space<vmem>>, vector<512x128xf32>
    %add3A = arith.addf %dot_general3A_5, %get3A_8 : vector<512x128xf32>
    %get3A_9 = arith.constant 0 : index
    %get3A_10 = arith.constant 0 : index
    %get3A_11 = vector.load %arg3[%get3A_9, %get3A_10] : memref<512x128xf32, #tpu.memory_space<vmem>>, vector<512x128xf32>
    %add3A_12 = arith.addf %add3A, %get3A_11 : vector<512x128xf32>
    %get3A_13 = arith.constant 0 : index
    %get3A_14 = arith.constant 0 : index
    %get3A_15 = vector.load %arg5[%get3A_13, %get3A_14] : memref<1x128xf32, #tpu.memory_space<vmem>>, vector<1x128xf32>
    %add3A_16 = vector.broadcast %get3A_15 : vector<1x128xf32> to vector<512x128xf32>
    %add3A_17 = arith.addf %add3A_12, %add3A_16 : vector<512x128xf32>
    %max3A = arith.constant 0.000000e+00 : f32
    %max3A_18 = vector.broadcast %max3A : f32 to vector<512x128xf32>
    %max3A_19 = arith.maximumf %add3A_17, %max3A_18 : vector<512x128xf32>
    %get3A_20 = arith.constant 0 : index
    %get3A_21 = arith.constant 0 : index
    %get3A_22 = vector.load %arg6[%get3A_20, %get3A_21] : memref<128x128xf32, #tpu.memory_space<vmem>>, vector<128x128xf32>
    %dot_general3A_23 = arith.constant dense<0.000000e+00> : vector<512x128xf32>
    %dot_general3A_24 = tpu.matmul %max3A_19, %get3A_22, %dot_general3A_23 {dimension_numbers = #tpu.dot_dimension_numbers<[1], [0], [0], [1], [0, 0, 1, 1], [], []>, transpose_lhs_hint = false} : vector<512x128xf32>, vector<128x128xf32>, vector<512x128xf32> -> vector<512x128xf32>
    %get3A_25 = arith.constant 0 : index
    %get3A_26 = arith.constant 0 : index
    %get3A_27 = vector.load %arg7[%get3A_25, %get3A_26] : memref<1x128xf32, #tpu.memory_space<vmem>>, vector<1x128xf32>
    %add3A_28 = vector.broadcast %get3A_27 : vector<1x128xf32> to vector<512x128xf32>
    %add3A_29 = arith.addf %dot_general3A_24, %add3A_28 : vector<512x128xf32>
    %max3A_30 = arith.constant 0.000000e+00 : f32
    %max3A_31 = vector.broadcast %max3A_30 : f32 to vector<512x128xf32>
    %max3A_32 = arith.maximumf %add3A_29, %max3A_31 : vector<512x128xf32>
    %get3A_33 = arith.constant 0 : index
    %get3A_34 = arith.constant 0 : index
    %get3A_35 = vector.load %arg8[%get3A_33, %get3A_34] : memref<128x128xf32, #tpu.memory_space<vmem>>, vector<128x128xf32>
    %dot_general3A_36 = arith.constant dense<0.000000e+00> : vector<512x128xf32>
    %dot_general3A_37 = tpu.matmul %max3A_32, %get3A_35, %dot_general3A_36 {dimension_numbers = #tpu.dot_dimension_numbers<[1], [0], [0], [1], [0, 0, 1, 1], [], []>, transpose_lhs_hint = false} : vector<512x128xf32>, vector<128x128xf32>, vector<512x128xf32> -> vector<512x128xf32>
    %get3A_38 = arith.constant 0 : index
    %get3A_39 = arith.constant 0 : index
    %get3A_40 = vector.load %arg9[%get3A_38, %get3A_39] : memref<1x128xf32, #tpu.memory_space<vmem>>, vector<1x128xf32>
    %add3A_41 = vector.broadcast %get3A_40 : vector<1x128xf32> to vector<512x128xf32>
    %add3A_42 = arith.addf %dot_general3A_37, %add3A_41 : vector<512x128xf32>
    %get3A_43 = arith.constant 0 : index
    %get3A_44 = arith.constant 0 : index
    %get3A_45 = vector.load %arg10[%get3A_43, %get3A_44] : memref<1x128xf32, #tpu.memory_space<vmem>>, vector<1x128xf32>
    %get3A_46 = arith.constant 0 : index
    %get3A_47 = arith.constant 0 : index
    %get3A_48 = vector.load %arg11[%get3A_46, %get3A_47] : memref<1x128xf32, #tpu.memory_space<vmem>>, vector<1x128xf32>
    %reduce_sum3A = arith.constant dense<0.000000e+00> : vector<512xf32>
    %reduce_sum3A_49 = vector.multi_reduction <add>, %add3A_42, %reduce_sum3A [1] : vector<512x128xf32> to vector<512xf32>
    %broadcast_in_dim3A = vector.shape_cast %reduce_sum3A_49 : vector<512xf32> to vector<512x1xf32>
    %div3A = arith.constant 1.280000e+02 : f32
    %div3A_50 = vector.broadcast %div3A : f32 to vector<512x1xf32>
    %div3A_51 = arith.divf %broadcast_in_dim3A, %div3A_50 : vector<512x1xf32>
    %jit3A = arith.constant 0 : i32
    %reduce_sum3A_52 = arith.constant dense<0.000000e+00> : vector<512xf32>
    %reduce_sum3A_53 = vector.multi_reduction <add>, %add3A_42, %reduce_sum3A_52 [1] : vector<512x128xf32> to vector<512xf32>
    %broadcast_in_dim3A_54 = vector.shape_cast %reduce_sum3A_53 : vector<512xf32> to vector<512x1xf32>
    %div3A_55 = arith.constant 1.280000e+02 : f32
    %div3A_56 = vector.broadcast %div3A_55 : f32 to vector<512x1xf32>
    %div3A_57 = arith.divf %broadcast_in_dim3A_54, %div3A_56 : vector<512x1xf32>
    %sub3A = vector.broadcast %div3A_57 : vector<512x1xf32> to vector<512x128xf32>
    %sub3A_58 = arith.subf %add3A_42, %sub3A : vector<512x128xf32>
    %square3A = arith.mulf %sub3A_58, %sub3A_58 : vector<512x128xf32>
    %convert_element_type3A = arith.sitofp %jit3A : i32 to f32
    %sub3A_59 = arith.constant 1.280000e+02 : f32
    %sub3A_60 = arith.subf %sub3A_59, %convert_element_type3A : f32
    %reduce_sum3A_61 = arith.constant dense<0.000000e+00> : vector<512xf32>
    %reduce_sum3A_62 = vector.multi_reduction <add>, %square3A, %reduce_sum3A_61 [1] : vector<512x128xf32> to vector<512xf32>
    %broadcast_in_dim3A_63 = vector.shape_cast %reduce_sum3A_62 : vector<512xf32> to vector<512x1xf32>
    %div3A_64 = vector.broadcast %sub3A_60 : f32 to vector<512x1xf32>
    %div3A_65 = arith.divf %broadcast_in_dim3A_63, %div3A_64 : vector<512x1xf32>
    %gt3A = arith.constant 0.000000e+00 : f32
    %gt3A_66 = arith.cmpf ogt, %sub3A_60, %gt3A : f32
    %jit3A_67 = arith.constant 0x7FC00000 : f32
    %broadcast_in_dim3A_68 = vector.broadcast %jit3A_67 : f32 to vector<512x1xf32>
    %select_n3A = arith.select %gt3A_66, %div3A_65, %broadcast_in_dim3A_68 : vector<512x1xf32>
    %sub3A_69 = vector.broadcast %div3A_51 : vector<512x1xf32> to vector<512x128xf32>
    %sub3A_70 = arith.subf %add3A_42, %sub3A_69 : vector<512x128xf32>
    %add3A_71 = arith.constant 9.99999974E-6 : f32
    %add3A_72 = vector.broadcast %add3A_71 : f32 to vector<512x1xf32>
    %add3A_73 = arith.addf %select_n3A, %add3A_72 : vector<512x1xf32>
    %sqrt3A = math.sqrt %add3A_73 : vector<512x1xf32>
    %div3A_74 = vector.broadcast %sqrt3A : vector<512x1xf32> to vector<512x128xf32>
    %div3A_75 = arith.divf %sub3A_70, %div3A_74 : vector<512x128xf32>
    %mul3A = vector.broadcast %get3A_45 : vector<1x128xf32> to vector<512x128xf32>
    %mul3A_76 = arith.mulf %div3A_75, %mul3A : vector<512x128xf32>
    %add3A_77 = vector.broadcast %get3A_48 : vector<1x128xf32> to vector<512x128xf32>
    %add3A_78 = arith.addf %mul3A_76, %add3A_77 : vector<512x128xf32>
    %add3A_79 = arith.addf %get3A_1, %add3A_78 : vector<512x128xf32>
    %swap3A = arith.constant 0 : index
    %swap3A_80 = arith.constant 0 : index
    %swap3A_81 = vector.load %arg12[%swap3A, %swap3A_80] : memref<512x128xf32, #tpu.memory_space<vmem>>, vector<512x128xf32>
    tpu.vector_store %arg12[%swap3A, %swap3A_80], %add3A_79 {strides = array<i32>} : memref<512x128xf32, #tpu.memory_space<vmem>>, vector<512x128xf32>,
    return
  }
  func.func @transform_0(%arg0: i32) -> (i32, i32) {
    %c0_i32 = arith.constant 0 : i32
    %c0_i32_0 = arith.constant 0 : i32
    return %arg0, %c0_i32 : i32, i32
  }
  func.func @transform_1(%arg0: i32) -> (i32, i32) {
    %c0_i32 = arith.constant 0 : i32
    %c0_i32_0 = arith.constant 0 : i32
    return %arg0, %c0_i32 : i32, i32
  }
  func.func @transform_2(%arg0: i32) -> (i32, i32) {
    %c0_i32 = arith.constant 0 : i32
    %c0_i32_0 = arith.constant 0 : i32
    return %arg0, %c0_i32 : i32, i32
  }
  func.func @transform_3(%arg0: i32) -> (i32, i32) {
    %c0_i32 = arith.constant 0 : i32
    %c0_i32_0 = arith.constant 0 : i32
    %c0_i32_1 = arith.constant 0 : i32
    return %c0_i32, %c0_i32_0 : i32, i32
  }
  func.func @transform_4(%arg0: i32) -> (i32, i32) {
    %c0_i32 = arith.constant 0 : i32
    %c0_i32_0 = arith.constant 0 : i32
    %c0_i32_1 = arith.constant 0 : i32
    return %c0_i32, %c0_i32_0 : i32, i32
  }
  func.func @transform_5(%arg0: i32) -> (i32, i32) {
    %c0_i32 = arith.constant 0 : i32
    %c0_i32_0 = arith.constant 0 : i32
    %c0_i32_1 = arith.constant 0 : i32
    return %c0_i32, %c0_i32_0 : i32, i32
  }
  func.func @transform_6(%arg0: i32) -> (i32, i32) {
    %c0_i32 = arith.constant 0 : i32
    %c0_i32_0 = arith.constant 0 : i32
    %c0_i32_1 = arith.constant 0 : i32
    return %c0_i32, %c0_i32_0 : i32, i32
  }
  func.func @transform_7(%arg0: i32) -> (i32, i32) {
    %c0_i32 = arith.constant 0 : i32
    %c0_i32_0 = arith.constant 0 : i32
    %c0_i32_1 = arith.constant 0 : i32
    return %c0_i32, %c0_i32_0 : i32, i32
  }
  func.func @transform_8(%arg0: i32) -> (i32, i32) {
    %c0_i32 = arith.constant 0 : i32
    %c0_i32_0 = arith.constant 0 : i32
    %c0_i32_1 = arith.constant 0 : i32
    return %c0_i32, %c0_i32_0 : i32, i32
  }
  func.func @transform_9(%arg0: i32) -> (i32, i32) {
    %c0_i32 = arith.constant 0 : i32
    %c0_i32_0 = arith.constant 0 : i32
    %c0_i32_1 = arith.constant 0 : i32
    return %c0_i32, %c0_i32_0 : i32, i32
  }
  func.func @transform_10(%arg0: i32) -> (i32, i32) {
    %c0_i32 = arith.constant 0 : i32
    %c0_i32_0 = arith.constant 0 : i32
    %c0_i32_1 = arith.constant 0 : i32
    return %c0_i32, %c0_i32_0 : i32, i32
  }
  func.func @transform_11(%arg0: i32) -> (i32, i32) {
    %c0_i32 = arith.constant 0 : i32
    %c0_i32_0 = arith.constant 0 : i32
    return %arg0, %c0_i32 : i32, i32
  }
}

module attributes {stable_mosaic.version = 14 : i64} {
  func.func @_edge_body(%arg0: i32, %arg1: memref<512x128xf32, #tpu.memory_space<vmem>>, %arg2: memref<512x128xf32, #tpu.memory_space<vmem>>, %arg3: memref<512x128xf32, #tpu.memory_space<vmem>>, %arg4: memref<128x128xf32, #tpu.memory_space<vmem>>, %arg5: memref<1x128xf32, #tpu.memory_space<vmem>>, %arg6: memref<128x128xf32, #tpu.memory_space<vmem>>, %arg7: memref<1x128xf32, #tpu.memory_space<vmem>>, %arg8: memref<128x128xf32, #tpu.memory_space<vmem>>, %arg9: memref<1x128xf32, #tpu.memory_space<vmem>>, %arg10: memref<1x128xf32, #tpu.memory_space<vmem>>, %arg11: memref<1x128xf32, #tpu.memory_space<vmem>>, %arg12: memref<512x128xf32, #tpu.memory_space<vmem>>) attributes {dimension_semantics = [#tpu.dimension_semantics<arbitrary>], iteration_bounds = array<i64: 305>, scalar_prefetch = 0 : i64, scratch_operands = 0 : i64, tpu.core_type = #tpu.core_type<tc>, window_params = [{transform_indices = @transform_0, window_bounds = array<i64: 512, 128>}, {transform_indices = @transform_1, window_bounds = array<i64: 512, 128>}, {transform_indices = @transform_2, window_bounds = array<i64: 512, 128>}, {pipeline_mode = #tpu.pipeline_mode<synchronous>, transform_indices = @transform_3, window_bounds = array<i64: 128, 128>}, {pipeline_mode = #tpu.pipeline_mode<synchronous>, transform_indices = @transform_4, window_bounds = array<i64: 1, 128>}, {pipeline_mode = #tpu.pipeline_mode<synchronous>, transform_indices = @transform_5, window_bounds = array<i64: 128, 128>}, {pipeline_mode = #tpu.pipeline_mode<synchronous>, transform_indices = @transform_6, window_bounds = array<i64: 1, 128>}, {pipeline_mode = #tpu.pipeline_mode<synchronous>, transform_indices = @transform_7, window_bounds = array<i64: 128, 128>}, {pipeline_mode = #tpu.pipeline_mode<synchronous>, transform_indices = @transform_8, window_bounds = array<i64: 1, 128>}, {pipeline_mode = #tpu.pipeline_mode<synchronous>, transform_indices = @transform_9, window_bounds = array<i64: 1, 128>}, {pipeline_mode = #tpu.pipeline_mode<synchronous>, transform_indices = @transform_10, window_bounds = array<i64: 1, 128>}, {transform_indices = @transform_11, window_bounds = array<i64: 512, 128>}]} {
    %get3A = arith.constant 0 : index
    %get3A_0 = arith.constant 0 : index
    %get3A_1 = vector.load %arg1[%get3A, %get3A_0] : memref<512x128xf32, #tpu.memory_space<vmem>>, vector<512x128xf32>
    %get3A_2 = arith.constant 0 : index
    %get3A_3 = arith.constant 0 : index
    %get3A_4 = vector.load %arg4[%get3A_2, %get3A_3] : memref<128x128xf32, #tpu.memory_space<vmem>>, vector<128x128xf32>
    %dot_general3A = arith.constant dense<0.000000e+00> : vector<512x128xf32>
    %dot_general3A_5 = tpu.matmul %get3A_1, %get3A_4, %dot_general3A {dimension_numbers = #tpu.dot_dimension_numbers<[1], [0], [0], [1], [0, 0, 1, 1], [], []>, transpose_lhs_hint = false} : vector<512x128xf32>, vector<128x128xf32>, vector<512x128xf32> -> vector<512x128xf32>
    %get3A_6 = arith.constant 0 : index
    %get3A_7 = arith.constant 0 : index
    %get3A_8 = vector.load %arg2[%get3A_6, %get3A_7] : memref<512x128xf32, #tpu.memory_space<vmem>>, vector<512x128xf32>
    %add3A = arith.addf %dot_general3A_5, %get3A_8 : vector<512x128xf32>
    %get3A_9 = arith.constant 0 : index
    %get3A_10 = arith.constant 0 : index
    %get3A_11 = vector.load %arg3[%get3A_9, %get3A_10] : memref<512x128xf32, #tpu.memory_space<vmem>>, vector<512x128xf32>
    %add3A_12 = arith.addf %add3A, %get3A_11 : vector<512x128xf32>
    %get3A_13 = arith.constant 0 : index
    %get3A_14 = arith.constant 0 : index
    %get3A_15 = vector.load %arg5[%get3A_13, %get3A_14] : memref<1x128xf32, #tpu.memory_space<vmem>>, vector<1x128xf32>
    %add3A_16 = vector.broadcast %get3A_15 : vector<1x128xf32> to vector<512x128xf32>
    %add3A_17 = arith.addf %add3A_12, %add3A_16 : vector<512x128xf32>
    %max3A = arith.constant 0.000000e+00 : f32
    %max3A_18 = vector.broadcast %max3A : f32 to vector<512x128xf32>
    %max3A_19 = arith.maximumf %add3A_17, %max3A_18 : vector<512x128xf32>
    %get3A_20 = arith.constant 0 : index
    %get3A_21 = arith.constant 0 : index
    %get3A_22 = vector.load %arg6[%get3A_20, %get3A_21] : memref<128x128xf32, #tpu.memory_space<vmem>>, vector<128x128xf32>
    %dot_general3A_23 = arith.constant dense<0.000000e+00> : vector<512x128xf32>
    %dot_general3A_24 = tpu.matmul %max3A_19, %get3A_22, %dot_general3A_23 {dimension_numbers = #tpu.dot_dimension_numbers<[1], [0], [0], [1], [0, 0, 1, 1], [], []>, transpose_lhs_hint = false} : vector<512x128xf32>, vector<128x128xf32>, vector<512x128xf32> -> vector<512x128xf32>
    %get3A_25 = arith.constant 0 : index
    %get3A_26 = arith.constant 0 : index
    %get3A_27 = vector.load %arg7[%get3A_25, %get3A_26] : memref<1x128xf32, #tpu.memory_space<vmem>>, vector<1x128xf32>
    %add3A_28 = vector.broadcast %get3A_27 : vector<1x128xf32> to vector<512x128xf32>
    %add3A_29 = arith.addf %dot_general3A_24, %add3A_28 : vector<512x128xf32>
    %max3A_30 = arith.constant 0.000000e+00 : f32
    %max3A_31 = vector.broadcast %max3A_30 : f32 to vector<512x128xf32>
    %max3A_32 = arith.maximumf %add3A_29, %max3A_31 : vector<512x128xf32>
    %get3A_33 = arith.constant 0 : index
    %get3A_34 = arith.constant 0 : index
    %get3A_35 = vector.load %arg8[%get3A_33, %get3A_34] : memref<128x128xf32, #tpu.memory_space<vmem>>, vector<128x128xf32>
    %dot_general3A_36 = arith.constant dense<0.000000e+00> : vector<512x128xf32>
    %dot_general3A_37 = tpu.matmul %max3A_32, %get3A_35, %dot_general3A_36 {dimension_numbers = #tpu.dot_dimension_numbers<[1], [0], [0], [1], [0, 0, 1, 1], [], []>, transpose_lhs_hint = false} : vector<512x128xf32>, vector<128x128xf32>, vector<512x128xf32> -> vector<512x128xf32>
    %get3A_38 = arith.constant 0 : index
    %get3A_39 = arith.constant 0 : index
    %get3A_40 = vector.load %arg9[%get3A_38, %get3A_39] : memref<1x128xf32, #tpu.memory_space<vmem>>, vector<1x128xf32>
    %add3A_41 = vector.broadcast %get3A_40 : vector<1x128xf32> to vector<512x128xf32>
    %add3A_42 = arith.addf %dot_general3A_37, %add3A_41 : vector<512x128xf32>
    %get3A_43 = arith.constant 0 : index
    %get3A_44 = arith.constant 0 : index
    %get3A_45 = vector.load %arg10[%get3A_43, %get3A_44] : memref<1x128xf32, #tpu.memory_space<vmem>>, vector<1x128xf32>
    %get3A_46 = arith.constant 0 : index
    %get3A_47 = arith.constant 0 : index
    %get3A_48 = vector.load %arg11[%get3A_46, %get3A_47] : memref<1x128xf32, #tpu.memory_space<vmem>>, vector<1x128xf32>
    %reduce_sum3A = arith.constant dense<0.000000e+00> : vector<512xf32>
    %reduce_sum3A_49 = vector.multi_reduction <add>, %add3A_42, %reduce_sum3A [1] : vector<512x128xf32> to vector<512xf32>
    %broadcast_in_dim3A = vector.shape_cast %reduce_sum3A_49 : vector<512xf32> to vector<512x1xf32>
    %div3A = arith.constant 1.280000e+02 : f32
    %div3A_50 = vector.broadcast %div3A : f32 to vector<512x1xf32>
    %div3A_51 = arith.divf %broadcast_in_dim3A, %div3A_50 : vector<512x1xf32>
    %jit3A = arith.constant 0 : i32
    %reduce_sum3A_52 = arith.constant dense<0.000000e+00> : vector<512xf32>
    %reduce_sum3A_53 = vector.multi_reduction <add>, %add3A_42, %reduce_sum3A_52 [1] : vector<512x128xf32> to vector<512xf32>
    %broadcast_in_dim3A_54 = vector.shape_cast %reduce_sum3A_53 : vector<512xf32> to vector<512x1xf32>
    %div3A_55 = arith.constant 1.280000e+02 : f32
    %div3A_56 = vector.broadcast %div3A_55 : f32 to vector<512x1xf32>
    %div3A_57 = arith.divf %broadcast_in_dim3A_54, %div3A_56 : vector<512x1xf32>
    %sub3A = vector.broadcast %div3A_57 : vector<512x1xf32> to vector<512x128xf32>
    %sub3A_58 = arith.subf %add3A_42, %sub3A : vector<512x128xf32>
    %square3A = arith.mulf %sub3A_58, %sub3A_58 : vector<512x128xf32>
    %convert_element_type3A = arith.sitofp %jit3A : i32 to f32
    %sub3A_59 = arith.constant 1.280000e+02 : f32
    %sub3A_60 = arith.subf %sub3A_59, %convert_element_type3A : f32
    %reduce_sum3A_61 = arith.constant dense<0.000000e+00> : vector<512xf32>
    %reduce_sum3A_62 = vector.multi_reduction <add>, %square3A, %reduce_sum3A_61 [1] : vector<512x128xf32> to vector<512xf32>
    %broadcast_in_dim3A_63 = vector.shape_cast %reduce_sum3A_62 : vector<512xf32> to vector<512x1xf32>
    %div3A_64 = vector.broadcast %sub3A_60 : f32 to vector<512x1xf32>
    %div3A_65 = arith.divf %broadcast_in_dim3A_63, %div3A_64 : vector<512x1xf32>
    %gt3A = arith.constant 0.000000e+00 : f32
    %gt3A_66 = arith.cmpf ogt, %sub3A_60, %gt3A : f32
    %jit3A_67 = arith.constant 0x7FC00000 : f32
    %broadcast_in_dim3A_68 = vector.broadcast %jit3A_67 : f32 to vector<512x1xf32>
    %select_n3A = arith.select %gt3A_66, %div3A_65, %broadcast_in_dim3A_68 : vector<512x1xf32>
    %sub3A_69 = vector.broadcast %div3A_51 : vector<512x1xf32> to vector<512x128xf32>
    %sub3A_70 = arith.subf %add3A_42, %sub3A_69 : vector<512x128xf32>
    %add3A_71 = arith.constant 9.99999974E-6 : f32
    %add3A_72 = vector.broadcast %add3A_71 : f32 to vector<512x1xf32>
    %add3A_73 = arith.addf %select_n3A, %add3A_72 : vector<512x1xf32>
    %sqrt3A = math.sqrt %add3A_73 : vector<512x1xf32>
    %div3A_74 = vector.broadcast %sqrt3A : vector<512x1xf32> to vector<512x128xf32>
    %div3A_75 = arith.divf %sub3A_70, %div3A_74 : vector<512x128xf32>
    %mul3A = vector.broadcast %get3A_45 : vector<1x128xf32> to vector<512x128xf32>
    %mul3A_76 = arith.mulf %div3A_75, %mul3A : vector<512x128xf32>
    %add3A_77 = vector.broadcast %get3A_48 : vector<1x128xf32> to vector<512x128xf32>
    %add3A_78 = arith.addf %mul3A_76, %add3A_77 : vector<512x128xf32>
    %add3A_79 = arith.addf %get3A_1, %add3A_78 : vector<512x128xf32>
    %swap3A = arith.constant 0 : index
    %swap3A_80 = arith.constant 0 : index
    %swap3A_81 = vector.load %arg12[%swap3A, %swap3A_80] : memref<512x128xf32, #tpu.memory_space<vmem>>, vector<512x128xf32>
    tpu.vector_store %arg12[%swap3A, %swap3A_80], %add3A_79 {strides = array<i32>} : memref<512x128xf32, #tpu.memory_space<vmem>>, vector<512x128xf32>,
    return
  }
  func.func @transform_0(%arg0: i32) -> (i32, i32) {
    %c0_i32 = arith.constant 0 : i32
    %c0_i32_0 = arith.constant 0 : i32
    return %arg0, %c0_i32 : i32, i32
  }
  func.func @transform_1(%arg0: i32) -> (i32, i32) {
    %c0_i32 = arith.constant 0 : i32
    %c0_i32_0 = arith.constant 0 : i32
    return %arg0, %c0_i32 : i32, i32
  }
  func.func @transform_2(%arg0: i32) -> (i32, i32) {
    %c0_i32 = arith.constant 0 : i32
    %c0_i32_0 = arith.constant 0 : i32
    return %arg0, %c0_i32 : i32, i32
  }
  func.func @transform_3(%arg0: i32) -> (i32, i32) {
    %c0_i32 = arith.constant 0 : i32
    %c0_i32_0 = arith.constant 0 : i32
    %c0_i32_1 = arith.constant 0 : i32
    return %c0_i32, %c0_i32_0 : i32, i32
  }
  func.func @transform_4(%arg0: i32) -> (i32, i32) {
    %c0_i32 = arith.constant 0 : i32
    %c0_i32_0 = arith.constant 0 : i32
    %c0_i32_1 = arith.constant 0 : i32
    return %c0_i32, %c0_i32_0 : i32, i32
  }
  func.func @transform_5(%arg0: i32) -> (i32, i32) {
    %c0_i32 = arith.constant 0 : i32
    %c0_i32_0 = arith.constant 0 : i32
    %c0_i32_1 = arith.constant 0 : i32
    return %c0_i32, %c0_i32_0 : i32, i32
  }
  func.func @transform_6(%arg0: i32) -> (i32, i32) {
    %c0_i32 = arith.constant 0 : i32
    %c0_i32_0 = arith.constant 0 : i32
    %c0_i32_1 = arith.constant 0 : i32
    return %c0_i32, %c0_i32_0 : i32, i32
  }
  func.func @transform_7(%arg0: i32) -> (i32, i32) {
    %c0_i32 = arith.constant 0 : i32
    %c0_i32_0 = arith.constant 0 : i32
    %c0_i32_1 = arith.constant 0 : i32
    return %c0_i32, %c0_i32_0 : i32, i32
  }
  func.func @transform_8(%arg0: i32) -> (i32, i32) {
    %c0_i32 = arith.constant 0 : i32
    %c0_i32_0 = arith.constant 0 : i32
    %c0_i32_1 = arith.constant 0 : i32
    return %c0_i32, %c0_i32_0 : i32, i32
  }
  func.func @transform_9(%arg0: i32) -> (i32, i32) {
    %c0_i32 = arith.constant 0 : i32
    %c0_i32_0 = arith.constant 0 : i32
    %c0_i32_1 = arith.constant 0 : i32
    return %c0_i32, %c0_i32_0 : i32, i32
  }
  func.func @transform_10(%arg0: i32) -> (i32, i32) {
    %c0_i32 = arith.constant 0 : i32
    %c0_i32_0 = arith.constant 0 : i32
    %c0_i32_1 = arith.constant 0 : i32
    return %c0_i32, %c0_i32_0 : i32, i32
  }
  func.func @transform_11(%arg0: i32) -> (i32, i32) {
    %c0_i32 = arith.constant 0 : i32
    %c0_i32_0 = arith.constant 0 : i32
    return %arg0, %c0_i32 : i32, i32
  }
}

module attributes {stable_mosaic.version = 14 : i64} {
  func.func @_node_body(%arg0: i32, %arg1: memref<1000x128xf32, #tpu.memory_space<vmem>>, %arg2: memref<1000x128xf32, #tpu.memory_space<vmem>>, %arg3: memref<1000x128xf32, #tpu.memory_space<vmem>>, %arg4: memref<1000x128xf32, #tpu.memory_space<vmem>>, %arg5: memref<1000x128xf32, #tpu.memory_space<vmem>>, %arg6: memref<128x128xf32, #tpu.memory_space<vmem>>, %arg7: memref<128x128xf32, #tpu.memory_space<vmem>>, %arg8: memref<1x128xf32, #tpu.memory_space<vmem>>, %arg9: memref<128x128xf32, #tpu.memory_space<vmem>>, %arg10: memref<1x128xf32, #tpu.memory_space<vmem>>, %arg11: memref<128x128xf32, #tpu.memory_space<vmem>>, %arg12: memref<1x128xf32, #tpu.memory_space<vmem>>, %arg13: memref<1x128xf32, #tpu.memory_space<vmem>>, %arg14: memref<1x128xf32, #tpu.memory_space<vmem>>, %arg15: memref<1000x128xf32, #tpu.memory_space<vmem>>) attributes {dimension_semantics = [#tpu.dimension_semantics<arbitrary>], iteration_bounds = array<i64: 10>, scalar_prefetch = 0 : i64, scratch_operands = 0 : i64, tpu.core_type = #tpu.core_type<tc>, window_params = [{transform_indices = @transform_0, window_bounds = array<i64: 1000, 128>}, {transform_indices = @transform_1, window_bounds = array<i64: 1000, 128>}, {transform_indices = @transform_2, window_bounds = array<i64: 1000, 128>}, {transform_indices = @transform_3, window_bounds = array<i64: 1000, 128>}, {transform_indices = @transform_4, window_bounds = array<i64: 1000, 128>}, {pipeline_mode = #tpu.pipeline_mode<synchronous>, transform_indices = @transform_5, window_bounds = array<i64: 128, 128>}, {pipeline_mode = #tpu.pipeline_mode<synchronous>, transform_indices = @transform_6, window_bounds = array<i64: 128, 128>}, {pipeline_mode = #tpu.pipeline_mode<synchronous>, transform_indices = @transform_7, window_bounds = array<i64: 1, 128>}, {pipeline_mode = #tpu.pipeline_mode<synchronous>, transform_indices = @transform_8, window_bounds = array<i64: 128, 128>}, {pipeline_mode = #tpu.pipeline_mode<synchronous>, transform_indices = @transform_9, window_bounds = array<i64: 1, 128>}, {pipeline_mode = #tpu.pipeline_mode<synchronous>, transform_indices = @transform_10, window_bounds = array<i64: 128, 128>}, {pipeline_mode = #tpu.pipeline_mode<synchronous>, transform_indices = @transform_11, window_bounds = array<i64: 1, 128>}, {pipeline_mode = #tpu.pipeline_mode<synchronous>, transform_indices = @transform_12, window_bounds = array<i64: 1, 128>}, {pipeline_mode = #tpu.pipeline_mode<synchronous>, transform_indices = @transform_13, window_bounds = array<i64: 1, 128>}, {transform_indices = @transform_14, window_bounds = array<i64: 1000, 128>}]} {
    %get3A = arith.constant 0 : index
    %get3A_0 = arith.constant 0 : index
    %get3A_1 = vector.load %arg1[%get3A, %get3A_0] : memref<1000x128xf32, #tpu.memory_space<vmem>>, vector<1000x128xf32>
    %get3A_2 = arith.constant 0 : index
    %get3A_3 = arith.constant 0 : index
    %get3A_4 = vector.load %arg2[%get3A_2, %get3A_3] : memref<1000x128xf32, #tpu.memory_space<vmem>>, vector<1000x128xf32>
    %get3A_5 = arith.constant 0 : index
    %get3A_6 = arith.constant 0 : index
    %get3A_7 = vector.load %arg3[%get3A_5, %get3A_6] : memref<1000x128xf32, #tpu.memory_space<vmem>>, vector<1000x128xf32>
    %add3A = arith.addf %get3A_4, %get3A_7 : vector<1000x128xf32>
    %get3A_8 = arith.constant 0 : index
    %get3A_9 = arith.constant 0 : index
    %get3A_10 = vector.load %arg4[%get3A_8, %get3A_9] : memref<1000x128xf32, #tpu.memory_space<vmem>>, vector<1000x128xf32>
    %add3A_11 = arith.addf %add3A, %get3A_10 : vector<1000x128xf32>
    %get3A_12 = arith.constant 0 : index
    %get3A_13 = arith.constant 0 : index
    %get3A_14 = vector.load %arg5[%get3A_12, %get3A_13] : memref<1000x128xf32, #tpu.memory_space<vmem>>, vector<1000x128xf32>
    %add3A_15 = arith.addf %add3A_11, %get3A_14 : vector<1000x128xf32>
    %get3A_16 = arith.constant 0 : index
    %get3A_17 = arith.constant 0 : index
    %get3A_18 = vector.load %arg6[%get3A_16, %get3A_17] : memref<128x128xf32, #tpu.memory_space<vmem>>, vector<128x128xf32>
    %dot_general3A = arith.constant dense<0.000000e+00> : vector<1000x128xf32>
    %dot_general3A_19 = tpu.matmul %get3A_1, %get3A_18, %dot_general3A {dimension_numbers = #tpu.dot_dimension_numbers<[1], [0], [0], [1], [0, 0, 1, 1], [], []>, transpose_lhs_hint = false} : vector<1000x128xf32>, vector<128x128xf32>, vector<1000x128xf32> -> vector<1000x128xf32>
    %get3A_20 = arith.constant 0 : index
    %get3A_21 = arith.constant 0 : index
    %get3A_22 = vector.load %arg7[%get3A_20, %get3A_21] : memref<128x128xf32, #tpu.memory_space<vmem>>, vector<128x128xf32>
    %dot_general3A_23 = arith.constant dense<0.000000e+00> : vector<1000x128xf32>
    %dot_general3A_24 = tpu.matmul %add3A_15, %get3A_22, %dot_general3A_23 {dimension_numbers = #tpu.dot_dimension_numbers<[1], [0], [0], [1], [0, 0, 1, 1], [], []>, transpose_lhs_hint = false} : vector<1000x128xf32>, vector<128x128xf32>, vector<1000x128xf32> -> vector<1000x128xf32>
    %add3A_25 = arith.addf %dot_general3A_19, %dot_general3A_24 : vector<1000x128xf32>
    %get3A_26 = arith.constant 0 : index
    %get3A_27 = arith.constant 0 : index
    %get3A_28 = vector.load %arg8[%get3A_26, %get3A_27] : memref<1x128xf32, #tpu.memory_space<vmem>>, vector<1x128xf32>
    %add3A_29 = vector.broadcast %get3A_28 : vector<1x128xf32> to vector<1000x128xf32>
    %add3A_30 = arith.addf %add3A_25, %add3A_29 : vector<1000x128xf32>
    %max3A = arith.constant 0.000000e+00 : f32
    %max3A_31 = vector.broadcast %max3A : f32 to vector<1000x128xf32>
    %max3A_32 = arith.maximumf %add3A_30, %max3A_31 : vector<1000x128xf32>
    %get3A_33 = arith.constant 0 : index
    %get3A_34 = arith.constant 0 : index
    %get3A_35 = vector.load %arg9[%get3A_33, %get3A_34] : memref<128x128xf32, #tpu.memory_space<vmem>>, vector<128x128xf32>
    %dot_general3A_36 = arith.constant dense<0.000000e+00> : vector<1000x128xf32>
    %dot_general3A_37 = tpu.matmul %max3A_32, %get3A_35, %dot_general3A_36 {dimension_numbers = #tpu.dot_dimension_numbers<[1], [0], [0], [1], [0, 0, 1, 1], [], []>, transpose_lhs_hint = false} : vector<1000x128xf32>, vector<128x128xf32>, vector<1000x128xf32> -> vector<1000x128xf32>
    %get3A_38 = arith.constant 0 : index
    %get3A_39 = arith.constant 0 : index
    %get3A_40 = vector.load %arg10[%get3A_38, %get3A_39] : memref<1x128xf32, #tpu.memory_space<vmem>>, vector<1x128xf32>
    %add3A_41 = vector.broadcast %get3A_40 : vector<1x128xf32> to vector<1000x128xf32>
    %add3A_42 = arith.addf %dot_general3A_37, %add3A_41 : vector<1000x128xf32>
    %max3A_43 = arith.constant 0.000000e+00 : f32
    %max3A_44 = vector.broadcast %max3A_43 : f32 to vector<1000x128xf32>
    %max3A_45 = arith.maximumf %add3A_42, %max3A_44 : vector<1000x128xf32>
    %get3A_46 = arith.constant 0 : index
    %get3A_47 = arith.constant 0 : index
    %get3A_48 = vector.load %arg11[%get3A_46, %get3A_47] : memref<128x128xf32, #tpu.memory_space<vmem>>, vector<128x128xf32>
    %dot_general3A_49 = arith.constant dense<0.000000e+00> : vector<1000x128xf32>
    %dot_general3A_50 = tpu.matmul %max3A_45, %get3A_48, %dot_general3A_49 {dimension_numbers = #tpu.dot_dimension_numbers<[1], [0], [0], [1], [0, 0, 1, 1], [], []>, transpose_lhs_hint = false} : vector<1000x128xf32>, vector<128x128xf32>, vector<1000x128xf32> -> vector<1000x128xf32>
    %get3A_51 = arith.constant 0 : index
    %get3A_52 = arith.constant 0 : index
    %get3A_53 = vector.load %arg12[%get3A_51, %get3A_52] : memref<1x128xf32, #tpu.memory_space<vmem>>, vector<1x128xf32>
    %add3A_54 = vector.broadcast %get3A_53 : vector<1x128xf32> to vector<1000x128xf32>
    %add3A_55 = arith.addf %dot_general3A_50, %add3A_54 : vector<1000x128xf32>
    %get3A_56 = arith.constant 0 : index
    %get3A_57 = arith.constant 0 : index
    %get3A_58 = vector.load %arg13[%get3A_56, %get3A_57] : memref<1x128xf32, #tpu.memory_space<vmem>>, vector<1x128xf32>
    %get3A_59 = arith.constant 0 : index
    %get3A_60 = arith.constant 0 : index
    %get3A_61 = vector.load %arg14[%get3A_59, %get3A_60] : memref<1x128xf32, #tpu.memory_space<vmem>>, vector<1x128xf32>
    %reduce_sum3A = arith.constant dense<0.000000e+00> : vector<1000xf32>
    %reduce_sum3A_62 = vector.multi_reduction <add>, %add3A_55, %reduce_sum3A [1] : vector<1000x128xf32> to vector<1000xf32>
    %broadcast_in_dim3A = vector.shape_cast %reduce_sum3A_62 : vector<1000xf32> to vector<1000x1xf32>
    %div3A = arith.constant 1.280000e+02 : f32
    %div3A_63 = vector.broadcast %div3A : f32 to vector<1000x1xf32>
    %div3A_64 = arith.divf %broadcast_in_dim3A, %div3A_63 : vector<1000x1xf32>
    %jit3A = arith.constant 0 : i32
    %reduce_sum3A_65 = arith.constant dense<0.000000e+00> : vector<1000xf32>
    %reduce_sum3A_66 = vector.multi_reduction <add>, %add3A_55, %reduce_sum3A_65 [1] : vector<1000x128xf32> to vector<1000xf32>
    %broadcast_in_dim3A_67 = vector.shape_cast %reduce_sum3A_66 : vector<1000xf32> to vector<1000x1xf32>
    %div3A_68 = arith.constant 1.280000e+02 : f32
    %div3A_69 = vector.broadcast %div3A_68 : f32 to vector<1000x1xf32>
    %div3A_70 = arith.divf %broadcast_in_dim3A_67, %div3A_69 : vector<1000x1xf32>
    %sub3A = vector.broadcast %div3A_70 : vector<1000x1xf32> to vector<1000x128xf32>
    %sub3A_71 = arith.subf %add3A_55, %sub3A : vector<1000x128xf32>
    %square3A = arith.mulf %sub3A_71, %sub3A_71 : vector<1000x128xf32>
    %convert_element_type3A = arith.sitofp %jit3A : i32 to f32
    %sub3A_72 = arith.constant 1.280000e+02 : f32
    %sub3A_73 = arith.subf %sub3A_72, %convert_element_type3A : f32
    %reduce_sum3A_74 = arith.constant dense<0.000000e+00> : vector<1000xf32>
    %reduce_sum3A_75 = vector.multi_reduction <add>, %square3A, %reduce_sum3A_74 [1] : vector<1000x128xf32> to vector<1000xf32>
    %broadcast_in_dim3A_76 = vector.shape_cast %reduce_sum3A_75 : vector<1000xf32> to vector<1000x1xf32>
    %div3A_77 = vector.broadcast %sub3A_73 : f32 to vector<1000x1xf32>
    %div3A_78 = arith.divf %broadcast_in_dim3A_76, %div3A_77 : vector<1000x1xf32>
    %gt3A = arith.constant 0.000000e+00 : f32
    %gt3A_79 = arith.cmpf ogt, %sub3A_73, %gt3A : f32
    %jit3A_80 = arith.constant 0x7FC00000 : f32
    %broadcast_in_dim3A_81 = vector.broadcast %jit3A_80 : f32 to vector<1000x1xf32>
    %select_n3A = arith.select %gt3A_79, %div3A_78, %broadcast_in_dim3A_81 : vector<1000x1xf32>
    %sub3A_82 = vector.broadcast %div3A_64 : vector<1000x1xf32> to vector<1000x128xf32>
    %sub3A_83 = arith.subf %add3A_55, %sub3A_82 : vector<1000x128xf32>
    %add3A_84 = arith.constant 9.99999974E-6 : f32
    %add3A_85 = vector.broadcast %add3A_84 : f32 to vector<1000x1xf32>
    %add3A_86 = arith.addf %select_n3A, %add3A_85 : vector<1000x1xf32>
    %sqrt3A = math.sqrt %add3A_86 : vector<1000x1xf32>
    %div3A_87 = vector.broadcast %sqrt3A : vector<1000x1xf32> to vector<1000x128xf32>
    %div3A_88 = arith.divf %sub3A_83, %div3A_87 : vector<1000x128xf32>
    %mul3A = vector.broadcast %get3A_58 : vector<1x128xf32> to vector<1000x128xf32>
    %mul3A_89 = arith.mulf %div3A_88, %mul3A : vector<1000x128xf32>
    %add3A_90 = vector.broadcast %get3A_61 : vector<1x128xf32> to vector<1000x128xf32>
    %add3A_91 = arith.addf %mul3A_89, %add3A_90 : vector<1000x128xf32>
    %add3A_92 = arith.addf %get3A_1, %add3A_91 : vector<1000x128xf32>
    %swap3A = arith.constant 0 : index
    %swap3A_93 = arith.constant 0 : index
    %swap3A_94 = vector.load %arg15[%swap3A, %swap3A_93] : memref<1000x128xf32, #tpu.memory_space<vmem>>, vector<1000x128xf32>
    tpu.vector_store %arg15[%swap3A, %swap3A_93], %add3A_92 {strides = array<i32>} : memref<1000x128xf32, #tpu.memory_space<vmem>>, vector<1000x128xf32>,
    return
  }
  func.func @transform_0(%arg0: i32) -> (i32, i32) {
    %c0_i32 = arith.constant 0 : i32
    %c0_i32_0 = arith.constant 0 : i32
    return %arg0, %c0_i32 : i32, i32
  }
  func.func @transform_1(%arg0: i32) -> (i32, i32) {
    %c0_i32 = arith.constant 0 : i32
    %c0_i32_0 = arith.constant 0 : i32
    return %arg0, %c0_i32 : i32, i32
  }
  func.func @transform_2(%arg0: i32) -> (i32, i32) {
    %add3A = arith.constant 10 : i32
    %add3A_0 = arith.addi %arg0, %add3A : i32
    %c0_i32 = arith.constant 0 : i32
    %c0_i32_1 = arith.constant 0 : i32
    return %add3A_0, %c0_i32 : i32, i32
  }
  func.func @transform_3(%arg0: i32) -> (i32, i32) {
    %c0_i32 = arith.constant 0 : i32
    %c0_i32_0 = arith.constant 0 : i32
    return %arg0, %c0_i32 : i32, i32
  }
  func.func @transform_4(%arg0: i32) -> (i32, i32) {
    %add3A = arith.constant 10 : i32
    %add3A_0 = arith.addi %arg0, %add3A : i32
    %c0_i32 = arith.constant 0 : i32
    %c0_i32_1 = arith.constant 0 : i32
    return %add3A_0, %c0_i32 : i32, i32
  }
  func.func @transform_5(%arg0: i32) -> (i32, i32) {
    %c0_i32 = arith.constant 0 : i32
    %c0_i32_0 = arith.constant 0 : i32
    %c0_i32_1 = arith.constant 0 : i32
    return %c0_i32, %c0_i32_0 : i32, i32
  }
  func.func @transform_6(%arg0: i32) -> (i32, i32) {
    %c0_i32 = arith.constant 0 : i32
    %c0_i32_0 = arith.constant 0 : i32
    %c0_i32_1 = arith.constant 0 : i32
    return %c0_i32, %c0_i32_0 : i32, i32
  }
  func.func @transform_7(%arg0: i32) -> (i32, i32) {
    %c0_i32 = arith.constant 0 : i32
    %c0_i32_0 = arith.constant 0 : i32
    %c0_i32_1 = arith.constant 0 : i32
    return %c0_i32, %c0_i32_0 : i32, i32
  }
  func.func @transform_8(%arg0: i32) -> (i32, i32) {
    %c0_i32 = arith.constant 0 : i32
    %c0_i32_0 = arith.constant 0 : i32
    %c0_i32_1 = arith.constant 0 : i32
    return %c0_i32, %c0_i32_0 : i32, i32
  }
  func.func @transform_9(%arg0: i32) -> (i32, i32) {
    %c0_i32 = arith.constant 0 : i32
    %c0_i32_0 = arith.constant 0 : i32
    %c0_i32_1 = arith.constant 0 : i32
    return %c0_i32, %c0_i32_0 : i32, i32
  }
  func.func @transform_10(%arg0: i32) -> (i32, i32) {
    %c0_i32 = arith.constant 0 : i32
    %c0_i32_0 = arith.constant 0 : i32
    %c0_i32_1 = arith.constant 0 : i32
    return %c0_i32, %c0_i32_0 : i32, i32
  }
  func.func @transform_11(%arg0: i32) -> (i32, i32) {
    %c0_i32 = arith.constant 0 : i32
    %c0_i32_0 = arith.constant 0 : i32
    %c0_i32_1 = arith.constant 0 : i32
    return %c0_i32, %c0_i32_0 : i32, i32
  }
  func.func @transform_12(%arg0: i32) -> (i32, i32) {
    %c0_i32 = arith.constant 0 : i32
    %c0_i32_0 = arith.constant 0 : i32
    %c0_i32_1 = arith.constant 0 : i32
    return %c0_i32, %c0_i32_0 : i32, i32
  }
  func.func @transform_13(%arg0: i32) -> (i32, i32) {
    %c0_i32 = arith.constant 0 : i32
    %c0_i32_0 = arith.constant 0 : i32
    %c0_i32_1 = arith.constant 0 : i32
    return %c0_i32, %c0_i32_0 : i32, i32
  }
  func.func @transform_14(%arg0: i32) -> (i32, i32) {
    %c0_i32 = arith.constant 0 : i32
    %c0_i32_0 = arith.constant 0 : i32
    return %arg0, %c0_i32 : i32, i32
  }
}

module attributes {stable_mosaic.version = 14 : i64} {
  func.func @_dec_body(%arg0: i32, %arg1: memref<1000x128xf32, #tpu.memory_space<vmem>>, %arg2: memref<128x128xf32, #tpu.memory_space<vmem>>, %arg3: memref<1x128xf32, #tpu.memory_space<vmem>>, %arg4: memref<128x128xf32, #tpu.memory_space<vmem>>, %arg5: memref<1x128xf32, #tpu.memory_space<vmem>>, %arg6: memref<128x128xf32, #tpu.memory_space<vmem>>, %arg7: memref<1x128xf32, #tpu.memory_space<vmem>>, %arg8: memref<1000x128xf32, #tpu.memory_space<vmem>>) attributes {dimension_semantics = [#tpu.dimension_semantics<arbitrary>], iteration_bounds = array<i64: 10>, scalar_prefetch = 0 : i64, scratch_operands = 0 : i64, tpu.core_type = #tpu.core_type<tc>, window_params = [{transform_indices = @transform_0, window_bounds = array<i64: 1000, 128>}, {pipeline_mode = #tpu.pipeline_mode<synchronous>, transform_indices = @transform_1, window_bounds = array<i64: 128, 128>}, {pipeline_mode = #tpu.pipeline_mode<synchronous>, transform_indices = @transform_2, window_bounds = array<i64: 1, 128>}, {pipeline_mode = #tpu.pipeline_mode<synchronous>, transform_indices = @transform_3, window_bounds = array<i64: 128, 128>}, {pipeline_mode = #tpu.pipeline_mode<synchronous>, transform_indices = @transform_4, window_bounds = array<i64: 1, 128>}, {pipeline_mode = #tpu.pipeline_mode<synchronous>, transform_indices = @transform_5, window_bounds = array<i64: 128, 128>}, {pipeline_mode = #tpu.pipeline_mode<synchronous>, transform_indices = @transform_6, window_bounds = array<i64: 1, 128>}, {transform_indices = @transform_7, window_bounds = array<i64: 1000, 128>}]} {
    %get3A = arith.constant 0 : index
    %get3A_0 = arith.constant 0 : index
    %get3A_1 = vector.load %arg1[%get3A, %get3A_0] : memref<1000x128xf32, #tpu.memory_space<vmem>>, vector<1000x128xf32>
    %get3A_2 = arith.constant 0 : index
    %get3A_3 = arith.constant 0 : index
    %get3A_4 = vector.load %arg2[%get3A_2, %get3A_3] : memref<128x128xf32, #tpu.memory_space<vmem>>, vector<128x128xf32>
    %dot_general3A = arith.constant dense<0.000000e+00> : vector<1000x128xf32>
    %dot_general3A_5 = tpu.matmul %get3A_1, %get3A_4, %dot_general3A {dimension_numbers = #tpu.dot_dimension_numbers<[1], [0], [0], [1], [0, 0, 1, 1], [], []>, transpose_lhs_hint = false} : vector<1000x128xf32>, vector<128x128xf32>, vector<1000x128xf32> -> vector<1000x128xf32>
    %get3A_6 = arith.constant 0 : index
    %get3A_7 = arith.constant 0 : index
    %get3A_8 = vector.load %arg3[%get3A_6, %get3A_7] : memref<1x128xf32, #tpu.memory_space<vmem>>, vector<1x128xf32>
    %add3A = vector.broadcast %get3A_8 : vector<1x128xf32> to vector<1000x128xf32>
    %add3A_9 = arith.addf %dot_general3A_5, %add3A : vector<1000x128xf32>
    %max3A = arith.constant 0.000000e+00 : f32
    %max3A_10 = vector.broadcast %max3A : f32 to vector<1000x128xf32>
    %max3A_11 = arith.maximumf %add3A_9, %max3A_10 : vector<1000x128xf32>
    %get3A_12 = arith.constant 0 : index
    %get3A_13 = arith.constant 0 : index
    %get3A_14 = vector.load %arg4[%get3A_12, %get3A_13] : memref<128x128xf32, #tpu.memory_space<vmem>>, vector<128x128xf32>
    %dot_general3A_15 = arith.constant dense<0.000000e+00> : vector<1000x128xf32>
    %dot_general3A_16 = tpu.matmul %max3A_11, %get3A_14, %dot_general3A_15 {dimension_numbers = #tpu.dot_dimension_numbers<[1], [0], [0], [1], [0, 0, 1, 1], [], []>, transpose_lhs_hint = false} : vector<1000x128xf32>, vector<128x128xf32>, vector<1000x128xf32> -> vector<1000x128xf32>
    %get3A_17 = arith.constant 0 : index
    %get3A_18 = arith.constant 0 : index
    %get3A_19 = vector.load %arg5[%get3A_17, %get3A_18] : memref<1x128xf32, #tpu.memory_space<vmem>>, vector<1x128xf32>
    %add3A_20 = vector.broadcast %get3A_19 : vector<1x128xf32> to vector<1000x128xf32>
    %add3A_21 = arith.addf %dot_general3A_16, %add3A_20 : vector<1000x128xf32>
    %max3A_22 = arith.constant 0.000000e+00 : f32
    %max3A_23 = vector.broadcast %max3A_22 : f32 to vector<1000x128xf32>
    %max3A_24 = arith.maximumf %add3A_21, %max3A_23 : vector<1000x128xf32>
    %get3A_25 = arith.constant 0 : index
    %get3A_26 = arith.constant 0 : index
    %get3A_27 = vector.load %arg6[%get3A_25, %get3A_26] : memref<128x128xf32, #tpu.memory_space<vmem>>, vector<128x128xf32>
    %dot_general3A_28 = arith.constant dense<0.000000e+00> : vector<1000x128xf32>
    %dot_general3A_29 = tpu.matmul %max3A_24, %get3A_27, %dot_general3A_28 {dimension_numbers = #tpu.dot_dimension_numbers<[1], [0], [0], [1], [0, 0, 1, 1], [], []>, transpose_lhs_hint = false} : vector<1000x128xf32>, vector<128x128xf32>, vector<1000x128xf32> -> vector<1000x128xf32>
    %get3A_30 = arith.constant 0 : index
    %get3A_31 = arith.constant 0 : index
    %get3A_32 = vector.load %arg7[%get3A_30, %get3A_31] : memref<1x128xf32, #tpu.memory_space<vmem>>, vector<1x128xf32>
    %add3A_33 = vector.broadcast %get3A_32 : vector<1x128xf32> to vector<1000x128xf32>
    %add3A_34 = arith.addf %dot_general3A_29, %add3A_33 : vector<1000x128xf32>
    %swap3A = arith.constant 0 : index
    %swap3A_35 = arith.constant 0 : index
    %swap3A_36 = vector.load %arg8[%swap3A, %swap3A_35] : memref<1000x128xf32, #tpu.memory_space<vmem>>, vector<1000x128xf32>
    tpu.vector_store %arg8[%swap3A, %swap3A_35], %add3A_34 {strides = array<i32>} : memref<1000x128xf32, #tpu.memory_space<vmem>>, vector<1000x128xf32>,
    return
  }
  func.func @transform_0(%arg0: i32) -> (i32, i32) {
    %c0_i32 = arith.constant 0 : i32
    %c0_i32_0 = arith.constant 0 : i32
    return %arg0, %c0_i32 : i32, i32
  }
  func.func @transform_1(%arg0: i32) -> (i32, i32) {
    %c0_i32 = arith.constant 0 : i32
    %c0_i32_0 = arith.constant 0 : i32
    %c0_i32_1 = arith.constant 0 : i32
    return %c0_i32, %c0_i32_0 : i32, i32
  }
  func.func @transform_2(%arg0: i32) -> (i32, i32) {
    %c0_i32 = arith.constant 0 : i32
    %c0_i32_0 = arith.constant 0 : i32
    %c0_i32_1 = arith.constant 0 : i32
    return %c0_i32, %c0_i32_0 : i32, i32
  }
  func.func @transform_3(%arg0: i32) -> (i32, i32) {
    %c0_i32 = arith.constant 0 : i32
    %c0_i32_0 = arith.constant 0 : i32
    %c0_i32_1 = arith.constant 0 : i32
    return %c0_i32, %c0_i32_0 : i32, i32
  }
  func.func @transform_4(%arg0: i32) -> (i32, i32) {
    %c0_i32 = arith.constant 0 : i32
    %c0_i32_0 = arith.constant 0 : i32
    %c0_i32_1 = arith.constant 0 : i32
    return %c0_i32, %c0_i32_0 : i32, i32
  }
  func.func @transform_5(%arg0: i32) -> (i32, i32) {
    %c0_i32 = arith.constant 0 : i32
    %c0_i32_0 = arith.constant 0 : i32
    %c0_i32_1 = arith.constant 0 : i32
    return %c0_i32, %c0_i32_0 : i32, i32
  }
  func.func @transform_6(%arg0: i32) -> (i32, i32) {
    %c0_i32 = arith.constant 0 : i32
    %c0_i32_0 = arith.constant 0 : i32
    %c0_i32_1 = arith.constant 0 : i32
    return %c0_i32, %c0_i32_0 : i32, i32
  }
  func.func @transform_7(%arg0: i32) -> (i32, i32) {
    %c0_i32 = arith.constant 0 : i32
    %c0_i32_0 = arith.constant 0 : i32
    return %arg0, %c0_i32 : i32, i32
  }
}

</mosaic_0001>

<sc_bundles>
// kernel: closed_call.30.cloned.1.call-start
scs
__scs_entry_jumppad:
0x0: {  	(pc) =	sbr.rel $0x88, $3  }
0x1: {  	(tag) =	ssettag $0x0;
	lr =	simm.s32 $0x1  }
0x2: {  	[smem:$0x3E98] =	sst lr;
	_ =	strace $0xD0000000  }
0x3: {  	_ = 	snop  }
0x4: {  	_ = 	snop  }
0x5: {  	_ = 	snop  }
0x6: {  	_ = 	snop  }
0x7: {  	_ = 	snop  }
__scs_overlays_trampoline_lowered:
0x8: {  	[smem:$0x3EA7] =	sst s0  }
0x9: {  	[smem:$0x3EA8] =	sst s1  }
0xa: {  	[smem:$0x3EA9] =	sst s2  }
0xb: {  	[smem:$0x3EAA] =	sst s3  }
0xc: {  	[smem:$0x3EAB] =	sst s4  }
0xd: {  	[smem:$0x3EAC] =	sst s5  }
0xe: {  	[smem:$0x3EAD] =	sst s6  }
0xf: {  	[smem:$0x3EAE] =	sst s7  }
0x10: {  	[smem:$0x3EAF] =	sst s8  }
0x11: {  	[smem:$0x3EB0] =	sst s9;
	s0 =	simm.s32 @!p0 $0x0  }
0x12: {  	s1 =	sld [smem:$0x3E96];
	s0 =	simm.s32 @p0 $0x1  }
0x13: {  	[smem:$0x3EB1] =	sst s0;
	s0 =	simm.s32 @!p1 $0x0  }
0x14: {  	s2 =	sld [smem:$0x3E95];
	s0 =	simm.s32 @p1 $0x1  }
0x15: {  	[smem:$0x3EB2] =	sst s0;
	s0 =	simm.s32 @!p2 $0x0  }
0x16: {  	s3 =	sld [smem:$0x3FDB];
	s0 =	simm.s32 @p2 $0x1  }
0x17: {  	s4 =	simm.s32 $0x1BF5;
	[smem:$0x3EB4] =	sst s0  }
0x18: {  	s0 =	sld [smem:$0x3E97];
	_ =	swait.ge [sflag:s4], $0x0  }
0x19: {  	s7 =	sld [smem:$0x3E98]  }
0x1a: {  	s8 =	sadd.s32 $0xFFFFE003, lr  }
0x1b: {  	s9 =	sadd.s32 $0xFFFFFEF7, lr;
	s5 =	simm.s32 $0xFFFFFFFF;
	p2 =	slt.u32 s8, $0xFFFFF086  }
0x1c: {  	p1 =	slt.u32 s9, $0xF7A;
	s5 =	simm.s32 @!p2 $0x0  }
0x1d: {  	s5 =	simm.s32 @p1 $0x1;
	p0 =	seq.s32 s7, s2  }
0x1e: {  	s7 =	smul.u32 @!p0 $0xF7A, s2;
	p2 =	seq.s32 @!p0 s5, $0x0  }
0x1f: {  	s9 =	smul.u32 $0xF7A, s1;
	s8 =	simm.s32 @!p0 $0x1BF5;
	p2 =	por !p2, p0  }
0x20: {  	[sflag:s8] =	ssyncset.s32 @!p0 $0xFFFFF086;
	s6 =	sadd.s32 @!p0 s3, s7;
	s7 =	simm.s32 @!p0 $0x108  }
0x21: {  	s3 =	sadd.s32 s3, s9;
	s6 =	sadd.s32 @!p0 $0x88, s6;
	s7 =	simm.s32 @p2 $0x1082  }
0x22: {  	[simem:s7], [sflag:s8] =	dma.local @!p0 [hbm:s6], $0xF7A  }
0x23: {  	s9 =	sor.u32 $0xD0000000, s2;
	s6 =	simm.s32 $0x108;
	_ =	swait.ge @!p0 [sflag:s8], $0x0  }
0x24: {  	s3 =	sadd.s32 $0x88, s3;
	s6 =	simm.s32 @!p1 $0x1082;
	[sflag:s4] =	ssyncset.s32 $0xFFFFF086  }
0x25: {  	[simem:s6], [sflag:s4] =	dma.local [hbm:s3], $0xF7A  }
0x26: {  	[smem:$0x3E98] =	sst s1;
	(tag) =	ssettag s2;
	_ =	strace s9  }
0x27: {  	s1 =	sld [smem:$0x3EA8]  }
0x28: {  	s2 =	sld [smem:$0x3EA9]  }
0x29: {  	s4 =	sld [smem:$0x3EAB]  }
0x2a: {  	p0 =	seq.s32 s5, $0x0;
	s5 =	sld [smem:$0x3EAC]  }
0x2b: {  	s6 =	sld [smem:$0x3EAD]  }
0x2c: {  	s7 =	sld [smem:$0x3EAE]  }
0x2d: {  	s3 =	simm.s32 $0x108;
	s8 =	sld [smem:$0x3EAF]  }
0x2e: {  	s3 =	simm.s32 @!p0 $0x1082;
	s9 =	sld [smem:$0x3EB0]  }
0x2f: {  	lr =	sadd.s32 s0, s3;
	s0 =	sld [smem:$0x3EA7]  }
0x30: {  	s3 =	sld [smem:$0x3EAA]  }
0x31: {  	[smem:$0x3EB3] =	sst s10  }
0x32: {  	s10 =	sld [smem:$0x3EB1];
	_ =	sdelay $0x3  }
0x33: {  	p0 =	seq.s32 s10, $0x1;
	s10 =	sld [smem:$0x3EB3];
	_ =	sdelay $0x3  }
0x34: {  	[smem:$0x3EB3] =	sst s10  }
0x35: {  	s10 =	sld [smem:$0x3EB2];
	_ =	sdelay $0x3  }
0x36: {  	p1 =	seq.s32 s10, $0x1;
	s10 =	sld [smem:$0x3EB3];
	_ =	sdelay $0x3  }
0x37: {  	[smem:$0x3EB3] =	sst s10  }
0x38: {  	s10 =	sld [smem:$0x3EB4]  }
0x39: {  	_ = 	snop;
	(pc) =	sbr.ind lr, $3  }
0x3a: {  	_ = 	snop  }
0x3b: {  	_ = 	snop  }
0x3c: {  	p2 =	seq.s32 s10, $0x1;
	s10 =	sld [smem:$0x3EB3]  }
0x3d: {  	_ =	shalt  }
0x3e: {  	_ =	shalt  }
0x3f: {  	_ =	shalt  }
0x40: {  	_ =	shalt  }
0x41: {  	_ =	shalt  }
0x42: {  	_ =	shalt  }
0x43: {  	_ =	shalt  }
0x44: {  	_ =	shalt  }
0x45: {  	_ =	shalt  }
0x46: {  	_ =	shalt  }
0x47: {  	_ =	shalt  }
0x48: {  	_ =	shalt  }
0x49: {  	_ =	shalt  }
0x4a: {  	_ =	shalt  }
0x4b: {  	_ =	shalt  }
0x4c: {  	_ =	shalt  }
0x4d: {  	_ =	shalt  }
0x4e: {  	_ =	shalt  }
0x4f: {  	_ =	shalt  }
0x50: {  	_ =	shalt  }
0x51: {  	_ =	shalt  }
0x52: {  	_ =	shalt  }
0x53: {  	_ =	shalt  }
0x54: {  	_ =	shalt  }
0x55: {  	_ =	shalt  }
0x56: {  	_ =	shalt  }
0x57: {  	_ =	shalt  }
0x58: {  	_ =	shalt  }
0x59: {  	_ =	shalt  }
0x5a: {  	_ =	shalt  }
0x5b: {  	_ =	shalt  }
0x5c: {  	_ =	shalt  }
0x5d: {  	_ =	shalt  }
0x5e: {  	_ =	shalt  }
0x5f: {  	_ =	shalt  }
0x60: {  	_ =	shalt  }
0x61: {  	_ =	shalt  }
0x62: {  	_ =	shalt  }
0x63: {  	_ =	shalt  }
0x64: {  	_ =	shalt  }
0x65: {  	_ =	shalt  }
0x66: {  	_ =	shalt  }
0x67: {  	_ =	shalt  }
0x68: {  	_ =	shalt  }
0x69: {  	_ =	shalt  }
0x6a: {  	_ =	shalt  }
0x6b: {  	_ =	shalt  }
0x6c: {  	_ =	shalt  }
0x6d: {  	_ =	shalt  }
0x6e: {  	_ =	shalt  }
0x6f: {  	_ =	shalt  }
0x70: {  	_ =	shalt  }
0x71: {  	_ =	shalt  }
0x72: {  	_ =	shalt  }
0x73: {  	_ =	shalt  }
0x74: {  	_ =	shalt  }
0x75: {  	_ =	shalt  }
0x76: {  	_ =	shalt  }
0x77: {  	_ =	shalt  }
0x78: {  	_ =	shalt  }
0x79: {  	_ =	shalt  }
0x7a: {  	_ =	shalt  }
0x7b: {  	_ =	shalt  }
0x7c: {  	_ =	shalt  }
0x7d: {  	_ =	shalt  }
0x7e: {  	_ =	shalt  }
0x7f: {  	_ =	shalt  }
0x80: {  	_ =	shalt  }
0x81: {  	_ =	shalt  }
0x82: {  	_ =	shalt  }
0x83: {  	_ =	shalt  }
0x84: {  	_ =	shalt  }
0x85: {  	_ =	shalt  }
0x86: {  	_ =	shalt  }
0x87: {  	_ =	shalt  }
.Lfunc_end0:
.L_simem_size_0:
called_computation_lowered:
.L_overlay_start_0:
0x88: {  	s2 =	sld [smem:$0x3FD9]  }
0x89: {  	s3 =	sld [smem:$0x3FFE];
	_ =	sdelay $0x1  }
0x8a: {  	s1 =	srdreg.scid  }
0x8b: {  	s0 =	sand.u32 $0x1, s1  }
0x8c: {  	s16 =	sshll.u32 s0, $0xA;
	s2 =	sadd.s32 s3, s2  }
0x8d: {  	s2 =	sadd.s32 s2, s16  }
0x8e: {  	[smem:$0x3EBF] =	sst s2  }
0x8f: {  	_ = 	snop  }
0x90: {  	(tm) =	ssettm $0x1  }
0x91: {  	s17 =	sld [smem:$0x3FFB];
	_ =	sdelay $0x3  }
0x92: {  	_ =	strace s17  }
0x93: {  	s2 =	sld [smem:$0x3FFC];
	_ =	sdelay $0x3  }
0x94: {  	_ =	strace s2  }
0x95: {  	s2 =	sld [smem:$0x3FFD];
	_ =	sdelay $0x3  }
0x96: {  	_ =	strace s2  }
0x97: {  	_ =	strace $0x8FFFFFFF  }
0x98: {  	s18 =	sld [smem:$0x3FDB];
	_ =	sdelay $0x1  }
0x99: {  	s19 =	simm.s32 $_scs_section_size  }
0x9a: {  	s4 =	simm.s32 $_size__tile_overlayer_lowered;
	s5 =	simm.s32 $_tile_overlayer_lowered  }
0x9b: {  	s22 =	simm.s32 $0x1BFF;
	s21 =	sshll.u32 s5, $0x1;
	s2 =	sadd.s32 s19, s18  }
0x9c: {  	s6 =	simm.s32 $0x0;
	s20 =	sshll.u32 s4, $0x1;
	s4 =	sadd.s32 s21, s2  }
0x9d: {  	[timem:s6], [sflag:s22] =	dma.local [hbm:s4], s20  }
0x9e: {  	_ =	swait.ge [sflag:s22], s20  }
0x9f: {  	s3 =	ssub.s32 $0x0, s20;
	[sflag:s22] =	ssyncset.done $0x0  }
0xa0: {  	[sflag:s22] =	ssyncadd.s32 s3;
	_ =	sdelay $0x1  }
0xa1: {  	s23 =	simm.s32 $0x1B8B  }
0xa2: {  	_ =	swait.ge [sflag:s23], $0x1  }
0xa3: {  	[sflag:s23] =	ssyncset.done $0x0  }
0xa4: {  	s25 =	simm.s32 $0x1B8E;
	s24 =	sld [smem:$0x3FFE];
	[sflag:s23] =	ssyncadd.s32 $0xFFFFFFFF  }
0xa5: {  	s26 =	simm.s32 $execute0_lowered;
	[smem:$0x3FD2] =	sst s25  }
0xa6: {  	s4 =	sshll.u32 s26, $0x1;
	_ =	strace $0x80000046;
	[dreg:$0x1] =	wrdreg $0xFFFFFFFF  }
0xa7: {  	s28 =	simm.s32 $_size_execute0_lowered;
	s2 =	sadd.s32 s2, s4;
	[dreg:$0x0] =	wrdreg $0x0  }
0xa8: {  	s4 =	sshll.u32 s28, $0x1;
	[dreg:$0x2] =	wrdreg s2  }
0xa9: {  	[dreg:$0x3] =	wrdreg s4  }
0xaa: {  	[dreg:$0x4] =	wrdreg $0xC0  }
0xab: {  	_ =	task [dreg:s6], $0x5FFFF  }
0xac: {  	[dreg:$0x1] =	wrdreg $0xFFFFFFFF  }
0xad: {  	[dreg:$0x0] =	wrdreg $0x60  }
0xae: {  	[dreg:$0x2] =	wrdreg s24  }
0xaf: {  	[dreg:$0x3] =	wrdreg $0xA8000  }
0xb0: {  	[dreg:$0x4] =	wrdreg $0x9  }
0xb1: {  	_ =	task.clear_ibuf [dreg:s6], $0x5FFFF;
	_ =	strace $0x90000046  }
0xb2: {  	s29 =	simm.s32 $0x9;
	_ =	strace $0x80000048  }
0xb3: {  	_ =	swait.ge [sflag:s29], $0x1  }
0xb4: {  	[sflag:s29] =	ssyncadd.s32 $0xFFFFFFFF  }
0xb5: {  	_ =	strace $0x90000048  }
0xb6: {  	_ =	sfence  }
0xb7: {  	s30 =	sld [smem:$0x0];
	_ =	sdelay $0x2  }
0xb8: {  	s31 =	sshll.u32 s1, $0xD;
	s1 =	sshrl.u32 s1, $0x2  }
0xb9: {  	s3 =	sand.u32 $0x4000, s31;
	s1 =	sadd.s32 s1, s30  }
0xba: {  	s0 =	sor.u32 s3, s0;
	s1 =	sshll.u32 s1, $0x11  }
0xbb: {  	s0 =	sor.u32 s1, s0  }
0xbc: {  	s0 =	sadd.s32 $0x8F2B, s0  }
0xbd: {  	[sflag:s0] =	ssyncadd.remote.s32 $0x1  }
0xbe: {  	_ =	sfence.sel $0xFFFF  }
0xbf: {  	[dreg:$0x0] =	wrdreg $0xFFFFFFFF;
	(pc) =	sbr.abs _section_cstart, $3  }
0xc0: {  	[dreg:$0x1] =	wrdreg $0xFFFFFFFF  }
0xc1: {  	_ =	task.clear_ibuf [dreg:s6], $0x2FFFF;
	_ =	strace $0x9FFFFFFF  }
0xc2: {  	(tm) =	ssettm $0x7FFFFFFF  }
0xc3: {  	_ =	shalt  }
tec
execute0_lowered:
.L_overlay_start_1:
0x0: {  	(tag) =	ssettag $0x1  }
0x1: {  	s0 =	rddreg [dreg:$0x0]  }
0x2: {  	s1 =	rddreg [dreg:$0x1];
	s3 =	simm.s32 $0x0  }
0x3: {  	s2 =	stileid.u32;
	s5 =	srdreg.scid;
	s21 =	simm.s32 $0x80  }
0x4: {  	s22 =	simm.s32 $0x2800;
	s23 =	simm.s32 $0x6800;
	s4 =	smul.u32 $0x2700, s2  }
0x5: {  	s28 =	simm.s32 $0x4;
	s29 =	simm.s32 $0x0;
	s6 =	smul.u32 $0x500, s2  }
0x6: {  	[smem:$0x7FF] =	sst s3;
	s17 =	sand.u32 $0x1, s5;
	s25 =	smul.u32 $0x4E000, s2  }
0x7: {  	s14 =	sadd.s32 $0x10E000, s0;
	s16 =	sadd.s32 $0xA04000, s0;
	p1 =	seq.s32 s2, $0x0  }
0x8: {  	s15 =	smul.u32 $0x28000, s2;
	s9 =	sadd.s32 $0x138000, s1;
	s10 =	sadd.s32 $0xE6C00, s0  }
0x9: {  	s11 =	sadd.s32 $0x10DE00, s0;
	_ =	strace $0x80000047;
	s24 =	ssub.s32 $0x2, s17  }
0xa: {  	p0 =	seq.s32 s17, $0x1;
	s18 =	sor.u32 s17, s2;
	p2 =	sne.s32 s17, $0x0  }
0xb: {  	s7 =	sadd.s32 s4, s0;
	s8 =	sadd.s32 s6, s0;
	s26 =	sshrl.u32 s24, $0x1  }
0xc: {  	s30 =	sshrl.u32 s25, $0x2;
	p1 =	por !p1, !p0;
	s31 =	sor.u32 $0x800, s15  }
0xd: {  	s13 =	sadd.s32 s14, s15;
	s15 =	sadd.s32 s16, s15;
	s0 =	sshll.u32 @!p2 s2, $0x6  }
0xe: {  	p3 =	sne.s32 s18, $0x0;
	s25 =	simm.s32 $0x2;
	s12 =	ssub.s32 s24, s26  }
0xf: {  	s4 =	sadd.s32 s30, s1;
	s5 =	sadd.s32 $0xBFC00, s7;
	s6 =	sadd.s32 $0x78200, s8  }
.Ltmp0:
0x10: {  	s7 =	sadd.s32 $0xE6E00, s7;
	s8 =	sadd.s32 $0x6E200, s8;
	(pc) =	sbr.rel .LBB2_1-.Ltmp0, $4  }
0x11: {  	p1 =	por !p1, !p1;
	s14 =	sadd.s32 s14, s31;
	s16 =	sadd.s32 s16, s31  }
0x12: {  	s17 =	sadd.s32 $0x1000, s13;
	s18 =	sadd.s32 $0x1000, s15;
	s19 =	sor.u32 @!p2 $0x1C05, s0  }
0x13: {  	s0 =	sshll.u32 @!p3 s2, $0x6;
	s24 =	simm.s32 $0x1;
	s26 =	simm.s32 $0x3  }
0x14: {  	s12 =	smax.u32 s12, $0x1;
	[dreg:$0x3] =	wrdreg s14;
	s20 =	sor.u32 @!p3 $0x1C05, s0  }
.LBB2_8:
0x15: {  	[hbm4b:s0+s3] =	stream.linear.scatter [tilespmem:s23], [sflag:$0x4], $0x4000, $0x38;
	[tilespmem:$0x1E080] =	vst v63  }
0x16: {  	_ =	swait.ge [sflag:s26], $0x4000  }
0x17: {  	[sflag:s26] =	ssyncset.done $0x0  }
0x18: {  	[sflag:s26] =	ssyncadd.s32 $0xFFFFC000  }
0x19: {  	_ =	swait.ge [sflag:s28], $0x4000  }
0x1a: {  	[sflag:s28] =	ssyncset.done $0x0  }
0x1b: {  	[sflag:s28] =	ssyncadd.s32 $0xFFFFC000  }
.LBB2_9:
0x1c: {  	s29 =	sadd.s32 $0x1, s29  }
0x1d: {  	p4 =	sne.s32 s29, s12  }
.Ltmp1:
0x1e: {  	_ = 	snop;
	(pc) =	sbr.rel @!p4 .LBB2_10-.Ltmp1, $1  }
0x1f: {  	_ =	sdelay $0x3  }
.LBB2_1:
0x20: {  	s0 =	sshrl.u32 @!p2 s4, $0x3  }
0x21: {  	[spmem:s0], [sflag:s19] =	dma.local @!p2 [hbm:s5], $0x2700  }
0x22: {  	s0 =	simm.s32 @!p2 $0x5  }
0x23: {  	_ =	swait.ge @!p2 [sflag:s0], $0x2700  }
0x24: {  	[sflag:s0] =	ssyncset.done @!p2 $0x0  }
0x25: {  	s30 =	simm.s32 @!p2 $0x0;
	[sflag:s0] =	ssyncadd.s32 @!p2 $0xFFFFD900  }
0x26: {  	[tilespmem:s30], [sflag:$0x5] =	stream.linear.gather @!p2 [hbm4b:s6+s30], $0x2800, $0x38;
	[tilespmem:$0x1E080] =	vst v63  }
0x27: {  	_ =	swait.ge @!p2 [sflag:s0], $0x2800  }
0x28: {  	s30 =	sshll.u32 @p0 s2, $0x6;
	[sflag:s0] =	ssyncset.done @!p2 $0x0  }
0x29: {  	[sflag:s0] =	ssyncadd.s32 @!p2 $0xFFFFD800;
	s0 =	sor.u32 @p0 $0x1C05, s30;
	s30 =	sshrl.u32 @p0 s4, $0x3  }
0x2a: {  	[spmem:s30], [sflag:s0] =	dma.local @p0 [hbm:s7], $0x2700  }
0x2b: {  	s0 =	simm.s32 @p0 $0x5  }
0x2c: {  	_ =	swait.ge @p0 [sflag:s0], $0x2700  }
0x2d: {  	[sflag:s0] =	ssyncset.done @p0 $0x0  }
0x2e: {  	s30 =	simm.s32 @p0 $0x0;
	[sflag:s0] =	ssyncadd.s32 @p0 $0xFFFFD900  }
0x2f: {  	[tilespmem:s30], [sflag:$0x5] =	stream.linear.gather @p0 [hbm4b:s8+s30], $0x2800, $0x38;
	[tilespmem:$0x1E080] =	vst v63  }
0x30: {  	_ =	swait.ge @p0 [sflag:s0], $0x2800  }
0x31: {  	[sflag:s0] =	ssyncset.done @p0 $0x0  }
0x32: {  	[sflag:s0] =	ssyncadd.s32 @p0 $0xFFFFD800;
	s0 =	sshrl.u32 @!p3 s9, $0x3  }
0x33: {  	[spmem:s0], [sflag:s20] =	dma.local @!p3 [hbm:s10], $0x100  }
0x34: {  	s0 =	simm.s32 @!p3 $0x5  }
0x35: {  	_ =	swait.ge @!p3 [sflag:s0], $0x100  }
0x36: {  	[sflag:s0] =	ssyncset.done @!p3 $0x0  }
0x37: {  	s30 =	simm.s32 @p1 $0x1C05;
	[sflag:s0] =	ssyncadd.s32 @!p3 $0xFFFFFF00;
	s0 =	sshrl.u32 @p1 s9, $0x3  }
0x38: {  	[spmem:s0], [sflag:s30] =	dma.local @p1 [hbm:s11], $0x100  }
0x39: {  	s0 =	simm.s32 @p1 $0x5  }
.Ltmp2:
0x3a: {  	_ =	swait.ge @p1 [sflag:s0], $0x100;
	(pc) =	sbr.rel @p2 .LBB2_5-.Ltmp2, $3  }
0x3b: {  	[sflag:s0] =	ssyncset.done @p1 $0x0  }
0x3c: {  	[sflag:s0] =	ssyncadd.s32 @p1 $0xFFFFFF00  }
0x3d: {  	[bflag:$0x0] =	sbarrier.arrive $0xFFFF;
	_ =	sdelay $0x1  }
0x3e: {  	[tilespmem:s22], [sflag:$0x1] =	stream.indirect.gather [spmem:s1], $0x80, s3, s21, $0xb8;
	[tilespmem:$0x1E080] =	vst v63  }
0x3f: {  	_ = 	snop  }
0x40: {  	[tilespmem:s23], [sflag:$0x2] =	stream.indirect.gather [spmem:s1], $0x80, s21, s21, $0xb8;
	[tilespmem:$0x1E080] =	vst v63  }
0x41: {  	_ =	swait.ge [sflag:s24], $0x4000  }
0x42: {  	[sflag:s24] =	ssyncset.done $0x0  }
0x43: {  	[sflag:s24] =	ssyncadd.s32 $0xFFFFC000  }
0x44: {  	[hbm4b:s13+s3] =	stream.linear.scatter [tilespmem:s22], [sflag:$0x3], $0x4000, $0x38;
	[tilespmem:$0x1E080] =	vst v63  }
0x45: {  	_ =	swait.ge [sflag:s25], $0x4000  }
0x46: {  	[sflag:s25] =	ssyncset.done $0x0  }
0x47: {  	s0 =	rddreg [dreg:$0x3];
	[sflag:s25] =	ssyncadd.s32 $0xFFFFC000  }
0x48: {  	[hbm4b:s0+s3] =	stream.linear.scatter [tilespmem:s23], [sflag:$0x4], $0x4000, $0x38;
	[tilespmem:$0x1E080] =	vst v63  }
0x49: {  	_ =	swait.ge [sflag:s26], $0x4000  }
0x4a: {  	[sflag:s26] =	ssyncset.done $0x0  }
0x4b: {  	[sflag:s26] =	ssyncadd.s32 $0xFFFFC000  }
0x4c: {  	_ =	swait.ge [sflag:s28], $0x4000  }
0x4d: {  	[sflag:s28] =	ssyncset.done $0x0  }
0x4e: {  	s14 =	simm.s32 $0x100;
	[sflag:s28] =	ssyncadd.s32 $0xFFFFC000  }
0x4f: {  	[tilespmem:s22], [sflag:$0x1] =	stream.indirect.gather [spmem:s1], $0x80, s14, s21, $0xb8;
	[tilespmem:$0x1E080] =	vst v63  }
0x50: {  	s14 =	simm.s32 $0x180  }
0x51: {  	[tilespmem:s23], [sflag:$0x2] =	stream.indirect.gather [spmem:s1], $0x80, s14, s21, $0xb8;
	[tilespmem:$0x1E080] =	vst v63  }
0x52: {  	_ =	swait.ge [sflag:s24], $0x4000  }
0x53: {  	[sflag:s24] =	ssyncset.done $0x0  }
0x54: {  	[sflag:s24] =	ssyncadd.s32 $0xFFFFC000  }
0x55: {  	[hbm4b:s17+s3] =	stream.linear.scatter [tilespmem:s22], [sflag:$0x3], $0x4000, $0x38;
	[tilespmem:$0x1E080] =	vst v63  }
0x56: {  	_ =	swait.ge [sflag:s25], $0x4000  }
0x57: {  	s30 =	simm.s32 $0xFFFF6800;
	[sflag:s25] =	ssyncset.done $0x0  }
0x58: {  	s31 =	sadd.s32 $0x1000, s17;
	s0 =	sadd.s32 $0x800, s17;
	[sflag:s25] =	ssyncadd.s32 $0xFFFFC000  }
.LBB2_3:
0x59: {  	[hbm4b:s0+s3] =	stream.linear.scatter [tilespmem:s23], [sflag:$0x4], $0x4000, $0x38;
	[tilespmem:$0x1E080] =	vst v63  }
0x5a: {  	s0 =	smov.u32 s30  }
0x5b: {  	p4 =	sne.s32 s30, $0xFFFFFC00;
	s30 =	sadd.s32 $0x400, s30;
	_ =	swait.ge [sflag:s26], $0x4000  }
0x5c: {  	[sflag:s26] =	ssyncset.done $0x0  }
0x5d: {  	[sflag:s26] =	ssyncadd.s32 $0xFFFFC000  }
0x5e: {  	_ =	swait.ge [sflag:s28], $0x4000  }
0x5f: {  	s0 =	sshra.s32 s0, $0x2;
	[sflag:s28] =	ssyncset.done $0x0  }
0x60: {  	s14 =	sadd.s32 $0x2800, s0;
	[sflag:s28] =	ssyncadd.s32 $0xFFFFC000  }
0x61: {  	[tilespmem:s22], [sflag:$0x1] =	stream.indirect.gather [spmem:s1], $0x80, s14, s21, $0xb8;
	[tilespmem:$0x1E080] =	vst v63  }
0x62: {  	s0 =	sadd.s32 $0x2880, s0  }
0x63: {  	[tilespmem:s23], [sflag:$0x2] =	stream.indirect.gather [spmem:s1], $0x80, s0, s21, $0xb8;
	[tilespmem:$0x1E080] =	vst v63  }
0x64: {  	_ =	swait.ge [sflag:s24], $0x4000  }
0x65: {  	[sflag:s24] =	ssyncset.done $0x0  }
.Ltmp3:
0x66: {  	[sflag:s24] =	ssyncadd.s32 $0xFFFFC000;
	(pc) =	sbr.rel @p4 .LBB2_3-.Ltmp3, $4  }
0x67: {  	[hbm4b:s31+s3] =	stream.linear.scatter [tilespmem:s22], [sflag:$0x3], $0x4000, $0x38;
	[tilespmem:$0x1E080] =	vst v63  }
0x68: {  	_ =	swait.ge [sflag:s25], $0x4000  }
0x69: {  	[sflag:s25] =	ssyncset.done $0x0  }
0x6a: {  	s0 =	sadd.s32 $0x800, s31;
	s31 =	sadd.s32 $0x1000, s31;
	[sflag:s25] =	ssyncadd.s32 $0xFFFFC000  }
0x6b: {  	[hbm4b:s0+s3] =	stream.linear.scatter [tilespmem:s23], [sflag:$0x4], $0x4000, $0x38;
	[tilespmem:$0x1E080] =	vst v63  }
0x6c: {  	_ =	swait.ge [sflag:s26], $0x4000  }
0x6d: {  	[sflag:s26] =	ssyncset.done $0x0  }
0x6e: {  	[sflag:s26] =	ssyncadd.s32 $0xFFFFC000  }
0x6f: {  	_ =	swait.ge [sflag:s28], $0x4000  }
0x70: {  	[sflag:s28] =	ssyncset.done $0x0  }
0x71: {  	[sflag:s28] =	ssyncadd.s32 $0xFFFFC000  }
.LBB2_5:
.Ltmp4:
0x72: {  	(pc) =	sbr.rel @!p0 .LBB2_9-.Ltmp4, $1  }
0x73: {  	_ =	sdelay $0x3  }
0x74: {  	[tilespmem:s22], [sflag:$0x1] =	stream.indirect.gather [spmem:s1], $0x80, s3, s21, $0xb8;
	[tilespmem:$0x1E080] =	vst v63  }
0x75: {  	_ = 	snop  }
0x76: {  	[tilespmem:s23], [sflag:$0x2] =	stream.indirect.gather [spmem:s1], $0x80, s21, s21, $0xb8;
	[tilespmem:$0x1E080] =	vst v63  }
0x77: {  	_ =	swait.ge [sflag:s24], $0x4000  }
0x78: {  	[sflag:s24] =	ssyncset.done $0x0  }
0x79: {  	[sflag:s24] =	ssyncadd.s32 $0xFFFFC000  }
0x7a: {  	[hbm4b:s15+s3] =	stream.linear.scatter [tilespmem:s22], [sflag:$0x3], $0x4000, $0x38;
	[tilespmem:$0x1E080] =	vst v63  }
0x7b: {  	_ =	swait.ge [sflag:s25], $0x4000  }
0x7c: {  	[sflag:s25] =	ssyncset.done $0x0  }
0x7d: {  	[sflag:s25] =	ssyncadd.s32 $0xFFFFC000  }
0x7e: {  	[hbm4b:s16+s3] =	stream.linear.scatter [tilespmem:s23], [sflag:$0x4], $0x4000, $0x38;
	[tilespmem:$0x1E080] =	vst v63  }
0x7f: {  	_ =	swait.ge [sflag:s26], $0x4000  }
0x80: {  	[sflag:s26] =	ssyncset.done $0x0  }
0x81: {  	[sflag:s26] =	ssyncadd.s32 $0xFFFFC000  }
0x82: {  	_ =	swait.ge [sflag:s28], $0x4000  }
0x83: {  	[sflag:s28] =	ssyncset.done $0x0  }
0x84: {  	s0 =	simm.s32 $0x100;
	[sflag:s28] =	ssyncadd.s32 $0xFFFFC000  }
0x85: {  	[tilespmem:s22], [sflag:$0x1] =	stream.indirect.gather [spmem:s1], $0x80, s0, s21, $0xb8;
	[tilespmem:$0x1E080] =	vst v63  }
0x86: {  	s14 =	simm.s32 $0x180  }
0x87: {  	[tilespmem:s23], [sflag:$0x2] =	stream.indirect.gather [spmem:s1], $0x80, s14, s21, $0xb8;
	[tilespmem:$0x1E080] =	vst v63  }
0x88: {  	_ =	swait.ge [sflag:s24], $0x4000  }
0x89: {  	[sflag:s24] =	ssyncset.done $0x0  }
0x8a: {  	[sflag:s24] =	ssyncadd.s32 $0xFFFFC000  }
0x8b: {  	[hbm4b:s18+s3] =	stream.linear.scatter [tilespmem:s22], [sflag:$0x3], $0x4000, $0x38;
	[tilespmem:$0x1E080] =	vst v63  }
0x8c: {  	_ =	swait.ge [sflag:s25], $0x4000  }
0x8d: {  	s30 =	simm.s32 $0xFFFF6800;
	[sflag:s25] =	ssyncset.done $0x0  }
0x8e: {  	s31 =	sadd.s32 $0x1000, s18;
	s0 =	sadd.s32 $0x800, s18;
	[sflag:s25] =	ssyncadd.s32 $0xFFFFC000  }
.LBB2_7:
0x8f: {  	[hbm4b:s0+s3] =	stream.linear.scatter [tilespmem:s23], [sflag:$0x4], $0x4000, $0x38;
	[tilespmem:$0x1E080] =	vst v63  }
0x90: {  	s0 =	smov.u32 s30  }
0x91: {  	p4 =	sne.s32 s30, $0xFFFFFC00;
	s30 =	sadd.s32 $0x400, s30;
	_ =	swait.ge [sflag:s26], $0x4000  }
0x92: {  	[sflag:s26] =	ssyncset.done $0x0  }
0x93: {  	[sflag:s26] =	ssyncadd.s32 $0xFFFFC000  }
0x94: {  	_ =	swait.ge [sflag:s28], $0x4000  }
0x95: {  	s0 =	sshra.s32 s0, $0x2;
	[sflag:s28] =	ssyncset.done $0x0  }
0x96: {  	s14 =	sadd.s32 $0x2800, s0;
	[sflag:s28] =	ssyncadd.s32 $0xFFFFC000  }
0x97: {  	[tilespmem:s22], [sflag:$0x1] =	stream.indirect.gather [spmem:s1], $0x80, s14, s21, $0xb8;
	[tilespmem:$0x1E080] =	vst v63  }
0x98: {  	s0 =	sadd.s32 $0x2880, s0  }
0x99: {  	[tilespmem:s23], [sflag:$0x2] =	stream.indirect.gather [spmem:s1], $0x80, s0, s21, $0xb8;
	[tilespmem:$0x1E080] =	vst v63  }
0x9a: {  	_ =	swait.ge [sflag:s24], $0x4000  }
0x9b: {  	[sflag:s24] =	ssyncset.done $0x0  }
.Ltmp5:
0x9c: {  	[sflag:s24] =	ssyncadd.s32 $0xFFFFC000;
	(pc) =	sbr.rel @p4 .LBB2_7-.Ltmp5, $4  }
0x9d: {  	[hbm4b:s31+s3] =	stream.linear.scatter [tilespmem:s22], [sflag:$0x3], $0x4000, $0x38;
	[tilespmem:$0x1E080] =	vst v63  }
0x9e: {  	_ =	swait.ge [sflag:s25], $0x4000  }
0x9f: {  	[sflag:s25] =	ssyncset.done $0x0  }
0xa0: {  	s0 =	sadd.s32 $0x800, s31;
	s31 =	sadd.s32 $0x1000, s31;
	[sflag:s25] =	ssyncadd.s32 $0xFFFFC000  }
.Ltmp6:
0xa1: {  	_ = 	snop;
	(pc) =	sbr.rel .LBB2_8-.Ltmp6, $1  }
0xa2: {  	_ =	sdelay $0x3  }
.LBB2_10:
0xa3: {  	_ =	sfence.sel $0x180000  }
0xa4: {  	[bflag:$0x0] =	sbarrier.arrive $0xFFFF  }
0xa5: {  	_ =	strace $0x90000047  }
0xa6: {  	[bflag:$0x2] =	sbarrier.arrive $0xFFFF  }
0xa7: {  	p0 =	sne.s32 s2, $0x0;
	s0 =	rddreg [dreg:$0x2]  }
0xa8: {  	s0 =	sadd.s32 @!p0 $0x100000, s0  }
0xa9: {  	[sflag:s0] =	ssyncadd.tile.s32 @!p0 $0x1;
	_ =	shalt  }
.Lfunc_end2:
_tile_overlayer_lowered:
.L_overlay_start_2:
0xaa: {  	(tag) =	ssettag $0x2  }
0xab: {  	s0 =	rddreg [dreg:$0x0];
	s2 =	stileid.u32  }
0xac: {  	s1 =	rddreg [dreg:$0x1];
	p0 =	sne.s32 s2, $0x0  }
0xad: {  	s3 =	rddreg [dreg:$0x2];
	[bflag:$0x3] =	sbarrier.arrive $0xFFFF;
	s2 =	simm.s32 @!p0 $0x1C05  }
0xae: {  	[timem:s3], [sflag:s2] =	dma.local @!p0 [hbm:s0], s1  }
0xaf: {  	s0 =	simm.s32 @!p0 $0x5  }
0xb0: {  	_ =	swait.ge @!p0 [sflag:s0], s1  }
0xb1: {  	s1 =	ssub.s32 @!p0 $0x0, s1;
	[sflag:s0] =	ssyncset.done @!p0 $0x0  }
0xb2: {  	[sflag:s0] =	ssyncadd.s32 @!p0 s1  }
0xb3: {  	[bflag:$0x3] =	sbarrier.arrive $0xFFFF  }
0xb4: {  	_ =	shalt  }

// kernel: closed_call.33.cloned.1.call-start
scs
__scs_entry_jumppad:
0x0: {  	(pc) =	sbr.rel $0x88, $3  }
0x1: {  	(tag) =	ssettag $0x0;
	lr =	simm.s32 $0x1  }
0x2: {  	[smem:$0x3E98] =	sst lr;
	_ =	strace $0xD0000000  }
0x3: {  	_ = 	snop  }
0x4: {  	_ = 	snop  }
0x5: {  	_ = 	snop  }
0x6: {  	_ = 	snop  }
0x7: {  	_ = 	snop  }
__scs_overlays_trampoline_lowered:
0x8: {  	[smem:$0x3EA7] =	sst s0  }
0x9: {  	[smem:$0x3EA8] =	sst s1  }
0xa: {  	[smem:$0x3EA9] =	sst s2  }
0xb: {  	[smem:$0x3EAA] =	sst s3  }
0xc: {  	[smem:$0x3EAB] =	sst s4  }
0xd: {  	[smem:$0x3EAC] =	sst s5  }
0xe: {  	[smem:$0x3EAD] =	sst s6  }
0xf: {  	[smem:$0x3EAE] =	sst s7  }
0x10: {  	[smem:$0x3EAF] =	sst s8  }
0x11: {  	[smem:$0x3EB0] =	sst s9;
	s0 =	simm.s32 @!p0 $0x0  }
0x12: {  	s1 =	sld [smem:$0x3E96];
	s0 =	simm.s32 @p0 $0x1  }
0x13: {  	[smem:$0x3EB1] =	sst s0;
	s0 =	simm.s32 @!p1 $0x0  }
0x14: {  	s2 =	sld [smem:$0x3E95];
	s0 =	simm.s32 @p1 $0x1  }
0x15: {  	[smem:$0x3EB2] =	sst s0;
	s0 =	simm.s32 @!p2 $0x0  }
0x16: {  	s3 =	sld [smem:$0x3FDB];
	s0 =	simm.s32 @p2 $0x1  }
0x17: {  	s4 =	simm.s32 $0x1BF5;
	[smem:$0x3EB4] =	sst s0  }
0x18: {  	s0 =	sld [smem:$0x3E97];
	_ =	swait.ge [sflag:s4], $0x0  }
0x19: {  	s7 =	sld [smem:$0x3E98]  }
0x1a: {  	s8 =	sadd.s32 $0xFFFFE003, lr  }
0x1b: {  	s9 =	sadd.s32 $0xFFFFFEF7, lr;
	s5 =	simm.s32 $0xFFFFFFFF;
	p2 =	slt.u32 s8, $0xFFFFF086  }
0x1c: {  	p1 =	slt.u32 s9, $0xF7A;
	s5 =	simm.s32 @!p2 $0x0  }
0x1d: {  	s5 =	simm.s32 @p1 $0x1;
	p0 =	seq.s32 s7, s2  }
0x1e: {  	s7 =	smul.u32 @!p0 $0xF7A, s2;
	p2 =	seq.s32 @!p0 s5, $0x0  }
0x1f: {  	s9 =	smul.u32 $0xF7A, s1;
	s8 =	simm.s32 @!p0 $0x1BF5;
	p2 =	por !p2, p0  }
0x20: {  	[sflag:s8] =	ssyncset.s32 @!p0 $0xFFFFF086;
	s6 =	sadd.s32 @!p0 s3, s7;
	s7 =	simm.s32 @!p0 $0x108  }
0x21: {  	s3 =	sadd.s32 s3, s9;
	s6 =	sadd.s32 @!p0 $0x88, s6;
	s7 =	simm.s32 @p2 $0x1082  }
0x22: {  	[simem:s7], [sflag:s8] =	dma.local @!p0 [hbm:s6], $0xF7A  }
0x23: {  	s9 =	sor.u32 $0xD0000000, s2;
	s6 =	simm.s32 $0x108;
	_ =	swait.ge @!p0 [sflag:s8], $0x0  }
0x24: {  	s3 =	sadd.s32 $0x88, s3;
	s6 =	simm.s32 @!p1 $0x1082;
	[sflag:s4] =	ssyncset.s32 $0xFFFFF086  }
0x25: {  	[simem:s6], [sflag:s4] =	dma.local [hbm:s3], $0xF7A  }
0x26: {  	[smem:$0x3E98] =	sst s1;
	(tag) =	ssettag s2;
	_ =	strace s9  }
0x27: {  	s1 =	sld [smem:$0x3EA8]  }
0x28: {  	s2 =	sld [smem:$0x3EA9]  }
0x29: {  	s4 =	sld [smem:$0x3EAB]  }
0x2a: {  	p0 =	seq.s32 s5, $0x0;
	s5 =	sld [smem:$0x3EAC]  }
0x2b: {  	s6 =	sld [smem:$0x3EAD]  }
0x2c: {  	s7 =	sld [smem:$0x3EAE]  }
0x2d: {  	s3 =	simm.s32 $0x108;
	s8 =	sld [smem:$0x3EAF]  }
0x2e: {  	s3 =	simm.s32 @!p0 $0x1082;
	s9 =	sld [smem:$0x3EB0]  }
0x2f: {  	lr =	sadd.s32 s0, s3;
	s0 =	sld [smem:$0x3EA7]  }
0x30: {  	s3 =	sld [smem:$0x3EAA]  }
0x31: {  	[smem:$0x3EB3] =	sst s10  }
0x32: {  	s10 =	sld [smem:$0x3EB1];
	_ =	sdelay $0x3  }
0x33: {  	p0 =	seq.s32 s10, $0x1;
	s10 =	sld [smem:$0x3EB3];
	_ =	sdelay $0x3  }
0x34: {  	[smem:$0x3EB3] =	sst s10  }
0x35: {  	s10 =	sld [smem:$0x3EB2];
	_ =	sdelay $0x3  }
0x36: {  	p1 =	seq.s32 s10, $0x1;
	s10 =	sld [smem:$0x3EB3];
	_ =	sdelay $0x3  }
0x37: {  	[smem:$0x3EB3] =	sst s10  }
0x38: {  	s10 =	sld [smem:$0x3EB4]  }
0x39: {  	_ = 	snop;
	(pc) =	sbr.ind lr, $3  }
0x3a: {  	_ = 	snop  }
0x3b: {  	_ = 	snop  }
0x3c: {  	p2 =	seq.s32 s10, $0x1;
	s10 =	sld [smem:$0x3EB3]  }
0x3d: {  	_ =	shalt  }
0x3e: {  	_ =	shalt  }
0x3f: {  	_ =	shalt  }
0x40: {  	_ =	shalt  }
0x41: {  	_ =	shalt  }
0x42: {  	_ =	shalt  }
0x43: {  	_ =	shalt  }
0x44: {  	_ =	shalt  }
0x45: {  	_ =	shalt  }
0x46: {  	_ =	shalt  }
0x47: {  	_ =	shalt  }
0x48: {  	_ =	shalt  }
0x49: {  	_ =	shalt  }
0x4a: {  	_ =	shalt  }
0x4b: {  	_ =	shalt  }
0x4c: {  	_ =	shalt  }
0x4d: {  	_ =	shalt  }
0x4e: {  	_ =	shalt  }
0x4f: {  	_ =	shalt  }
0x50: {  	_ =	shalt  }
0x51: {  	_ =	shalt  }
0x52: {  	_ =	shalt  }
0x53: {  	_ =	shalt  }
0x54: {  	_ =	shalt  }
0x55: {  	_ =	shalt  }
0x56: {  	_ =	shalt  }
0x57: {  	_ =	shalt  }
0x58: {  	_ =	shalt  }
0x59: {  	_ =	shalt  }
0x5a: {  	_ =	shalt  }
0x5b: {  	_ =	shalt  }
0x5c: {  	_ =	shalt  }
0x5d: {  	_ =	shalt  }
0x5e: {  	_ =	shalt  }
0x5f: {  	_ =	shalt  }
0x60: {  	_ =	shalt  }
0x61: {  	_ =	shalt  }
0x62: {  	_ =	shalt  }
0x63: {  	_ =	shalt  }
0x64: {  	_ =	shalt  }
0x65: {  	_ =	shalt  }
0x66: {  	_ =	shalt  }
0x67: {  	_ =	shalt  }
0x68: {  	_ =	shalt  }
0x69: {  	_ =	shalt  }
0x6a: {  	_ =	shalt  }
0x6b: {  	_ =	shalt  }
0x6c: {  	_ =	shalt  }
0x6d: {  	_ =	shalt  }
0x6e: {  	_ =	shalt  }
0x6f: {  	_ =	shalt  }
0x70: {  	_ =	shalt  }
0x71: {  	_ =	shalt  }
0x72: {  	_ =	shalt  }
0x73: {  	_ =	shalt  }
0x74: {  	_ =	shalt  }
0x75: {  	_ =	shalt  }
0x76: {  	_ =	shalt  }
0x77: {  	_ =	shalt  }
0x78: {  	_ =	shalt  }
0x79: {  	_ =	shalt  }
0x7a: {  	_ =	shalt  }
0x7b: {  	_ =	shalt  }
0x7c: {  	_ =	shalt  }
0x7d: {  	_ =	shalt  }
0x7e: {  	_ =	shalt  }
0x7f: {  	_ =	shalt  }
0x80: {  	_ =	shalt  }
0x81: {  	_ =	shalt  }
0x82: {  	_ =	shalt  }
0x83: {  	_ =	shalt  }
0x84: {  	_ =	shalt  }
0x85: {  	_ =	shalt  }
0x86: {  	_ =	shalt  }
0x87: {  	_ =	shalt  }
.Lfunc_end0:
.L_simem_size_0:
called_computation.1_lowered:
.L_overlay_start_0:
0x88: {  	s2 =	sld [smem:$0x3FD9]  }
0x89: {  	s3 =	sld [smem:$0x3FFE];
	_ =	sdelay $0x1  }
0x8a: {  	s1 =	srdreg.scid  }
0x8b: {  	s0 =	sand.u32 $0x1, s1  }
0x8c: {  	s17 =	sshll.u32 s0, $0xA;
	s2 =	sadd.s32 s3, s2  }
0x8d: {  	s2 =	sadd.s32 s2, s17  }
0x8e: {  	[smem:$0x3EBF] =	sst s2  }
0x8f: {  	_ = 	snop  }
0x90: {  	(tm) =	ssettm $0x1  }
0x91: {  	s18 =	sld [smem:$0x3FFB];
	_ =	sdelay $0x3  }
0x92: {  	_ =	strace s18  }
0x93: {  	s2 =	sld [smem:$0x3FFC];
	_ =	sdelay $0x3  }
0x94: {  	_ =	strace s2  }
0x95: {  	s2 =	sld [smem:$0x3FFD];
	_ =	sdelay $0x3  }
0x96: {  	_ =	strace s2  }
0x97: {  	_ =	strace $0x8FFFFFFF  }
0x98: {  	s19 =	sld [smem:$0x3FDB];
	_ =	sdelay $0x1  }
0x99: {  	s20 =	simm.s32 $_scs_section_size  }
0x9a: {  	s4 =	simm.s32 $_size__tile_overlayer_lowered;
	s5 =	simm.s32 $_tile_overlayer_lowered  }
0x9b: {  	s6 =	simm.s32 $0x1BFF;
	s21 =	sshll.u32 s5, $0x1;
	s3 =	sadd.s32 s20, s19  }
0x9c: {  	s22 =	simm.s32 $0x0;
	s4 =	sshll.u32 s4, $0x1;
	s5 =	sadd.s32 s21, s3  }
0x9d: {  	[timem:s22], [sflag:s6] =	dma.local [hbm:s5], s4  }
0x9e: {  	_ =	swait.ge [sflag:s6], s4  }
0x9f: {  	s4 =	ssub.s32 $0x0, s4;
	[sflag:s6] =	ssyncset.done $0x0  }
0xa0: {  	[sflag:s6] =	ssyncadd.s32 s4;
	_ =	sdelay $0x1  }
0xa1: {  	s23 =	simm.s32 $0x1B8B  }
0xa2: {  	_ =	swait.ge [sflag:s23], $0x1  }
0xa3: {  	[sflag:s23] =	ssyncset.done $0x0  }
0xa4: {  	[sflag:s23] =	ssyncadd.s32 $0xFFFFFFFF  }
0xa5: {  	s4 =	sld [smem:$0x0]  }
0xa6: {  	s5 =	sand.u32 $0xFFFFFFFE, s1  }
0xa7: {  	p0 =	sne.s32 s1, s5  }
0xa8: {  	s5 =	sshll.u32 @p0 s5, $0xE  }
0xa9: {  	s5 =	sadd.s32 @p0 $0x11B8D, s5;
	s6 =	sshll.u32 @p0 s4, $0x11  }
0xaa: {  	s5 =	sor.u32 @p0 s6, s5  }
0xab: {  	[sflag:s5] =	ssyncadd.remote.s32 @p0 $0x1;
	_ =	sdelay $0x1  }
0xac: {  	s5 =	simm.s32 @p0 $0x1B8D  }
0xad: {  	_ =	swait.eq @p0 [sflag:s5], $0x1  }
0xae: {  	[sflag:s5] =	ssyncadd.s32 @p0 $0xFFFFFFFF  }
0xaf: {  	s6 =	sshll.u32 @!p0 s1, $0xE  }
0xb0: {  	s6 =	sor.u32 @!p0 $0x4000, s6;
	s5 =	simm.s32 @!p0 $0x1B8D  }
0xb1: {  	s4 =	sshll.u32 @!p0 s4, $0x11;
	s6 =	sadd.s32 @!p0 $0x11B8D, s6;
	_ =	swait.eq @!p0 [sflag:s5], $0x1  }
0xb2: {  	s4 =	sor.u32 @!p0 s4, s6;
	[sflag:s5] =	ssyncadd.s32 @!p0 $0xFFFFFFFF  }
0xb3: {  	s25 =	simm.s32 $0x1B8E;
	s24 =	sld [smem:$0x3FFE];
	[sflag:s4] =	ssyncadd.remote.s32 @!p0 $0x1  }
0xb4: {  	s26 =	simm.s32 $execute0_lowered;
	[smem:$0x3FD2] =	sst s25  }
0xb5: {  	s5 =	sshll.u32 s26, $0x1;
	_ =	strace $0x80000049;
	[dreg:$0x1] =	wrdreg $0xFFFFFFFF  }
0xb6: {  	s28 =	simm.s32 $_size_execute0_lowered;
	s3 =	sadd.s32 s3, s5;
	[dreg:$0x0] =	wrdreg $0x0  }
0xb7: {  	s5 =	sshll.u32 s28, $0x1;
	[dreg:$0x2] =	wrdreg s3  }
0xb8: {  	[dreg:$0x3] =	wrdreg s5  }
0xb9: {  	[dreg:$0x4] =	wrdreg $0xC0  }
0xba: {  	_ =	task [dreg:s22], $0x5FFFF  }
0xbb: {  	[dreg:$0x1] =	wrdreg $0xFFFFFFFF  }
0xbc: {  	[dreg:$0x0] =	wrdreg $0x60  }
0xbd: {  	[dreg:$0x2] =	wrdreg s24  }
0xbe: {  	[dreg:$0x3] =	wrdreg $0x94000  }
0xbf: {  	[dreg:$0x4] =	wrdreg $0x9  }
0xc0: {  	_ =	task.clear_ibuf [dreg:s22], $0x5FFFF;
	_ =	strace $0x90000049  }
0xc1: {  	s29 =	simm.s32 $0x9;
	_ =	strace $0x8000004B  }
0xc2: {  	_ =	swait.ge [sflag:s29], $0x1  }
0xc3: {  	[sflag:s29] =	ssyncadd.s32 $0xFFFFFFFF  }
0xc4: {  	_ =	strace $0x9000004B  }
0xc5: {  	_ =	sfence  }
0xc6: {  	s30 =	sld [smem:$0x0];
	_ =	sdelay $0x2  }
0xc7: {  	s31 =	sshll.u32 s1, $0xD;
	s1 =	sshrl.u32 s1, $0x2  }
0xc8: {  	s4 =	sand.u32 $0x4000, s31;
	s1 =	sadd.s32 s1, s30  }
0xc9: {  	s0 =	sor.u32 s4, s0;
	s1 =	sshll.u32 s1, $0x11  }
0xca: {  	s0 =	sor.u32 s1, s0  }
0xcb: {  	s0 =	sadd.s32 $0x8F2B, s0  }
0xcc: {  	[sflag:s0] =	ssyncadd.remote.s32 $0x1  }
0xcd: {  	_ =	sfence.sel $0xFFFF  }
0xce: {  	[dreg:$0x0] =	wrdreg $0xFFFFFFFF;
	(pc) =	sbr.abs _section_cstart, $3  }
0xcf: {  	[dreg:$0x1] =	wrdreg $0xFFFFFFFF  }
0xd0: {  	_ =	task.clear_ibuf [dreg:s22], $0x2FFFF;
	_ =	strace $0x9FFFFFFF  }
0xd1: {  	(tm) =	ssettm $0x7FFFFFFF  }
tec
execute0_lowered:
.L_overlay_start_1:
0x0: {  	(tag) =	ssettag $0x1  }
0x1: {  	s0 =	srdreg.scid  }
0x2: {  	s14 =	stileid.u32;
	s5 =	rddreg [dreg:$0x0]  }
0x3: {  	s1 =	rddreg [dreg:$0x1];
	s2 =	simm.s32 $0x0;
	s7 =	smul.u32 $0x2700, s14  }
0x4: {  	s20 =	simm.s32 $0x80;
	s21 =	simm.s32 $0x2;
	s4 =	smul.u32 $0x4E000, s14  }
0x5: {  	s22 =	simm.s32 $0x3;
	s9 =	sand.u32 $0x1, s0;
	s19 =	smul.u32 $0x50, s14  }
0x6: {  	s23 =	sshll.u32 s14, $0x1;
	s0 =	rddreg [dreg:$0x2];
	s30 =	smul.u32 $0x28000, s14  }
0x7: {  	[smem:$0x7FF] =	sst s2;
	s11 =	sadd.s32 $0x522000, s5;
	s25 =	smul.u32 $0x27100, s9  }
0x8: {  	s12 =	sadd.s32 $0x3B5400, s5;
	s26 =	sshll.u32 s14, $0x6;
	s16 =	smul.u32 $0x138800, s9  }
0x9: {  	s17 =	sadd.s32 $0x138000, s1;
	p0 =	sne.s32 s14, $0x0;
	s29 =	smul.u32 $0x28, s9  }
0xa: {  	s6 =	sor.u32 s9, s23;
	_ =	strace $0x8000004A;
	s31 =	smul.u32 $0x14000, s9  }
0xb: {  	s10 =	ssub.s32 $0x2, s9;
	s23 =	simm.s32 $0x4;
	s3 =	smul.u32 $0x280, s6  }
0xc: {  	s24 =	sadd.s32 s7, s5;
	s13 =	sshrl.u32 s10, $0x1;
	s4 =	sshrl.u32 s4, $0x2  }
0xd: {  	s18 =	smul.u32 $0x14000, s6;
	s10 =	ssub.s32 s10, s13;
	s15 =	sadd.s32 s4, s1  }
0xe: {  	s4 =	sor.u32 $0x1C05, s26;
	s7 =	sadd.s32 s7, s25;
	s28 =	sshrl.u32 s16, $0x3  }
0xf: {  	s13 =	sadd.s32 s29, s19;
	s16 =	sshrl.u32 @!p0 s17, $0x3;
	s17 =	simm.s32 $0x1400  }
0x10: {  	s19 =	simm.s32 $0x1;
	s8 =	sadd.s32 s3, s5;
	s3 =	sadd.s32 $0x38E200, s24  }
0x11: {  	s5 =	sadd.s32 $0x3B5200, s5;
	s7 =	sadd.s32 s12, s7;
	s9 =	smax.u32 s10, $0x1  }
0x12: {  	s13 =	sshll.u32 s13, $0xB;
	s10 =	sadd.s32 s11, s18;
	s14 =	sshrl.u32 s15, $0x3  }
0x13: {  	s15 =	simm.s32 $0x5;
	s18 =	simm.s32 $0x5400;
	s24 =	simm.s32 $0x0  }
0x14: {  	s6 =	sadd.s32 $0x6E200, s8;
	s8 =	sadd.s32 s12, s28;
	s12 =	sadd.s32 s30, s11  }
0x15: {  	s13 =	sadd.s32 s13, s11;
	s11 =	sadd.s32 $0x800, s10;
	s12 =	sadd.s32 s31, s12  }
0x16: {  	s8 =	sadd.s32 $0x27000, s8;
	s13 =	sadd.s32 $0x1800, s13;
	s12 =	sadd.s32 $0x1000, s12  }
.LBB2_1:
0x17: {  	[spmem:s14], [sflag:s4] =	dma.local [hbm:s3], $0x2700  }
0x18: {  	_ =	swait.ge [sflag:s15], $0x2700  }
0x19: {  	[sflag:s15] =	ssyncset.done $0x0  }
0x1a: {  	s25 =	simm.s32 @!p0 $0x5;
	[sflag:s15] =	ssyncadd.s32 $0xFFFFD900  }
0x1b: {  	[spmem:s16], [sflag:s4] =	dma.local @!p0 [hbm:s5], $0x100  }
0x1c: {  	_ =	swait.ge @!p0 [sflag:s25], $0x100  }
0x1d: {  	[sflag:s25] =	ssyncset.done @!p0 $0x0  }
0x1e: {  	[sflag:s25] =	ssyncadd.s32 @!p0 $0xFFFFFF00  }
0x1f: {  	[tilespmem:s2], [sflag:$0x5] =	stream.linear.gather [hbm4b:s6+s2], $0x1400, $0x38;
	[tilespmem:$0x1CC80] =	vst v63  }
0x20: {  	_ =	swait.ge [sflag:s15], $0x1400  }
0x21: {  	[sflag:s15] =	ssyncset.done $0x0  }
0x22: {  	[sflag:s15] =	ssyncadd.s32 $0xFFFFEC00  }
0x23: {  	[bflag:$0x0] =	sbarrier.arrive $0xFFFF  }
0x24: {  	[tilespmem:s17], [sflag:$0x1] =	stream.linear.gather [hbm4b:s10+s2], $0x4000, $0x38;
	[tilespmem:$0x1CC80] =	vst v63  }
0x25: {  	_ = 	snop  }
0x26: {  	[tilespmem:s18], [sflag:$0x2] =	stream.linear.gather [hbm4b:s11+s2], $0x4000, $0x38;
	[tilespmem:$0x1CC80] =	vst v63  }
0x27: {  	_ =	swait.ge [sflag:s19], $0x4000  }
0x28: {  	[sflag:s19] =	ssyncset.done $0x0  }
0x29: {  	[sflag:s19] =	ssyncadd.s32 $0xFFFFC000  }
0x2a: {  	[spmem:s1] =	stream.indirect.scatter.add.f32 [tilespmem:s17], [sflag:$0x3], $0x80, s2, s20, $0xb8;
	[tilespmem:$0x1CC80] =	vst v63  }
0x2b: {  	_ =	swait.ge [sflag:s21], $0x4000  }
0x2c: {  	[sflag:s21] =	ssyncset.done $0x0  }
0x2d: {  	[sflag:s21] =	ssyncadd.s32 $0xFFFFC000  }
0x2e: {  	[spmem:s1] =	stream.indirect.scatter.add.f32 [tilespmem:s18], [sflag:$0x4], $0x80, s20, s20, $0xb8;
	[tilespmem:$0x1CC80] =	vst v63  }
0x2f: {  	_ =	swait.ge [sflag:s22], $0x4000  }
0x30: {  	[sflag:s22] =	ssyncset.done $0x0  }
0x31: {  	[sflag:s22] =	ssyncadd.s32 $0xFFFFC000  }
0x32: {  	_ =	swait.ge [sflag:s23], $0x4000  }
0x33: {  	[sflag:s23] =	ssyncset.done $0x0  }
0x34: {  	s29 =	sadd.s32 $0x0, s12;
	[sflag:s23] =	ssyncadd.s32 $0xFFFFC000  }
0x35: {  	[tilespmem:s17], [sflag:$0x1] =	stream.linear.gather [hbm4b:s29+s2], $0x4000, $0x38;
	[tilespmem:$0x1CC80] =	vst v63  }
0x36: {  	s30 =	sadd.s32 $0x0, s13  }
0x37: {  	[tilespmem:s18], [sflag:$0x2] =	stream.linear.gather [hbm4b:s30+s2], $0x4000, $0x38;
	[tilespmem:$0x1CC80] =	vst v63  }
0x38: {  	_ =	swait.ge [sflag:s19], $0x4000  }
0x39: {  	[sflag:s19] =	ssyncset.done $0x0  }
0x3a: {  	s31 =	simm.s32 $0x100;
	[sflag:s19] =	ssyncadd.s32 $0xFFFFC000  }
0x3b: {  	[spmem:s1] =	stream.indirect.scatter.add.f32 [tilespmem:s17], [sflag:$0x3], $0x80, s31, s20, $0xb8;
	[tilespmem:$0x1CC80] =	vst v63  }
0x3c: {  	_ =	swait.ge [sflag:s21], $0x4000  }
0x3d: {  	s28 =	simm.s32 $0x180;
	[sflag:s21] =	ssyncset.done $0x0  }
0x3e: {  	s26 =	simm.s32 $0x200;
	s25 =	simm.s32 $0x1000;
	[sflag:s21] =	ssyncadd.s32 $0xFFFFC000  }
.LBB2_2:
0x3f: {  	[spmem:s1] =	stream.indirect.scatter.add.f32 [tilespmem:s18], [sflag:$0x4], $0x80, s28, s20, $0xb8;
	[tilespmem:$0x1CC80] =	vst v63  }
0x40: {  	s28 =	smov.u32 s25  }
0x41: {  	p1 =	sne.s32 s25, $0x12000;
	s25 =	sadd.s32 $0x1000, s25;
	_ =	swait.ge [sflag:s22], $0x4000  }
0x42: {  	[sflag:s22] =	ssyncset.done $0x0  }
0x43: {  	[sflag:s22] =	ssyncadd.s32 $0xFFFFC000  }
0x44: {  	_ =	swait.ge [sflag:s23], $0x4000  }
0x45: {  	[sflag:s23] =	ssyncset.done $0x0  }
0x46: {  	s29 =	sadd.s32 s28, s12;
	[sflag:s23] =	ssyncadd.s32 $0xFFFFC000  }
0x47: {  	[tilespmem:s17], [sflag:$0x1] =	stream.linear.gather [hbm4b:s29+s2], $0x4000, $0x38;
	[tilespmem:$0x1CC80] =	vst v63  }
0x48: {  	s28 =	sadd.s32 s28, s13  }
0x49: {  	[tilespmem:s18], [sflag:$0x2] =	stream.linear.gather [hbm4b:s28+s2], $0x4000, $0x38;
	[tilespmem:$0x1CC80] =	vst v63  }
0x4a: {  	_ =	swait.ge [sflag:s19], $0x4000  }
0x4b: {  	[sflag:s19] =	ssyncset.done $0x0  }
.Ltmp0:
0x4c: {  	[sflag:s19] =	ssyncadd.s32 $0xFFFFC000;
	(pc) =	sbr.rel @p1 .LBB2_2-.Ltmp0, $4  }
0x4d: {  	[spmem:s1] =	stream.indirect.scatter.add.f32 [tilespmem:s17], [sflag:$0x3], $0x80, s26, s20, $0xb8;
	[tilespmem:$0x1CC80] =	vst v63  }
0x4e: {  	_ =	swait.ge [sflag:s21], $0x4000  }
0x4f: {  	[sflag:s21] =	ssyncset.done $0x0  }
0x50: {  	s28 =	sadd.s32 $0x80, s26;
	s26 =	sadd.s32 $0x100, s26;
	[sflag:s21] =	ssyncadd.s32 $0xFFFFC000  }
0x51: {  	[spmem:s1] =	stream.indirect.scatter.add.f32 [tilespmem:s18], [sflag:$0x4], $0x80, s28, s20, $0xb8;
	[tilespmem:$0x1CC80] =	vst v63  }
0x52: {  	_ =	swait.ge [sflag:s22], $0x4000  }
0x53: {  	[sflag:s22] =	ssyncset.done $0x0  }
0x54: {  	[sflag:s22] =	ssyncadd.s32 $0xFFFFC000  }
0x55: {  	_ =	swait.ge [sflag:s23], $0x4000  }
0x56: {  	[sflag:s23] =	ssyncset.done $0x0  }
0x57: {  	[sflag:s23] =	ssyncadd.s32 $0xFFFFC000  }
0x58: {  	[bflag:$0x0] =	sbarrier.arrive $0xFFFF  }
0x59: {  	[hbm:s7], [sflag:s4] =	dma.local [spmem:s14], $0x2700  }
0x5a: {  	s24 =	sadd.s32 $0x1, s24;
	_ =	swait.ge [sflag:s15], $0x2700  }
0x5b: {  	p1 =	sne.s32 s24, s9;
	[sflag:s15] =	ssyncset.done $0x0  }
.Ltmp1:
0x5c: {  	s25 =	simm.s32 @!p0 $0x5;
	[sflag:s15] =	ssyncadd.s32 $0xFFFFD900;
	(pc) =	sbr.rel @p1 .LBB2_1-.Ltmp1, $4  }
0x5d: {  	[hbm:s8], [sflag:s4] =	dma.local @!p0 [spmem:s16], $0x100  }
0x5e: {  	_ =	swait.ge @!p0 [sflag:s25], $0x100  }
0x5f: {  	[sflag:s25] =	ssyncset.done @!p0 $0x0  }
0x60: {  	[sflag:s25] =	ssyncadd.s32 @!p0 $0xFFFFFF00  }
0x61: {  	_ =	sfence.sel $0x180000  }
0x62: {  	[bflag:$0x0] =	sbarrier.arrive $0xFFFF  }
0x63: {  	_ =	strace $0x9000004A  }
0x64: {  	s0 =	sadd.s32 @!p0 $0x100000, s0;
	[bflag:$0x2] =	sbarrier.arrive $0xFFFF  }
0x65: {  	[sflag:s0] =	ssyncadd.tile.s32 @!p0 $0x1;
	_ =	shalt  }
.Lfunc_end2:
_tile_overlayer_lowered:
.L_overlay_start_2:
0x66: {  	(tag) =	ssettag $0x2  }
0x67: {  	s0 =	rddreg [dreg:$0x0];
	s2 =	stileid.u32  }
0x68: {  	s1 =	rddreg [dreg:$0x1];
	p0 =	sne.s32 s2, $0x0  }
0x69: {  	s3 =	rddreg [dreg:$0x2];
	[bflag:$0x3] =	sbarrier.arrive $0xFFFF;
	s2 =	simm.s32 @!p0 $0x1C05  }
0x6a: {  	[timem:s3], [sflag:s2] =	dma.local @!p0 [hbm:s0], s1  }
0x6b: {  	s0 =	simm.s32 @!p0 $0x5  }
0x6c: {  	_ =	swait.ge @!p0 [sflag:s0], s1  }
0x6d: {  	s1 =	ssub.s32 @!p0 $0x0, s1;
	[sflag:s0] =	ssyncset.done @!p0 $0x0  }
0x6e: {  	[sflag:s0] =	ssyncadd.s32 @!p0 s1  }
0x6f: {  	[bflag:$0x3] =	sbarrier.arrive $0xFFFF  }
0x70: {  	_ =	shalt  }

// kernel: closed_call.36.cloned.1.call-start
scs
__scs_entry_jumppad:
0x0: {  	(pc) =	sbr.rel $0x88, $3  }
0x1: {  	(tag) =	ssettag $0x0;
	lr =	simm.s32 $0x1  }
0x2: {  	[smem:$0x3E98] =	sst lr;
	_ =	strace $0xD0000000  }
0x3: {  	_ = 	snop  }
0x4: {  	_ = 	snop  }
0x5: {  	_ = 	snop  }
0x6: {  	_ = 	snop  }
0x7: {  	_ = 	snop  }
__scs_overlays_trampoline_lowered:
0x8: {  	[smem:$0x3EA7] =	sst s0  }
0x9: {  	[smem:$0x3EA8] =	sst s1  }
0xa: {  	[smem:$0x3EA9] =	sst s2  }
0xb: {  	[smem:$0x3EAA] =	sst s3  }
0xc: {  	[smem:$0x3EAB] =	sst s4  }
0xd: {  	[smem:$0x3EAC] =	sst s5  }
0xe: {  	[smem:$0x3EAD] =	sst s6  }
0xf: {  	[smem:$0x3EAE] =	sst s7  }
0x10: {  	[smem:$0x3EAF] =	sst s8  }
0x11: {  	[smem:$0x3EB0] =	sst s9;
	s0 =	simm.s32 @!p0 $0x0  }
0x12: {  	s1 =	sld [smem:$0x3E96];
	s0 =	simm.s32 @p0 $0x1  }
0x13: {  	[smem:$0x3EB1] =	sst s0;
	s0 =	simm.s32 @!p1 $0x0  }
0x14: {  	s2 =	sld [smem:$0x3E95];
	s0 =	simm.s32 @p1 $0x1  }
0x15: {  	[smem:$0x3EB2] =	sst s0;
	s0 =	simm.s32 @!p2 $0x0  }
0x16: {  	s3 =	sld [smem:$0x3FDB];
	s0 =	simm.s32 @p2 $0x1  }
0x17: {  	s4 =	simm.s32 $0x1BF5;
	[smem:$0x3EB4] =	sst s0  }
0x18: {  	s0 =	sld [smem:$0x3E97];
	_ =	swait.ge [sflag:s4], $0x0  }
0x19: {  	s7 =	sld [smem:$0x3E98]  }
0x1a: {  	s8 =	sadd.s32 $0xFFFFE003, lr  }
0x1b: {  	s9 =	sadd.s32 $0xFFFFFEF7, lr;
	s5 =	simm.s32 $0xFFFFFFFF;
	p2 =	slt.u32 s8, $0xFFFFF086  }
0x1c: {  	p1 =	slt.u32 s9, $0xF7A;
	s5 =	simm.s32 @!p2 $0x0  }
0x1d: {  	s5 =	simm.s32 @p1 $0x1;
	p0 =	seq.s32 s7, s2  }
0x1e: {  	s7 =	smul.u32 @!p0 $0xF7A, s2;
	p2 =	seq.s32 @!p0 s5, $0x0  }
0x1f: {  	s9 =	smul.u32 $0xF7A, s1;
	s8 =	simm.s32 @!p0 $0x1BF5;
	p2 =	por !p2, p0  }
0x20: {  	[sflag:s8] =	ssyncset.s32 @!p0 $0xFFFFF086;
	s6 =	sadd.s32 @!p0 s3, s7;
	s7 =	simm.s32 @!p0 $0x108  }
0x21: {  	s3 =	sadd.s32 s3, s9;
	s6 =	sadd.s32 @!p0 $0x88, s6;
	s7 =	simm.s32 @p2 $0x1082  }
0x22: {  	[simem:s7], [sflag:s8] =	dma.local @!p0 [hbm:s6], $0xF7A  }
0x23: {  	s9 =	sor.u32 $0xD0000000, s2;
	s6 =	simm.s32 $0x108;
	_ =	swait.ge @!p0 [sflag:s8], $0x0  }
0x24: {  	s3 =	sadd.s32 $0x88, s3;
	s6 =	simm.s32 @!p1 $0x1082;
	[sflag:s4] =	ssyncset.s32 $0xFFFFF086  }
0x25: {  	[simem:s6], [sflag:s4] =	dma.local [hbm:s3], $0xF7A  }
0x26: {  	[smem:$0x3E98] =	sst s1;
	(tag) =	ssettag s2;
	_ =	strace s9  }
0x27: {  	s1 =	sld [smem:$0x3EA8]  }
0x28: {  	s2 =	sld [smem:$0x3EA9]  }
0x29: {  	s4 =	sld [smem:$0x3EAB]  }
0x2a: {  	p0 =	seq.s32 s5, $0x0;
	s5 =	sld [smem:$0x3EAC]  }
0x2b: {  	s6 =	sld [smem:$0x3EAD]  }
0x2c: {  	s7 =	sld [smem:$0x3EAE]  }
0x2d: {  	s3 =	simm.s32 $0x108;
	s8 =	sld [smem:$0x3EAF]  }
0x2e: {  	s3 =	simm.s32 @!p0 $0x1082;
	s9 =	sld [smem:$0x3EB0]  }
0x2f: {  	lr =	sadd.s32 s0, s3;
	s0 =	sld [smem:$0x3EA7]  }
0x30: {  	s3 =	sld [smem:$0x3EAA]  }
0x31: {  	[smem:$0x3EB3] =	sst s10  }
0x32: {  	s10 =	sld [smem:$0x3EB1];
	_ =	sdelay $0x3  }
0x33: {  	p0 =	seq.s32 s10, $0x1;
	s10 =	sld [smem:$0x3EB3];
	_ =	sdelay $0x3  }
0x34: {  	[smem:$0x3EB3] =	sst s10  }
0x35: {  	s10 =	sld [smem:$0x3EB2];
	_ =	sdelay $0x3  }
0x36: {  	p1 =	seq.s32 s10, $0x1;
	s10 =	sld [smem:$0x3EB3];
	_ =	sdelay $0x3  }
0x37: {  	[smem:$0x3EB3] =	sst s10  }
0x38: {  	s10 =	sld [smem:$0x3EB4]  }
0x39: {  	_ = 	snop;
	(pc) =	sbr.ind lr, $3  }
0x3a: {  	_ = 	snop  }
0x3b: {  	_ = 	snop  }
0x3c: {  	p2 =	seq.s32 s10, $0x1;
	s10 =	sld [smem:$0x3EB3]  }
0x3d: {  	_ =	shalt  }
0x3e: {  	_ =	shalt  }
0x3f: {  	_ =	shalt  }
0x40: {  	_ =	shalt  }
0x41: {  	_ =	shalt  }
0x42: {  	_ =	shalt  }
0x43: {  	_ =	shalt  }
0x44: {  	_ =	shalt  }
0x45: {  	_ =	shalt  }
0x46: {  	_ =	shalt  }
0x47: {  	_ =	shalt  }
0x48: {  	_ =	shalt  }
0x49: {  	_ =	shalt  }
0x4a: {  	_ =	shalt  }
0x4b: {  	_ =	shalt  }
0x4c: {  	_ =	shalt  }
0x4d: {  	_ =	shalt  }
0x4e: {  	_ =	shalt  }
0x4f: {  	_ =	shalt  }
0x50: {  	_ =	shalt  }
0x51: {  	_ =	shalt  }
0x52: {  	_ =	shalt  }
0x53: {  	_ =	shalt  }
0x54: {  	_ =	shalt  }
0x55: {  	_ =	shalt  }
0x56: {  	_ =	shalt  }
0x57: {  	_ =	shalt  }
0x58: {  	_ =	shalt  }
0x59: {  	_ =	shalt  }
0x5a: {  	_ =	shalt  }
0x5b: {  	_ =	shalt  }
0x5c: {  	_ =	shalt  }
0x5d: {  	_ =	shalt  }
0x5e: {  	_ =	shalt  }
0x5f: {  	_ =	shalt  }
0x60: {  	_ =	shalt  }
0x61: {  	_ =	shalt  }
0x62: {  	_ =	shalt  }
0x63: {  	_ =	shalt  }
0x64: {  	_ =	shalt  }
0x65: {  	_ =	shalt  }
0x66: {  	_ =	shalt  }
0x67: {  	_ =	shalt  }
0x68: {  	_ =	shalt  }
0x69: {  	_ =	shalt  }
0x6a: {  	_ =	shalt  }
0x6b: {  	_ =	shalt  }
0x6c: {  	_ =	shalt  }
0x6d: {  	_ =	shalt  }
0x6e: {  	_ =	shalt  }
0x6f: {  	_ =	shalt  }
0x70: {  	_ =	shalt  }
0x71: {  	_ =	shalt  }
0x72: {  	_ =	shalt  }
0x73: {  	_ =	shalt  }
0x74: {  	_ =	shalt  }
0x75: {  	_ =	shalt  }
0x76: {  	_ =	shalt  }
0x77: {  	_ =	shalt  }
0x78: {  	_ =	shalt  }
0x79: {  	_ =	shalt  }
0x7a: {  	_ =	shalt  }
0x7b: {  	_ =	shalt  }
0x7c: {  	_ =	shalt  }
0x7d: {  	_ =	shalt  }
0x7e: {  	_ =	shalt  }
0x7f: {  	_ =	shalt  }
0x80: {  	_ =	shalt  }
0x81: {  	_ =	shalt  }
0x82: {  	_ =	shalt  }
0x83: {  	_ =	shalt  }
0x84: {  	_ =	shalt  }
0x85: {  	_ =	shalt  }
0x86: {  	_ =	shalt  }
0x87: {  	_ =	shalt  }
.Lfunc_end0:
.L_simem_size_0:
called_computation.2_lowered:
.L_overlay_start_0:
0x88: {  	s2 =	sld [smem:$0x3FD9]  }
0x89: {  	s3 =	sld [smem:$0x3FFE];
	_ =	sdelay $0x1  }
0x8a: {  	s1 =	srdreg.scid  }
0x8b: {  	s0 =	sand.u32 $0x1, s1  }
0x8c: {  	s17 =	sshll.u32 s0, $0xA;
	s2 =	sadd.s32 s3, s2  }
0x8d: {  	s2 =	sadd.s32 s2, s17  }
0x8e: {  	[smem:$0x3EBF] =	sst s2  }
0x8f: {  	_ = 	snop  }
0x90: {  	(tm) =	ssettm $0x1  }
0x91: {  	s18 =	sld [smem:$0x3FFB];
	_ =	sdelay $0x3  }
0x92: {  	_ =	strace s18  }
0x93: {  	s2 =	sld [smem:$0x3FFC];
	_ =	sdelay $0x3  }
0x94: {  	_ =	strace s2  }
0x95: {  	s2 =	sld [smem:$0x3FFD];
	_ =	sdelay $0x3  }
0x96: {  	_ =	strace s2  }
0x97: {  	_ =	strace $0x8FFFFFFF  }
0x98: {  	s19 =	sld [smem:$0x3FDB];
	_ =	sdelay $0x1  }
0x99: {  	s20 =	simm.s32 $_scs_section_size  }
0x9a: {  	s4 =	simm.s32 $_size__tile_overlayer_lowered;
	s5 =	simm.s32 $_tile_overlayer_lowered  }
0x9b: {  	s6 =	simm.s32 $0x1BFF;
	s21 =	sshll.u32 s5, $0x1;
	s3 =	sadd.s32 s20, s19  }
0x9c: {  	s22 =	simm.s32 $0x0;
	s4 =	sshll.u32 s4, $0x1;
	s5 =	sadd.s32 s21, s3  }
0x9d: {  	[timem:s22], [sflag:s6] =	dma.local [hbm:s5], s4  }
0x9e: {  	_ =	swait.ge [sflag:s6], s4  }
0x9f: {  	s4 =	ssub.s32 $0x0, s4;
	[sflag:s6] =	ssyncset.done $0x0  }
0xa0: {  	[sflag:s6] =	ssyncadd.s32 s4;
	_ =	sdelay $0x1  }
0xa1: {  	s23 =	simm.s32 $0x1B8B  }
0xa2: {  	_ =	swait.ge [sflag:s23], $0x1  }
0xa3: {  	[sflag:s23] =	ssyncset.done $0x0  }
0xa4: {  	[sflag:s23] =	ssyncadd.s32 $0xFFFFFFFF  }
0xa5: {  	s4 =	sld [smem:$0x0]  }
0xa6: {  	s5 =	sand.u32 $0xFFFFFFFE, s1  }
0xa7: {  	p0 =	sne.s32 s1, s5  }
0xa8: {  	s5 =	sshll.u32 @p0 s5, $0xE  }
0xa9: {  	s5 =	sadd.s32 @p0 $0x11B8D, s5;
	s6 =	sshll.u32 @p0 s4, $0x11  }
0xaa: {  	s5 =	sor.u32 @p0 s6, s5  }
0xab: {  	[sflag:s5] =	ssyncadd.remote.s32 @p0 $0x1;
	_ =	sdelay $0x1  }
0xac: {  	s5 =	simm.s32 @p0 $0x1B8D  }
0xad: {  	_ =	swait.eq @p0 [sflag:s5], $0x1  }
0xae: {  	[sflag:s5] =	ssyncadd.s32 @p0 $0xFFFFFFFF  }
0xaf: {  	s6 =	sshll.u32 @!p0 s1, $0xE  }
0xb0: {  	s6 =	sor.u32 @!p0 $0x4000, s6;
	s5 =	simm.s32 @!p0 $0x1B8D  }
0xb1: {  	s4 =	sshll.u32 @!p0 s4, $0x11;
	s6 =	sadd.s32 @!p0 $0x11B8D, s6;
	_ =	swait.eq @!p0 [sflag:s5], $0x1  }
0xb2: {  	s4 =	sor.u32 @!p0 s4, s6;
	[sflag:s5] =	ssyncadd.s32 @!p0 $0xFFFFFFFF  }
0xb3: {  	s25 =	simm.s32 $0x1B8E;
	s24 =	sld [smem:$0x3FFE];
	[sflag:s4] =	ssyncadd.remote.s32 @!p0 $0x1  }
0xb4: {  	s26 =	simm.s32 $execute0_lowered;
	[smem:$0x3FD2] =	sst s25  }
0xb5: {  	s5 =	sshll.u32 s26, $0x1;
	_ =	strace $0x8000004C;
	[dreg:$0x1] =	wrdreg $0xFFFFFFFF  }
0xb6: {  	s28 =	simm.s32 $_size_execute0_lowered;
	s3 =	sadd.s32 s3, s5;
	[dreg:$0x0] =	wrdreg $0x0  }
0xb7: {  	s5 =	sshll.u32 s28, $0x1;
	[dreg:$0x2] =	wrdreg s3  }
0xb8: {  	[dreg:$0x3] =	wrdreg s5  }
0xb9: {  	[dreg:$0x4] =	wrdreg $0xC0  }
0xba: {  	_ =	task [dreg:s22], $0x5FFFF  }
0xbb: {  	[dreg:$0x1] =	wrdreg $0xFFFFFFFF  }
0xbc: {  	[dreg:$0x0] =	wrdreg $0x60  }
0xbd: {  	[dreg:$0x2] =	wrdreg s24  }
0xbe: {  	[dreg:$0x3] =	wrdreg $0xA8000  }
0xbf: {  	[dreg:$0x4] =	wrdreg $0xA  }
0xc0: {  	_ =	task.clear_ibuf [dreg:s22], $0x5FFFF;
	_ =	strace $0x9000004C  }
0xc1: {  	s29 =	simm.s32 $0xA;
	_ =	strace $0x8000004E  }
0xc2: {  	_ =	swait.ge [sflag:s29], $0x1  }
0xc3: {  	[sflag:s29] =	ssyncadd.s32 $0xFFFFFFFF  }
0xc4: {  	_ =	strace $0x9000004E  }
0xc5: {  	_ =	sfence  }
0xc6: {  	s30 =	sld [smem:$0x0];
	_ =	sdelay $0x2  }
0xc7: {  	s31 =	sshll.u32 s1, $0xD;
	s1 =	sshrl.u32 s1, $0x2  }
0xc8: {  	s4 =	sand.u32 $0x4000, s31;
	s1 =	sadd.s32 s1, s30  }
0xc9: {  	s0 =	sor.u32 s4, s0;
	s1 =	sshll.u32 s1, $0x11  }
0xca: {  	s0 =	sor.u32 s1, s0  }
0xcb: {  	s0 =	sadd.s32 $0x8F2B, s0  }
0xcc: {  	[sflag:s0] =	ssyncadd.remote.s32 $0x1  }
0xcd: {  	_ =	sfence.sel $0xFFFF  }
0xce: {  	[dreg:$0x0] =	wrdreg $0xFFFFFFFF;
	(pc) =	sbr.abs _section_cstart, $3  }
0xcf: {  	[dreg:$0x1] =	wrdreg $0xFFFFFFFF  }
0xd0: {  	_ =	task.clear_ibuf [dreg:s22], $0x2FFFF;
	_ =	strace $0x9FFFFFFF  }
0xd1: {  	(tm) =	ssettm $0x7FFFFFFF  }
tec
execute0_lowered:
.L_overlay_start_1:
0x0: {  	(tag) =	ssettag $0x1  }
0x1: {  	s0 =	rddreg [dreg:$0x0]  }
0x2: {  	s2 =	rddreg [dreg:$0x1];
	s1 =	stileid.u32  }
0x3: {  	s3 =	simm.s32 $0x0;
	s5 =	srdreg.scid;
	s4 =	smul.u32 $0x2700, s1  }
0x4: {  	[smem:$0x7FF] =	sst s3;
	s19 =	smul.u32 $0x50, s1  }
0x5: {  	s14 =	sand.u32 $0x1, s5;
	s15 =	sadd.s32 $0xC84000, s0;
	s6 =	smul.u32 $0x2800, s1  }
0x6: {  	s16 =	sadd.s32 $0xEE6000, s0;
	s9 =	smul.u32 $0x4E000, s1;
	p1 =	seq.s32 s1, $0x0  }
0x7: {  	s18 =	smul.u32 $0x28000, s1;
	s10 =	sadd.s32 $0x138000, s2;
	s12 =	sadd.s32 $0x10DE00, s0  }
0x8: {  	s11 =	sadd.s32 $0xE6C00, s0;
	p4 =	seq.s32 s1, $0xF;
	_ =	strace $0x8000004D  }
0x9: {  	s5 =	ssub.s32 $0x2, s14;
	p0 =	seq.s32 s14, $0x1;
	s17 =	sor.u32 s14, s1  }
0xa: {  	p3 =	sne.s32 s14, $0x0;
	s8 =	sadd.s32 s4, s0;
	s7 =	sshrl.u32 s5, $0x1  }
0xb: {  	s4 =	ssub.s32 $0x4C4, s19;
	s20 =	sshrl.u32 s6, $0x3;
	s21 =	sshrl.u32 s9, $0x2  }
0xc: {  	p1 =	por !p1, !p0;
	s28 =	sor.u32 $0x800, s18;
	s29 =	sadd.s32 s15, s18  }
0xd: {  	s31 =	sadd.s32 s16, s18;
	s13 =	ssub.s32 s5, s7;
	s4 =	smin.u32 s4, $0x50  }
0xe: {  	s22 =	sadd.s32 s0, s20;
	s5 =	sadd.s32 s21, s2;
	s23 =	sadd.s32 $0xBFC00, s8  }
0xf: {  	s25 =	sadd.s32 $0xE6E00, s8;
	p1 =	por !p1, !p1;
	[dreg:$0x7] =	wrdreg s29  }
0x10: {  	s30 =	sadd.s32 s15, s28;
	s0 =	sadd.s32 s16, s28;
	[dreg:$0x9] =	wrdreg s31  }
0x11: {  	s18 =	sadd.s32 $0x1000, s29;
	s19 =	sadd.s32 $0x1000, s31;
	[dreg:$0x3] =	wrdreg s23  }
0x12: {  	s21 =	simm.s32 $0x80;
	s24 =	sadd.s32 $0x7D200, s22;
	[dreg:$0x5] =	wrdreg s25  }
0x13: {  	s26 =	sadd.s32 $0x73200, s22;
	s6 =	simm.s32 @!p1 $0x0;
	[dreg:$0x8] =	wrdreg s30  }
0x14: {  	s13 =	smax.u32 s13, $0x1;
	[dreg:$0xa] =	wrdreg s0;
	s22 =	simm.s32 $0x2800  }
.Ltmp0:
0x15: {  	s23 =	simm.s32 $0x6800;
	[dreg:$0x4] =	wrdreg s24;
	(pc) =	sbr.rel .LBB2_1-.Ltmp0, $4  }
0x16: {  	[dreg:$0x6] =	wrdreg s26;
	s6 =	simm.s32 @p1 $0x1;
	p1 =	sne.s32 s17, $0x0  }
0x17: {  	s25 =	simm.s32 $0x2;
	[smem:$0x7FC] =	sst s6;
	s6 =	simm.s32 @!p1 $0x0  }
0x18: {  	s24 =	simm.s32 $0x1;
	s0 =	sshll.u32 @!p1 s1, $0x6;
	s6 =	simm.s32 @p1 $0x1  }
0x19: {  	s26 =	simm.s32 $0x0;
	s20 =	sor.u32 @!p1 $0x1C05, s0;
	[smem:$0x7FD] =	sst s6  }
.LBB2_8:
0x1a: {  	[sflag:s16] =	ssyncset.done @!p5 $0x0  }
0x1b: {  	s6 =	simm.s32 @!p6 $0x3;
	[sflag:s16] =	ssyncadd.s32 @!p5 $0xFFFFC000  }
0x1c: {  	[hbm4b:s15+s14] =	stream.linear.scatter @!p5 [tilespmem:s0], [sflag:$0x4], $0x4000, $0x38;
	[tilespmem:$0x1E080] =	vst v63  }
0x1d: {  	_ =	swait.ge @!p6 [sflag:s6], $0x4000  }
0x1e: {  	[sflag:s6] =	ssyncset.done @!p6 $0x0  }
0x1f: {  	s0 =	simm.s32 @!p6 $0x4;
	[sflag:s6] =	ssyncadd.s32 @!p6 $0xFFFFC000  }
0x20: {  	p1 =	sge.u32 s29, s4;
	_ =	swait.ge @!p6 [sflag:s0], $0x4000  }
0x21: {  	p2 =	sge.u32 s17, s4;
	s7 =	simm.s32 @!p1 $0x80;
	[sflag:s0] =	ssyncset.done @!p6 $0x0  }
0x22: {  	s6 =	simm.s32 @!p2 $0x80;
	[sflag:s0] =	ssyncadd.s32 @!p6 $0xFFFFC000;
	s0 =	simm.s32 @!p2 $0x2800  }
0x23: {  	[tilespmem:s0], [sflag:$0x1] =	stream.indirect.gather @!p2 [spmem:s2], $0x80, s30, s6, $0xb8;
	[tilespmem:$0x1E080] =	vst v63  }
0x24: {  	s8 =	simm.s32 @!p1 $0x6800;
	s9 =	simm.s32 @!p2 $0x1;
	s6 =	sadd.s32 @!p1 $0x80, s30  }
0x25: {  	[tilespmem:s8], [sflag:$0x2] =	stream.indirect.gather @!p1 [spmem:s2], $0x80, s6, s7, $0xb8;
	[tilespmem:$0x1E080] =	vst v63  }
0x26: {  	_ =	swait.ge @!p2 [sflag:s9], $0x4000  }
0x27: {  	[sflag:s9] =	ssyncset.done @!p2 $0x0  }
0x28: {  	s6 =	simm.s32 @!p2 $0x0;
	s7 =	simm.s32 @!p1 $0x2;
	[sflag:s9] =	ssyncadd.s32 @!p2 $0xFFFFC000  }
0x29: {  	[hbm4b:s28+s6] =	stream.linear.scatter @!p2 [tilespmem:s0], [sflag:$0x3], $0x4000, $0x38;
	[tilespmem:$0x1E080] =	vst v63  }
0x2a: {  	_ =	swait.ge @!p1 [sflag:s7], $0x4000  }
0x2b: {  	[sflag:s7] =	ssyncset.done @!p1 $0x0  }
0x2c: {  	s0 =	sadd.s32 @!p1 $0x800, s28;
	s6 =	simm.s32 @!p1 $0x0;
	[sflag:s7] =	ssyncadd.s32 @!p1 $0xFFFFC000  }
0x2d: {  	[hbm4b:s0+s6] =	stream.linear.scatter @!p1 [tilespmem:s8], [sflag:$0x4], $0x4000, $0x38;
	[tilespmem:$0x1E080] =	vst v63  }
0x2e: {  	s0 =	simm.s32 @!p4 $0x3  }
0x2f: {  	_ =	swait.ge @!p4 [sflag:s0], $0x4000  }
0x30: {  	[sflag:s0] =	ssyncset.done @!p4 $0x0  }
0x31: {  	[sflag:s0] =	ssyncadd.s32 @!p4 $0xFFFFC000;
	s0 =	simm.s32 @!p4 $0x4  }
0x32: {  	_ =	swait.ge @!p4 [sflag:s0], $0x4000  }
0x33: {  	[sflag:s0] =	ssyncset.done @!p4 $0x0  }
0x34: {  	[sflag:s0] =	ssyncadd.s32 @!p4 $0xFFFFC000  }
.LBB2_9:
0x35: {  	s26 =	sadd.s32 $0x1, s26  }
0x36: {  	p1 =	sne.s32 s26, s13  }
.Ltmp1:
0x37: {  	_ = 	snop;
	(pc) =	sbr.rel @!p1 .LBB2_10-.Ltmp1, $1  }
0x38: {  	_ =	sdelay $0x3  }
.LBB2_1:
0x39: {  	s0 =	sshll.u32 @!p3 s1, $0x6  }
0x3a: {  	s14 =	sshrl.u32 @!p3 s5, $0x3;
	s6 =	rddreg [dreg:$0x3];
	s0 =	sor.u32 @!p3 $0x1C05, s0  }
0x3b: {  	[spmem:s14], [sflag:s0] =	dma.local @!p3 [hbm:s6], $0x2700  }
0x3c: {  	s0 =	simm.s32 @!p3 $0x5  }
0x3d: {  	_ =	swait.ge @!p3 [sflag:s0], $0x2700  }
0x3e: {  	[sflag:s0] =	ssyncset.done @!p3 $0x0  }
0x3f: {  	s14 =	simm.s32 @!p3 $0x0;
	s6 =	rddreg [dreg:$0x4];
	[sflag:s0] =	ssyncadd.s32 @!p3 $0xFFFFD900  }
0x40: {  	[tilespmem:s14], [sflag:$0x5] =	stream.linear.gather @!p3 [hbm4b:s6+s14], $0x2800, $0x38;
	[tilespmem:$0x1E080] =	vst v63  }
0x41: {  	_ =	swait.ge @!p3 [sflag:s0], $0x2800  }
0x42: {  	s14 =	sshll.u32 @p0 s1, $0x6;
	[sflag:s0] =	ssyncset.done @!p3 $0x0;
	s6 =	rddreg [dreg:$0x5]  }
0x43: {  	[sflag:s0] =	ssyncadd.s32 @!p3 $0xFFFFD800;
	s0 =	sor.u32 @p0 $0x1C05, s14;
	s14 =	sshrl.u32 @p0 s5, $0x3  }
0x44: {  	[spmem:s14], [sflag:s0] =	dma.local @p0 [hbm:s6], $0x2700  }
0x45: {  	s0 =	simm.s32 @p0 $0x5  }
0x46: {  	_ =	swait.ge @p0 [sflag:s0], $0x2700  }
0x47: {  	[sflag:s0] =	ssyncset.done @p0 $0x0  }
0x48: {  	s14 =	simm.s32 @p0 $0x0;
	s6 =	rddreg [dreg:$0x6];
	[sflag:s0] =	ssyncadd.s32 @p0 $0xFFFFD900  }
0x49: {  	[tilespmem:s14], [sflag:$0x5] =	stream.linear.gather @p0 [hbm4b:s6+s14], $0x2800, $0x38;
	[tilespmem:$0x1E080] =	vst v63  }
0x4a: {  	_ =	swait.ge @p0 [sflag:s0], $0x2800  }
0x4b: {  	s30 =	sld [smem:$0x7FD];
	_ =	sdelay $0x2  }
0x4c: {  	[sflag:s0] =	ssyncset.done @p0 $0x0;
	p1 =	seq.s32 s30, $0x1  }
0x4d: {  	[sflag:s0] =	ssyncadd.s32 @p0 $0xFFFFD800;
	s0 =	sshrl.u32 @!p1 s10, $0x3  }
0x4e: {  	[spmem:s0], [sflag:s20] =	dma.local @!p1 [hbm:s11], $0x100  }
0x4f: {  	s0 =	simm.s32 @!p1 $0x5  }
0x50: {  	_ =	swait.ge @!p1 [sflag:s0], $0x100  }
0x51: {  	s31 =	sld [smem:$0x7FC];
	_ =	sdelay $0x1  }
0x52: {  	[sflag:s0] =	ssyncset.done @!p1 $0x0  }
0x53: {  	[sflag:s0] =	ssyncadd.s32 @!p1 $0xFFFFFF00;
	p1 =	seq.s32 s31, $0x1  }
0x54: {  	s0 =	sshrl.u32 @p1 s10, $0x3;
	s14 =	simm.s32 @p1 $0x1C05  }
0x55: {  	[spmem:s0], [sflag:s14] =	dma.local @p1 [hbm:s12], $0x100  }
0x56: {  	s0 =	simm.s32 @p1 $0x5  }
.Ltmp2:
0x57: {  	_ =	swait.ge @p1 [sflag:s0], $0x100;
	(pc) =	sbr.rel @p3 .LBB2_5-.Ltmp2, $3  }
0x58: {  	[sflag:s0] =	ssyncset.done @p1 $0x0  }
0x59: {  	[sflag:s0] =	ssyncadd.s32 @p1 $0xFFFFFF00  }
0x5a: {  	[bflag:$0x0] =	sbarrier.arrive $0xFFFF;
	_ =	sdelay $0x1  }
0x5b: {  	[tilespmem:s22], [sflag:$0x1] =	stream.indirect.gather [spmem:s2], $0x80, s3, s21, $0xb8;
	[tilespmem:$0x1E080] =	vst v63  }
0x5c: {  	_ = 	snop  }
0x5d: {  	[tilespmem:s23], [sflag:$0x2] =	stream.indirect.gather [spmem:s2], $0x80, s21, s21, $0xb8;
	[tilespmem:$0x1E080] =	vst v63  }
0x5e: {  	_ =	swait.ge [sflag:s24], $0x4000  }
0x5f: {  	[sflag:s24] =	ssyncset.done $0x0  }
0x60: {  	s0 =	rddreg [dreg:$0x7];
	[sflag:s24] =	ssyncadd.s32 $0xFFFFC000  }
0x61: {  	[hbm4b:s0+s3] =	stream.linear.scatter [tilespmem:s22], [sflag:$0x3], $0x4000, $0x38;
	[tilespmem:$0x1E080] =	vst v63  }
0x62: {  	_ =	swait.ge [sflag:s25], $0x4000  }
0x63: {  	p2 =	slt.u32 s4, $0x2;
	[sflag:s25] =	ssyncset.done $0x0  }
0x64: {  	s0 =	simm.s32 @!p2 $0x3;
	s17 =	rddreg [dreg:$0x8];
	[sflag:s25] =	ssyncadd.s32 $0xFFFFC000  }
0x65: {  	[hbm4b:s17+s3] =	stream.linear.scatter [tilespmem:s23], [sflag:$0x4], $0x4000, $0x38;
	[tilespmem:$0x1E080] =	vst v63  }
0x66: {  	_ =	swait.ge @!p2 [sflag:s0], $0x4000  }
0x67: {  	[sflag:s0] =	ssyncset.done @!p2 $0x0  }
0x68: {  	s14 =	simm.s32 @!p2 $0x4;
	[sflag:s0] =	ssyncadd.s32 @!p2 $0xFFFFC000  }
0x69: {  	p1 =	sle.u32 s4, $0x2;
	p5 =	sle.u32 s4, $0x3;
	_ =	swait.ge @!p2 [sflag:s14], $0x4000  }
0x6a: {  	s15 =	simm.s32 @!p1 $0x80;
	s16 =	simm.s32 @!p5 $0x80;
	[sflag:s14] =	ssyncset.done @!p2 $0x0  }
0x6b: {  	s17 =	simm.s32 @!p1 $0x2800;
	s0 =	simm.s32 $0x100;
	[sflag:s14] =	ssyncadd.s32 @!p2 $0xFFFFC000  }
0x6c: {  	[tilespmem:s17], [sflag:$0x1] =	stream.indirect.gather @!p1 [spmem:s2], $0x80, s0, s15, $0xb8;
	[tilespmem:$0x1E080] =	vst v63  }
0x6d: {  	s28 =	simm.s32 @!p1 $0x1;
	s14 =	simm.s32 @!p5 $0x180;
	s0 =	simm.s32 @!p5 $0x6800  }
0x6e: {  	[tilespmem:s0], [sflag:$0x2] =	stream.indirect.gather @!p5 [spmem:s2], $0x80, s14, s16, $0xb8;
	[tilespmem:$0x1E080] =	vst v63  }
0x6f: {  	s29 =	simm.s32 $0x5;
	_ =	swait.ge @!p1 [sflag:s28], $0x4000  }
0x70: {  	s31 =	simm.s32 $0x7;
	p6 =	slt.u32 s4, $0x4;
	[sflag:s28] =	ssyncset.done @!p1 $0x0  }
0x71: {  	s30 =	simm.s32 $0x200;
	s16 =	simm.s32 @!p1 $0x0;
	[sflag:s28] =	ssyncadd.s32 @!p1 $0xFFFFC000  }
0x72: {  	[hbm4b:s18+s16] =	stream.linear.scatter @!p1 [tilespmem:s17], [sflag:$0x3], $0x4000, $0x38;
	[tilespmem:$0x1E080] =	vst v63  }
0x73: {  	s15 =	sadd.s32 @!p5 $0x800, s18;
	s14 =	simm.s32 @!p5 $0x0;
	s16 =	simm.s32 @!p5 $0x2  }
0x74: {  	s28 =	sadd.s32 $0x1000, s18;
	s17 =	simm.s32 $0x4;
	_ =	swait.ge @!p5 [sflag:s16], $0x4000  }
.LBB2_3:
0x75: {  	s6 =	simm.s32 @!p6 $0x3;
	[sflag:s16] =	ssyncset.done @!p5 $0x0;
	s7 =	smov.u32 s29  }
0x76: {  	s29 =	smov.u32 s31;
	s31 =	sadd.s32 $0x2, s31;
	s8 =	smov.u32 s28  }
0x77: {  	p2 =	sne.s32 s31, $0x51;
	[sflag:s16] =	ssyncadd.s32 @!p5 $0xFFFFC000  }
0x78: {  	[hbm4b:s15+s14] =	stream.linear.scatter @!p5 [tilespmem:s0], [sflag:$0x4], $0x4000, $0x38;
	[tilespmem:$0x1E080] =	vst v63  }
0x79: {  	_ =	swait.ge @!p6 [sflag:s6], $0x4000  }
0x7a: {  	s0 =	simm.s32 @!p6 $0x4;
	[sflag:s6] =	ssyncset.done @!p6 $0x0  }
0x7b: {  	[sflag:s6] =	ssyncadd.s32 @!p6 $0xFFFFC000  }
0x7c: {  	p1 =	sge.u32 s17, s4;
	p5 =	sge.u32 s7, s4;
	_ =	swait.ge @!p6 [sflag:s0], $0x4000  }
0x7d: {  	s7 =	simm.s32 @!p5 $0x80;
	s6 =	simm.s32 @!p1 $0x80;
	[sflag:s0] =	ssyncset.done @!p6 $0x0  }
0x7e: {  	s9 =	simm.s32 @!p1 $0x2800;
	s15 =	sadd.s32 @!p5 $0x800, s28;
	[sflag:s0] =	ssyncadd.s32 @!p6 $0xFFFFC000  }
0x7f: {  	[tilespmem:s9], [sflag:$0x1] =	stream.indirect.gather @!p1 [spmem:s2], $0x80, s30, s6, $0xb8;
	[tilespmem:$0x1E080] =	vst v63  }
0x80: {  	s16 =	simm.s32 @!p1 $0x1;
	s0 =	simm.s32 @!p5 $0x6800;
	s6 =	sadd.s32 @!p5 $0x80, s30  }
0x81: {  	[tilespmem:s0], [sflag:$0x2] =	stream.indirect.gather @!p5 [spmem:s2], $0x80, s6, s7, $0xb8;
	[tilespmem:$0x1E080] =	vst v63  }
.Ltmp3:
0x82: {  	s14 =	simm.s32 @!p5 $0x0;
	_ =	swait.ge @!p1 [sflag:s16], $0x4000;
	(pc) =	sbr.rel @p2 .LBB2_3-.Ltmp3, $4  }
0x83: {  	s28 =	sadd.s32 $0x1000, s28;
	s6 =	simm.s32 @!p1 $0x0;
	[sflag:s16] =	ssyncset.done @!p1 $0x0  }
0x84: {  	s17 =	sadd.s32 $0xFFFFFFFF, s29;
	[sflag:s16] =	ssyncadd.s32 @!p1 $0xFFFFC000;
	s16 =	simm.s32 @!p5 $0x2  }
0x85: {  	[hbm4b:s8+s6] =	stream.linear.scatter @!p1 [tilespmem:s9], [sflag:$0x3], $0x4000, $0x38;
	[tilespmem:$0x1E080] =	vst v63  }
0x86: {  	p6 =	sgt.u32 s17, s4;
	s30 =	sadd.s32 $0x100, s30;
	_ =	swait.ge @!p5 [sflag:s16], $0x4000  }
0x87: {  	[sflag:s16] =	ssyncset.done @!p5 $0x0  }
0x88: {  	s6 =	simm.s32 @!p6 $0x3;
	[sflag:s16] =	ssyncadd.s32 @!p5 $0xFFFFC000  }
0x89: {  	[hbm4b:s15+s14] =	stream.linear.scatter @!p5 [tilespmem:s0], [sflag:$0x4], $0x4000, $0x38;
	[tilespmem:$0x1E080] =	vst v63  }
0x8a: {  	_ =	swait.ge @!p6 [sflag:s6], $0x4000  }
0x8b: {  	[sflag:s6] =	ssyncset.done @!p6 $0x0  }
0x8c: {  	s0 =	simm.s32 @!p6 $0x4;
	[sflag:s6] =	ssyncadd.s32 @!p6 $0xFFFFC000  }
0x8d: {  	p1 =	sge.u32 s29, s4;
	_ =	swait.ge @!p6 [sflag:s0], $0x4000  }
0x8e: {  	p2 =	sge.u32 s17, s4;
	s7 =	simm.s32 @!p1 $0x80;
	[sflag:s0] =	ssyncset.done @!p6 $0x0  }
0x8f: {  	s6 =	simm.s32 @!p2 $0x80;
	[sflag:s0] =	ssyncadd.s32 @!p6 $0xFFFFC000;
	s0 =	simm.s32 @!p2 $0x2800  }
0x90: {  	[tilespmem:s0], [sflag:$0x1] =	stream.indirect.gather @!p2 [spmem:s2], $0x80, s30, s6, $0xb8;
	[tilespmem:$0x1E080] =	vst v63  }
0x91: {  	s8 =	simm.s32 @!p1 $0x6800;
	s9 =	simm.s32 @!p2 $0x1;
	s6 =	sadd.s32 @!p1 $0x80, s30  }
0x92: {  	[tilespmem:s8], [sflag:$0x2] =	stream.indirect.gather @!p1 [spmem:s2], $0x80, s6, s7, $0xb8;
	[tilespmem:$0x1E080] =	vst v63  }
0x93: {  	_ =	swait.ge @!p2 [sflag:s9], $0x4000  }
0x94: {  	[sflag:s9] =	ssyncset.done @!p2 $0x0  }
0x95: {  	s6 =	simm.s32 @!p2 $0x0;
	s7 =	simm.s32 @!p1 $0x2;
	[sflag:s9] =	ssyncadd.s32 @!p2 $0xFFFFC000  }
0x96: {  	[hbm4b:s28+s6] =	stream.linear.scatter @!p2 [tilespmem:s0], [sflag:$0x3], $0x4000, $0x38;
	[tilespmem:$0x1E080] =	vst v63  }
0x97: {  	_ =	swait.ge @!p1 [sflag:s7], $0x4000  }
0x98: {  	[sflag:s7] =	ssyncset.done @!p1 $0x0  }
0x99: {  	s0 =	sadd.s32 @!p1 $0x800, s28;
	s6 =	simm.s32 @!p1 $0x0;
	[sflag:s7] =	ssyncadd.s32 @!p1 $0xFFFFC000  }
0x9a: {  	[hbm4b:s0+s6] =	stream.linear.scatter @!p1 [tilespmem:s8], [sflag:$0x4], $0x4000, $0x38;
	[tilespmem:$0x1E080] =	vst v63  }
0x9b: {  	s0 =	simm.s32 @!p4 $0x3  }
0x9c: {  	_ =	swait.ge @!p4 [sflag:s0], $0x4000  }
0x9d: {  	[sflag:s0] =	ssyncset.done @!p4 $0x0  }
0x9e: {  	[sflag:s0] =	ssyncadd.s32 @!p4 $0xFFFFC000;
	s0 =	simm.s32 @!p4 $0x4  }
0x9f: {  	_ =	swait.ge @!p4 [sflag:s0], $0x4000  }
0xa0: {  	[sflag:s0] =	ssyncset.done @!p4 $0x0  }
0xa1: {  	[sflag:s0] =	ssyncadd.s32 @!p4 $0xFFFFC000  }
.LBB2_5:
.Ltmp4:
0xa2: {  	(pc) =	sbr.rel @!p0 .LBB2_9-.Ltmp4, $1  }
0xa3: {  	_ =	sdelay $0x3  }
0xa4: {  	[tilespmem:s22], [sflag:$0x1] =	stream.indirect.gather [spmem:s2], $0x80, s3, s21, $0xb8;
	[tilespmem:$0x1E080] =	vst v63  }
0xa5: {  	_ = 	snop  }
0xa6: {  	[tilespmem:s23], [sflag:$0x2] =	stream.indirect.gather [spmem:s2], $0x80, s21, s21, $0xb8;
	[tilespmem:$0x1E080] =	vst v63  }
0xa7: {  	_ =	swait.ge [sflag:s24], $0x4000  }
0xa8: {  	[sflag:s24] =	ssyncset.done $0x0  }
0xa9: {  	s0 =	rddreg [dreg:$0x9];
	[sflag:s24] =	ssyncadd.s32 $0xFFFFC000  }
0xaa: {  	[hbm4b:s0+s3] =	stream.linear.scatter [tilespmem:s22], [sflag:$0x3], $0x4000, $0x38;
	[tilespmem:$0x1E080] =	vst v63  }
0xab: {  	_ =	swait.ge [sflag:s25], $0x4000  }
0xac: {  	p2 =	slt.u32 s4, $0x2;
	[sflag:s25] =	ssyncset.done $0x0  }
0xad: {  	s0 =	simm.s32 @!p2 $0x3;
	s17 =	rddreg [dreg:$0xa];
	[sflag:s25] =	ssyncadd.s32 $0xFFFFC000  }
0xae: {  	[hbm4b:s17+s3] =	stream.linear.scatter [tilespmem:s23], [sflag:$0x4], $0x4000, $0x38;
	[tilespmem:$0x1E080] =	vst v63  }
0xaf: {  	_ =	swait.ge @!p2 [sflag:s0], $0x4000  }
0xb0: {  	p1 =	sle.u32 s4, $0x2;
	[sflag:s0] =	ssyncset.done @!p2 $0x0  }
0xb1: {  	p5 =	sle.u32 s4, $0x3;
	s6 =	simm.s32 @!p2 $0x4;
	[sflag:s0] =	ssyncadd.s32 @!p2 $0xFFFFC000  }
0xb2: {  	s29 =	simm.s32 $0x5;
	s31 =	simm.s32 $0x7;
	_ =	swait.ge @!p2 [sflag:s6], $0x4000  }
0xb3: {  	s7 =	simm.s32 @!p1 $0x80;
	s8 =	simm.s32 @!p5 $0x80;
	[sflag:s6] =	ssyncset.done @!p2 $0x0  }
0xb4: {  	s0 =	simm.s32 $0x100;
	[sflag:s6] =	ssyncadd.s32 @!p2 $0xFFFFC000;
	s6 =	simm.s32 @!p1 $0x2800  }
0xb5: {  	[tilespmem:s6], [sflag:$0x1] =	stream.indirect.gather @!p1 [spmem:s2], $0x80, s0, s7, $0xb8;
	[tilespmem:$0x1E080] =	vst v63  }
0xb6: {  	s9 =	simm.s32 @!p1 $0x1;
	s7 =	simm.s32 @!p5 $0x180;
	s0 =	simm.s32 @!p5 $0x6800  }
0xb7: {  	[tilespmem:s0], [sflag:$0x2] =	stream.indirect.gather @!p5 [spmem:s2], $0x80, s7, s8, $0xb8;
	[tilespmem:$0x1E080] =	vst v63  }
0xb8: {  	s28 =	sadd.s32 $0x1000, s19;
	p6 =	slt.u32 s4, $0x4;
	_ =	swait.ge @!p1 [sflag:s9], $0x4000  }
0xb9: {  	s30 =	simm.s32 $0x200;
	s15 =	sadd.s32 @!p5 $0x800, s19;
	[sflag:s9] =	ssyncset.done @!p1 $0x0  }
0xba: {  	s16 =	simm.s32 @!p5 $0x2;
	s7 =	simm.s32 @!p1 $0x0;
	[sflag:s9] =	ssyncadd.s32 @!p1 $0xFFFFC000  }
0xbb: {  	[hbm4b:s19+s7] =	stream.linear.scatter @!p1 [tilespmem:s6], [sflag:$0x3], $0x4000, $0x38;
	[tilespmem:$0x1E080] =	vst v63  }
0xbc: {  	s14 =	simm.s32 @!p5 $0x0;
	s17 =	simm.s32 $0x4;
	_ =	swait.ge @!p5 [sflag:s16], $0x4000  }
.LBB2_7:
0xbd: {  	s6 =	simm.s32 @!p6 $0x3;
	[sflag:s16] =	ssyncset.done @!p5 $0x0;
	s7 =	smov.u32 s29  }
0xbe: {  	s29 =	smov.u32 s31;
	s31 =	sadd.s32 $0x2, s31;
	s8 =	smov.u32 s28  }
0xbf: {  	p2 =	sne.s32 s31, $0x51;
	[sflag:s16] =	ssyncadd.s32 @!p5 $0xFFFFC000  }
0xc0: {  	[hbm4b:s15+s14] =	stream.linear.scatter @!p5 [tilespmem:s0], [sflag:$0x4], $0x4000, $0x38;
	[tilespmem:$0x1E080] =	vst v63  }
0xc1: {  	_ =	swait.ge @!p6 [sflag:s6], $0x4000  }
0xc2: {  	s0 =	simm.s32 @!p6 $0x4;
	[sflag:s6] =	ssyncset.done @!p6 $0x0  }
0xc3: {  	[sflag:s6] =	ssyncadd.s32 @!p6 $0xFFFFC000  }
0xc4: {  	p1 =	sge.u32 s17, s4;
	p5 =	sge.u32 s7, s4;
	_ =	swait.ge @!p6 [sflag:s0], $0x4000  }
0xc5: {  	s7 =	simm.s32 @!p5 $0x80;
	s6 =	simm.s32 @!p1 $0x80;
	[sflag:s0] =	ssyncset.done @!p6 $0x0  }
0xc6: {  	s9 =	simm.s32 @!p1 $0x2800;
	s15 =	sadd.s32 @!p5 $0x800, s28;
	[sflag:s0] =	ssyncadd.s32 @!p6 $0xFFFFC000  }
0xc7: {  	[tilespmem:s9], [sflag:$0x1] =	stream.indirect.gather @!p1 [spmem:s2], $0x80, s30, s6, $0xb8;
	[tilespmem:$0x1E080] =	vst v63  }
0xc8: {  	s16 =	simm.s32 @!p1 $0x1;
	s0 =	simm.s32 @!p5 $0x6800;
	s6 =	sadd.s32 @!p5 $0x80, s30  }
0xc9: {  	[tilespmem:s0], [sflag:$0x2] =	stream.indirect.gather @!p5 [spmem:s2], $0x80, s6, s7, $0xb8;
	[tilespmem:$0x1E080] =	vst v63  }
.Ltmp5:
0xca: {  	s14 =	simm.s32 @!p5 $0x0;
	_ =	swait.ge @!p1 [sflag:s16], $0x4000;
	(pc) =	sbr.rel @p2 .LBB2_7-.Ltmp5, $4  }
0xcb: {  	s28 =	sadd.s32 $0x1000, s28;
	s6 =	simm.s32 @!p1 $0x0;
	[sflag:s16] =	ssyncset.done @!p1 $0x0  }
0xcc: {  	s17 =	sadd.s32 $0xFFFFFFFF, s29;
	[sflag:s16] =	ssyncadd.s32 @!p1 $0xFFFFC000;
	s16 =	simm.s32 @!p5 $0x2  }
0xcd: {  	[hbm4b:s8+s6] =	stream.linear.scatter @!p1 [tilespmem:s9], [sflag:$0x3], $0x4000, $0x38;
	[tilespmem:$0x1E080] =	vst v63  }
0xce: {  	p6 =	sgt.u32 s17, s4;
	s30 =	sadd.s32 $0x100, s30;
	_ =	swait.ge @!p5 [sflag:s16], $0x4000  }
.Ltmp6:
0xcf: {  	_ = 	snop;
	(pc) =	sbr.rel .LBB2_8-.Ltmp6, $1  }
0xd0: {  	_ =	sdelay $0x3  }
.LBB2_10:
0xd1: {  	_ =	sfence.sel $0x180000  }
0xd2: {  	[bflag:$0x0] =	sbarrier.arrive $0xFFFF  }
0xd3: {  	_ =	strace $0x9000004D  }
0xd4: {  	[bflag:$0x2] =	sbarrier.arrive $0xFFFF  }
0xd5: {  	p0 =	sne.s32 s1, $0x0;
	s0 =	rddreg [dreg:$0x2]  }
0xd6: {  	s0 =	sadd.s32 @!p0 $0x100000, s0  }
0xd7: {  	[sflag:s0] =	ssyncadd.tile.s32 @!p0 $0x1;
	_ =	shalt  }
.Lfunc_end2:
_tile_overlayer_lowered:
.L_overlay_start_2:
0xd8: {  	(tag) =	ssettag $0x2  }
0xd9: {  	s0 =	rddreg [dreg:$0x0];
	s2 =	stileid.u32  }
0xda: {  	s1 =	rddreg [dreg:$0x1];
	p0 =	sne.s32 s2, $0x0  }
0xdb: {  	s3 =	rddreg [dreg:$0x2];
	[bflag:$0x3] =	sbarrier.arrive $0xFFFF;
	s2 =	simm.s32 @!p0 $0x1C05  }
0xdc: {  	[timem:s3], [sflag:s2] =	dma.local @!p0 [hbm:s0], s1  }
0xdd: {  	s0 =	simm.s32 @!p0 $0x5  }
0xde: {  	_ =	swait.ge @!p0 [sflag:s0], s1  }
0xdf: {  	s1 =	ssub.s32 @!p0 $0x0, s1;
	[sflag:s0] =	ssyncset.done @!p0 $0x0  }
0xe0: {  	[sflag:s0] =	ssyncadd.s32 @!p0 s1  }
0xe1: {  	[bflag:$0x3] =	sbarrier.arrive $0xFFFF  }
0xe2: {  	_ =	shalt  }

// kernel: closed_call.39.cloned.1.call-start
scs
__scs_entry_jumppad:
0x0: {  	(pc) =	sbr.rel $0x88, $3  }
0x1: {  	(tag) =	ssettag $0x0;
	lr =	simm.s32 $0x1  }
0x2: {  	[smem:$0x3E98] =	sst lr;
	_ =	strace $0xD0000000  }
0x3: {  	_ = 	snop  }
0x4: {  	_ = 	snop  }
0x5: {  	_ = 	snop  }
0x6: {  	_ = 	snop  }
0x7: {  	_ = 	snop  }
__scs_overlays_trampoline_lowered:
0x8: {  	[smem:$0x3EA7] =	sst s0  }
0x9: {  	[smem:$0x3EA8] =	sst s1  }
0xa: {  	[smem:$0x3EA9] =	sst s2  }
0xb: {  	[smem:$0x3EAA] =	sst s3  }
0xc: {  	[smem:$0x3EAB] =	sst s4  }
0xd: {  	[smem:$0x3EAC] =	sst s5  }
0xe: {  	[smem:$0x3EAD] =	sst s6  }
0xf: {  	[smem:$0x3EAE] =	sst s7  }
0x10: {  	[smem:$0x3EAF] =	sst s8  }
0x11: {  	[smem:$0x3EB0] =	sst s9;
	s0 =	simm.s32 @!p0 $0x0  }
0x12: {  	s1 =	sld [smem:$0x3E96];
	s0 =	simm.s32 @p0 $0x1  }
0x13: {  	[smem:$0x3EB1] =	sst s0;
	s0 =	simm.s32 @!p1 $0x0  }
0x14: {  	s2 =	sld [smem:$0x3E95];
	s0 =	simm.s32 @p1 $0x1  }
0x15: {  	[smem:$0x3EB2] =	sst s0;
	s0 =	simm.s32 @!p2 $0x0  }
0x16: {  	s3 =	sld [smem:$0x3FDB];
	s0 =	simm.s32 @p2 $0x1  }
0x17: {  	s4 =	simm.s32 $0x1BF5;
	[smem:$0x3EB4] =	sst s0  }
0x18: {  	s0 =	sld [smem:$0x3E97];
	_ =	swait.ge [sflag:s4], $0x0  }
0x19: {  	s7 =	sld [smem:$0x3E98]  }
0x1a: {  	s8 =	sadd.s32 $0xFFFFE003, lr  }
0x1b: {  	s9 =	sadd.s32 $0xFFFFFEF7, lr;
	s5 =	simm.s32 $0xFFFFFFFF;
	p2 =	slt.u32 s8, $0xFFFFF086  }
0x1c: {  	p1 =	slt.u32 s9, $0xF7A;
	s5 =	simm.s32 @!p2 $0x0  }
0x1d: {  	s5 =	simm.s32 @p1 $0x1;
	p0 =	seq.s32 s7, s2  }
0x1e: {  	s7 =	smul.u32 @!p0 $0xF7A, s2;
	p2 =	seq.s32 @!p0 s5, $0x0  }
0x1f: {  	s9 =	smul.u32 $0xF7A, s1;
	s8 =	simm.s32 @!p0 $0x1BF5;
	p2 =	por !p2, p0  }
0x20: {  	[sflag:s8] =	ssyncset.s32 @!p0 $0xFFFFF086;
	s6 =	sadd.s32 @!p0 s3, s7;
	s7 =	simm.s32 @!p0 $0x108  }
0x21: {  	s3 =	sadd.s32 s3, s9;
	s6 =	sadd.s32 @!p0 $0x88, s6;
	s7 =	simm.s32 @p2 $0x1082  }
0x22: {  	[simem:s7], [sflag:s8] =	dma.local @!p0 [hbm:s6], $0xF7A  }
0x23: {  	s9 =	sor.u32 $0xD0000000, s2;
	s6 =	simm.s32 $0x108;
	_ =	swait.ge @!p0 [sflag:s8], $0x0  }
0x24: {  	s3 =	sadd.s32 $0x88, s3;
	s6 =	simm.s32 @!p1 $0x1082;
	[sflag:s4] =	ssyncset.s32 $0xFFFFF086  }
0x25: {  	[simem:s6], [sflag:s4] =	dma.local [hbm:s3], $0xF7A  }
0x26: {  	[smem:$0x3E98] =	sst s1;
	(tag) =	ssettag s2;
	_ =	strace s9  }
0x27: {  	s1 =	sld [smem:$0x3EA8]  }
0x28: {  	s2 =	sld [smem:$0x3EA9]  }
0x29: {  	s4 =	sld [smem:$0x3EAB]  }
0x2a: {  	p0 =	seq.s32 s5, $0x0;
	s5 =	sld [smem:$0x3EAC]  }
0x2b: {  	s6 =	sld [smem:$0x3EAD]  }
0x2c: {  	s7 =	sld [smem:$0x3EAE]  }
0x2d: {  	s3 =	simm.s32 $0x108;
	s8 =	sld [smem:$0x3EAF]  }
0x2e: {  	s3 =	simm.s32 @!p0 $0x1082;
	s9 =	sld [smem:$0x3EB0]  }
0x2f: {  	lr =	sadd.s32 s0, s3;
	s0 =	sld [smem:$0x3EA7]  }
0x30: {  	s3 =	sld [smem:$0x3EAA]  }
0x31: {  	[smem:$0x3EB3] =	sst s10  }
0x32: {  	s10 =	sld [smem:$0x3EB1];
	_ =	sdelay $0x3  }
0x33: {  	p0 =	seq.s32 s10, $0x1;
	s10 =	sld [smem:$0x3EB3];
	_ =	sdelay $0x3  }
0x34: {  	[smem:$0x3EB3] =	sst s10  }
0x35: {  	s10 =	sld [smem:$0x3EB2];
	_ =	sdelay $0x3  }
0x36: {  	p1 =	seq.s32 s10, $0x1;
	s10 =	sld [smem:$0x3EB3];
	_ =	sdelay $0x3  }
0x37: {  	[smem:$0x3EB3] =	sst s10  }
0x38: {  	s10 =	sld [smem:$0x3EB4]  }
0x39: {  	_ = 	snop;
	(pc) =	sbr.ind lr, $3  }
0x3a: {  	_ = 	snop  }
0x3b: {  	_ = 	snop  }
0x3c: {  	p2 =	seq.s32 s10, $0x1;
	s10 =	sld [smem:$0x3EB3]  }
0x3d: {  	_ =	shalt  }
0x3e: {  	_ =	shalt  }
0x3f: {  	_ =	shalt  }
0x40: {  	_ =	shalt  }
0x41: {  	_ =	shalt  }
0x42: {  	_ =	shalt  }
0x43: {  	_ =	shalt  }
0x44: {  	_ =	shalt  }
0x45: {  	_ =	shalt  }
0x46: {  	_ =	shalt  }
0x47: {  	_ =	shalt  }
0x48: {  	_ =	shalt  }
0x49: {  	_ =	shalt  }
0x4a: {  	_ =	shalt  }
0x4b: {  	_ =	shalt  }
0x4c: {  	_ =	shalt  }
0x4d: {  	_ =	shalt  }
0x4e: {  	_ =	shalt  }
0x4f: {  	_ =	shalt  }
0x50: {  	_ =	shalt  }
0x51: {  	_ =	shalt  }
0x52: {  	_ =	shalt  }
0x53: {  	_ =	shalt  }
0x54: {  	_ =	shalt  }
0x55: {  	_ =	shalt  }
0x56: {  	_ =	shalt  }
0x57: {  	_ =	shalt  }
0x58: {  	_ =	shalt  }
0x59: {  	_ =	shalt  }
0x5a: {  	_ =	shalt  }
0x5b: {  	_ =	shalt  }
0x5c: {  	_ =	shalt  }
0x5d: {  	_ =	shalt  }
0x5e: {  	_ =	shalt  }
0x5f: {  	_ =	shalt  }
0x60: {  	_ =	shalt  }
0x61: {  	_ =	shalt  }
0x62: {  	_ =	shalt  }
0x63: {  	_ =	shalt  }
0x64: {  	_ =	shalt  }
0x65: {  	_ =	shalt  }
0x66: {  	_ =	shalt  }
0x67: {  	_ =	shalt  }
0x68: {  	_ =	shalt  }
0x69: {  	_ =	shalt  }
0x6a: {  	_ =	shalt  }
0x6b: {  	_ =	shalt  }
0x6c: {  	_ =	shalt  }
0x6d: {  	_ =	shalt  }
0x6e: {  	_ =	shalt  }
0x6f: {  	_ =	shalt  }
0x70: {  	_ =	shalt  }
0x71: {  	_ =	shalt  }
0x72: {  	_ =	shalt  }
0x73: {  	_ =	shalt  }
0x74: {  	_ =	shalt  }
0x75: {  	_ =	shalt  }
0x76: {  	_ =	shalt  }
0x77: {  	_ =	shalt  }
0x78: {  	_ =	shalt  }
0x79: {  	_ =	shalt  }
0x7a: {  	_ =	shalt  }
0x7b: {  	_ =	shalt  }
0x7c: {  	_ =	shalt  }
0x7d: {  	_ =	shalt  }
0x7e: {  	_ =	shalt  }
0x7f: {  	_ =	shalt  }
0x80: {  	_ =	shalt  }
0x81: {  	_ =	shalt  }
0x82: {  	_ =	shalt  }
0x83: {  	_ =	shalt  }
0x84: {  	_ =	shalt  }
0x85: {  	_ =	shalt  }
0x86: {  	_ =	shalt  }
0x87: {  	_ =	shalt  }
.Lfunc_end0:
.L_simem_size_0:
called_computation.3_lowered:
.L_overlay_start_0:
0x88: {  	s2 =	sld [smem:$0x3FD9]  }
0x89: {  	s3 =	sld [smem:$0x3FFE];
	_ =	sdelay $0x1  }
0x8a: {  	s1 =	srdreg.scid  }
0x8b: {  	s0 =	sand.u32 $0x1, s1  }
0x8c: {  	s17 =	sshll.u32 s0, $0xA;
	s2 =	sadd.s32 s3, s2  }
0x8d: {  	s2 =	sadd.s32 s2, s17  }
0x8e: {  	[smem:$0x3EBF] =	sst s2  }
0x8f: {  	_ = 	snop  }
0x90: {  	(tm) =	ssettm $0x1  }
0x91: {  	s18 =	sld [smem:$0x3FFB];
	_ =	sdelay $0x3  }
0x92: {  	_ =	strace s18  }
0x93: {  	s2 =	sld [smem:$0x3FFC];
	_ =	sdelay $0x3  }
0x94: {  	_ =	strace s2  }
0x95: {  	s2 =	sld [smem:$0x3FFD];
	_ =	sdelay $0x3  }
0x96: {  	_ =	strace s2  }
0x97: {  	_ =	strace $0x8FFFFFFF  }
0x98: {  	s19 =	sld [smem:$0x3FDB];
	_ =	sdelay $0x1  }
0x99: {  	s20 =	simm.s32 $_scs_section_size  }
0x9a: {  	s4 =	simm.s32 $_size__tile_overlayer_lowered;
	s5 =	simm.s32 $_tile_overlayer_lowered  }
0x9b: {  	s6 =	simm.s32 $0x1BFF;
	s21 =	sshll.u32 s5, $0x1;
	s3 =	sadd.s32 s20, s19  }
0x9c: {  	s22 =	simm.s32 $0x0;
	s4 =	sshll.u32 s4, $0x1;
	s5 =	sadd.s32 s21, s3  }
0x9d: {  	[timem:s22], [sflag:s6] =	dma.local [hbm:s5], s4  }
0x9e: {  	_ =	swait.ge [sflag:s6], s4  }
0x9f: {  	s4 =	ssub.s32 $0x0, s4;
	[sflag:s6] =	ssyncset.done $0x0  }
0xa0: {  	[sflag:s6] =	ssyncadd.s32 s4;
	_ =	sdelay $0x1  }
0xa1: {  	s23 =	simm.s32 $0x1B8B  }
0xa2: {  	_ =	swait.ge [sflag:s23], $0x1  }
0xa3: {  	[sflag:s23] =	ssyncset.done $0x0  }
0xa4: {  	[sflag:s23] =	ssyncadd.s32 $0xFFFFFFFF  }
0xa5: {  	s4 =	sld [smem:$0x0]  }
0xa6: {  	s5 =	sand.u32 $0xFFFFFFFE, s1  }
0xa7: {  	p0 =	sne.s32 s1, s5  }
0xa8: {  	s5 =	sshll.u32 @p0 s5, $0xE  }
0xa9: {  	s5 =	sadd.s32 @p0 $0x11B8D, s5;
	s6 =	sshll.u32 @p0 s4, $0x11  }
0xaa: {  	s5 =	sor.u32 @p0 s6, s5  }
0xab: {  	[sflag:s5] =	ssyncadd.remote.s32 @p0 $0x1;
	_ =	sdelay $0x1  }
0xac: {  	s5 =	simm.s32 @p0 $0x1B8D  }
0xad: {  	_ =	swait.eq @p0 [sflag:s5], $0x1  }
0xae: {  	[sflag:s5] =	ssyncadd.s32 @p0 $0xFFFFFFFF  }
0xaf: {  	s6 =	sshll.u32 @!p0 s1, $0xE  }
0xb0: {  	s6 =	sor.u32 @!p0 $0x4000, s6;
	s5 =	simm.s32 @!p0 $0x1B8D  }
0xb1: {  	s4 =	sshll.u32 @!p0 s4, $0x11;
	s6 =	sadd.s32 @!p0 $0x11B8D, s6;
	_ =	swait.eq @!p0 [sflag:s5], $0x1  }
0xb2: {  	s4 =	sor.u32 @!p0 s4, s6;
	[sflag:s5] =	ssyncadd.s32 @!p0 $0xFFFFFFFF  }
0xb3: {  	s25 =	simm.s32 $0x1B8E;
	s24 =	sld [smem:$0x3FFE];
	[sflag:s4] =	ssyncadd.remote.s32 @!p0 $0x1  }
0xb4: {  	s26 =	simm.s32 $execute0_lowered;
	[smem:$0x3FD2] =	sst s25  }
0xb5: {  	s5 =	sshll.u32 s26, $0x1;
	_ =	strace $0x8000004F;
	[dreg:$0x1] =	wrdreg $0xFFFFFFFF  }
0xb6: {  	s28 =	simm.s32 $_size_execute0_lowered;
	s3 =	sadd.s32 s3, s5;
	[dreg:$0x0] =	wrdreg $0x0  }
0xb7: {  	s5 =	sshll.u32 s28, $0x1;
	[dreg:$0x2] =	wrdreg s3  }
0xb8: {  	[dreg:$0x3] =	wrdreg s5  }
0xb9: {  	[dreg:$0x4] =	wrdreg $0xC0  }
0xba: {  	_ =	task [dreg:s22], $0x5FFFF  }
0xbb: {  	[dreg:$0x1] =	wrdreg $0xFFFFFFFF  }
0xbc: {  	[dreg:$0x0] =	wrdreg $0x60  }
0xbd: {  	[dreg:$0x2] =	wrdreg s24  }
0xbe: {  	[dreg:$0x3] =	wrdreg $0x94000  }
0xbf: {  	[dreg:$0x4] =	wrdreg $0xA  }
0xc0: {  	_ =	task.clear_ibuf [dreg:s22], $0x5FFFF;
	_ =	strace $0x9000004F  }
0xc1: {  	s29 =	simm.s32 $0xA;
	_ =	strace $0x80000051  }
0xc2: {  	_ =	swait.ge [sflag:s29], $0x1  }
0xc3: {  	[sflag:s29] =	ssyncadd.s32 $0xFFFFFFFF  }
0xc4: {  	_ =	strace $0x90000051  }
0xc5: {  	_ =	sfence  }
0xc6: {  	s30 =	sld [smem:$0x0];
	_ =	sdelay $0x2  }
0xc7: {  	s31 =	sshll.u32 s1, $0xD;
	s1 =	sshrl.u32 s1, $0x2  }
0xc8: {  	s4 =	sand.u32 $0x4000, s31;
	s1 =	sadd.s32 s1, s30  }
0xc9: {  	s0 =	sor.u32 s4, s0;
	s1 =	sshll.u32 s1, $0x11  }
0xca: {  	s0 =	sor.u32 s1, s0  }
0xcb: {  	s0 =	sadd.s32 $0x8F2B, s0  }
0xcc: {  	[sflag:s0] =	ssyncadd.remote.s32 $0x1  }
0xcd: {  	_ =	sfence.sel $0xFFFF  }
0xce: {  	[dreg:$0x0] =	wrdreg $0xFFFFFFFF;
	(pc) =	sbr.abs _section_cstart, $3  }
0xcf: {  	[dreg:$0x1] =	wrdreg $0xFFFFFFFF  }
0xd0: {  	_ =	task.clear_ibuf [dreg:s22], $0x2FFFF;
	_ =	strace $0x9FFFFFFF  }
0xd1: {  	(tm) =	ssettm $0x7FFFFFFF  }
tec
execute0_lowered:
.L_overlay_start_1:
0x0: {  	(tag) =	ssettag $0x1  }
0x1: {  	s7 =	rddreg [dreg:$0x0]  }
0x2: {  	s1 =	rddreg [dreg:$0x1]  }
0x3: {  	s18 =	stileid.u32;
	s2 =	srdreg.scid  }
0x4: {  	s0 =	rddreg [dreg:$0x2];
	s11 =	sand.u32 $0x1, s2;
	s8 =	smul.u32 $0x2700, s18  }
0x5: {  	s3 =	sshll.u32 s18, $0x1;
	s2 =	simm.s32 $0x0;
	s5 =	smul.u32 $0x4E000, s18  }
0x6: {  	s13 =	sadd.s32 $0x7A2000, s7;
	s10 =	sadd.s32 $0x403600, s7;
	s26 =	smul.u32 $0x50, s18  }
0x7: {  	s22 =	sshll.u32 s18, $0x6;
	s17 =	sadd.s32 $0x138000, s1;
	s14 =	smul.u32 $0x27100, s11  }
0x8: {  	p2 =	seq.s32 s18, $0xF;
	s9 =	sor.u32 s11, s3;
	s20 =	smul.u32 $0x138800, s11  }
0x9: {  	[smem:$0x7FF] =	sst s2;
	s21 =	ssub.s32 $0x2, s11;
	s28 =	smul.u32 $0x28, s11  }
0xa: {  	s3 =	smul.u32 $0x28, s9;
	_ =	strace $0x80000050;
	s4 =	sadd.s32 s8, s7  }
0xb: {  	s6 =	sshrl.u32 s21, $0x1;
	s5 =	sshrl.u32 s5, $0x2;
	s23 =	smul.u32 $0x1400, s9  }
0xc: {  	s24 =	smul.u32 $0x14000, s9;
	s12 =	ssub.s32 s21, s6;
	s4 =	sadd.s32 $0x38E200, s4  }
0xd: {  	s15 =	sadd.s32 s5, s1;
	s5 =	sor.u32 $0x1C05, s22;
	s6 =	sadd.s32 $0x3B5200, s7  }
0xe: {  	s25 =	sshrl.u32 s20, $0x3;
	s8 =	sadd.s32 s8, s14;
	s21 =	smul.u32 $0x28000, s18  }
0xf: {  	s22 =	smul.u32 $0x14000, s11;
	s29 =	sadd.s32 s28, s26;
	s19 =	ssub.s32 $0x4C4, s3  }
0x10: {  	s16 =	sshrl.u32 s23, $0x3;
	s9 =	sadd.s32 s10, s25;
	s8 =	sadd.s32 s10, s8  }
0x11: {  	s10 =	smax.u32 s12, $0x1;
	s11 =	sadd.s32 s13, s24;
	s31 =	sshll.u32 s29, $0xB  }
0x12: {  	s15 =	sshrl.u32 s15, $0x3;
	p0 =	sgt.s32 s19, $0x0;
	s7 =	sadd.s32 s7, s16  }
0x13: {  	s9 =	sadd.s32 $0x27000, s9;
	s30 =	sadd.s32 s21, s13;
	s12 =	sadd.s32 $0x800, s11  }
0x14: {  	s16 =	sadd.s32 s31, s13;
	s19 =	simm.s32 @!p0 $0x0;
	s7 =	sadd.s32 $0x73200, s7  }
0x15: {  	s14 =	sadd.s32 s22, s30;
	p0 =	sne.s32 s18, $0x0;
	s18 =	simm.s32 $0x0  }
0x16: {  	s3 =	smin.u32 s19, $0x28;
	s13 =	sadd.s32 $0x1000, s14;
	s14 =	sadd.s32 $0x1800, s16  }
0x17: {  	s16 =	simm.s32 $0x5;
	s17 =	sshrl.u32 @!p0 s17, $0x3;
	p1 =	seq.s32 s19, $0x0  }
.LBB2_1:
0x18: {  	[spmem:s15], [sflag:s5] =	dma.local [hbm:s4], $0x2700  }
0x19: {  	_ =	swait.ge [sflag:s16], $0x2700  }
0x1a: {  	[sflag:s16] =	ssyncset.done $0x0  }
0x1b: {  	s19 =	simm.s32 @!p0 $0x5;
	[sflag:s16] =	ssyncadd.s32 $0xFFFFD900  }
0x1c: {  	[spmem:s17], [sflag:s5] =	dma.local @!p0 [hbm:s6], $0x100  }
0x1d: {  	_ =	swait.ge @!p0 [sflag:s19], $0x100  }
0x1e: {  	[sflag:s19] =	ssyncset.done @!p0 $0x0  }
0x1f: {  	[sflag:s19] =	ssyncadd.s32 @!p0 $0xFFFFFF00  }
0x20: {  	[tilespmem:s2], [sflag:$0x5] =	stream.linear.gather [hbm4b:s7+s2], $0x1400, $0x38;
	[tilespmem:$0x1CC80] =	vst v63  }
0x21: {  	_ =	swait.ge [sflag:s16], $0x1400  }
0x22: {  	[sflag:s16] =	ssyncset.done $0x0  }
0x23: {  	[sflag:s16] =	ssyncadd.s32 $0xFFFFEC00  }
0x24: {  	s20 =	simm.s32 @!p1 $0x1400;
	s19 =	simm.s32 @!p1 $0x0;
	[bflag:$0x0] =	sbarrier.arrive $0xFFFF  }
0x25: {  	[tilespmem:s20], [sflag:$0x1] =	stream.linear.gather @!p1 [hbm4b:s11+s19], $0x4000, $0x38;
	[tilespmem:$0x1CC80] =	vst v63  }
0x26: {  	s21 =	simm.s32 @!p1 $0x5400;
	s22 =	simm.s32 @!p1 $0x1  }
0x27: {  	[tilespmem:s21], [sflag:$0x2] =	stream.linear.gather @!p1 [hbm4b:s12+s19], $0x4000, $0x38;
	[tilespmem:$0x1CC80] =	vst v63  }
0x28: {  	_ =	swait.ge @!p1 [sflag:s22], $0x4000  }
0x29: {  	[sflag:s22] =	ssyncset.done @!p1 $0x0  }
0x2a: {  	[sflag:s22] =	ssyncadd.s32 @!p1 $0xFFFFC000;
	s22 =	simm.s32 @!p1 $0x80  }
0x2b: {  	[spmem:s1] =	stream.indirect.scatter.add.f32 @!p1 [tilespmem:s20], [sflag:$0x3], $0x80, s19, s22, $0xb8;
	[tilespmem:$0x1CC80] =	vst v63  }
0x2c: {  	s19 =	simm.s32 @!p1 $0x2  }
0x2d: {  	_ =	swait.ge @!p1 [sflag:s19], $0x4000  }
0x2e: {  	p5 =	slt.u32 s3, $0x2;
	[sflag:s19] =	ssyncset.done @!p1 $0x0  }
0x2f: {  	[sflag:s19] =	ssyncadd.s32 @!p1 $0xFFFFC000;
	s19 =	simm.s32 @!p5 $0x3  }
0x30: {  	[spmem:s1] =	stream.indirect.scatter.add.f32 @!p1 [tilespmem:s21], [sflag:$0x4], $0x80, s22, s22, $0xb8;
	[tilespmem:$0x1CC80] =	vst v63  }
0x31: {  	_ =	swait.ge @!p5 [sflag:s19], $0x4000  }
0x32: {  	[sflag:s19] =	ssyncset.done @!p5 $0x0  }
0x33: {  	[sflag:s19] =	ssyncadd.s32 @!p5 $0xFFFFC000;
	s19 =	simm.s32 @!p5 $0x4  }
0x34: {  	s25 =	simm.s32 $0x100;
	p4 =	sle.u32 s3, $0x2;
	_ =	swait.ge @!p5 [sflag:s19], $0x4000  }
0x35: {  	p3 =	sle.u32 s3, $0x3;
	s23 =	simm.s32 $0x7;
	[sflag:s19] =	ssyncset.done @!p5 $0x0  }
0x36: {  	s28 =	simm.s32 @!p4 $0x1400;
	[sflag:s19] =	ssyncadd.s32 @!p5 $0xFFFFC000;
	s19 =	simm.s32 @!p4 $0x0  }
0x37: {  	[tilespmem:s28], [sflag:$0x1] =	stream.linear.gather @!p4 [hbm4b:s13+s19], $0x4000, $0x38;
	[tilespmem:$0x1CC80] =	vst v63  }
0x38: {  	s24 =	simm.s32 @!p3 $0x5400;
	s26 =	simm.s32 @!p4 $0x1;
	s19 =	simm.s32 @!p3 $0x0  }
0x39: {  	[tilespmem:s24], [sflag:$0x2] =	stream.linear.gather @!p3 [hbm4b:s14+s19], $0x4000, $0x38;
	[tilespmem:$0x1CC80] =	vst v63  }
0x3a: {  	s29 =	simm.s32 @!p4 $0x80;
	s20 =	simm.s32 $0x5;
	_ =	swait.ge @!p4 [sflag:s26], $0x4000  }
0x3b: {  	s22 =	sadd.s32 $0x1000, s13;
	s21 =	sadd.s32 $0x1000, s14;
	[sflag:s26] =	ssyncset.done @!p4 $0x0  }
0x3c: {  	p5 =	slt.u32 s3, $0x4;
	[sflag:s26] =	ssyncadd.s32 @!p4 $0xFFFFC000;
	s26 =	simm.s32 @!p3 $0x2  }
0x3d: {  	[spmem:s1] =	stream.indirect.scatter.add.f32 @!p4 [tilespmem:s28], [sflag:$0x3], $0x80, s25, s29, $0xb8;
	[tilespmem:$0x1CC80] =	vst v63  }
0x3e: {  	s19 =	simm.s32 $0x200;
	s25 =	simm.s32 $0x4;
	_ =	swait.ge @!p3 [sflag:s26], $0x4000  }
0x3f: {  	s28 =	simm.s32 @!p3 $0x80;
	s29 =	simm.s32 @!p3 $0x180;
	[sflag:s26] =	ssyncset.done @!p3 $0x0  }
.LBB2_2:
0x40: {  	s30 =	simm.s32 @!p5 $0x3;
	[sflag:s26] =	ssyncadd.s32 @!p3 $0xFFFFC000;
	s26 =	smov.u32 s20  }
0x41: {  	s20 =	smov.u32 s23;
	s23 =	sadd.s32 $0x2, s23;
	s31 =	smov.u32 s19  }
0x42: {  	[spmem:s1] =	stream.indirect.scatter.add.f32 @!p3 [tilespmem:s24], [sflag:$0x4], $0x80, s29, s28, $0xb8;
	[tilespmem:$0x1CC80] =	vst v63  }
0x43: {  	p4 =	sne.s32 s23, $0x29;
	_ =	swait.ge @!p5 [sflag:s30], $0x4000  }
0x44: {  	[sflag:s30] =	ssyncset.done @!p5 $0x0  }
0x45: {  	s24 =	simm.s32 @!p5 $0x4;
	[sflag:s30] =	ssyncadd.s32 @!p5 $0xFFFFC000  }
0x46: {  	_ =	swait.ge @!p5 [sflag:s24], $0x4000  }
0x47: {  	p6 =	sge.u32 s25, s3;
	p3 =	sge.u32 s26, s3;
	[sflag:s24] =	ssyncset.done @!p5 $0x0  }
0x48: {  	s25 =	simm.s32 @!p6 $0x1400;
	[sflag:s24] =	ssyncadd.s32 @!p5 $0xFFFFC000;
	s24 =	simm.s32 @!p6 $0x0  }
0x49: {  	[tilespmem:s25], [sflag:$0x1] =	stream.linear.gather @!p6 [hbm4b:s22+s24], $0x4000, $0x38;
	[tilespmem:$0x1CC80] =	vst v63  }
0x4a: {  	s28 =	simm.s32 @!p6 $0x1;
	s26 =	simm.s32 @!p3 $0x0;
	s24 =	simm.s32 @!p3 $0x5400  }
0x4b: {  	[tilespmem:s24], [sflag:$0x2] =	stream.linear.gather @!p3 [hbm4b:s21+s26], $0x4000, $0x38;
	[tilespmem:$0x1CC80] =	vst v63  }
0x4c: {  	s22 =	sadd.s32 $0x1000, s22;
	s21 =	sadd.s32 $0x1000, s21;
	_ =	swait.ge @!p6 [sflag:s28], $0x4000  }
.Ltmp0:
0x4d: {  	s19 =	sadd.s32 $0x100, s19;
	[sflag:s28] =	ssyncset.done @!p6 $0x0;
	(pc) =	sbr.rel @p4 .LBB2_2-.Ltmp0, $4  }
0x4e: {  	s26 =	simm.s32 @!p3 $0x2;
	[sflag:s28] =	ssyncadd.s32 @!p6 $0xFFFFC000;
	s28 =	simm.s32 @!p6 $0x80  }
0x4f: {  	[spmem:s1] =	stream.indirect.scatter.add.f32 @!p6 [tilespmem:s25], [sflag:$0x3], $0x80, s31, s28, $0xb8;
	[tilespmem:$0x1CC80] =	vst v63  }
0x50: {  	s25 =	sadd.s32 $0xFFFFFFFF, s20;
	s28 =	simm.s32 @!p3 $0x80;
	_ =	swait.ge @!p3 [sflag:s26], $0x4000  }
0x51: {  	s29 =	sadd.s32 @!p3 $0x80, s31;
	p5 =	sgt.u32 s25, s3;
	[sflag:s26] =	ssyncset.done @!p3 $0x0  }
0x52: {  	s23 =	simm.s32 @!p5 $0x3;
	[sflag:s26] =	ssyncadd.s32 @!p3 $0xFFFFC000  }
0x53: {  	[spmem:s1] =	stream.indirect.scatter.add.f32 @!p3 [tilespmem:s24], [sflag:$0x4], $0x80, s29, s28, $0xb8;
	[tilespmem:$0x1CC80] =	vst v63  }
0x54: {  	_ =	swait.ge @!p5 [sflag:s23], $0x4000  }
0x55: {  	[sflag:s23] =	ssyncset.done @!p5 $0x0  }
0x56: {  	[sflag:s23] =	ssyncadd.s32 @!p5 $0xFFFFC000;
	s23 =	simm.s32 @!p5 $0x4  }
0x57: {  	_ =	swait.ge @!p5 [sflag:s23], $0x4000  }
0x58: {  	p4 =	sge.u32 s25, s3;
	p3 =	sge.u32 s20, s3;
	[sflag:s23] =	ssyncset.done @!p5 $0x0  }
0x59: {  	s20 =	simm.s32 @!p4 $0x0;
	[sflag:s23] =	ssyncadd.s32 @!p5 $0xFFFFC000;
	s23 =	simm.s32 @!p4 $0x1400  }
0x5a: {  	[tilespmem:s23], [sflag:$0x1] =	stream.linear.gather @!p4 [hbm4b:s22+s20], $0x4000, $0x38;
	[tilespmem:$0x1CC80] =	vst v63  }
0x5b: {  	s24 =	simm.s32 @!p4 $0x1;
	s20 =	simm.s32 @!p3 $0x0;
	s22 =	simm.s32 @!p3 $0x5400  }
0x5c: {  	[tilespmem:s22], [sflag:$0x2] =	stream.linear.gather @!p3 [hbm4b:s21+s20], $0x4000, $0x38;
	[tilespmem:$0x1CC80] =	vst v63  }
0x5d: {  	_ =	swait.ge @!p4 [sflag:s24], $0x4000  }
0x5e: {  	[sflag:s24] =	ssyncset.done @!p4 $0x0  }
0x5f: {  	s20 =	simm.s32 @!p4 $0x80;
	s21 =	simm.s32 @!p3 $0x2;
	[sflag:s24] =	ssyncadd.s32 @!p4 $0xFFFFC000  }
0x60: {  	[spmem:s1] =	stream.indirect.scatter.add.f32 @!p4 [tilespmem:s23], [sflag:$0x3], $0x80, s19, s20, $0xb8;
	[tilespmem:$0x1CC80] =	vst v63  }
0x61: {  	_ =	swait.ge @!p3 [sflag:s21], $0x4000  }
0x62: {  	[sflag:s21] =	ssyncset.done @!p3 $0x0  }
0x63: {  	s20 =	simm.s32 @!p3 $0x80;
	s19 =	sadd.s32 @!p3 $0x80, s19;
	[sflag:s21] =	ssyncadd.s32 @!p3 $0xFFFFC000  }
0x64: {  	[spmem:s1] =	stream.indirect.scatter.add.f32 @!p3 [tilespmem:s22], [sflag:$0x4], $0x80, s19, s20, $0xb8;
	[tilespmem:$0x1CC80] =	vst v63  }
0x65: {  	s19 =	simm.s32 @!p2 $0x3  }
0x66: {  	_ =	swait.ge @!p2 [sflag:s19], $0x4000  }
0x67: {  	[sflag:s19] =	ssyncset.done @!p2 $0x0  }
0x68: {  	[sflag:s19] =	ssyncadd.s32 @!p2 $0xFFFFC000;
	s19 =	simm.s32 @!p2 $0x4  }
0x69: {  	_ =	swait.ge @!p2 [sflag:s19], $0x4000  }
0x6a: {  	[sflag:s19] =	ssyncset.done @!p2 $0x0  }
0x6b: {  	[sflag:s19] =	ssyncadd.s32 @!p2 $0xFFFFC000  }
0x6c: {  	[bflag:$0x0] =	sbarrier.arrive $0xFFFF  }
0x6d: {  	[hbm:s8], [sflag:s5] =	dma.local [spmem:s15], $0x2700  }
0x6e: {  	s18 =	sadd.s32 $0x1, s18;
	_ =	swait.ge [sflag:s16], $0x2700  }
0x6f: {  	p3 =	sne.s32 s18, s10;
	[sflag:s16] =	ssyncset.done $0x0  }
.Ltmp1:
0x70: {  	s19 =	simm.s32 @!p0 $0x5;
	[sflag:s16] =	ssyncadd.s32 $0xFFFFD900;
	(pc) =	sbr.rel @p3 .LBB2_1-.Ltmp1, $4  }
0x71: {  	[hbm:s9], [sflag:s5] =	dma.local @!p0 [spmem:s17], $0x100  }
0x72: {  	_ =	swait.ge @!p0 [sflag:s19], $0x100  }
0x73: {  	[sflag:s19] =	ssyncset.done @!p0 $0x0  }
0x74: {  	[sflag:s19] =	ssyncadd.s32 @!p0 $0xFFFFFF00  }
0x75: {  	_ =	sfence.sel $0x180000  }
0x76: {  	[bflag:$0x0] =	sbarrier.arrive $0xFFFF  }
0x77: {  	_ =	strace $0x90000050  }
0x78: {  	s0 =	sadd.s32 @!p0 $0x100000, s0;
	[bflag:$0x2] =	sbarrier.arrive $0xFFFF  }
0x79: {  	[sflag:s0] =	ssyncadd.tile.s32 @!p0 $0x1;
	_ =	shalt  }
.Lfunc_end2:
_tile_overlayer_lowered:
.L_overlay_start_2:
0x7a: {  	(tag) =	ssettag $0x2  }
0x7b: {  	s0 =	rddreg [dreg:$0x0];
	s2 =	stileid.u32  }
0x7c: {  	s1 =	rddreg [dreg:$0x1];
	p0 =	sne.s32 s2, $0x0  }
0x7d: {  	s3 =	rddreg [dreg:$0x2];
	[bflag:$0x3] =	sbarrier.arrive $0xFFFF;
	s2 =	simm.s32 @!p0 $0x1C05  }
0x7e: {  	[timem:s3], [sflag:s2] =	dma.local @!p0 [hbm:s0], s1  }
0x7f: {  	s0 =	simm.s32 @!p0 $0x5  }
0x80: {  	_ =	swait.ge @!p0 [sflag:s0], s1  }
0x81: {  	s1 =	ssub.s32 @!p0 $0x0, s1;
	[sflag:s0] =	ssyncset.done @!p0 $0x0  }
0x82: {  	[sflag:s0] =	ssyncadd.s32 @!p0 s1  }
0x83: {  	[bflag:$0x3] =	sbarrier.arrive $0xFFFF  }
0x84: {  	_ =	shalt  }

</sc_bundles>
